<compile_context>
chip_gen: v7x
topology: tpu7x:2x2x1
jax: 0.10.2.dev20260603
libtpu: 0.0.44.dev20260713+nightly
codegen_flags: <defaults>
</compile_context>

<pallas_src>
import functools
import jax
import jax.numpy as jnp
from jax import lax
from jax.experimental import pallas as pl
from jax.experimental.pallas import tpu as pltpu
from jax.experimental.pallas import tpu_sc as plsc

F32 = jnp.float32
PREC = jax.lax.Precision.HIGHEST
SD, VD, DD = 128, 4, 16
ESD, EVD = 32, 1
NN, NE = 10000, 160000
GG, LG = 100, 100
NPOS, NDEP = 17, 20

NCORES, NSUB = 2, 16
NWK = NCORES * NSUB
GCH = 128
NCH = NE // GCH
CPW = NCH // NWK
MSGW = 128
HALF_N = NN // NCORES
ACC_C = 5120
SRPS = ACC_C // NSUB
SCPT = 0
SCXT = 0


SCPT = NCH // NSUB
SCXT = NCH - SCPT * NSUB


def _worker_chunks(wid):
    base = wid * CPW + jnp.minimum(wid, 2)
    n = CPW + jnp.where(wid < 2, 1, 0)
    return base, n

@functools.lru_cache(maxsize=None)
def _sc_mesh():
    return plsc.VectorSubcoreMesh(
        core_axis_name="c", subcore_axis_name="s",
        num_cores=NCORES, num_subcores=NSUB)



TBLW = 256


def _gather_body(tbl_h, src_h, dst_h, sf_h, df_h,
                 ixs, ixd, bs, bd, m1, m2):
    wid = lax.axis_index("s") * NCORES + lax.axis_index("c")
    base, nch = _worker_chunks(wid)

    def body(c, carry):
        off = (base + c) * GCH
        pltpu.sync_copy(src_h.at[pl.ds(off, GCH)], ixs)
        pltpu.sync_copy(dst_h.at[pl.ds(off, GCH)], ixd)
        c1 = pltpu.async_copy(tbl_h.at[ixs], bs, m1)
        c2 = pltpu.async_copy(tbl_h.at[ixd], bd, m2)
        c1.wait()
        pltpu.sync_copy(bs, sf_h.at[pl.ds(off, GCH)])
        c2.wait()
        pltpu.sync_copy(bd, df_h.at[pl.ds(off, GCH)])
        return carry

    lax.fori_loop(0, nch, body, 0)


def _gather_edges(*args):
    k = pl.kernel(
        _gather_body,
        out_type=(jax.ShapeDtypeStruct((NE, TBLW), F32),
                  jax.ShapeDtypeStruct((NE, TBLW), F32)),
        mesh=_sc_mesh(),
        scratch_types=[pltpu.VMEM((GCH,), jnp.int32),
                       pltpu.VMEM((GCH,), jnp.int32),
                       pltpu.VMEM((GCH, TBLW), F32),
                       pltpu.VMEM((GCH, TBLW), F32),
                       pltpu.SemaphoreType.DMA, pltpu.SemaphoreType.DMA])
    return k(*args)



def _scatter_body(msgs_h, msgv_h, dst_h, zero_h, out_h, ixd, val, stg, acc):
    cid = lax.axis_index("c")
    sid = lax.axis_index("s")
    lo = cid * HALF_N
    base = sid * SCPT + jnp.minimum(sid, SCXT)
    nch = SCPT + jnp.where(sid < SCXT, 1, 0)
    row0 = sid * SRPS
    pltpu.sync_copy(zero_h, stg)

    for phase, src_h in ((0, msgs_h), (1, msgv_h)):
        pltpu.sync_copy(stg, acc.at[pl.ds(row0, SRPS)])
        plsc.subcore_barrier()

        def body(c, carry, _src=src_h):
            off = (base + c) * GCH
            pltpu.sync_copy(dst_h.at[pl.ds(off, GCH)], ixd)
            pltpu.sync_copy(_src.at[pl.ds(off, GCH)], val)
            for i in range(GCH // 16):
                x = ixd[pl.ds(i * 16, 16)]
                xl = x - lo
                ok = (xl >= 0) & (xl < HALF_N)
                ixd[pl.ds(i * 16, 16)] = jnp.where(ok, xl, HALF_N)
            pltpu.sync_copy(val, acc.at[ixd], add=True)
            return carry

        lax.fori_loop(0, nch, body, 0)
        plsc.subcore_barrier()
        pltpu.sync_copy(acc.at[pl.ds(row0, SRPS)], stg)
        pltpu.sync_copy(stg, out_h.at[cid, phase, pl.ds(row0, SRPS)])
        if phase == 0:
            pltpu.sync_copy(zero_h, stg)


def _scatter_edges(*args):
    k = pl.kernel(
        _scatter_body,
        out_type=jax.ShapeDtypeStruct((NCORES, 2, ACC_C, MSGW), F32),
        mesh=_sc_mesh(),
        scratch_types=[pltpu.VMEM((GCH,), jnp.int32),
                       pltpu.VMEM((GCH, MSGW), F32),
                       pltpu.VMEM((SRPS, MSGW), F32),
                       pltpu.VMEM_SHARED((ACC_C, MSGW), F32)])
    return k(*args)



def _gvp(s_in_parts, v_in_parts, w, acts):
    vh = None
    for x, wm in v_in_parts:
        t = jnp.dot(x, wm, preferred_element_type=F32, precision=PREC)
        vh = t if vh is None else vh + t
    vn2 = jnp.dot(vh * vh, w['S'], preferred_element_type=F32, precision=PREC)
    vn = jnp.sqrt(jnp.maximum(vn2, 1e-8))
    s_pre = w['bs']
    for x, wm in s_in_parts:
        s_pre = s_pre + jnp.dot(x, wm, preferred_element_type=F32, precision=PREC)
    s_pre = s_pre + jnp.dot(vn, w['wsn'], preferred_element_type=F32, precision=PREC)
    v_out = None
    if 'WV' in w:
        gate_in = jax.nn.sigmoid(s_pre) if acts else s_pre
        gate = jax.nn.sigmoid(
            jnp.dot(gate_in, w['wsv'], preferred_element_type=F32, precision=PREC) + w['bsv'])
        v_out = (jnp.dot(vh, w['WV'], preferred_element_type=F32, precision=PREC)
                 * jnp.dot(gate, w['R'], preferred_element_type=F32, precision=PREC))
    s_out = jax.nn.relu(s_pre) if acts else s_pre
    return s_out, v_out


def _layer_norm(s, v, g, b, s4):
    mu = jnp.mean(s, axis=-1, keepdims=True)
    var = jnp.mean((s - mu) * (s - mu), axis=-1, keepdims=True)
    s_out = (s - mu) * jax.lax.rsqrt(var + 1e-5) * g + b
    vper = jnp.dot(v * v, s4, preferred_element_type=F32, precision=PREC)
    vper = jnp.maximum(vper, 1e-8)
    vn = jnp.sqrt(jnp.mean(vper, axis=-1, keepdims=True))
    return s_out, v / vn



EB = 2000
NEB = NE // EB


def _msg_body(sf, df, es, ev, w0, w1, w2, outs_ref, outv_ref):
    d0 = {k: r[...] for k, r in w0.items()}
    d1 = {k: r[...] for k, r in w1.items()}
    d2 = {k: r[...] for k, r in w2.items()}
    m0 = d0['M']
    vw = VD * DD
    sfm = sf[...]
    dfm = df[...]
    ss = sfm[:, :SD]
    vs = sfm[:, SD:SD + vw]
    sd_ = dfm[:, :SD]
    vd_ = dfm[:, SD:SD + vw]
    s, v = _gvp([(ss, d0['wa']), (es[...], d0['wb']), (sd_, d0['wc'])],
                [(vs, m0[:vw]), (ev[...], m0[vw:vw + DD]),
                 (vd_, m0[vw + DD:])], d0, True)
    s, v = _gvp([(s, d1['wa'])], [(v, d1['M'])], d1, True)
    s, v = _gvp([(s, d2['wa'])], [(v, d2['M'])], d2, False)
    outs_ref[...] = s
    outv_ref[...] = jnp.concatenate(
        [v, jnp.ones((EB, MSGW - VD * DD), F32)], axis=-1)



NB = 2000
NNB = NN // NB


def _node_body(s_in, v_in, ps, pv, lnw, wf0, wf1, s4,
               s_out_ref, v_out_ref):
    d0 = {k: r[...] for k, r in wf0.items()}
    d1 = {k: r[...] for k, r in wf1.items()}
    agg_s = ps[...]
    agg_v = pv[...]
    cnt = jnp.maximum(agg_v[:, VD * DD:VD * DD + 1], 1.0)
    inv = 1.0 / cnt
    s_r = s_in[...] + agg_s * inv
    v_r = v_in[...] + agg_v[:, :VD * DD] * inv
    s4m = s4[...]
    s1, v1 = _layer_norm(s_r, v_r, lnw['g0'][...], lnw['b0'][...], s4m)
    fs, fv = _gvp([(s1, d0['wa'])], [(v1, d0['M'])], d0, True)
    fs, fv = _gvp([(fs, d1['wa'])], [(fv, d1['M'])], d1, False)
    s2, v2 = _layer_norm(s1 + fs, v1 + fv, lnw['g1'][...], lnw['b1'][...], s4m)
    s_out_ref[...] = s2
    v_out_ref[...] = v2



def _heads_body(s_ref, v_ref, wpos, wah, wad, wlh, wld, aux,
                pos_ref, scores_ref):
    s = s_ref[0]
    v = v_ref[0]
    s4 = aux['S4'][...]

    def head(w):
        vh = jnp.dot(v, w['M'][...], preferred_element_type=F32, precision=PREC)
        vn = jnp.sqrt(jnp.maximum(
            jnp.dot(vh * vh, s4, preferred_element_type=F32, precision=PREC), 1e-8))
        pre = (jnp.dot(s, w['wa'][...], preferred_element_type=F32, precision=PREC)
               + jnp.dot(vn, w['wsn'][...], preferred_element_type=F32, precision=PREC)
               + w['bs'][...])
        return pre

    pos_emb = jnp.tanh(head(wpos))
    pos_ref[0] = (jnp.dot(pos_emb, aux['pos_w'][...],
                          preferred_element_type=F32, precision=PREC) + aux['pos_b'][...])

    arc_head = jax.nn.relu(head(wah))
    arc_dep = jax.nn.relu(head(wad))
    lab_head = jax.nn.relu(head(wlh))
    lab_dep = jax.nn.relu(head(wld))

    dn = (((1,), (1,)), ((), ()))
    ads = lax.dot_general(arc_dep, aux['arc_w'][...], dn,
                          preferred_element_type=F32, precision=PREC)
    logits = lax.dot_general(arc_head, ads, dn, preferred_element_type=F32, precision=PREC)
    mx = jnp.max(logits, axis=-1, keepdims=True)
    e = jnp.exp(logits - mx)
    sa = e / jnp.sum(e, axis=-1, keepdims=True)

    ts = []
    for l in range(NDEP):
        cl = jnp.dot(lab_head, aux['lab_w'][l], preferred_element_type=F32, precision=PREC)
        ts.append(lax.dot_general(lab_dep, cl, dn, preferred_element_type=F32, precision=PREC))
    mxl = ts[0]
    for t in ts[1:]:
        mxl = jnp.maximum(mxl, t)
    exps = [jnp.exp(t - mxl) for t in ts]
    tot = exps[0]
    for t in exps[1:]:
        tot = tot + t
    scale = sa / tot
    parts = [(ex * scale)[None] for ex in exps]
    scores_ref[0] = jnp.concatenate(parts, axis=0)



def _kron_i(w):
    return jnp.kron(w, jnp.eye(DD, dtype=F32))


def _sum_mat(h):
    return jnp.kron(jnp.eye(h, dtype=F32), jnp.ones((DD, 1), F32))


def _rep_mat(vo):
    return jnp.kron(jnp.eye(vo, dtype=F32), jnp.ones((1, DD), F32))


def _prep_gvp(p, si_parts):
    w = {}
    ws = p['ws']
    off = 0
    names = ['wa', 'wb', 'wc'][:len(si_parts)]
    for name, width in zip(names, si_parts):
        w[name] = ws[off:off + width]
        off += width
    w['wsn'] = ws[off:]
    w['bs'] = p['bs'][None, :]
    h = p['wh'].shape[1]
    w['M'] = _kron_i(p['wh'])
    w['S'] = _sum_mat(h)
    if 'wv' in p:
        vo = p['wv'].shape[1]
        w['WV'] = _kron_i(p['wv'])
        w['wsv'] = p['wsv']
        w['bsv'] = p['bsv'][None, :]
        w['R'] = _rep_mat(vo)
    return w


def _full_spec(x):
    nd = x.ndim
    return pl.BlockSpec(x.shape, lambda i, _nd=nd: (0,) * _nd)


def _msg_call(sf, df, es, ev, w0, w1, w2):
    row = lambda i: (i, 0)
    espec = lambda width: pl.BlockSpec((EB, width), row)
    wspecs = lambda d: {k: _full_spec(v) for k, v in d.items()}
    return pl.pallas_call(
        _msg_body,
        grid=(NEB,),
        in_specs=[espec(TBLW), espec(TBLW), espec(ESD), espec(EVD * DD),
                  wspecs(w0), wspecs(w1), wspecs(w2)],
        out_specs=[pl.BlockSpec((EB, SD), row), pl.BlockSpec((EB, MSGW), row)],
        out_shape=[jax.ShapeDtypeStruct((NE, SD), F32),
                   jax.ShapeDtypeStruct((NE, MSGW), F32)],
    )(sf, df, es, ev, w0, w1, w2)


def _node_call(s_in, v_in, ps, pv, lnw, wf0, wf1, s4):
    row = lambda i: (i, 0)
    wspecs = lambda d: {k: _full_spec(v) for k, v in d.items()}
    return pl.pallas_call(
        _node_body,
        grid=(NNB,),
        in_specs=[pl.BlockSpec((NB, SD), row), pl.BlockSpec((NB, VD * DD), row),
                  pl.BlockSpec((NB, SD), row), pl.BlockSpec((NB, MSGW), row),
                  wspecs(lnw), wspecs(wf0), wspecs(wf1), _full_spec(s4)],
        out_specs=[pl.BlockSpec((NB, SD), row),
                   pl.BlockSpec((NB, VD * DD), row)],
        out_shape=[jax.ShapeDtypeStruct((NN, SD), F32),
                   jax.ShapeDtypeStruct((NN, VD * DD), F32)],
    )(s_in, v_in, ps, pv, lnw, wf0, wf1, s4)


def _heads_call(sb, vb, wpos, wah, wad, wlh, wld, aux):
    wspecs = lambda d: {k: _full_spec(v) for k, v in d.items()}
    g3 = lambda i: (i, 0, 0)
    g4 = lambda i: (i, 0, 0, 0)
    return pl.pallas_call(
        _heads_body,
        grid=(GG,),
        in_specs=[pl.BlockSpec((1, LG, SD), g3), pl.BlockSpec((1, LG, VD * DD), g3),
                  wspecs(wpos), wspecs(wah), wspecs(wad), wspecs(wlh),
                  wspecs(wld), wspecs(aux)],
        out_specs=[pl.BlockSpec((1, LG, NPOS), g3),
                   pl.BlockSpec((1, NDEP, LG, LG), g4)],
        out_shape=[jax.ShapeDtypeStruct((GG, LG, NPOS), F32),
                   jax.ShapeDtypeStruct((GG, NDEP, LG, LG), F32)],
    )(sb, vb, wpos, wah, wad, wlh, wld, aux)


def _conv_layer(p, s, vflat, src, dst, es, evflat, zero_rows):
    w0 = _prep_gvp(p['msg0'], [SD, ESD, SD])
    w1 = _prep_gvp(p['msg1'], [SD])
    w2 = _prep_gvp(p['msg2'], [SD])
    lnw = {'g0': p['ln0']['g'][None, :], 'b0': p['ln0']['b'][None, :],
           'g1': p['ln1']['g'][None, :], 'b1': p['ln1']['b'][None, :]}
    wf0 = _prep_gvp(p['ff0'], [SD])
    wf1 = _prep_gvp(p['ff1'], [4 * SD])
    s4 = _sum_mat(VD)
    tbl = jnp.concatenate(
        [s, vflat, jnp.zeros((NN, TBLW - SD - VD * DD), F32)], axis=1)
    sf, df = _gather_edges(tbl, src, dst)
    msg_s, msg_v = _msg_call(sf, df, es, evflat, w0, w1, w2)
    parts = _scatter_edges(msg_s, msg_v, dst, zero_rows)
    acc_s = jnp.concatenate([parts[0, 0, :HALF_N], parts[1, 0, :HALF_N]], 0)
    acc_v = jnp.concatenate([parts[0, 1, :HALF_N], parts[1, 1, :HALF_N]], 0)
    return _node_call(s, vflat, acc_s, acc_v, lnw, wf0, wf1, s4)


def kernel(node_s, node_v, edge_s, edge_v, edge_index, params):
    src = edge_index[0]
    dst = edge_index[1]
    vflat = node_v.reshape(NN, VD * DD)
    evflat = edge_v.reshape(NE, EVD * DD)
    zero_rows = jnp.zeros((SRPS, MSGW), F32)

    s1, v1 = _conv_layer(params['W1'], node_s, vflat, src, dst,
                         edge_s, evflat, zero_rows)
    s2, v2 = _conv_layer(params['W2'], s1, v1, src, dst,
                         edge_s, evflat, zero_rows)

    wpos = _prep_gvp(params['pos'], [SD])
    wah = _prep_gvp(params['arc_head'], [SD])
    wad = _prep_gvp(params['arc_dep'], [SD])
    wlh = _prep_gvp(params['lab_head'], [SD])
    wld = _prep_gvp(params['lab_dep'], [SD])
    aux = {'S4': _sum_mat(VD), 'pos_w': params['pos_cls_w'],
           'pos_b': params['pos_cls_b'][None, :], 'arc_w': params['arc_w'],
           'lab_w': params['lab_w']}
    sb = s2.reshape(GG, LG, SD)
    vb = v2.reshape(GG, LG, VD * DD)
    pos_pred, scores_lbi = _heads_call(sb, vb, wpos, wah, wad, wlh, wld, aux)
    scores = jnp.transpose(scores_lbi, (0, 2, 3, 1))
    return (s2, v2.reshape(NN, VD, DD), pos_pred.reshape(NN, NPOS), scores)

# --- scband reference (transcript-rebuilt; emitter-appended) ---
"""Pipeline reference for scband-graph-encoder-5480378269805 (READ-ONLY COPY).

The authoritative reference and input builder live on the scoring server;
editing this copy changes nothing except your own understanding.
"""

import jax, jax.numpy as jnp
import numpy as np

NS, NV = 128, 4
ES, EV = 32, 1
D = 16
N_NODES = 10000
N_EDGES = 160000
N_POS = 17
N_DEP = 20
G, L = 100, 100


def _norm_no_nan(x, axis=-1, keepdims=False, eps=1e-8, sqrt=True):
    out = jnp.maximum(jnp.sum(x * x, axis=axis, keepdims=keepdims), eps)
    return jnp.sqrt(out) if sqrt else out


def _gvp_init(key, si, vi, so, vo, vector_gate=True):
    ks = jax.random.split(key, 5)
    h = max(vi, vo) if vo else vi
    p = {}
    p['wh'] = jax.random.normal(ks[0], (vi, h), dtype=jnp.float32) / np.sqrt(vi)
    p['ws'] = jax.random.normal(ks[1], (si + h, so), dtype=jnp.float32) / np.sqrt(si + h)
    p['bs'] = jnp.zeros((so,), jnp.float32)
    if vo:
        p['wv'] = jax.random.normal(ks[2], (h, vo), dtype=jnp.float32) / np.sqrt(h)
        if vector_gate:
            p['wsv'] = jax.random.normal(ks[3], (so, vo), dtype=jnp.float32) / np.sqrt(so)
            p['bsv'] = jnp.zeros((vo,), jnp.float32)
    return p


def _gvp_apply(p, s, v, scalar_act=None, vector_act=None):
    vt = jnp.swapaxes(v, -1, -2)
    vh = vt @ p['wh']
    vn = _norm_no_nan(vh, axis=-2)
    s_out = jnp.concatenate([s, vn], axis=-1) @ p['ws'] + p['bs']
    v_out = None
    if 'wv' in p:
        v_out = jnp.swapaxes(vh @ p['wv'], -1, -2)
        gate_in = vector_act(s_out) if vector_act is not None else s_out
        gate = jax.nn.sigmoid(gate_in @ p['wsv'] + p['bsv'])
        v_out = v_out * gate[..., None]
    if scalar_act is not None:
        s_out = scalar_act(s_out)
    return s_out, v_out


def _ln_init(so):
    return {'g': jnp.ones((so,), jnp.float32), 'b': jnp.zeros((so,), jnp.float32)}


def _ln_apply(p, s, v):
    mu = jnp.mean(s, axis=-1, keepdims=True)
    var = jnp.mean((s - mu) ** 2, axis=-1, keepdims=True)
    s = (s - mu) / jnp.sqrt(var + 1e-5) * p['g'] + p['b']
    vn = _norm_no_nan(v, axis=-1, keepdims=True, sqrt=False)
    vn = jnp.sqrt(jnp.mean(vn, axis=-2, keepdims=True))
    return s, v / vn


def _conv_layer_init(key):
    ks = jax.random.split(key, 5)
    so, vo = NS, NV
    p = {}
    p['msg0'] = _gvp_init(ks[0], 2 * NS + ES, 2 * NV + EV, so, vo)
    p['msg1'] = _gvp_init(ks[1], so, vo, so, vo)
    p['msg2'] = _gvp_init(ks[2], so, vo, so, vo)
    p['ln0'] = _ln_init(so)
    p['ff0'] = _gvp_init(ks[3], so, vo, 4 * so, 2 * vo)
    p['ff1'] = _gvp_init(ks[4], 4 * so, 2 * vo, so, vo)
    p['ln1'] = _ln_init(so)
    return p


def _conv_layer_apply(p, s, v, edge_index, es, ev):
    src = edge_index[0]
    dst = edge_index[1]
    ms = jnp.concatenate([s[src], es, s[dst]], axis=-1)
    mv = jnp.concatenate([v[src], ev, v[dst]], axis=-2)
    ms, mv = _gvp_apply(p['msg0'], ms, mv, jax.nn.relu, jax.nn.sigmoid)
    ms, mv = _gvp_apply(p['msg1'], ms, mv, jax.nn.relu, jax.nn.sigmoid)
    ms, mv = _gvp_apply(p['msg2'], ms, mv, None, None)
    n = s.shape[0]
    agg_s = jax.ops.segment_sum(ms, dst, num_segments=n)
    agg_v = jax.ops.segment_sum(mv, dst, num_segments=n)
    cnt = jax.ops.segment_sum(jnp.ones((ms.shape[0],), ms.dtype), dst, num_segments=n)
    cnt = jnp.maximum(cnt, 1.0)
    agg_s = agg_s / cnt[:, None]
    agg_v = agg_v / cnt[:, None, None]
    s1, v1 = _ln_apply(p['ln0'], s + agg_s, v + agg_v)
    fs, fv = _gvp_apply(p['ff0'], s1, v1, jax.nn.relu, jax.nn.sigmoid)
    fs, fv = _gvp_apply(p['ff1'], fs, fv, None, None)
    return _ln_apply(p['ln1'], s1 + fs, v1 + fv)


def _init_params(key):
    ks = jax.random.split(key, 10)
    p = {}
    p['W1'] = _conv_layer_init(ks[0])
    p['W2'] = _conv_layer_init(ks[1])
    p['pos'] = _gvp_init(ks[2], NS, NV, 16, 0)
    p['arc_head'] = _gvp_init(ks[3], NS, NV, 100, 0)
    p['arc_dep'] = _gvp_init(ks[4], NS, NV, 100, 0)
    p['lab_head'] = _gvp_init(ks[5], NS, NV, 100, 0)
    p['lab_dep'] = _gvp_init(ks[6], NS, NV, 100, 0)
    p['pos_cls_w'] = jax.random.normal(ks[7], (16, N_POS), dtype=jnp.float32) / 4.0
    p['pos_cls_b'] = jnp.zeros((N_POS,), jnp.float32)
    p['arc_w'] = jax.random.normal(ks[8], (100, 100), dtype=jnp.float32) * 0.1
    p['lab_w'] = jax.random.normal(ks[9], (N_DEP, 100, 100), dtype=jnp.float32) * 0.1
    return p


def _encoder_apply(params, node_s, node_v, edge_s, edge_v, edge_index):
    s1, v1 = _conv_layer_apply(params['W1'], node_s, node_v, edge_index, edge_s, edge_v)
    s2, v2 = _conv_layer_apply(params['W2'], s1, v1, edge_index, edge_s, edge_v)
    pos_emb, _ = _gvp_apply(params['pos'], s2, v2, jnp.tanh, None)
    pos_pred = pos_emb @ params['pos_cls_w'] + params['pos_cls_b']
    sb = s2.reshape(G, L, NS)
    vb = v2.reshape(G, L, NV, D)
    arc_head, _ = _gvp_apply(params['arc_head'], sb, vb, jax.nn.relu, None)
    arc_dep, _ = _gvp_apply(params['arc_dep'], sb, vb, jax.nn.relu, None)
    lab_head, _ = _gvp_apply(params['lab_head'], sb, vb, jax.nn.relu, None)
    lab_dep, _ = _gvp_apply(params['lab_dep'], sb, vb, jax.nn.relu, None)
    arc_dep_score = arc_dep @ params['arc_w'].T
    s_arc = jax.nn.softmax(jnp.einsum('gik,gjk->gij', arc_head, arc_dep_score), axis=-1)
    lab_logits = jnp.einsum('gik,lkm,gbm->gbil', lab_head, params['lab_w'], lab_dep)
    s_label = jax.nn.softmax(lab_logits, axis=-1)
    scores = s_label * s_arc[..., None]
    return s2, v2, pos_pred, scores


def setup_inputs(seed: int = 0):
    key = jax.random.key(seed)
    ks = jax.random.split(key, 6)
    node_s = jax.random.normal(ks[0], (N_NODES, NS), dtype=jnp.float32)
    node_v = jax.random.normal(ks[1], (N_NODES, NV, D), dtype=jnp.float32)
    edge_s = jax.random.normal(ks[2], (N_EDGES, ES), dtype=jnp.float32)
    edge_v = jax.random.normal(ks[3], (N_EDGES, EV, D), dtype=jnp.float32)
    edge_index = jax.random.randint(ks[4], (2, N_EDGES), 0, N_NODES, dtype=jnp.int32)
    params = _init_params(ks[5])
    return {'node_s': node_s, 'node_v': node_v, 'edge_s': edge_s, 'edge_v': edge_v, 'edge_index': edge_index, 'params': params}


def reference(node_s, node_v, edge_s, edge_v, edge_index, params):
    return _encoder_apply(params, node_s, node_v, edge_s, edge_v, edge_index)

if __name__ == "__main__":
    import jax
    _d = setup_inputs()
    print(jax.jit(kernel)(*tuple(_d.values())))

</pallas_src>

<mosaic_0001>
#map = affine_map<(d0, d1) -> (0, 0)>
#map1 = affine_map<(d0, d1) -> (0)>
module attributes {stable_mosaic.version = 14 : i64} {
  func.func @_gather_body(%arg0: i32, %arg1: i32, %arg2: memref<10000x256xf32, #tpu.memory_space<hbm>>, %arg3: memref<160000xi32, #tpu.memory_space<hbm>>, %arg4: memref<160000xi32, #tpu.memory_space<hbm>>, %arg5: memref<160000x256xf32, #tpu.memory_space<hbm>>, %arg6: memref<160000x256xf32, #tpu.memory_space<hbm>>, %arg7: memref<128xi32, #tpu.memory_space<vmem>>, %arg8: memref<128xi32, #tpu.memory_space<vmem>>, %arg9: memref<128x256xf32, #tpu.memory_space<vmem>>, %arg10: memref<128x256xf32, #tpu.memory_space<vmem>>, %arg11: memref<!tpu.dma_semaphore, #tpu.memory_space<semaphore_mem>>, %arg12: memref<!tpu.dma_semaphore, #tpu.memory_space<semaphore_mem>>) attributes {dimension_semantics = [#tpu.dimension_semantics<core_parallel>, #tpu.dimension_semantics<subcore_parallel>], iteration_bounds = array<i64: 2, 16>, scalar_prefetch = 0 : i64, scratch_operands = 6 : i64, tpu.core_type = #tpu.core_type<sc_vector_subcore>, window_params = [{transform_indices = #map}, {transform_indices = #map1}, {transform_indices = #map1}, {transform_indices = #map}, {transform_indices = #map}]} {
    %mul3A = arith.constant 2 : i32
    %mul3A_0 = arith.muli %arg1, %mul3A : i32
    %add3A = arith.addi %mul3A_0, %arg0 : i32
    %mul3A_1 = arith.constant 39 : i32
    %mul3A_2 = arith.muli %add3A, %mul3A_1 : i32
    %min3A = arith.constant 2 : i32
    %min3A_3 = arith.minsi %add3A, %min3A : i32
    %add3A_4 = arith.addi %mul3A_2, %min3A_3 : i32
    %lt3A = arith.constant 2 : i32
    %lt3A_5 = arith.cmpi slt, %add3A, %lt3A : i32
    %jit3A = arith.constant 1 : i32
    %jit3A_6 = arith.constant 0 : i32
    %select_n3A = arith.select %lt3A_5, %jit3A, %jit3A_6 : i32
    %add3A_7 = arith.constant 39 : i32
    %add3A_8 = arith.addi %add3A_7, %select_n3A : i32
    %while3A = arith.constant 0 : i32
    %while3A_9 = arith.constant 0 : i32
    %while3A_10 = arith.subi %add3A_8, %while3A_9 : i32
    %while3A_11 = arith.addi %while3A_9, %while3A_10 : i32
    %while3A_12 = arith.constant 1 : i32
    %while3A_13 = arith.divsi %while3A_10, %while3A_12 : i32
    %while3A_14 = arith.muli %while3A_13, %while3A_12 : i32
    %while3A_15 = arith.addi %while3A_9, %while3A_14 : i32
    %while3A_16 = arith.constant 1 : i32
    scf.for %while3A_18 = %while3A_9 to %while3A_15 step %while3A_16  : i32 {
      %add3A_19 = arith.addi %add3A_4, %while3A_18 : i32
      %mul3A_20 = arith.constant 128 : i32
      %mul3A_21 = arith.muli %add3A_19, %mul3A_20 : i32
      "tpu.region"() ({
        %run_scoped3A = tpu.sem_alloc : memref<!tpu.dma_semaphore, #tpu.memory_space<semaphore_mem>>
        %dma_start3A_32 = tpu.memref_slice %arg3[%mul3A_21] : memref<160000xi32, #tpu.memory_space<hbm>> -> memref<128xi32, #tpu.memory_space<hbm>>
        %dma_start3A_33 = tpu.memref_slice %arg3[%mul3A_21] : memref<160000xi32, #tpu.memory_space<hbm>> -> memref<128xi32, #tpu.memory_space<hbm>>
        tpu.enqueue_dma source(%dma_start3A_33 : memref<128xi32, #tpu.memory_space<hbm>>) target(%arg7 : memref<128xi32, #tpu.memory_space<vmem>>) target_semaphore(%run_scoped3A : memref<!tpu.dma_semaphore, #tpu.memory_space<semaphore_mem>>)
        %dma_wait3A_34 = tpu.memref_slice %arg3[%mul3A_21] : memref<160000xi32, #tpu.memory_space<hbm>> -> memref<128xi32, #tpu.memory_space<hbm>>
        %dma_wait3A_35 = tpu.memref_slice %arg3[%mul3A_21] : memref<160000xi32, #tpu.memory_space<hbm>> -> memref<128xi32, #tpu.memory_space<hbm>>
        tpu.wait_dma2 semaphore(%run_scoped3A : memref<!tpu.dma_semaphore, #tpu.memory_space<semaphore_mem>>) src(%dma_wait3A_35 : memref<128xi32, #tpu.memory_space<hbm>>) dst(%arg7 : memref<128xi32, #tpu.memory_space<vmem>>)
        tpu.yield
      }) : () -> ()
      "tpu.region"() ({
        %run_scoped3A = tpu.sem_alloc : memref<!tpu.dma_semaphore, #tpu.memory_space<semaphore_mem>>
        %dma_start3A_32 = tpu.memref_slice %arg4[%mul3A_21] : memref<160000xi32, #tpu.memory_space<hbm>> -> memref<128xi32, #tpu.memory_space<hbm>>
        %dma_start3A_33 = tpu.memref_slice %arg4[%mul3A_21] : memref<160000xi32, #tpu.memory_space<hbm>> -> memref<128xi32, #tpu.memory_space<hbm>>
        tpu.enqueue_dma source(%dma_start3A_33 : memref<128xi32, #tpu.memory_space<hbm>>) target(%arg8 : memref<128xi32, #tpu.memory_space<vmem>>) target_semaphore(%run_scoped3A : memref<!tpu.dma_semaphore, #tpu.memory_space<semaphore_mem>>)
        %dma_wait3A_34 = tpu.memref_slice %arg4[%mul3A_21] : memref<160000xi32, #tpu.memory_space<hbm>> -> memref<128xi32, #tpu.memory_space<hbm>>
        %dma_wait3A_35 = tpu.memref_slice %arg4[%mul3A_21] : memref<160000xi32, #tpu.memory_space<hbm>> -> memref<128xi32, #tpu.memory_space<hbm>>
        tpu.wait_dma2 semaphore(%run_scoped3A : memref<!tpu.dma_semaphore, #tpu.memory_space<semaphore_mem>>) src(%dma_wait3A_35 : memref<128xi32, #tpu.memory_space<hbm>>) dst(%arg8 : memref<128xi32, #tpu.memory_space<vmem>>)
        tpu.yield
      }) : () -> ()
      %dma_start3A = arith.constant 0 : i32
      %dma_start3A_22 = arith.constant 0 : i32
      %dma_start3A_23 = tpu.memref_slice %arg2[%dma_start3A, %dma_start3A_22] : memref<10000x256xf32, #tpu.memory_space<hbm>> -> memref<10000x256xf32, #tpu.memory_space<hbm>>
      tpu.enqueue_indirect_dma source(%dma_start3A_23 : memref<10000x256xf32, #tpu.memory_space<hbm>>) target(%arg9 : memref<128x256xf32, #tpu.memory_space<vmem>>) offsets(%arg7 : memref<128xi32, #tpu.memory_space<vmem>>) semaphore(%arg11 : memref<!tpu.dma_semaphore, #tpu.memory_space<semaphore_mem>>)
      %dma_start3A_24 = arith.constant 0 : i32
      %dma_start3A_25 = arith.constant 0 : i32
      %dma_start3A_26 = tpu.memref_slice %arg2[%dma_start3A_24, %dma_start3A_25] : memref<10000x256xf32, #tpu.memory_space<hbm>> -> memref<10000x256xf32, #tpu.memory_space<hbm>>
      tpu.enqueue_indirect_dma source(%dma_start3A_26 : memref<10000x256xf32, #tpu.memory_space<hbm>>) target(%arg10 : memref<128x256xf32, #tpu.memory_space<vmem>>) offsets(%arg8 : memref<128xi32, #tpu.memory_space<vmem>>) semaphore(%arg12 : memref<!tpu.dma_semaphore, #tpu.memory_space<semaphore_mem>>)
      %dma_wait3A = arith.constant 0 : i32
      %dma_wait3A_27 = arith.constant 0 : i32
      %dma_wait3A_28 = tpu.memref_slice %arg2[%dma_wait3A, %dma_wait3A_27] : memref<10000x256xf32, #tpu.memory_space<hbm>> -> memref<10000x256xf32, #tpu.memory_space<hbm>>
      tpu.wait_indirect_dma semaphore(%arg11 : memref<!tpu.dma_semaphore, #tpu.memory_space<semaphore_mem>>) src(%dma_wait3A_28 : memref<10000x256xf32, #tpu.memory_space<hbm>>) dst(%arg9 : memref<128x256xf32, #tpu.memory_space<vmem>>)
      "tpu.region"() ({
        %run_scoped3A = tpu.sem_alloc : memref<!tpu.dma_semaphore, #tpu.memory_space<semaphore_mem>>
        %dma_start3A_32 = arith.constant 0 : i32
        %dma_start3A_33 = tpu.memref_slice %arg5[%mul3A_21, %dma_start3A_32] : memref<160000x256xf32, #tpu.memory_space<hbm>> -> memref<128x256xf32, #tpu.memory_space<hbm>>
        %dma_start3A_34 = arith.constant 0 : i32
        %dma_start3A_35 = tpu.memref_slice %arg5[%mul3A_21, %dma_start3A_34] : memref<160000x256xf32, #tpu.memory_space<hbm>> -> memref<128x256xf32, #tpu.memory_space<hbm>>
        tpu.enqueue_dma source(%arg9 : memref<128x256xf32, #tpu.memory_space<vmem>>) target(%dma_start3A_35 : memref<128x256xf32, #tpu.memory_space<hbm>>) target_semaphore(%run_scoped3A : memref<!tpu.dma_semaphore, #tpu.memory_space<semaphore_mem>>)
        %dma_wait3A_36 = arith.constant 0 : i32
        %dma_wait3A_37 = tpu.memref_slice %arg5[%mul3A_21, %dma_wait3A_36] : memref<160000x256xf32, #tpu.memory_space<hbm>> -> memref<128x256xf32, #tpu.memory_space<hbm>>
        %dma_wait3A_38 = arith.constant 0 : i32
        %dma_wait3A_39 = tpu.memref_slice %arg5[%mul3A_21, %dma_wait3A_38] : memref<160000x256xf32, #tpu.memory_space<hbm>> -> memref<128x256xf32, #tpu.memory_space<hbm>>
        tpu.wait_dma2 semaphore(%run_scoped3A : memref<!tpu.dma_semaphore, #tpu.memory_space<semaphore_mem>>) src(%arg9 : memref<128x256xf32, #tpu.memory_space<vmem>>) dst(%dma_wait3A_39 : memref<128x256xf32, #tpu.memory_space<hbm>>)
        tpu.yield
      }) : () -> ()
      %dma_wait3A_29 = arith.constant 0 : i32
      %dma_wait3A_30 = arith.constant 0 : i32
      %dma_wait3A_31 = tpu.memref_slice %arg2[%dma_wait3A_29, %dma_wait3A_30] : memref<10000x256xf32, #tpu.memory_space<hbm>> -> memref<10000x256xf32, #tpu.memory_space<hbm>>
      tpu.wait_indirect_dma semaphore(%arg12 : memref<!tpu.dma_semaphore, #tpu.memory_space<semaphore_mem>>) src(%dma_wait3A_31 : memref<10000x256xf32, #tpu.memory_space<hbm>>) dst(%arg10 : memref<128x256xf32, #tpu.memory_space<vmem>>)
      "tpu.region"() ({
        %run_scoped3A = tpu.sem_alloc : memref<!tpu.dma_semaphore, #tpu.memory_space<semaphore_mem>>
        %dma_start3A_32 = arith.constant 0 : i32
        %dma_start3A_33 = tpu.memref_slice %arg6[%mul3A_21, %dma_start3A_32] : memref<160000x256xf32, #tpu.memory_space<hbm>> -> memref<128x256xf32, #tpu.memory_space<hbm>>
        %dma_start3A_34 = arith.constant 0 : i32
        %dma_start3A_35 = tpu.memref_slice %arg6[%mul3A_21, %dma_start3A_34] : memref<160000x256xf32, #tpu.memory_space<hbm>> -> memref<128x256xf32, #tpu.memory_space<hbm>>
        tpu.enqueue_dma source(%arg10 : memref<128x256xf32, #tpu.memory_space<vmem>>) target(%dma_start3A_35 : memref<128x256xf32, #tpu.memory_space<hbm>>) target_semaphore(%run_scoped3A : memref<!tpu.dma_semaphore, #tpu.memory_space<semaphore_mem>>)
        %dma_wait3A_36 = arith.constant 0 : i32
        %dma_wait3A_37 = tpu.memref_slice %arg6[%mul3A_21, %dma_wait3A_36] : memref<160000x256xf32, #tpu.memory_space<hbm>> -> memref<128x256xf32, #tpu.memory_space<hbm>>
        %dma_wait3A_38 = arith.constant 0 : i32
        %dma_wait3A_39 = tpu.memref_slice %arg6[%mul3A_21, %dma_wait3A_38] : memref<160000x256xf32, #tpu.memory_space<hbm>> -> memref<128x256xf32, #tpu.memory_space<hbm>>
        tpu.wait_dma2 semaphore(%run_scoped3A : memref<!tpu.dma_semaphore, #tpu.memory_space<semaphore_mem>>) src(%arg10 : memref<128x256xf32, #tpu.memory_space<vmem>>) dst(%dma_wait3A_39 : memref<128x256xf32, #tpu.memory_space<hbm>>)
        tpu.yield
      }) : () -> ()
    }
    %while3A_17 = arith.constant 1 : i32
    scf.for %while3A_18 = %while3A_15 to %while3A_11 step %while3A_17  : i32 {
      %add3A_19 = arith.addi %add3A_4, %while3A_18 : i32
      %mul3A_20 = arith.constant 128 : i32
      %mul3A_21 = arith.muli %add3A_19, %mul3A_20 : i32
      "tpu.region"() ({
        %run_scoped3A = tpu.sem_alloc : memref<!tpu.dma_semaphore, #tpu.memory_space<semaphore_mem>>
        %dma_start3A_32 = tpu.memref_slice %arg3[%mul3A_21] : memref<160000xi32, #tpu.memory_space<hbm>> -> memref<128xi32, #tpu.memory_space<hbm>>
        %dma_start3A_33 = tpu.memref_slice %arg3[%mul3A_21] : memref<160000xi32, #tpu.memory_space<hbm>> -> memref<128xi32, #tpu.memory_space<hbm>>
        tpu.enqueue_dma source(%dma_start3A_33 : memref<128xi32, #tpu.memory_space<hbm>>) target(%arg7 : memref<128xi32, #tpu.memory_space<vmem>>) target_semaphore(%run_scoped3A : memref<!tpu.dma_semaphore, #tpu.memory_space<semaphore_mem>>)
        %dma_wait3A_34 = tpu.memref_slice %arg3[%mul3A_21] : memref<160000xi32, #tpu.memory_space<hbm>> -> memref<128xi32, #tpu.memory_space<hbm>>
        %dma_wait3A_35 = tpu.memref_slice %arg3[%mul3A_21] : memref<160000xi32, #tpu.memory_space<hbm>> -> memref<128xi32, #tpu.memory_space<hbm>>
        tpu.wait_dma2 semaphore(%run_scoped3A : memref<!tpu.dma_semaphore, #tpu.memory_space<semaphore_mem>>) src(%dma_wait3A_35 : memref<128xi32, #tpu.memory_space<hbm>>) dst(%arg7 : memref<128xi32, #tpu.memory_space<vmem>>)
        tpu.yield
      }) : () -> ()
      "tpu.region"() ({
        %run_scoped3A = tpu.sem_alloc : memref<!tpu.dma_semaphore, #tpu.memory_space<semaphore_mem>>
        %dma_start3A_32 = tpu.memref_slice %arg4[%mul3A_21] : memref<160000xi32, #tpu.memory_space<hbm>> -> memref<128xi32, #tpu.memory_space<hbm>>
        %dma_start3A_33 = tpu.memref_slice %arg4[%mul3A_21] : memref<160000xi32, #tpu.memory_space<hbm>> -> memref<128xi32, #tpu.memory_space<hbm>>
        tpu.enqueue_dma source(%dma_start3A_33 : memref<128xi32, #tpu.memory_space<hbm>>) target(%arg8 : memref<128xi32, #tpu.memory_space<vmem>>) target_semaphore(%run_scoped3A : memref<!tpu.dma_semaphore, #tpu.memory_space<semaphore_mem>>)
        %dma_wait3A_34 = tpu.memref_slice %arg4[%mul3A_21] : memref<160000xi32, #tpu.memory_space<hbm>> -> memref<128xi32, #tpu.memory_space<hbm>>
        %dma_wait3A_35 = tpu.memref_slice %arg4[%mul3A_21] : memref<160000xi32, #tpu.memory_space<hbm>> -> memref<128xi32, #tpu.memory_space<hbm>>
        tpu.wait_dma2 semaphore(%run_scoped3A : memref<!tpu.dma_semaphore, #tpu.memory_space<semaphore_mem>>) src(%dma_wait3A_35 : memref<128xi32, #tpu.memory_space<hbm>>) dst(%arg8 : memref<128xi32, #tpu.memory_space<vmem>>)
        tpu.yield
      }) : () -> ()
      %dma_start3A = arith.constant 0 : i32
      %dma_start3A_22 = arith.constant 0 : i32
      %dma_start3A_23 = tpu.memref_slice %arg2[%dma_start3A, %dma_start3A_22] : memref<10000x256xf32, #tpu.memory_space<hbm>> -> memref<10000x256xf32, #tpu.memory_space<hbm>>
      tpu.enqueue_indirect_dma source(%dma_start3A_23 : memref<10000x256xf32, #tpu.memory_space<hbm>>) target(%arg9 : memref<128x256xf32, #tpu.memory_space<vmem>>) offsets(%arg7 : memref<128xi32, #tpu.memory_space<vmem>>) semaphore(%arg11 : memref<!tpu.dma_semaphore, #tpu.memory_space<semaphore_mem>>)
      %dma_start3A_24 = arith.constant 0 : i32
      %dma_start3A_25 = arith.constant 0 : i32
      %dma_start3A_26 = tpu.memref_slice %arg2[%dma_start3A_24, %dma_start3A_25] : memref<10000x256xf32, #tpu.memory_space<hbm>> -> memref<10000x256xf32, #tpu.memory_space<hbm>>
      tpu.enqueue_indirect_dma source(%dma_start3A_26 : memref<10000x256xf32, #tpu.memory_space<hbm>>) target(%arg10 : memref<128x256xf32, #tpu.memory_space<vmem>>) offsets(%arg8 : memref<128xi32, #tpu.memory_space<vmem>>) semaphore(%arg12 : memref<!tpu.dma_semaphore, #tpu.memory_space<semaphore_mem>>)
      %dma_wait3A = arith.constant 0 : i32
      %dma_wait3A_27 = arith.constant 0 : i32
      %dma_wait3A_28 = tpu.memref_slice %arg2[%dma_wait3A, %dma_wait3A_27] : memref<10000x256xf32, #tpu.memory_space<hbm>> -> memref<10000x256xf32, #tpu.memory_space<hbm>>
      tpu.wait_indirect_dma semaphore(%arg11 : memref<!tpu.dma_semaphore, #tpu.memory_space<semaphore_mem>>) src(%dma_wait3A_28 : memref<10000x256xf32, #tpu.memory_space<hbm>>) dst(%arg9 : memref<128x256xf32, #tpu.memory_space<vmem>>)
      "tpu.region"() ({
        %run_scoped3A = tpu.sem_alloc : memref<!tpu.dma_semaphore, #tpu.memory_space<semaphore_mem>>
        %dma_start3A_32 = arith.constant 0 : i32
        %dma_start3A_33 = tpu.memref_slice %arg5[%mul3A_21, %dma_start3A_32] : memref<160000x256xf32, #tpu.memory_space<hbm>> -> memref<128x256xf32, #tpu.memory_space<hbm>>
        %dma_start3A_34 = arith.constant 0 : i32
        %dma_start3A_35 = tpu.memref_slice %arg5[%mul3A_21, %dma_start3A_34] : memref<160000x256xf32, #tpu.memory_space<hbm>> -> memref<128x256xf32, #tpu.memory_space<hbm>>
        tpu.enqueue_dma source(%arg9 : memref<128x256xf32, #tpu.memory_space<vmem>>) target(%dma_start3A_35 : memref<128x256xf32, #tpu.memory_space<hbm>>) target_semaphore(%run_scoped3A : memref<!tpu.dma_semaphore, #tpu.memory_space<semaphore_mem>>)
        %dma_wait3A_36 = arith.constant 0 : i32
        %dma_wait3A_37 = tpu.memref_slice %arg5[%mul3A_21, %dma_wait3A_36] : memref<160000x256xf32, #tpu.memory_space<hbm>> -> memref<128x256xf32, #tpu.memory_space<hbm>>
        %dma_wait3A_38 = arith.constant 0 : i32
        %dma_wait3A_39 = tpu.memref_slice %arg5[%mul3A_21, %dma_wait3A_38] : memref<160000x256xf32, #tpu.memory_space<hbm>> -> memref<128x256xf32, #tpu.memory_space<hbm>>
        tpu.wait_dma2 semaphore(%run_scoped3A : memref<!tpu.dma_semaphore, #tpu.memory_space<semaphore_mem>>) src(%arg9 : memref<128x256xf32, #tpu.memory_space<vmem>>) dst(%dma_wait3A_39 : memref<128x256xf32, #tpu.memory_space<hbm>>)
        tpu.yield
      }) : () -> ()
      %dma_wait3A_29 = arith.constant 0 : i32
      %dma_wait3A_30 = arith.constant 0 : i32
      %dma_wait3A_31 = tpu.memref_slice %arg2[%dma_wait3A_29, %dma_wait3A_30] : memref<10000x256xf32, #tpu.memory_space<hbm>> -> memref<10000x256xf32, #tpu.memory_space<hbm>>
      tpu.wait_indirect_dma semaphore(%arg12 : memref<!tpu.dma_semaphore, #tpu.memory_space<semaphore_mem>>) src(%dma_wait3A_31 : memref<10000x256xf32, #tpu.memory_space<hbm>>) dst(%arg10 : memref<128x256xf32, #tpu.memory_space<vmem>>)
      "tpu.region"() ({
        %run_scoped3A = tpu.sem_alloc : memref<!tpu.dma_semaphore, #tpu.memory_space<semaphore_mem>>
        %dma_start3A_32 = arith.constant 0 : i32
        %dma_start3A_33 = tpu.memref_slice %arg6[%mul3A_21, %dma_start3A_32] : memref<160000x256xf32, #tpu.memory_space<hbm>> -> memref<128x256xf32, #tpu.memory_space<hbm>>
        %dma_start3A_34 = arith.constant 0 : i32
        %dma_start3A_35 = tpu.memref_slice %arg6[%mul3A_21, %dma_start3A_34] : memref<160000x256xf32, #tpu.memory_space<hbm>> -> memref<128x256xf32, #tpu.memory_space<hbm>>
        tpu.enqueue_dma source(%arg10 : memref<128x256xf32, #tpu.memory_space<vmem>>) target(%dma_start3A_35 : memref<128x256xf32, #tpu.memory_space<hbm>>) target_semaphore(%run_scoped3A : memref<!tpu.dma_semaphore, #tpu.memory_space<semaphore_mem>>)
        %dma_wait3A_36 = arith.constant 0 : i32
        %dma_wait3A_37 = tpu.memref_slice %arg6[%mul3A_21, %dma_wait3A_36] : memref<160000x256xf32, #tpu.memory_space<hbm>> -> memref<128x256xf32, #tpu.memory_space<hbm>>
        %dma_wait3A_38 = arith.constant 0 : i32
        %dma_wait3A_39 = tpu.memref_slice %arg6[%mul3A_21, %dma_wait3A_38] : memref<160000x256xf32, #tpu.memory_space<hbm>> -> memref<128x256xf32, #tpu.memory_space<hbm>>
        tpu.wait_dma2 semaphore(%run_scoped3A : memref<!tpu.dma_semaphore, #tpu.memory_space<semaphore_mem>>) src(%arg10 : memref<128x256xf32, #tpu.memory_space<vmem>>) dst(%dma_wait3A_39 : memref<128x256xf32, #tpu.memory_space<hbm>>)
        tpu.yield
      }) : () -> ()
    }
    return
  }
}

#map = affine_map<(d0, d1) -> (0, 0)>
#map1 = affine_map<(d0, d1) -> (0)>
module attributes {stable_mosaic.version = 14 : i64} {
  func.func @_gather_body(%arg0: i32, %arg1: i32, %arg2: memref<10000x256xf32, #tpu.memory_space<hbm>>, %arg3: memref<160000xi32, #tpu.memory_space<hbm>>, %arg4: memref<160000xi32, #tpu.memory_space<hbm>>, %arg5: memref<160000x256xf32, #tpu.memory_space<hbm>>, %arg6: memref<160000x256xf32, #tpu.memory_space<hbm>>, %arg7: memref<128xi32, #tpu.memory_space<vmem>>, %arg8: memref<128xi32, #tpu.memory_space<vmem>>, %arg9: memref<128x256xf32, #tpu.memory_space<vmem>>, %arg10: memref<128x256xf32, #tpu.memory_space<vmem>>, %arg11: memref<!tpu.dma_semaphore, #tpu.memory_space<semaphore_mem>>, %arg12: memref<!tpu.dma_semaphore, #tpu.memory_space<semaphore_mem>>) attributes {dimension_semantics = [#tpu.dimension_semantics<core_parallel>, #tpu.dimension_semantics<subcore_parallel>], iteration_bounds = array<i64: 2, 16>, scalar_prefetch = 0 : i64, scratch_operands = 6 : i64, tpu.core_type = #tpu.core_type<sc_vector_subcore>, window_params = [{transform_indices = #map}, {transform_indices = #map1}, {transform_indices = #map1}, {transform_indices = #map}, {transform_indices = #map}]} {
    %mul3A = arith.constant 2 : i32
    %mul3A_0 = arith.muli %arg1, %mul3A : i32
    %add3A = arith.addi %mul3A_0, %arg0 : i32
    %mul3A_1 = arith.constant 39 : i32
    %mul3A_2 = arith.muli %add3A, %mul3A_1 : i32
    %min3A = arith.constant 2 : i32
    %min3A_3 = arith.minsi %add3A, %min3A : i32
    %add3A_4 = arith.addi %mul3A_2, %min3A_3 : i32
    %lt3A = arith.constant 2 : i32
    %lt3A_5 = arith.cmpi slt, %add3A, %lt3A : i32
    %jit3A = arith.constant 1 : i32
    %jit3A_6 = arith.constant 0 : i32
    %select_n3A = arith.select %lt3A_5, %jit3A, %jit3A_6 : i32
    %add3A_7 = arith.constant 39 : i32
    %add3A_8 = arith.addi %add3A_7, %select_n3A : i32
    %while3A = arith.constant 0 : i32
    %while3A_9 = arith.constant 0 : i32
    %while3A_10 = arith.subi %add3A_8, %while3A_9 : i32
    %while3A_11 = arith.addi %while3A_9, %while3A_10 : i32
    %while3A_12 = arith.constant 1 : i32
    %while3A_13 = arith.divsi %while3A_10, %while3A_12 : i32
    %while3A_14 = arith.muli %while3A_13, %while3A_12 : i32
    %while3A_15 = arith.addi %while3A_9, %while3A_14 : i32
    %while3A_16 = arith.constant 1 : i32
    scf.for %while3A_18 = %while3A_9 to %while3A_15 step %while3A_16  : i32 {
      %add3A_19 = arith.addi %add3A_4, %while3A_18 : i32
      %mul3A_20 = arith.constant 128 : i32
      %mul3A_21 = arith.muli %add3A_19, %mul3A_20 : i32
      "tpu.region"() ({
        %run_scoped3A = tpu.sem_alloc : memref<!tpu.dma_semaphore, #tpu.memory_space<semaphore_mem>>
        %dma_start3A_32 = tpu.memref_slice %arg3[%mul3A_21] : memref<160000xi32, #tpu.memory_space<hbm>> -> memref<128xi32, #tpu.memory_space<hbm>>
        %dma_start3A_33 = tpu.memref_slice %arg3[%mul3A_21] : memref<160000xi32, #tpu.memory_space<hbm>> -> memref<128xi32, #tpu.memory_space<hbm>>
        tpu.enqueue_dma source(%dma_start3A_33 : memref<128xi32, #tpu.memory_space<hbm>>) target(%arg7 : memref<128xi32, #tpu.memory_space<vmem>>) target_semaphore(%run_scoped3A : memref<!tpu.dma_semaphore, #tpu.memory_space<semaphore_mem>>)
        %dma_wait3A_34 = tpu.memref_slice %arg3[%mul3A_21] : memref<160000xi32, #tpu.memory_space<hbm>> -> memref<128xi32, #tpu.memory_space<hbm>>
        %dma_wait3A_35 = tpu.memref_slice %arg3[%mul3A_21] : memref<160000xi32, #tpu.memory_space<hbm>> -> memref<128xi32, #tpu.memory_space<hbm>>
        tpu.wait_dma2 semaphore(%run_scoped3A : memref<!tpu.dma_semaphore, #tpu.memory_space<semaphore_mem>>) src(%dma_wait3A_35 : memref<128xi32, #tpu.memory_space<hbm>>) dst(%arg7 : memref<128xi32, #tpu.memory_space<vmem>>)
        tpu.yield
      }) : () -> ()
      "tpu.region"() ({
        %run_scoped3A = tpu.sem_alloc : memref<!tpu.dma_semaphore, #tpu.memory_space<semaphore_mem>>
        %dma_start3A_32 = tpu.memref_slice %arg4[%mul3A_21] : memref<160000xi32, #tpu.memory_space<hbm>> -> memref<128xi32, #tpu.memory_space<hbm>>
        %dma_start3A_33 = tpu.memref_slice %arg4[%mul3A_21] : memref<160000xi32, #tpu.memory_space<hbm>> -> memref<128xi32, #tpu.memory_space<hbm>>
        tpu.enqueue_dma source(%dma_start3A_33 : memref<128xi32, #tpu.memory_space<hbm>>) target(%arg8 : memref<128xi32, #tpu.memory_space<vmem>>) target_semaphore(%run_scoped3A : memref<!tpu.dma_semaphore, #tpu.memory_space<semaphore_mem>>)
        %dma_wait3A_34 = tpu.memref_slice %arg4[%mul3A_21] : memref<160000xi32, #tpu.memory_space<hbm>> -> memref<128xi32, #tpu.memory_space<hbm>>
        %dma_wait3A_35 = tpu.memref_slice %arg4[%mul3A_21] : memref<160000xi32, #tpu.memory_space<hbm>> -> memref<128xi32, #tpu.memory_space<hbm>>
        tpu.wait_dma2 semaphore(%run_scoped3A : memref<!tpu.dma_semaphore, #tpu.memory_space<semaphore_mem>>) src(%dma_wait3A_35 : memref<128xi32, #tpu.memory_space<hbm>>) dst(%arg8 : memref<128xi32, #tpu.memory_space<vmem>>)
        tpu.yield
      }) : () -> ()
      %dma_start3A = arith.constant 0 : i32
      %dma_start3A_22 = arith.constant 0 : i32
      %dma_start3A_23 = tpu.memref_slice %arg2[%dma_start3A, %dma_start3A_22] : memref<10000x256xf32, #tpu.memory_space<hbm>> -> memref<10000x256xf32, #tpu.memory_space<hbm>>
      tpu.enqueue_indirect_dma source(%dma_start3A_23 : memref<10000x256xf32, #tpu.memory_space<hbm>>) target(%arg9 : memref<128x256xf32, #tpu.memory_space<vmem>>) offsets(%arg7 : memref<128xi32, #tpu.memory_space<vmem>>) semaphore(%arg11 : memref<!tpu.dma_semaphore, #tpu.memory_space<semaphore_mem>>)
      %dma_start3A_24 = arith.constant 0 : i32
      %dma_start3A_25 = arith.constant 0 : i32
      %dma_start3A_26 = tpu.memref_slice %arg2[%dma_start3A_24, %dma_start3A_25] : memref<10000x256xf32, #tpu.memory_space<hbm>> -> memref<10000x256xf32, #tpu.memory_space<hbm>>
      tpu.enqueue_indirect_dma source(%dma_start3A_26 : memref<10000x256xf32, #tpu.memory_space<hbm>>) target(%arg10 : memref<128x256xf32, #tpu.memory_space<vmem>>) offsets(%arg8 : memref<128xi32, #tpu.memory_space<vmem>>) semaphore(%arg12 : memref<!tpu.dma_semaphore, #tpu.memory_space<semaphore_mem>>)
      %dma_wait3A = arith.constant 0 : i32
      %dma_wait3A_27 = arith.constant 0 : i32
      %dma_wait3A_28 = tpu.memref_slice %arg2[%dma_wait3A, %dma_wait3A_27] : memref<10000x256xf32, #tpu.memory_space<hbm>> -> memref<10000x256xf32, #tpu.memory_space<hbm>>
      tpu.wait_indirect_dma semaphore(%arg11 : memref<!tpu.dma_semaphore, #tpu.memory_space<semaphore_mem>>) src(%dma_wait3A_28 : memref<10000x256xf32, #tpu.memory_space<hbm>>) dst(%arg9 : memref<128x256xf32, #tpu.memory_space<vmem>>)
      "tpu.region"() ({
        %run_scoped3A = tpu.sem_alloc : memref<!tpu.dma_semaphore, #tpu.memory_space<semaphore_mem>>
        %dma_start3A_32 = arith.constant 0 : i32
        %dma_start3A_33 = tpu.memref_slice %arg5[%mul3A_21, %dma_start3A_32] : memref<160000x256xf32, #tpu.memory_space<hbm>> -> memref<128x256xf32, #tpu.memory_space<hbm>>
        %dma_start3A_34 = arith.constant 0 : i32
        %dma_start3A_35 = tpu.memref_slice %arg5[%mul3A_21, %dma_start3A_34] : memref<160000x256xf32, #tpu.memory_space<hbm>> -> memref<128x256xf32, #tpu.memory_space<hbm>>
        tpu.enqueue_dma source(%arg9 : memref<128x256xf32, #tpu.memory_space<vmem>>) target(%dma_start3A_35 : memref<128x256xf32, #tpu.memory_space<hbm>>) target_semaphore(%run_scoped3A : memref<!tpu.dma_semaphore, #tpu.memory_space<semaphore_mem>>)
        %dma_wait3A_36 = arith.constant 0 : i32
        %dma_wait3A_37 = tpu.memref_slice %arg5[%mul3A_21, %dma_wait3A_36] : memref<160000x256xf32, #tpu.memory_space<hbm>> -> memref<128x256xf32, #tpu.memory_space<hbm>>
        %dma_wait3A_38 = arith.constant 0 : i32
        %dma_wait3A_39 = tpu.memref_slice %arg5[%mul3A_21, %dma_wait3A_38] : memref<160000x256xf32, #tpu.memory_space<hbm>> -> memref<128x256xf32, #tpu.memory_space<hbm>>
        tpu.wait_dma2 semaphore(%run_scoped3A : memref<!tpu.dma_semaphore, #tpu.memory_space<semaphore_mem>>) src(%arg9 : memref<128x256xf32, #tpu.memory_space<vmem>>) dst(%dma_wait3A_39 : memref<128x256xf32, #tpu.memory_space<hbm>>)
        tpu.yield
      }) : () -> ()
      %dma_wait3A_29 = arith.constant 0 : i32
      %dma_wait3A_30 = arith.constant 0 : i32
      %dma_wait3A_31 = tpu.memref_slice %arg2[%dma_wait3A_29, %dma_wait3A_30] : memref<10000x256xf32, #tpu.memory_space<hbm>> -> memref<10000x256xf32, #tpu.memory_space<hbm>>
      tpu.wait_indirect_dma semaphore(%arg12 : memref<!tpu.dma_semaphore, #tpu.memory_space<semaphore_mem>>) src(%dma_wait3A_31 : memref<10000x256xf32, #tpu.memory_space<hbm>>) dst(%arg10 : memref<128x256xf32, #tpu.memory_space<vmem>>)
      "tpu.region"() ({
        %run_scoped3A = tpu.sem_alloc : memref<!tpu.dma_semaphore, #tpu.memory_space<semaphore_mem>>
        %dma_start3A_32 = arith.constant 0 : i32
        %dma_start3A_33 = tpu.memref_slice %arg6[%mul3A_21, %dma_start3A_32] : memref<160000x256xf32, #tpu.memory_space<hbm>> -> memref<128x256xf32, #tpu.memory_space<hbm>>
        %dma_start3A_34 = arith.constant 0 : i32
        %dma_start3A_35 = tpu.memref_slice %arg6[%mul3A_21, %dma_start3A_34] : memref<160000x256xf32, #tpu.memory_space<hbm>> -> memref<128x256xf32, #tpu.memory_space<hbm>>
        tpu.enqueue_dma source(%arg10 : memref<128x256xf32, #tpu.memory_space<vmem>>) target(%dma_start3A_35 : memref<128x256xf32, #tpu.memory_space<hbm>>) target_semaphore(%run_scoped3A : memref<!tpu.dma_semaphore, #tpu.memory_space<semaphore_mem>>)
        %dma_wait3A_36 = arith.constant 0 : i32
        %dma_wait3A_37 = tpu.memref_slice %arg6[%mul3A_21, %dma_wait3A_36] : memref<160000x256xf32, #tpu.memory_space<hbm>> -> memref<128x256xf32, #tpu.memory_space<hbm>>
        %dma_wait3A_38 = arith.constant 0 : i32
        %dma_wait3A_39 = tpu.memref_slice %arg6[%mul3A_21, %dma_wait3A_38] : memref<160000x256xf32, #tpu.memory_space<hbm>> -> memref<128x256xf32, #tpu.memory_space<hbm>>
        tpu.wait_dma2 semaphore(%run_scoped3A : memref<!tpu.dma_semaphore, #tpu.memory_space<semaphore_mem>>) src(%arg10 : memref<128x256xf32, #tpu.memory_space<vmem>>) dst(%dma_wait3A_39 : memref<128x256xf32, #tpu.memory_space<hbm>>)
        tpu.yield
      }) : () -> ()
    }
    %while3A_17 = arith.constant 1 : i32
    scf.for %while3A_18 = %while3A_15 to %while3A_11 step %while3A_17  : i32 {
      %add3A_19 = arith.addi %add3A_4, %while3A_18 : i32
      %mul3A_20 = arith.constant 128 : i32
      %mul3A_21 = arith.muli %add3A_19, %mul3A_20 : i32
      "tpu.region"() ({
        %run_scoped3A = tpu.sem_alloc : memref<!tpu.dma_semaphore, #tpu.memory_space<semaphore_mem>>
        %dma_start3A_32 = tpu.memref_slice %arg3[%mul3A_21] : memref<160000xi32, #tpu.memory_space<hbm>> -> memref<128xi32, #tpu.memory_space<hbm>>
        %dma_start3A_33 = tpu.memref_slice %arg3[%mul3A_21] : memref<160000xi32, #tpu.memory_space<hbm>> -> memref<128xi32, #tpu.memory_space<hbm>>
        tpu.enqueue_dma source(%dma_start3A_33 : memref<128xi32, #tpu.memory_space<hbm>>) target(%arg7 : memref<128xi32, #tpu.memory_space<vmem>>) target_semaphore(%run_scoped3A : memref<!tpu.dma_semaphore, #tpu.memory_space<semaphore_mem>>)
        %dma_wait3A_34 = tpu.memref_slice %arg3[%mul3A_21] : memref<160000xi32, #tpu.memory_space<hbm>> -> memref<128xi32, #tpu.memory_space<hbm>>
        %dma_wait3A_35 = tpu.memref_slice %arg3[%mul3A_21] : memref<160000xi32, #tpu.memory_space<hbm>> -> memref<128xi32, #tpu.memory_space<hbm>>
        tpu.wait_dma2 semaphore(%run_scoped3A : memref<!tpu.dma_semaphore, #tpu.memory_space<semaphore_mem>>) src(%dma_wait3A_35 : memref<128xi32, #tpu.memory_space<hbm>>) dst(%arg7 : memref<128xi32, #tpu.memory_space<vmem>>)
        tpu.yield
      }) : () -> ()
      "tpu.region"() ({
        %run_scoped3A = tpu.sem_alloc : memref<!tpu.dma_semaphore, #tpu.memory_space<semaphore_mem>>
        %dma_start3A_32 = tpu.memref_slice %arg4[%mul3A_21] : memref<160000xi32, #tpu.memory_space<hbm>> -> memref<128xi32, #tpu.memory_space<hbm>>
        %dma_start3A_33 = tpu.memref_slice %arg4[%mul3A_21] : memref<160000xi32, #tpu.memory_space<hbm>> -> memref<128xi32, #tpu.memory_space<hbm>>
        tpu.enqueue_dma source(%dma_start3A_33 : memref<128xi32, #tpu.memory_space<hbm>>) target(%arg8 : memref<128xi32, #tpu.memory_space<vmem>>) target_semaphore(%run_scoped3A : memref<!tpu.dma_semaphore, #tpu.memory_space<semaphore_mem>>)
        %dma_wait3A_34 = tpu.memref_slice %arg4[%mul3A_21] : memref<160000xi32, #tpu.memory_space<hbm>> -> memref<128xi32, #tpu.memory_space<hbm>>
        %dma_wait3A_35 = tpu.memref_slice %arg4[%mul3A_21] : memref<160000xi32, #tpu.memory_space<hbm>> -> memref<128xi32, #tpu.memory_space<hbm>>
        tpu.wait_dma2 semaphore(%run_scoped3A : memref<!tpu.dma_semaphore, #tpu.memory_space<semaphore_mem>>) src(%dma_wait3A_35 : memref<128xi32, #tpu.memory_space<hbm>>) dst(%arg8 : memref<128xi32, #tpu.memory_space<vmem>>)
        tpu.yield
      }) : () -> ()
      %dma_start3A = arith.constant 0 : i32
      %dma_start3A_22 = arith.constant 0 : i32
      %dma_start3A_23 = tpu.memref_slice %arg2[%dma_start3A, %dma_start3A_22] : memref<10000x256xf32, #tpu.memory_space<hbm>> -> memref<10000x256xf32, #tpu.memory_space<hbm>>
      tpu.enqueue_indirect_dma source(%dma_start3A_23 : memref<10000x256xf32, #tpu.memory_space<hbm>>) target(%arg9 : memref<128x256xf32, #tpu.memory_space<vmem>>) offsets(%arg7 : memref<128xi32, #tpu.memory_space<vmem>>) semaphore(%arg11 : memref<!tpu.dma_semaphore, #tpu.memory_space<semaphore_mem>>)
      %dma_start3A_24 = arith.constant 0 : i32
      %dma_start3A_25 = arith.constant 0 : i32
      %dma_start3A_26 = tpu.memref_slice %arg2[%dma_start3A_24, %dma_start3A_25] : memref<10000x256xf32, #tpu.memory_space<hbm>> -> memref<10000x256xf32, #tpu.memory_space<hbm>>
      tpu.enqueue_indirect_dma source(%dma_start3A_26 : memref<10000x256xf32, #tpu.memory_space<hbm>>) target(%arg10 : memref<128x256xf32, #tpu.memory_space<vmem>>) offsets(%arg8 : memref<128xi32, #tpu.memory_space<vmem>>) semaphore(%arg12 : memref<!tpu.dma_semaphore, #tpu.memory_space<semaphore_mem>>)
      %dma_wait3A = arith.constant 0 : i32
      %dma_wait3A_27 = arith.constant 0 : i32
      %dma_wait3A_28 = tpu.memref_slice %arg2[%dma_wait3A, %dma_wait3A_27] : memref<10000x256xf32, #tpu.memory_space<hbm>> -> memref<10000x256xf32, #tpu.memory_space<hbm>>
      tpu.wait_indirect_dma semaphore(%arg11 : memref<!tpu.dma_semaphore, #tpu.memory_space<semaphore_mem>>) src(%dma_wait3A_28 : memref<10000x256xf32, #tpu.memory_space<hbm>>) dst(%arg9 : memref<128x256xf32, #tpu.memory_space<vmem>>)
      "tpu.region"() ({
        %run_scoped3A = tpu.sem_alloc : memref<!tpu.dma_semaphore, #tpu.memory_space<semaphore_mem>>
        %dma_start3A_32 = arith.constant 0 : i32
        %dma_start3A_33 = tpu.memref_slice %arg5[%mul3A_21, %dma_start3A_32] : memref<160000x256xf32, #tpu.memory_space<hbm>> -> memref<128x256xf32, #tpu.memory_space<hbm>>
        %dma_start3A_34 = arith.constant 0 : i32
        %dma_start3A_35 = tpu.memref_slice %arg5[%mul3A_21, %dma_start3A_34] : memref<160000x256xf32, #tpu.memory_space<hbm>> -> memref<128x256xf32, #tpu.memory_space<hbm>>
        tpu.enqueue_dma source(%arg9 : memref<128x256xf32, #tpu.memory_space<vmem>>) target(%dma_start3A_35 : memref<128x256xf32, #tpu.memory_space<hbm>>) target_semaphore(%run_scoped3A : memref<!tpu.dma_semaphore, #tpu.memory_space<semaphore_mem>>)
        %dma_wait3A_36 = arith.constant 0 : i32
        %dma_wait3A_37 = tpu.memref_slice %arg5[%mul3A_21, %dma_wait3A_36] : memref<160000x256xf32, #tpu.memory_space<hbm>> -> memref<128x256xf32, #tpu.memory_space<hbm>>
        %dma_wait3A_38 = arith.constant 0 : i32
        %dma_wait3A_39 = tpu.memref_slice %arg5[%mul3A_21, %dma_wait3A_38] : memref<160000x256xf32, #tpu.memory_space<hbm>> -> memref<128x256xf32, #tpu.memory_space<hbm>>
        tpu.wait_dma2 semaphore(%run_scoped3A : memref<!tpu.dma_semaphore, #tpu.memory_space<semaphore_mem>>) src(%arg9 : memref<128x256xf32, #tpu.memory_space<vmem>>) dst(%dma_wait3A_39 : memref<128x256xf32, #tpu.memory_space<hbm>>)
        tpu.yield
      }) : () -> ()
      %dma_wait3A_29 = arith.constant 0 : i32
      %dma_wait3A_30 = arith.constant 0 : i32
      %dma_wait3A_31 = tpu.memref_slice %arg2[%dma_wait3A_29, %dma_wait3A_30] : memref<10000x256xf32, #tpu.memory_space<hbm>> -> memref<10000x256xf32, #tpu.memory_space<hbm>>
      tpu.wait_indirect_dma semaphore(%arg12 : memref<!tpu.dma_semaphore, #tpu.memory_space<semaphore_mem>>) src(%dma_wait3A_31 : memref<10000x256xf32, #tpu.memory_space<hbm>>) dst(%arg10 : memref<128x256xf32, #tpu.memory_space<vmem>>)
      "tpu.region"() ({
        %run_scoped3A = tpu.sem_alloc : memref<!tpu.dma_semaphore, #tpu.memory_space<semaphore_mem>>
        %dma_start3A_32 = arith.constant 0 : i32
        %dma_start3A_33 = tpu.memref_slice %arg6[%mul3A_21, %dma_start3A_32] : memref<160000x256xf32, #tpu.memory_space<hbm>> -> memref<128x256xf32, #tpu.memory_space<hbm>>
        %dma_start3A_34 = arith.constant 0 : i32
        %dma_start3A_35 = tpu.memref_slice %arg6[%mul3A_21, %dma_start3A_34] : memref<160000x256xf32, #tpu.memory_space<hbm>> -> memref<128x256xf32, #tpu.memory_space<hbm>>
        tpu.enqueue_dma source(%arg10 : memref<128x256xf32, #tpu.memory_space<vmem>>) target(%dma_start3A_35 : memref<128x256xf32, #tpu.memory_space<hbm>>) target_semaphore(%run_scoped3A : memref<!tpu.dma_semaphore, #tpu.memory_space<semaphore_mem>>)
        %dma_wait3A_36 = arith.constant 0 : i32
        %dma_wait3A_37 = tpu.memref_slice %arg6[%mul3A_21, %dma_wait3A_36] : memref<160000x256xf32, #tpu.memory_space<hbm>> -> memref<128x256xf32, #tpu.memory_space<hbm>>
        %dma_wait3A_38 = arith.constant 0 : i32
        %dma_wait3A_39 = tpu.memref_slice %arg6[%mul3A_21, %dma_wait3A_38] : memref<160000x256xf32, #tpu.memory_space<hbm>> -> memref<128x256xf32, #tpu.memory_space<hbm>>
        tpu.wait_dma2 semaphore(%run_scoped3A : memref<!tpu.dma_semaphore, #tpu.memory_space<semaphore_mem>>) src(%arg10 : memref<128x256xf32, #tpu.memory_space<vmem>>) dst(%dma_wait3A_39 : memref<128x256xf32, #tpu.memory_space<hbm>>)
        tpu.yield
      }) : () -> ()
    }
    return
  }
}

#map = affine_map<(d0, d1) -> (0, 0)>
#map1 = affine_map<(d0, d1) -> (0)>
#map2 = affine_map<(d0, d1) -> (0, 0, 0, 0)>
module attributes {stable_mosaic.version = 14 : i64} {
  func.func @_scatter_body(%arg0: i32, %arg1: i32, %arg2: memref<160000x128xf32, #tpu.memory_space<hbm>>, %arg3: memref<160000x128xf32, #tpu.memory_space<hbm>>, %arg4: memref<160000xi32, #tpu.memory_space<hbm>>, %arg5: memref<320x128xf32, #tpu.memory_space<hbm>>, %arg6: memref<2x2x5120x128xf32, #tpu.memory_space<hbm>>, %arg7: memref<128xi32, #tpu.memory_space<vmem>>, %arg8: memref<128x128xf32, #tpu.memory_space<vmem>>, %arg9: memref<320x128xf32, #tpu.memory_space<vmem>>, %arg10: memref<5120x128xf32, #tpu.memory_space<vmem_shared>>) attributes {dimension_semantics = [#tpu.dimension_semantics<core_parallel>, #tpu.dimension_semantics<subcore_parallel>], iteration_bounds = array<i64: 2, 16>, scalar_prefetch = 0 : i64, scratch_operands = 4 : i64, tpu.core_type = #tpu.core_type<sc_vector_subcore>, window_params = [{transform_indices = #map}, {transform_indices = #map}, {transform_indices = #map1}, {transform_indices = #map}, {transform_indices = #map2}]} {
    %mul3A = arith.constant 5000 : i32
    %mul3A_0 = arith.muli %arg0, %mul3A : i32
    %mul3A_1 = arith.constant 78 : i32
    %mul3A_2 = arith.muli %arg1, %mul3A_1 : i32
    %min3A = arith.constant 2 : i32
    %min3A_3 = arith.minsi %arg1, %min3A : i32
    %add3A = arith.addi %mul3A_2, %min3A_3 : i32
    %lt3A = arith.constant 2 : i32
    %lt3A_4 = arith.cmpi slt, %arg1, %lt3A : i32
    %jit3A = arith.constant 1 : i32
    %jit3A_5 = arith.constant 0 : i32
    %select_n3A = arith.select %lt3A_4, %jit3A, %jit3A_5 : i32
    %add3A_6 = arith.constant 78 : i32
    %add3A_7 = arith.addi %add3A_6, %select_n3A : i32
    %mul3A_8 = arith.constant 320 : i32
    %mul3A_9 = arith.muli %arg1, %mul3A_8 : i32
    "tpu.region"() ({
      %run_scoped3A_33 = tpu.sem_alloc : memref<!tpu.dma_semaphore, #tpu.memory_space<semaphore_mem>>
      tpu.enqueue_dma source(%arg5 : memref<320x128xf32, #tpu.memory_space<hbm>>) target(%arg9 : memref<320x128xf32, #tpu.memory_space<vmem>>) target_semaphore(%run_scoped3A_33 : memref<!tpu.dma_semaphore, #tpu.memory_space<semaphore_mem>>)
      tpu.wait_dma2 semaphore(%run_scoped3A_33 : memref<!tpu.dma_semaphore, #tpu.memory_space<semaphore_mem>>) src(%arg5 : memref<320x128xf32, #tpu.memory_space<hbm>>) dst(%arg9 : memref<320x128xf32, #tpu.memory_space<vmem>>)
      tpu.yield
    }) : () -> ()
    "tpu.region"() ({
      %run_scoped3A_33 = tpu.sem_alloc : memref<!tpu.dma_semaphore, #tpu.memory_space<semaphore_mem>>
      %dma_start3A = arith.constant 0 : i32
      %dma_start3A_34 = tpu.memref_slice %arg10[%mul3A_9, %dma_start3A] : memref<5120x128xf32, #tpu.memory_space<vmem_shared>> -> memref<320x128xf32, #tpu.memory_space<vmem_shared>>
      %dma_start3A_35 = arith.constant 0 : i32
      %dma_start3A_36 = tpu.memref_slice %arg10[%mul3A_9, %dma_start3A_35] : memref<5120x128xf32, #tpu.memory_space<vmem_shared>> -> memref<320x128xf32, #tpu.memory_space<vmem_shared>>
      tpu.enqueue_dma source(%arg9 : memref<320x128xf32, #tpu.memory_space<vmem>>) target(%dma_start3A_36 : memref<320x128xf32, #tpu.memory_space<vmem_shared>>) target_semaphore(%run_scoped3A_33 : memref<!tpu.dma_semaphore, #tpu.memory_space<semaphore_mem>>)
      %dma_wait3A = arith.constant 0 : i32
      %dma_wait3A_37 = tpu.memref_slice %arg10[%mul3A_9, %dma_wait3A] : memref<5120x128xf32, #tpu.memory_space<vmem_shared>> -> memref<320x128xf32, #tpu.memory_space<vmem_shared>>
      %dma_wait3A_38 = arith.constant 0 : i32
      %dma_wait3A_39 = tpu.memref_slice %arg10[%mul3A_9, %dma_wait3A_38] : memref<5120x128xf32, #tpu.memory_space<vmem_shared>> -> memref<320x128xf32, #tpu.memory_space<vmem_shared>>
      tpu.wait_dma2 semaphore(%run_scoped3A_33 : memref<!tpu.dma_semaphore, #tpu.memory_space<semaphore_mem>>) src(%arg9 : memref<320x128xf32, #tpu.memory_space<vmem>>) dst(%dma_wait3A_39 : memref<320x128xf32, #tpu.memory_space<vmem_shared>>)
      tpu.yield
    }) : () -> ()
    %barrier3A = arith.constant 0 : index
    tpu.barrier barrier_id(%barrier3A)
    %while3A = arith.constant 0 : i32
    %while3A_10 = arith.constant 0 : i32
    %while3A_11 = arith.subi %add3A_7, %while3A_10 : i32
    %while3A_12 = arith.addi %while3A_10, %while3A_11 : i32
    %while3A_13 = arith.constant 1 : i32
    %while3A_14 = arith.divsi %while3A_11, %while3A_13 : i32
    %while3A_15 = arith.muli %while3A_14, %while3A_13 : i32
    %while3A_16 = arith.addi %while3A_10, %while3A_15 : i32
    %while3A_17 = arith.constant 1 : i32
    scf.for %while3A_33 = %while3A_10 to %while3A_16 step %while3A_17  : i32 {
      %add3A_34 = arith.addi %add3A, %while3A_33 : i32
      %mul3A_35 = arith.constant 128 : i32
      %mul3A_36 = arith.muli %add3A_34, %mul3A_35 : i32
      "tpu.region"() ({
        %run_scoped3A_183 = tpu.sem_alloc : memref<!tpu.dma_semaphore, #tpu.memory_space<semaphore_mem>>
        %dma_start3A = tpu.memref_slice %arg4[%mul3A_36] : memref<160000xi32, #tpu.memory_space<hbm>> -> memref<128xi32, #tpu.memory_space<hbm>>
        %dma_start3A_184 = tpu.memref_slice %arg4[%mul3A_36] : memref<160000xi32, #tpu.memory_space<hbm>> -> memref<128xi32, #tpu.memory_space<hbm>>
        tpu.enqueue_dma source(%dma_start3A_184 : memref<128xi32, #tpu.memory_space<hbm>>) target(%arg7 : memref<128xi32, #tpu.memory_space<vmem>>) target_semaphore(%run_scoped3A_183 : memref<!tpu.dma_semaphore, #tpu.memory_space<semaphore_mem>>)
        %dma_wait3A = tpu.memref_slice %arg4[%mul3A_36] : memref<160000xi32, #tpu.memory_space<hbm>> -> memref<128xi32, #tpu.memory_space<hbm>>
        %dma_wait3A_185 = tpu.memref_slice %arg4[%mul3A_36] : memref<160000xi32, #tpu.memory_space<hbm>> -> memref<128xi32, #tpu.memory_space<hbm>>
        tpu.wait_dma2 semaphore(%run_scoped3A_183 : memref<!tpu.dma_semaphore, #tpu.memory_space<semaphore_mem>>) src(%dma_wait3A_185 : memref<128xi32, #tpu.memory_space<hbm>>) dst(%arg7 : memref<128xi32, #tpu.memory_space<vmem>>)
        tpu.yield
      }) : () -> ()
      "tpu.region"() ({
        %run_scoped3A_183 = tpu.sem_alloc : memref<!tpu.dma_semaphore, #tpu.memory_space<semaphore_mem>>
        %dma_start3A = arith.constant 0 : i32
        %dma_start3A_184 = tpu.memref_slice %arg2[%mul3A_36, %dma_start3A] : memref<160000x128xf32, #tpu.memory_space<hbm>> -> memref<128x128xf32, #tpu.memory_space<hbm>>
        %dma_start3A_185 = arith.constant 0 : i32
        %dma_start3A_186 = tpu.memref_slice %arg2[%mul3A_36, %dma_start3A_185] : memref<160000x128xf32, #tpu.memory_space<hbm>> -> memref<128x128xf32, #tpu.memory_space<hbm>>
        tpu.enqueue_dma source(%dma_start3A_186 : memref<128x128xf32, #tpu.memory_space<hbm>>) target(%arg8 : memref<128x128xf32, #tpu.memory_space<vmem>>) target_semaphore(%run_scoped3A_183 : memref<!tpu.dma_semaphore, #tpu.memory_space<semaphore_mem>>)
        %dma_wait3A = arith.constant 0 : i32
        %dma_wait3A_187 = tpu.memref_slice %arg2[%mul3A_36, %dma_wait3A] : memref<160000x128xf32, #tpu.memory_space<hbm>> -> memref<128x128xf32, #tpu.memory_space<hbm>>
        %dma_wait3A_188 = arith.constant 0 : i32
        %dma_wait3A_189 = tpu.memref_slice %arg2[%mul3A_36, %dma_wait3A_188] : memref<160000x128xf32, #tpu.memory_space<hbm>> -> memref<128x128xf32, #tpu.memory_space<hbm>>
        tpu.wait_dma2 semaphore(%run_scoped3A_183 : memref<!tpu.dma_semaphore, #tpu.memory_space<semaphore_mem>>) src(%dma_wait3A_189 : memref<128x128xf32, #tpu.memory_space<hbm>>) dst(%arg8 : memref<128x128xf32, #tpu.memory_space<vmem>>)
        tpu.yield
      }) : () -> ()
      %get3A = arith.constant 0 : index
      %get3A_37 = tpu.vector_load %arg7[%get3A] {strides = array<i32>} : memref<128xi32, #tpu.memory_space<vmem>>, vector<16xi32>,
      %get3A_38 = vector.shape_cast %get3A_37 : vector<16xi32> to vector<16xi32>
      %sub3A = vector.broadcast %mul3A_0 : i32 to vector<16xi32>
      %sub3A_39 = arith.subi %get3A_38, %sub3A : vector<16xi32>
      %ge3A = arith.constant 0 : i32
      %ge3A_40 = vector.broadcast %ge3A : i32 to vector<16xi32>
      %ge3A_41 = arith.cmpi sge, %sub3A_39, %ge3A_40 : vector<16xi32>
      %lt3A_42 = arith.constant 5000 : i32
      %lt3A_43 = vector.broadcast %lt3A_42 : i32 to vector<16xi32>
      %lt3A_44 = arith.cmpi slt, %sub3A_39, %lt3A_43 : vector<16xi32>
      %and3A = arith.andi %ge3A_41, %lt3A_44 : vector<16xi1>
      %jit3A_45 = arith.constant 5000 : i32
      %broadcast_in_dim3A = vector.broadcast %jit3A_45 : i32 to vector<16xi32>
      %select_n3A_46 = arith.select %and3A, %sub3A_39, %broadcast_in_dim3A : vector<16xi1>, vector<16xi32>
      %swap3A = arith.constant 0 : index
      %swap3A_47 = tpu.vector_load %arg7[%swap3A] {strides = array<i32>} : memref<128xi32, #tpu.memory_space<vmem>>, vector<16xi32>,
      %swap3A_48 = vector.shape_cast %swap3A_47 : vector<16xi32> to vector<16xi32>
      %swap3A_49 = vector.shape_cast %select_n3A_46 : vector<16xi32> to vector<16xi32>
      tpu.vector_store %arg7[%swap3A], %swap3A_49 {strides = array<i32>} : memref<128xi32, #tpu.memory_space<vmem>>, vector<16xi32>,
      %get3A_50 = arith.constant 16 : index
      %get3A_51 = tpu.vector_load %arg7[%get3A_50] {strides = array<i32>} : memref<128xi32, #tpu.memory_space<vmem>>, vector<16xi32>,
      %get3A_52 = vector.shape_cast %get3A_51 : vector<16xi32> to vector<16xi32>
      %sub3A_53 = vector.broadcast %mul3A_0 : i32 to vector<16xi32>
      %sub3A_54 = arith.subi %get3A_52, %sub3A_53 : vector<16xi32>
      %ge3A_55 = arith.constant 0 : i32
      %ge3A_56 = vector.broadcast %ge3A_55 : i32 to vector<16xi32>
      %ge3A_57 = arith.cmpi sge, %sub3A_54, %ge3A_56 : vector<16xi32>
      %lt3A_58 = arith.constant 5000 : i32
      %lt3A_59 = vector.broadcast %lt3A_58 : i32 to vector<16xi32>
      %lt3A_60 = arith.cmpi slt, %sub3A_54, %lt3A_59 : vector<16xi32>
      %and3A_61 = arith.andi %ge3A_57, %lt3A_60 : vector<16xi1>
      %jit3A_62 = arith.constant 5000 : i32
      %broadcast_in_dim3A_63 = vector.broadcast %jit3A_62 : i32 to vector<16xi32>
      %select_n3A_64 = arith.select %and3A_61, %sub3A_54, %broadcast_in_dim3A_63 : vector<16xi1>, vector<16xi32>
      %swap3A_65 = arith.constant 16 : index
      %swap3A_66 = tpu.vector_load %arg7[%swap3A_65] {strides = array<i32>} : memref<128xi32, #tpu.memory_space<vmem>>, vector<16xi32>,
      %swap3A_67 = vector.shape_cast %swap3A_66 : vector<16xi32> to vector<16xi32>
      %swap3A_68 = vector.shape_cast %select_n3A_64 : vector<16xi32> to vector<16xi32>
      tpu.vector_store %arg7[%swap3A_65], %swap3A_68 {strides = array<i32>} : memref<128xi32, #tpu.memory_space<vmem>>, vector<16xi32>,
      %get3A_69 = arith.constant 32 : index
      %get3A_70 = tpu.vector_load %arg7[%get3A_69] {strides = array<i32>} : memref<128xi32, #tpu.memory_space<vmem>>, vector<16xi32>,
      %get3A_71 = vector.shape_cast %get3A_70 : vector<16xi32> to vector<16xi32>
      %sub3A_72 = vector.broadcast %mul3A_0 : i32 to vector<16xi32>
      %sub3A_73 = arith.subi %get3A_71, %sub3A_72 : vector<16xi32>
      %ge3A_74 = arith.constant 0 : i32
      %ge3A_75 = vector.broadcast %ge3A_74 : i32 to vector<16xi32>
      %ge3A_76 = arith.cmpi sge, %sub3A_73, %ge3A_75 : vector<16xi32>
      %lt3A_77 = arith.constant 5000 : i32
      %lt3A_78 = vector.broadcast %lt3A_77 : i32 to vector<16xi32>
      %lt3A_79 = arith.cmpi slt, %sub3A_73, %lt3A_78 : vector<16xi32>
      %and3A_80 = arith.andi %ge3A_76, %lt3A_79 : vector<16xi1>
      %jit3A_81 = arith.constant 5000 : i32
      %broadcast_in_dim3A_82 = vector.broadcast %jit3A_81 : i32 to vector<16xi32>
      %select_n3A_83 = arith.select %and3A_80, %sub3A_73, %broadcast_in_dim3A_82 : vector<16xi1>, vector<16xi32>
      %swap3A_84 = arith.constant 32 : index
      %swap3A_85 = tpu.vector_load %arg7[%swap3A_84] {strides = array<i32>} : memref<128xi32, #tpu.memory_space<vmem>>, vector<16xi32>,
      %swap3A_86 = vector.shape_cast %swap3A_85 : vector<16xi32> to vector<16xi32>
      %swap3A_87 = vector.shape_cast %select_n3A_83 : vector<16xi32> to vector<16xi32>
      tpu.vector_store %arg7[%swap3A_84], %swap3A_87 {strides = array<i32>} : memref<128xi32, #tpu.memory_space<vmem>>, vector<16xi32>,
      %get3A_88 = arith.constant 48 : index
      %get3A_89 = tpu.vector_load %arg7[%get3A_88] {strides = array<i32>} : memref<128xi32, #tpu.memory_space<vmem>>, vector<16xi32>,
      %get3A_90 = vector.shape_cast %get3A_89 : vector<16xi32> to vector<16xi32>
      %sub3A_91 = vector.broadcast %mul3A_0 : i32 to vector<16xi32>
      %sub3A_92 = arith.subi %get3A_90, %sub3A_91 : vector<16xi32>
      %ge3A_93 = arith.constant 0 : i32
      %ge3A_94 = vector.broadcast %ge3A_93 : i32 to vector<16xi32>
      %ge3A_95 = arith.cmpi sge, %sub3A_92, %ge3A_94 : vector<16xi32>
      %lt3A_96 = arith.constant 5000 : i32
      %lt3A_97 = vector.broadcast %lt3A_96 : i32 to vector<16xi32>
      %lt3A_98 = arith.cmpi slt, %sub3A_92, %lt3A_97 : vector<16xi32>
      %and3A_99 = arith.andi %ge3A_95, %lt3A_98 : vector<16xi1>
      %jit3A_100 = arith.constant 5000 : i32
      %broadcast_in_dim3A_101 = vector.broadcast %jit3A_100 : i32 to vector<16xi32>
      %select_n3A_102 = arith.select %and3A_99, %sub3A_92, %broadcast_in_dim3A_101 : vector<16xi1>, vector<16xi32>
      %swap3A_103 = arith.constant 48 : index
      %swap3A_104 = tpu.vector_load %arg7[%swap3A_103] {strides = array<i32>} : memref<128xi32, #tpu.memory_space<vmem>>, vector<16xi32>,
      %swap3A_105 = vector.shape_cast %swap3A_104 : vector<16xi32> to vector<16xi32>
      %swap3A_106 = vector.shape_cast %select_n3A_102 : vector<16xi32> to vector<16xi32>
      tpu.vector_store %arg7[%swap3A_103], %swap3A_106 {strides = array<i32>} : memref<128xi32, #tpu.memory_space<vmem>>, vector<16xi32>,
      %get3A_107 = arith.constant 64 : index
      %get3A_108 = tpu.vector_load %arg7[%get3A_107] {strides = array<i32>} : memref<128xi32, #tpu.memory_space<vmem>>, vector<16xi32>,
      %get3A_109 = vector.shape_cast %get3A_108 : vector<16xi32> to vector<16xi32>
      %sub3A_110 = vector.broadcast %mul3A_0 : i32 to vector<16xi32>
      %sub3A_111 = arith.subi %get3A_109, %sub3A_110 : vector<16xi32>
      %ge3A_112 = arith.constant 0 : i32
      %ge3A_113 = vector.broadcast %ge3A_112 : i32 to vector<16xi32>
      %ge3A_114 = arith.cmpi sge, %sub3A_111, %ge3A_113 : vector<16xi32>
      %lt3A_115 = arith.constant 5000 : i32
      %lt3A_116 = vector.broadcast %lt3A_115 : i32 to vector<16xi32>
      %lt3A_117 = arith.cmpi slt, %sub3A_111, %lt3A_116 : vector<16xi32>
      %and3A_118 = arith.andi %ge3A_114, %lt3A_117 : vector<16xi1>
      %jit3A_119 = arith.constant 5000 : i32
      %broadcast_in_dim3A_120 = vector.broadcast %jit3A_119 : i32 to vector<16xi32>
      %select_n3A_121 = arith.select %and3A_118, %sub3A_111, %broadcast_in_dim3A_120 : vector<16xi1>, vector<16xi32>
      %swap3A_122 = arith.constant 64 : index
      %swap3A_123 = tpu.vector_load %arg7[%swap3A_122] {strides = array<i32>} : memref<128xi32, #tpu.memory_space<vmem>>, vector<16xi32>,
      %swap3A_124 = vector.shape_cast %swap3A_123 : vector<16xi32> to vector<16xi32>
      %swap3A_125 = vector.shape_cast %select_n3A_121 : vector<16xi32> to vector<16xi32>
      tpu.vector_store %arg7[%swap3A_122], %swap3A_125 {strides = array<i32>} : memref<128xi32, #tpu.memory_space<vmem>>, vector<16xi32>,
      %get3A_126 = arith.constant 80 : index
      %get3A_127 = tpu.vector_load %arg7[%get3A_126] {strides = array<i32>} : memref<128xi32, #tpu.memory_space<vmem>>, vector<16xi32>,
      %get3A_128 = vector.shape_cast %get3A_127 : vector<16xi32> to vector<16xi32>
      %sub3A_129 = vector.broadcast %mul3A_0 : i32 to vector<16xi32>
      %sub3A_130 = arith.subi %get3A_128, %sub3A_129 : vector<16xi32>
      %ge3A_131 = arith.constant 0 : i32
      %ge3A_132 = vector.broadcast %ge3A_131 : i32 to vector<16xi32>
      %ge3A_133 = arith.cmpi sge, %sub3A_130, %ge3A_132 : vector<16xi32>
      %lt3A_134 = arith.constant 5000 : i32
      %lt3A_135 = vector.broadcast %lt3A_134 : i32 to vector<16xi32>
      %lt3A_136 = arith.cmpi slt, %sub3A_130, %lt3A_135 : vector<16xi32>
      %and3A_137 = arith.andi %ge3A_133, %lt3A_136 : vector<16xi1>
      %jit3A_138 = arith.constant 5000 : i32
      %broadcast_in_dim3A_139 = vector.broadcast %jit3A_138 : i32 to vector<16xi32>
      %select_n3A_140 = arith.select %and3A_137, %sub3A_130, %broadcast_in_dim3A_139 : vector<16xi1>, vector<16xi32>
      %swap3A_141 = arith.constant 80 : index
      %swap3A_142 = tpu.vector_load %arg7[%swap3A_141] {strides = array<i32>} : memref<128xi32, #tpu.memory_space<vmem>>, vector<16xi32>,
      %swap3A_143 = vector.shape_cast %swap3A_142 : vector<16xi32> to vector<16xi32>
      %swap3A_144 = vector.shape_cast %select_n3A_140 : vector<16xi32> to vector<16xi32>
      tpu.vector_store %arg7[%swap3A_141], %swap3A_144 {strides = array<i32>} : memref<128xi32, #tpu.memory_space<vmem>>, vector<16xi32>,
      %get3A_145 = arith.constant 96 : index
      %get3A_146 = tpu.vector_load %arg7[%get3A_145] {strides = array<i32>} : memref<128xi32, #tpu.memory_space<vmem>>, vector<16xi32>,
      %get3A_147 = vector.shape_cast %get3A_146 : vector<16xi32> to vector<16xi32>
      %sub3A_148 = vector.broadcast %mul3A_0 : i32 to vector<16xi32>
      %sub3A_149 = arith.subi %get3A_147, %sub3A_148 : vector<16xi32>
      %ge3A_150 = arith.constant 0 : i32
      %ge3A_151 = vector.broadcast %ge3A_150 : i32 to vector<16xi32>
      %ge3A_152 = arith.cmpi sge, %sub3A_149, %ge3A_151 : vector<16xi32>
      %lt3A_153 = arith.constant 5000 : i32
      %lt3A_154 = vector.broadcast %lt3A_153 : i32 to vector<16xi32>
      %lt3A_155 = arith.cmpi slt, %sub3A_149, %lt3A_154 : vector<16xi32>
      %and3A_156 = arith.andi %ge3A_152, %lt3A_155 : vector<16xi1>
      %jit3A_157 = arith.constant 5000 : i32
      %broadcast_in_dim3A_158 = vector.broadcast %jit3A_157 : i32 to vector<16xi32>
      %select_n3A_159 = arith.select %and3A_156, %sub3A_149, %broadcast_in_dim3A_158 : vector<16xi1>, vector<16xi32>
      %swap3A_160 = arith.constant 96 : index
      %swap3A_161 = tpu.vector_load %arg7[%swap3A_160] {strides = array<i32>} : memref<128xi32, #tpu.memory_space<vmem>>, vector<16xi32>,
      %swap3A_162 = vector.shape_cast %swap3A_161 : vector<16xi32> to vector<16xi32>
      %swap3A_163 = vector.shape_cast %select_n3A_159 : vector<16xi32> to vector<16xi32>
      tpu.vector_store %arg7[%swap3A_160], %swap3A_163 {strides = array<i32>} : memref<128xi32, #tpu.memory_space<vmem>>, vector<16xi32>,
      %get3A_164 = arith.constant 112 : index
      %get3A_165 = tpu.vector_load %arg7[%get3A_164] {strides = array<i32>} : memref<128xi32, #tpu.memory_space<vmem>>, vector<16xi32>,
      %get3A_166 = vector.shape_cast %get3A_165 : vector<16xi32> to vector<16xi32>
      %sub3A_167 = vector.broadcast %mul3A_0 : i32 to vector<16xi32>
      %sub3A_168 = arith.subi %get3A_166, %sub3A_167 : vector<16xi32>
      %ge3A_169 = arith.constant 0 : i32
      %ge3A_170 = vector.broadcast %ge3A_169 : i32 to vector<16xi32>
      %ge3A_171 = arith.cmpi sge, %sub3A_168, %ge3A_170 : vector<16xi32>
      %lt3A_172 = arith.constant 5000 : i32
      %lt3A_173 = vector.broadcast %lt3A_172 : i32 to vector<16xi32>
      %lt3A_174 = arith.cmpi slt, %sub3A_168, %lt3A_173 : vector<16xi32>
      %and3A_175 = arith.andi %ge3A_171, %lt3A_174 : vector<16xi1>
      %jit3A_176 = arith.constant 5000 : i32
      %broadcast_in_dim3A_177 = vector.broadcast %jit3A_176 : i32 to vector<16xi32>
      %select_n3A_178 = arith.select %and3A_175, %sub3A_168, %broadcast_in_dim3A_177 : vector<16xi1>, vector<16xi32>
      %swap3A_179 = arith.constant 112 : index
      %swap3A_180 = tpu.vector_load %arg7[%swap3A_179] {strides = array<i32>} : memref<128xi32, #tpu.memory_space<vmem>>, vector<16xi32>,
      %swap3A_181 = vector.shape_cast %swap3A_180 : vector<16xi32> to vector<16xi32>
      %swap3A_182 = vector.shape_cast %select_n3A_178 : vector<16xi32> to vector<16xi32>
      tpu.vector_store %arg7[%swap3A_179], %swap3A_182 {strides = array<i32>} : memref<128xi32, #tpu.memory_space<vmem>>, vector<16xi32>,
      "tpu.region"() ({
        %run_scoped3A_183 = tpu.sem_alloc : memref<!tpu.dma_semaphore, #tpu.memory_space<semaphore_mem>>
        %dma_start3A = arith.constant 0 : i32
        %dma_start3A_184 = arith.constant 0 : i32
        %dma_start3A_185 = tpu.memref_slice %arg10[%dma_start3A, %dma_start3A_184] : memref<5120x128xf32, #tpu.memory_space<vmem_shared>> -> memref<5120x128xf32, #tpu.memory_space<vmem_shared>>
        tpu.enqueue_indirect_dma source(%arg8 : memref<128x128xf32, #tpu.memory_space<vmem>>) target(%dma_start3A_185 : memref<5120x128xf32, #tpu.memory_space<vmem_shared>>) offsets(%arg7 : memref<128xi32, #tpu.memory_space<vmem>>) semaphore(%run_scoped3A_183 : memref<!tpu.dma_semaphore, #tpu.memory_space<semaphore_mem>>) {add = true}
        %dma_wait3A = arith.constant 0 : i32
        %dma_wait3A_186 = arith.constant 0 : i32
        %dma_wait3A_187 = tpu.memref_slice %arg10[%dma_wait3A, %dma_wait3A_186] : memref<5120x128xf32, #tpu.memory_space<vmem_shared>> -> memref<5120x128xf32, #tpu.memory_space<vmem_shared>>
        tpu.wait_indirect_dma semaphore(%run_scoped3A_183 : memref<!tpu.dma_semaphore, #tpu.memory_space<semaphore_mem>>) src(%arg8 : memref<128x128xf32, #tpu.memory_space<vmem>>) dst(%dma_wait3A_187 : memref<5120x128xf32, #tpu.memory_space<vmem_shared>>)
        tpu.yield
      }) : () -> ()
    }
    %while3A_18 = arith.constant 1 : i32
    scf.for %while3A_33 = %while3A_16 to %while3A_12 step %while3A_18  : i32 {
      %add3A_34 = arith.addi %add3A, %while3A_33 : i32
      %mul3A_35 = arith.constant 128 : i32
      %mul3A_36 = arith.muli %add3A_34, %mul3A_35 : i32
      "tpu.region"() ({
        %run_scoped3A_183 = tpu.sem_alloc : memref<!tpu.dma_semaphore, #tpu.memory_space<semaphore_mem>>
        %dma_start3A = tpu.memref_slice %arg4[%mul3A_36] : memref<160000xi32, #tpu.memory_space<hbm>> -> memref<128xi32, #tpu.memory_space<hbm>>
        %dma_start3A_184 = tpu.memref_slice %arg4[%mul3A_36] : memref<160000xi32, #tpu.memory_space<hbm>> -> memref<128xi32, #tpu.memory_space<hbm>>
        tpu.enqueue_dma source(%dma_start3A_184 : memref<128xi32, #tpu.memory_space<hbm>>) target(%arg7 : memref<128xi32, #tpu.memory_space<vmem>>) target_semaphore(%run_scoped3A_183 : memref<!tpu.dma_semaphore, #tpu.memory_space<semaphore_mem>>)
        %dma_wait3A = tpu.memref_slice %arg4[%mul3A_36] : memref<160000xi32, #tpu.memory_space<hbm>> -> memref<128xi32, #tpu.memory_space<hbm>>
        %dma_wait3A_185 = tpu.memref_slice %arg4[%mul3A_36] : memref<160000xi32, #tpu.memory_space<hbm>> -> memref<128xi32, #tpu.memory_space<hbm>>
        tpu.wait_dma2 semaphore(%run_scoped3A_183 : memref<!tpu.dma_semaphore, #tpu.memory_space<semaphore_mem>>) src(%dma_wait3A_185 : memref<128xi32, #tpu.memory_space<hbm>>) dst(%arg7 : memref<128xi32, #tpu.memory_space<vmem>>)
        tpu.yield
      }) : () -> ()
      "tpu.region"() ({
        %run_scoped3A_183 = tpu.sem_alloc : memref<!tpu.dma_semaphore, #tpu.memory_space<semaphore_mem>>
        %dma_start3A = arith.constant 0 : i32
        %dma_start3A_184 = tpu.memref_slice %arg2[%mul3A_36, %dma_start3A] : memref<160000x128xf32, #tpu.memory_space<hbm>> -> memref<128x128xf32, #tpu.memory_space<hbm>>
        %dma_start3A_185 = arith.constant 0 : i32
        %dma_start3A_186 = tpu.memref_slice %arg2[%mul3A_36, %dma_start3A_185] : memref<160000x128xf32, #tpu.memory_space<hbm>> -> memref<128x128xf32, #tpu.memory_space<hbm>>
        tpu.enqueue_dma source(%dma_start3A_186 : memref<128x128xf32, #tpu.memory_space<hbm>>) target(%arg8 : memref<128x128xf32, #tpu.memory_space<vmem>>) target_semaphore(%run_scoped3A_183 : memref<!tpu.dma_semaphore, #tpu.memory_space<semaphore_mem>>)
        %dma_wait3A = arith.constant 0 : i32
        %dma_wait3A_187 = tpu.memref_slice %arg2[%mul3A_36, %dma_wait3A] : memref<160000x128xf32, #tpu.memory_space<hbm>> -> memref<128x128xf32, #tpu.memory_space<hbm>>
        %dma_wait3A_188 = arith.constant 0 : i32
        %dma_wait3A_189 = tpu.memref_slice %arg2[%mul3A_36, %dma_wait3A_188] : memref<160000x128xf32, #tpu.memory_space<hbm>> -> memref<128x128xf32, #tpu.memory_space<hbm>>
        tpu.wait_dma2 semaphore(%run_scoped3A_183 : memref<!tpu.dma_semaphore, #tpu.memory_space<semaphore_mem>>) src(%dma_wait3A_189 : memref<128x128xf32, #tpu.memory_space<hbm>>) dst(%arg8 : memref<128x128xf32, #tpu.memory_space<vmem>>)
        tpu.yield
      }) : () -> ()
      %get3A = arith.constant 0 : index
      %get3A_37 = tpu.vector_load %arg7[%get3A] {strides = array<i32>} : memref<128xi32, #tpu.memory_space<vmem>>, vector<16xi32>,
      %get3A_38 = vector.shape_cast %get3A_37 : vector<16xi32> to vector<16xi32>
      %sub3A = vector.broadcast %mul3A_0 : i32 to vector<16xi32>
      %sub3A_39 = arith.subi %get3A_38, %sub3A : vector<16xi32>
      %ge3A = arith.constant 0 : i32
      %ge3A_40 = vector.broadcast %ge3A : i32 to vector<16xi32>
      %ge3A_41 = arith.cmpi sge, %sub3A_39, %ge3A_40 : vector<16xi32>
      %lt3A_42 = arith.constant 5000 : i32
      %lt3A_43 = vector.broadcast %lt3A_42 : i32 to vector<16xi32>
      %lt3A_44 = arith.cmpi slt, %sub3A_39, %lt3A_43 : vector<16xi32>
      %and3A = arith.andi %ge3A_41, %lt3A_44 : vector<16xi1>
      %jit3A_45 = arith.constant 5000 : i32
      %broadcast_in_dim3A = vector.broadcast %jit3A_45 : i32 to vector<16xi32>
      %select_n3A_46 = arith.select %and3A, %sub3A_39, %broadcast_in_dim3A : vector<16xi1>, vector<16xi32>
      %swap3A = arith.constant 0 : index
      %swap3A_47 = tpu.vector_load %arg7[%swap3A] {strides = array<i32>} : memref<128xi32, #tpu.memory_space<vmem>>, vector<16xi32>,
      %swap3A_48 = vector.shape_cast %swap3A_47 : vector<16xi32> to vector<16xi32>
      %swap3A_49 = vector.shape_cast %select_n3A_46 : vector<16xi32> to vector<16xi32>
      tpu.vector_store %arg7[%swap3A], %swap3A_49 {strides = array<i32>} : memref<128xi32, #tpu.memory_space<vmem>>, vector<16xi32>,
      %get3A_50 = arith.constant 16 : index
      %get3A_51 = tpu.vector_load %arg7[%get3A_50] {strides = array<i32>} : memref<128xi32, #tpu.memory_space<vmem>>, vector<16xi32>,
      %get3A_52 = vector.shape_cast %get3A_51 : vector<16xi32> to vector<16xi32>
      %sub3A_53 = vector.broadcast %mul3A_0 : i32 to vector<16xi32>
      %sub3A_54 = arith.subi %get3A_52, %sub3A_53 : vector<16xi32>
      %ge3A_55 = arith.constant 0 : i32
      %ge3A_56 = vector.broadcast %ge3A_55 : i32 to vector<16xi32>
      %ge3A_57 = arith.cmpi sge, %sub3A_54, %ge3A_56 : vector<16xi32>
      %lt3A_58 = arith.constant 5000 : i32
      %lt3A_59 = vector.broadcast %lt3A_58 : i32 to vector<16xi32>
      %lt3A_60 = arith.cmpi slt, %sub3A_54, %lt3A_59 : vector<16xi32>
      %and3A_61 = arith.andi %ge3A_57, %lt3A_60 : vector<16xi1>
      %jit3A_62 = arith.constant 5000 : i32
      %broadcast_in_dim3A_63 = vector.broadcast %jit3A_62 : i32 to vector<16xi32>
      %select_n3A_64 = arith.select %and3A_61, %sub3A_54, %broadcast_in_dim3A_63 : vector<16xi1>, vector<16xi32>
      %swap3A_65 = arith.constant 16 : index
      %swap3A_66 = tpu.vector_load %arg7[%swap3A_65] {strides = array<i32>} : memref<128xi32, #tpu.memory_space<vmem>>, vector<16xi32>,
      %swap3A_67 = vector.shape_cast %swap3A_66 : vector<16xi32> to vector<16xi32>
      %swap3A_68 = vector.shape_cast %select_n3A_64 : vector<16xi32> to vector<16xi32>
      tpu.vector_store %arg7[%swap3A_65], %swap3A_68 {strides = array<i32>} : memref<128xi32, #tpu.memory_space<vmem>>, vector<16xi32>,
      %get3A_69 = arith.constant 32 : index
      %get3A_70 = tpu.vector_load %arg7[%get3A_69] {strides = array<i32>} : memref<128xi32, #tpu.memory_space<vmem>>, vector<16xi32>,
      %get3A_71 = vector.shape_cast %get3A_70 : vector<16xi32> to vector<16xi32>
      %sub3A_72 = vector.broadcast %mul3A_0 : i32 to vector<16xi32>
      %sub3A_73 = arith.subi %get3A_71, %sub3A_72 : vector<16xi32>
      %ge3A_74 = arith.constant 0 : i32
      %ge3A_75 = vector.broadcast %ge3A_74 : i32 to vector<16xi32>
      %ge3A_76 = arith.cmpi sge, %sub3A_73, %ge3A_75 : vector<16xi32>
      %lt3A_77 = arith.constant 5000 : i32
      %lt3A_78 = vector.broadcast %lt3A_77 : i32 to vector<16xi32>
      %lt3A_79 = arith.cmpi slt, %sub3A_73, %lt3A_78 : vector<16xi32>
      %and3A_80 = arith.andi %ge3A_76, %lt3A_79 : vector<16xi1>
      %jit3A_81 = arith.constant 5000 : i32
      %broadcast_in_dim3A_82 = vector.broadcast %jit3A_81 : i32 to vector<16xi32>
      %select_n3A_83 = arith.select %and3A_80, %sub3A_73, %broadcast_in_dim3A_82 : vector<16xi1>, vector<16xi32>
      %swap3A_84 = arith.constant 32 : index
      %swap3A_85 = tpu.vector_load %arg7[%swap3A_84] {strides = array<i32>} : memref<128xi32, #tpu.memory_space<vmem>>, vector<16xi32>,
      %swap3A_86 = vector.shape_cast %swap3A_85 : vector<16xi32> to vector<16xi32>
      %swap3A_87 = vector.shape_cast %select_n3A_83 : vector<16xi32> to vector<16xi32>
      tpu.vector_store %arg7[%swap3A_84], %swap3A_87 {strides = array<i32>} : memref<128xi32, #tpu.memory_space<vmem>>, vector<16xi32>,
      %get3A_88 = arith.constant 48 : index
      %get3A_89 = tpu.vector_load %arg7[%get3A_88] {strides = array<i32>} : memref<128xi32, #tpu.memory_space<vmem>>, vector<16xi32>,
      %get3A_90 = vector.shape_cast %get3A_89 : vector<16xi32> to vector<16xi32>
      %sub3A_91 = vector.broadcast %mul3A_0 : i32 to vector<16xi32>
      %sub3A_92 = arith.subi %get3A_90, %sub3A_91 : vector<16xi32>
      %ge3A_93 = arith.constant 0 : i32
      %ge3A_94 = vector.broadcast %ge3A_93 : i32 to vector<16xi32>
      %ge3A_95 = arith.cmpi sge, %sub3A_92, %ge3A_94 : vector<16xi32>
      %lt3A_96 = arith.constant 5000 : i32
      %lt3A_97 = vector.broadcast %lt3A_96 : i32 to vector<16xi32>
      %lt3A_98 = arith.cmpi slt, %sub3A_92, %lt3A_97 : vector<16xi32>
      %and3A_99 = arith.andi %ge3A_95, %lt3A_98 : vector<16xi1>
      %jit3A_100 = arith.constant 5000 : i32
      %broadcast_in_dim3A_101 = vector.broadcast %jit3A_100 : i32 to vector<16xi32>
      %select_n3A_102 = arith.select %and3A_99, %sub3A_92, %broadcast_in_dim3A_101 : vector<16xi1>, vector<16xi32>
      %swap3A_103 = arith.constant 48 : index
      %swap3A_104 = tpu.vector_load %arg7[%swap3A_103] {strides = array<i32>} : memref<128xi32, #tpu.memory_space<vmem>>, vector<16xi32>,
      %swap3A_105 = vector.shape_cast %swap3A_104 : vector<16xi32> to vector<16xi32>
      %swap3A_106 = vector.shape_cast %select_n3A_102 : vector<16xi32> to vector<16xi32>
      tpu.vector_store %arg7[%swap3A_103], %swap3A_106 {strides = array<i32>} : memref<128xi32, #tpu.memory_space<vmem>>, vector<16xi32>,
      %get3A_107 = arith.constant 64 : index
      %get3A_108 = tpu.vector_load %arg7[%get3A_107] {strides = array<i32>} : memref<128xi32, #tpu.memory_space<vmem>>, vector<16xi32>,
      %get3A_109 = vector.shape_cast %get3A_108 : vector<16xi32> to vector<16xi32>
      %sub3A_110 = vector.broadcast %mul3A_0 : i32 to vector<16xi32>
      %sub3A_111 = arith.subi %get3A_109, %sub3A_110 : vector<16xi32>
      %ge3A_112 = arith.constant 0 : i32
      %ge3A_113 = vector.broadcast %ge3A_112 : i32 to vector<16xi32>
      %ge3A_114 = arith.cmpi sge, %sub3A_111, %ge3A_113 : vector<16xi32>
      %lt3A_115 = arith.constant 5000 : i32
      %lt3A_116 = vector.broadcast %lt3A_115 : i32 to vector<16xi32>
      %lt3A_117 = arith.cmpi slt, %sub3A_111, %lt3A_116 : vector<16xi32>
      %and3A_118 = arith.andi %ge3A_114, %lt3A_117 : vector<16xi1>
      %jit3A_119 = arith.constant 5000 : i32
      %broadcast_in_dim3A_120 = vector.broadcast %jit3A_119 : i32 to vector<16xi32>
      %select_n3A_121 = arith.select %and3A_118, %sub3A_111, %broadcast_in_dim3A_120 : vector<16xi1>, vector<16xi32>
      %swap3A_122 = arith.constant 64 : index
      %swap3A_123 = tpu.vector_load %arg7[%swap3A_122] {strides = array<i32>} : memref<128xi32, #tpu.memory_space<vmem>>, vector<16xi32>,
      %swap3A_124 = vector.shape_cast %swap3A_123 : vector<16xi32> to vector<16xi32>
      %swap3A_125 = vector.shape_cast %select_n3A_121 : vector<16xi32> to vector<16xi32>
      tpu.vector_store %arg7[%swap3A_122], %swap3A_125 {strides = array<i32>} : memref<128xi32, #tpu.memory_space<vmem>>, vector<16xi32>,
      %get3A_126 = arith.constant 80 : index
      %get3A_127 = tpu.vector_load %arg7[%get3A_126] {strides = array<i32>} : memref<128xi32, #tpu.memory_space<vmem>>, vector<16xi32>,
      %get3A_128 = vector.shape_cast %get3A_127 : vector<16xi32> to vector<16xi32>
      %sub3A_129 = vector.broadcast %mul3A_0 : i32 to vector<16xi32>
      %sub3A_130 = arith.subi %get3A_128, %sub3A_129 : vector<16xi32>
      %ge3A_131 = arith.constant 0 : i32
      %ge3A_132 = vector.broadcast %ge3A_131 : i32 to vector<16xi32>
      %ge3A_133 = arith.cmpi sge, %sub3A_130, %ge3A_132 : vector<16xi32>
      %lt3A_134 = arith.constant 5000 : i32
      %lt3A_135 = vector.broadcast %lt3A_134 : i32 to vector<16xi32>
      %lt3A_136 = arith.cmpi slt, %sub3A_130, %lt3A_135 : vector<16xi32>
      %and3A_137 = arith.andi %ge3A_133, %lt3A_136 : vector<16xi1>
      %jit3A_138 = arith.constant 5000 : i32
      %broadcast_in_dim3A_139 = vector.broadcast %jit3A_138 : i32 to vector<16xi32>
      %select_n3A_140 = arith.select %and3A_137, %sub3A_130, %broadcast_in_dim3A_139 : vector<16xi1>, vector<16xi32>
      %swap3A_141 = arith.constant 80 : index
      %swap3A_142 = tpu.vector_load %arg7[%swap3A_141] {strides = array<i32>} : memref<128xi32, #tpu.memory_space<vmem>>, vector<16xi32>,
      %swap3A_143 = vector.shape_cast %swap3A_142 : vector<16xi32> to vector<16xi32>
      %swap3A_144 = vector.shape_cast %select_n3A_140 : vector<16xi32> to vector<16xi32>
      tpu.vector_store %arg7[%swap3A_141], %swap3A_144 {strides = array<i32>} : memref<128xi32, #tpu.memory_space<vmem>>, vector<16xi32>,
      %get3A_145 = arith.constant 96 : index
      %get3A_146 = tpu.vector_load %arg7[%get3A_145] {strides = array<i32>} : memref<128xi32, #tpu.memory_space<vmem>>, vector<16xi32>,
      %get3A_147 = vector.shape_cast %get3A_146 : vector<16xi32> to vector<16xi32>
      %sub3A_148 = vector.broadcast %mul3A_0 : i32 to vector<16xi32>
      %sub3A_149 = arith.subi %get3A_147, %sub3A_148 : vector<16xi32>
      %ge3A_150 = arith.constant 0 : i32
      %ge3A_151 = vector.broadcast %ge3A_150 : i32 to vector<16xi32>
      %ge3A_152 = arith.cmpi sge, %sub3A_149, %ge3A_151 : vector<16xi32>
      %lt3A_153 = arith.constant 5000 : i32
      %lt3A_154 = vector.broadcast %lt3A_153 : i32 to vector<16xi32>
      %lt3A_155 = arith.cmpi slt, %sub3A_149, %lt3A_154 : vector<16xi32>
      %and3A_156 = arith.andi %ge3A_152, %lt3A_155 : vector<16xi1>
      %jit3A_157 = arith.constant 5000 : i32
      %broadcast_in_dim3A_158 = vector.broadcast %jit3A_157 : i32 to vector<16xi32>
      %select_n3A_159 = arith.select %and3A_156, %sub3A_149, %broadcast_in_dim3A_158 : vector<16xi1>, vector<16xi32>
      %swap3A_160 = arith.constant 96 : index
      %swap3A_161 = tpu.vector_load %arg7[%swap3A_160] {strides = array<i32>} : memref<128xi32, #tpu.memory_space<vmem>>, vector<16xi32>,
      %swap3A_162 = vector.shape_cast %swap3A_161 : vector<16xi32> to vector<16xi32>
      %swap3A_163 = vector.shape_cast %select_n3A_159 : vector<16xi32> to vector<16xi32>
      tpu.vector_store %arg7[%swap3A_160], %swap3A_163 {strides = array<i32>} : memref<128xi32, #tpu.memory_space<vmem>>, vector<16xi32>,
      %get3A_164 = arith.constant 112 : index
      %get3A_165 = tpu.vector_load %arg7[%get3A_164] {strides = array<i32>} : memref<128xi32, #tpu.memory_space<vmem>>, vector<16xi32>,
      %get3A_166 = vector.shape_cast %get3A_165 : vector<16xi32> to vector<16xi32>
      %sub3A_167 = vector.broadcast %mul3A_0 : i32 to vector<16xi32>
      %sub3A_168 = arith.subi %get3A_166, %sub3A_167 : vector<16xi32>
      %ge3A_169 = arith.constant 0 : i32
      %ge3A_170 = vector.broadcast %ge3A_169 : i32 to vector<16xi32>
      %ge3A_171 = arith.cmpi sge, %sub3A_168, %ge3A_170 : vector<16xi32>
      %lt3A_172 = arith.constant 5000 : i32
      %lt3A_173 = vector.broadcast %lt3A_172 : i32 to vector<16xi32>
      %lt3A_174 = arith.cmpi slt, %sub3A_168, %lt3A_173 : vector<16xi32>
      %and3A_175 = arith.andi %ge3A_171, %lt3A_174 : vector<16xi1>
      %jit3A_176 = arith.constant 5000 : i32
      %broadcast_in_dim3A_177 = vector.broadcast %jit3A_176 : i32 to vector<16xi32>
      %select_n3A_178 = arith.select %and3A_175, %sub3A_168, %broadcast_in_dim3A_177 : vector<16xi1>, vector<16xi32>
      %swap3A_179 = arith.constant 112 : index
      %swap3A_180 = tpu.vector_load %arg7[%swap3A_179] {strides = array<i32>} : memref<128xi32, #tpu.memory_space<vmem>>, vector<16xi32>,
      %swap3A_181 = vector.shape_cast %swap3A_180 : vector<16xi32> to vector<16xi32>
      %swap3A_182 = vector.shape_cast %select_n3A_178 : vector<16xi32> to vector<16xi32>
      tpu.vector_store %arg7[%swap3A_179], %swap3A_182 {strides = array<i32>} : memref<128xi32, #tpu.memory_space<vmem>>, vector<16xi32>,
      "tpu.region"() ({
        %run_scoped3A_183 = tpu.sem_alloc : memref<!tpu.dma_semaphore, #tpu.memory_space<semaphore_mem>>
        %dma_start3A = arith.constant 0 : i32
        %dma_start3A_184 = arith.constant 0 : i32
        %dma_start3A_185 = tpu.memref_slice %arg10[%dma_start3A, %dma_start3A_184] : memref<5120x128xf32, #tpu.memory_space<vmem_shared>> -> memref<5120x128xf32, #tpu.memory_space<vmem_shared>>
        tpu.enqueue_indirect_dma source(%arg8 : memref<128x128xf32, #tpu.memory_space<vmem>>) target(%dma_start3A_185 : memref<5120x128xf32, #tpu.memory_space<vmem_shared>>) offsets(%arg7 : memref<128xi32, #tpu.memory_space<vmem>>) semaphore(%run_scoped3A_183 : memref<!tpu.dma_semaphore, #tpu.memory_space<semaphore_mem>>) {add = true}
        %dma_wait3A = arith.constant 0 : i32
        %dma_wait3A_186 = arith.constant 0 : i32
        %dma_wait3A_187 = tpu.memref_slice %arg10[%dma_wait3A, %dma_wait3A_186] : memref<5120x128xf32, #tpu.memory_space<vmem_shared>> -> memref<5120x128xf32, #tpu.memory_space<vmem_shared>>
        tpu.wait_indirect_dma semaphore(%run_scoped3A_183 : memref<!tpu.dma_semaphore, #tpu.memory_space<semaphore_mem>>) src(%arg8 : memref<128x128xf32, #tpu.memory_space<vmem>>) dst(%dma_wait3A_187 : memref<5120x128xf32, #tpu.memory_space<vmem_shared>>)
        tpu.yield
      }) : () -> ()
    }
    %barrier3A_19 = arith.constant 0 : index
    tpu.barrier barrier_id(%barrier3A_19)
    "tpu.region"() ({
      %run_scoped3A_33 = tpu.sem_alloc : memref<!tpu.dma_semaphore, #tpu.memory_space<semaphore_mem>>
      %dma_start3A = arith.constant 0 : i32
      %dma_start3A_34 = tpu.memref_slice %arg10[%mul3A_9, %dma_start3A] : memref<5120x128xf32, #tpu.memory_space<vmem_shared>> -> memref<320x128xf32, #tpu.memory_space<vmem_shared>>
      %dma_start3A_35 = arith.constant 0 : i32
      %dma_start3A_36 = tpu.memref_slice %arg10[%mul3A_9, %dma_start3A_35] : memref<5120x128xf32, #tpu.memory_space<vmem_shared>> -> memref<320x128xf32, #tpu.memory_space<vmem_shared>>
      tpu.enqueue_dma source(%dma_start3A_36 : memref<320x128xf32, #tpu.memory_space<vmem_shared>>) target(%arg9 : memref<320x128xf32, #tpu.memory_space<vmem>>) target_semaphore(%run_scoped3A_33 : memref<!tpu.dma_semaphore, #tpu.memory_space<semaphore_mem>>)
      %dma_wait3A = arith.constant 0 : i32
      %dma_wait3A_37 = tpu.memref_slice %arg10[%mul3A_9, %dma_wait3A] : memref<5120x128xf32, #tpu.memory_space<vmem_shared>> -> memref<320x128xf32, #tpu.memory_space<vmem_shared>>
      %dma_wait3A_38 = arith.constant 0 : i32
      %dma_wait3A_39 = tpu.memref_slice %arg10[%mul3A_9, %dma_wait3A_38] : memref<5120x128xf32, #tpu.memory_space<vmem_shared>> -> memref<320x128xf32, #tpu.memory_space<vmem_shared>>
      tpu.wait_dma2 semaphore(%run_scoped3A_33 : memref<!tpu.dma_semaphore, #tpu.memory_space<semaphore_mem>>) src(%dma_wait3A_39 : memref<320x128xf32, #tpu.memory_space<vmem_shared>>) dst(%arg9 : memref<320x128xf32, #tpu.memory_space<vmem>>)
      tpu.yield
    }) : () -> ()
    %run_scoped3A = arith.constant 0 : i32
    "tpu.region"() ({
      %run_scoped3A_33 = tpu.sem_alloc : memref<!tpu.dma_semaphore, #tpu.memory_space<semaphore_mem>>
      %dma_start3A = arith.constant 0 : i32
      %dma_start3A_34 = tpu.memref_slice %arg6[%arg0, %run_scoped3A, %mul3A_9, %dma_start3A] : memref<2x2x5120x128xf32, #tpu.memory_space<hbm>> -> memref<1x1x320x128xf32, #tpu.memory_space<hbm>>
      %dma_start3A_35 = tpu.memref_squeeze %dma_start3A_34 : memref<1x1x320x128xf32, #tpu.memory_space<hbm>> -> memref<320x128xf32, #tpu.memory_space<hbm>>
      %dma_start3A_36 = arith.constant 0 : i32
      %dma_start3A_37 = tpu.memref_slice %arg6[%arg0, %run_scoped3A, %mul3A_9, %dma_start3A_36] : memref<2x2x5120x128xf32, #tpu.memory_space<hbm>> -> memref<1x1x320x128xf32, #tpu.memory_space<hbm>>
      %dma_start3A_38 = tpu.memref_squeeze %dma_start3A_37 : memref<1x1x320x128xf32, #tpu.memory_space<hbm>> -> memref<320x128xf32, #tpu.memory_space<hbm>>
      tpu.enqueue_dma source(%arg9 : memref<320x128xf32, #tpu.memory_space<vmem>>) target(%dma_start3A_38 : memref<320x128xf32, #tpu.memory_space<hbm>>) target_semaphore(%run_scoped3A_33 : memref<!tpu.dma_semaphore, #tpu.memory_space<semaphore_mem>>)
      %dma_wait3A = arith.constant 0 : i32
      %dma_wait3A_39 = tpu.memref_slice %arg6[%arg0, %run_scoped3A, %mul3A_9, %dma_wait3A] : memref<2x2x5120x128xf32, #tpu.memory_space<hbm>> -> memref<1x1x320x128xf32, #tpu.memory_space<hbm>>
      %dma_wait3A_40 = tpu.memref_squeeze %dma_wait3A_39 : memref<1x1x320x128xf32, #tpu.memory_space<hbm>> -> memref<320x128xf32, #tpu.memory_space<hbm>>
      %dma_wait3A_41 = arith.constant 0 : i32
      %dma_wait3A_42 = tpu.memref_slice %arg6[%arg0, %run_scoped3A, %mul3A_9, %dma_wait3A_41] : memref<2x2x5120x128xf32, #tpu.memory_space<hbm>> -> memref<1x1x320x128xf32, #tpu.memory_space<hbm>>
      %dma_wait3A_43 = tpu.memref_squeeze %dma_wait3A_42 : memref<1x1x320x128xf32, #tpu.memory_space<hbm>> -> memref<320x128xf32, #tpu.memory_space<hbm>>
      tpu.wait_dma2 semaphore(%run_scoped3A_33 : memref<!tpu.dma_semaphore, #tpu.memory_space<semaphore_mem>>) src(%arg9 : memref<320x128xf32, #tpu.memory_space<vmem>>) dst(%dma_wait3A_43 : memref<320x128xf32, #tpu.memory_space<hbm>>)
      tpu.yield
    }) : () -> ()
    "tpu.region"() ({
      %run_scoped3A_33 = tpu.sem_alloc : memref<!tpu.dma_semaphore, #tpu.memory_space<semaphore_mem>>
      tpu.enqueue_dma source(%arg5 : memref<320x128xf32, #tpu.memory_space<hbm>>) target(%arg9 : memref<320x128xf32, #tpu.memory_space<vmem>>) target_semaphore(%run_scoped3A_33 : memref<!tpu.dma_semaphore, #tpu.memory_space<semaphore_mem>>)
      tpu.wait_dma2 semaphore(%run_scoped3A_33 : memref<!tpu.dma_semaphore, #tpu.memory_space<semaphore_mem>>) src(%arg5 : memref<320x128xf32, #tpu.memory_space<hbm>>) dst(%arg9 : memref<320x128xf32, #tpu.memory_space<vmem>>)
      tpu.yield
    }) : () -> ()
    "tpu.region"() ({
      %run_scoped3A_33 = tpu.sem_alloc : memref<!tpu.dma_semaphore, #tpu.memory_space<semaphore_mem>>
      %dma_start3A = arith.constant 0 : i32
      %dma_start3A_34 = tpu.memref_slice %arg10[%mul3A_9, %dma_start3A] : memref<5120x128xf32, #tpu.memory_space<vmem_shared>> -> memref<320x128xf32, #tpu.memory_space<vmem_shared>>
      %dma_start3A_35 = arith.constant 0 : i32
      %dma_start3A_36 = tpu.memref_slice %arg10[%mul3A_9, %dma_start3A_35] : memref<5120x128xf32, #tpu.memory_space<vmem_shared>> -> memref<320x128xf32, #tpu.memory_space<vmem_shared>>
      tpu.enqueue_dma source(%arg9 : memref<320x128xf32, #tpu.memory_space<vmem>>) target(%dma_start3A_36 : memref<320x128xf32, #tpu.memory_space<vmem_shared>>) target_semaphore(%run_scoped3A_33 : memref<!tpu.dma_semaphore, #tpu.memory_space<semaphore_mem>>)
      %dma_wait3A = arith.constant 0 : i32
      %dma_wait3A_37 = tpu.memref_slice %arg10[%mul3A_9, %dma_wait3A] : memref<5120x128xf32, #tpu.memory_space<vmem_shared>> -> memref<320x128xf32, #tpu.memory_space<vmem_shared>>
      %dma_wait3A_38 = arith.constant 0 : i32
      %dma_wait3A_39 = tpu.memref_slice %arg10[%mul3A_9, %dma_wait3A_38] : memref<5120x128xf32, #tpu.memory_space<vmem_shared>> -> memref<320x128xf32, #tpu.memory_space<vmem_shared>>
      tpu.wait_dma2 semaphore(%run_scoped3A_33 : memref<!tpu.dma_semaphore, #tpu.memory_space<semaphore_mem>>) src(%arg9 : memref<320x128xf32, #tpu.memory_space<vmem>>) dst(%dma_wait3A_39 : memref<320x128xf32, #tpu.memory_space<vmem_shared>>)
      tpu.yield
    }) : () -> ()
    %barrier3A_20 = arith.constant 0 : index
    tpu.barrier barrier_id(%barrier3A_20)
    %while3A_21 = arith.constant 0 : i32
    %while3A_22 = arith.constant 0 : i32
    %while3A_23 = arith.subi %add3A_7, %while3A_22 : i32
    %while3A_24 = arith.addi %while3A_22, %while3A_23 : i32
    %while3A_25 = arith.constant 1 : i32
    %while3A_26 = arith.divsi %while3A_23, %while3A_25 : i32
    %while3A_27 = arith.muli %while3A_26, %while3A_25 : i32
    %while3A_28 = arith.addi %while3A_22, %while3A_27 : i32
    %while3A_29 = arith.constant 1 : i32
    scf.for %while3A_33 = %while3A_22 to %while3A_28 step %while3A_29  : i32 {
      %add3A_34 = arith.addi %add3A, %while3A_33 : i32
      %mul3A_35 = arith.constant 128 : i32
      %mul3A_36 = arith.muli %add3A_34, %mul3A_35 : i32
      "tpu.region"() ({
        %run_scoped3A_183 = tpu.sem_alloc : memref<!tpu.dma_semaphore, #tpu.memory_space<semaphore_mem>>
        %dma_start3A = tpu.memref_slice %arg4[%mul3A_36] : memref<160000xi32, #tpu.memory_space<hbm>> -> memref<128xi32, #tpu.memory_space<hbm>>
        %dma_start3A_184 = tpu.memref_slice %arg4[%mul3A_36] : memref<160000xi32, #tpu.memory_space<hbm>> -> memref<128xi32, #tpu.memory_space<hbm>>
        tpu.enqueue_dma source(%dma_start3A_184 : memref<128xi32, #tpu.memory_space<hbm>>) target(%arg7 : memref<128xi32, #tpu.memory_space<vmem>>) target_semaphore(%run_scoped3A_183 : memref<!tpu.dma_semaphore, #tpu.memory_space<semaphore_mem>>)
        %dma_wait3A = tpu.memref_slice %arg4[%mul3A_36] : memref<160000xi32, #tpu.memory_space<hbm>> -> memref<128xi32, #tpu.memory_space<hbm>>
        %dma_wait3A_185 = tpu.memref_slice %arg4[%mul3A_36] : memref<160000xi32, #tpu.memory_space<hbm>> -> memref<128xi32, #tpu.memory_space<hbm>>
        tpu.wait_dma2 semaphore(%run_scoped3A_183 : memref<!tpu.dma_semaphore, #tpu.memory_space<semaphore_mem>>) src(%dma_wait3A_185 : memref<128xi32, #tpu.memory_space<hbm>>) dst(%arg7 : memref<128xi32, #tpu.memory_space<vmem>>)
        tpu.yield
      }) : () -> ()
      "tpu.region"() ({
        %run_scoped3A_183 = tpu.sem_alloc : memref<!tpu.dma_semaphore, #tpu.memory_space<semaphore_mem>>
        %dma_start3A = arith.constant 0 : i32
        %dma_start3A_184 = tpu.memref_slice %arg3[%mul3A_36, %dma_start3A] : memref<160000x128xf32, #tpu.memory_space<hbm>> -> memref<128x128xf32, #tpu.memory_space<hbm>>
        %dma_start3A_185 = arith.constant 0 : i32
        %dma_start3A_186 = tpu.memref_slice %arg3[%mul3A_36, %dma_start3A_185] : memref<160000x128xf32, #tpu.memory_space<hbm>> -> memref<128x128xf32, #tpu.memory_space<hbm>>
        tpu.enqueue_dma source(%dma_start3A_186 : memref<128x128xf32, #tpu.memory_space<hbm>>) target(%arg8 : memref<128x128xf32, #tpu.memory_space<vmem>>) target_semaphore(%run_scoped3A_183 : memref<!tpu.dma_semaphore, #tpu.memory_space<semaphore_mem>>)
        %dma_wait3A = arith.constant 0 : i32
        %dma_wait3A_187 = tpu.memref_slice %arg3[%mul3A_36, %dma_wait3A] : memref<160000x128xf32, #tpu.memory_space<hbm>> -> memref<128x128xf32, #tpu.memory_space<hbm>>
        %dma_wait3A_188 = arith.constant 0 : i32
        %dma_wait3A_189 = tpu.memref_slice %arg3[%mul3A_36, %dma_wait3A_188] : memref<160000x128xf32, #tpu.memory_space<hbm>> -> memref<128x128xf32, #tpu.memory_space<hbm>>
        tpu.wait_dma2 semaphore(%run_scoped3A_183 : memref<!tpu.dma_semaphore, #tpu.memory_space<semaphore_mem>>) src(%dma_wait3A_189 : memref<128x128xf32, #tpu.memory_space<hbm>>) dst(%arg8 : memref<128x128xf32, #tpu.memory_space<vmem>>)
        tpu.yield
      }) : () -> ()
      %get3A = arith.constant 0 : index
      %get3A_37 = tpu.vector_load %arg7[%get3A] {strides = array<i32>} : memref<128xi32, #tpu.memory_space<vmem>>, vector<16xi32>,
      %get3A_38 = vector.shape_cast %get3A_37 : vector<16xi32> to vector<16xi32>
      %sub3A = vector.broadcast %mul3A_0 : i32 to vector<16xi32>
      %sub3A_39 = arith.subi %get3A_38, %sub3A : vector<16xi32>
      %ge3A = arith.constant 0 : i32
      %ge3A_40 = vector.broadcast %ge3A : i32 to vector<16xi32>
      %ge3A_41 = arith.cmpi sge, %sub3A_39, %ge3A_40 : vector<16xi32>
      %lt3A_42 = arith.constant 5000 : i32
      %lt3A_43 = vector.broadcast %lt3A_42 : i32 to vector<16xi32>
      %lt3A_44 = arith.cmpi slt, %sub3A_39, %lt3A_43 : vector<16xi32>
      %and3A = arith.andi %ge3A_41, %lt3A_44 : vector<16xi1>
      %jit3A_45 = arith.constant 5000 : i32
      %broadcast_in_dim3A = vector.broadcast %jit3A_45 : i32 to vector<16xi32>
      %select_n3A_46 = arith.select %and3A, %sub3A_39, %broadcast_in_dim3A : vector<16xi1>, vector<16xi32>
      %swap3A = arith.constant 0 : index
      %swap3A_47 = tpu.vector_load %arg7[%swap3A] {strides = array<i32>} : memref<128xi32, #tpu.memory_space<vmem>>, vector<16xi32>,
      %swap3A_48 = vector.shape_cast %swap3A_47 : vector<16xi32> to vector<16xi32>
      %swap3A_49 = vector.shape_cast %select_n3A_46 : vector<16xi32> to vector<16xi32>
      tpu.vector_store %arg7[%swap3A], %swap3A_49 {strides = array<i32>} : memref<128xi32, #tpu.memory_space<vmem>>, vector<16xi32>,
      %get3A_50 = arith.constant 16 : index
      %get3A_51 = tpu.vector_load %arg7[%get3A_50] {strides = array<i32>} : memref<128xi32, #tpu.memory_space<vmem>>, vector<16xi32>,
      %get3A_52 = vector.shape_cast %get3A_51 : vector<16xi32> to vector<16xi32>
      %sub3A_53 = vector.broadcast %mul3A_0 : i32 to vector<16xi32>
      %sub3A_54 = arith.subi %get3A_52, %sub3A_53 : vector<16xi32>
      %ge3A_55 = arith.constant 0 : i32
      %ge3A_56 = vector.broadcast %ge3A_55 : i32 to vector<16xi32>
      %ge3A_57 = arith.cmpi sge, %sub3A_54, %ge3A_56 : vector<16xi32>
      %lt3A_58 = arith.constant 5000 : i32
      %lt3A_59 = vector.broadcast %lt3A_58 : i32 to vector<16xi32>
      %lt3A_60 = arith.cmpi slt, %sub3A_54, %lt3A_59 : vector<16xi32>
      %and3A_61 = arith.andi %ge3A_57, %lt3A_60 : vector<16xi1>
      %jit3A_62 = arith.constant 5000 : i32
      %broadcast_in_dim3A_63 = vector.broadcast %jit3A_62 : i32 to vector<16xi32>
      %select_n3A_64 = arith.select %and3A_61, %sub3A_54, %broadcast_in_dim3A_63 : vector<16xi1>, vector<16xi32>
      %swap3A_65 = arith.constant 16 : index
      %swap3A_66 = tpu.vector_load %arg7[%swap3A_65] {strides = array<i32>} : memref<128xi32, #tpu.memory_space<vmem>>, vector<16xi32>,
      %swap3A_67 = vector.shape_cast %swap3A_66 : vector<16xi32> to vector<16xi32>
      %swap3A_68 = vector.shape_cast %select_n3A_64 : vector<16xi32> to vector<16xi32>
      tpu.vector_store %arg7[%swap3A_65], %swap3A_68 {strides = array<i32>} : memref<128xi32, #tpu.memory_space<vmem>>, vector<16xi32>,
      %get3A_69 = arith.constant 32 : index
      %get3A_70 = tpu.vector_load %arg7[%get3A_69] {strides = array<i32>} : memref<128xi32, #tpu.memory_space<vmem>>, vector<16xi32>,
      %get3A_71 = vector.shape_cast %get3A_70 : vector<16xi32> to vector<16xi32>
      %sub3A_72 = vector.broadcast %mul3A_0 : i32 to vector<16xi32>
      %sub3A_73 = arith.subi %get3A_71, %sub3A_72 : vector<16xi32>
      %ge3A_74 = arith.constant 0 : i32
      %ge3A_75 = vector.broadcast %ge3A_74 : i32 to vector<16xi32>
      %ge3A_76 = arith.cmpi sge, %sub3A_73, %ge3A_75 : vector<16xi32>
      %lt3A_77 = arith.constant 5000 : i32
      %lt3A_78 = vector.broadcast %lt3A_77 : i32 to vector<16xi32>
      %lt3A_79 = arith.cmpi slt, %sub3A_73, %lt3A_78 : vector<16xi32>
      %and3A_80 = arith.andi %ge3A_76, %lt3A_79 : vector<16xi1>
      %jit3A_81 = arith.constant 5000 : i32
      %broadcast_in_dim3A_82 = vector.broadcast %jit3A_81 : i32 to vector<16xi32>
      %select_n3A_83 = arith.select %and3A_80, %sub3A_73, %broadcast_in_dim3A_82 : vector<16xi1>, vector<16xi32>
      %swap3A_84 = arith.constant 32 : index
      %swap3A_85 = tpu.vector_load %arg7[%swap3A_84] {strides = array<i32>} : memref<128xi32, #tpu.memory_space<vmem>>, vector<16xi32>,
      %swap3A_86 = vector.shape_cast %swap3A_85 : vector<16xi32> to vector<16xi32>
      %swap3A_87 = vector.shape_cast %select_n3A_83 : vector<16xi32> to vector<16xi32>
      tpu.vector_store %arg7[%swap3A_84], %swap3A_87 {strides = array<i32>} : memref<128xi32, #tpu.memory_space<vmem>>, vector<16xi32>,
      %get3A_88 = arith.constant 48 : index
      %get3A_89 = tpu.vector_load %arg7[%get3A_88] {strides = array<i32>} : memref<128xi32, #tpu.memory_space<vmem>>, vector<16xi32>,
      %get3A_90 = vector.shape_cast %get3A_89 : vector<16xi32> to vector<16xi32>
      %sub3A_91 = vector.broadcast %mul3A_0 : i32 to vector<16xi32>
      %sub3A_92 = arith.subi %get3A_90, %sub3A_91 : vector<16xi32>
      %ge3A_93 = arith.constant 0 : i32
      %ge3A_94 = vector.broadcast %ge3A_93 : i32 to vector<16xi32>
      %ge3A_95 = arith.cmpi sge, %sub3A_92, %ge3A_94 : vector<16xi32>
      %lt3A_96 = arith.constant 5000 : i32
      %lt3A_97 = vector.broadcast %lt3A_96 : i32 to vector<16xi32>
      %lt3A_98 = arith.cmpi slt, %sub3A_92, %lt3A_97 : vector<16xi32>
      %and3A_99 = arith.andi %ge3A_95, %lt3A_98 : vector<16xi1>
      %jit3A_100 = arith.constant 5000 : i32
      %broadcast_in_dim3A_101 = vector.broadcast %jit3A_100 : i32 to vector<16xi32>
      %select_n3A_102 = arith.select %and3A_99, %sub3A_92, %broadcast_in_dim3A_101 : vector<16xi1>, vector<16xi32>
      %swap3A_103 = arith.constant 48 : index
      %swap3A_104 = tpu.vector_load %arg7[%swap3A_103] {strides = array<i32>} : memref<128xi32, #tpu.memory_space<vmem>>, vector<16xi32>,
      %swap3A_105 = vector.shape_cast %swap3A_104 : vector<16xi32> to vector<16xi32>
      %swap3A_106 = vector.shape_cast %select_n3A_102 : vector<16xi32> to vector<16xi32>
      tpu.vector_store %arg7[%swap3A_103], %swap3A_106 {strides = array<i32>} : memref<128xi32, #tpu.memory_space<vmem>>, vector<16xi32>,
      %get3A_107 = arith.constant 64 : index
      %get3A_108 = tpu.vector_load %arg7[%get3A_107] {strides = array<i32>} : memref<128xi32, #tpu.memory_space<vmem>>, vector<16xi32>,
      %get3A_109 = vector.shape_cast %get3A_108 : vector<16xi32> to vector<16xi32>
      %sub3A_110 = vector.broadcast %mul3A_0 : i32 to vector<16xi32>
      %sub3A_111 = arith.subi %get3A_109, %sub3A_110 : vector<16xi32>
      %ge3A_112 = arith.constant 0 : i32
      %ge3A_113 = vector.broadcast %ge3A_112 : i32 to vector<16xi32>
      %ge3A_114 = arith.cmpi sge, %sub3A_111, %ge3A_113 : vector<16xi32>
      %lt3A_115 = arith.constant 5000 : i32
      %lt3A_116 = vector.broadcast %lt3A_115 : i32 to vector<16xi32>
      %lt3A_117 = arith.cmpi slt, %sub3A_111, %lt3A_116 : vector<16xi32>
      %and3A_118 = arith.andi %ge3A_114, %lt3A_117 : vector<16xi1>
      %jit3A_119 = arith.constant 5000 : i32
      %broadcast_in_dim3A_120 = vector.broadcast %jit3A_119 : i32 to vector<16xi32>
      %select_n3A_121 = arith.select %and3A_118, %sub3A_111, %broadcast_in_dim3A_120 : vector<16xi1>, vector<16xi32>
      %swap3A_122 = arith.constant 64 : index
      %swap3A_123 = tpu.vector_load %arg7[%swap3A_122] {strides = array<i32>} : memref<128xi32, #tpu.memory_space<vmem>>, vector<16xi32>,
      %swap3A_124 = vector.shape_cast %swap3A_123 : vector<16xi32> to vector<16xi32>
      %swap3A_125 = vector.shape_cast %select_n3A_121 : vector<16xi32> to vector<16xi32>
      tpu.vector_store %arg7[%swap3A_122], %swap3A_125 {strides = array<i32>} : memref<128xi32, #tpu.memory_space<vmem>>, vector<16xi32>,
      %get3A_126 = arith.constant 80 : index
      %get3A_127 = tpu.vector_load %arg7[%get3A_126] {strides = array<i32>} : memref<128xi32, #tpu.memory_space<vmem>>, vector<16xi32>,
      %get3A_128 = vector.shape_cast %get3A_127 : vector<16xi32> to vector<16xi32>
      %sub3A_129 = vector.broadcast %mul3A_0 : i32 to vector<16xi32>
      %sub3A_130 = arith.subi %get3A_128, %sub3A_129 : vector<16xi32>
      %ge3A_131 = arith.constant 0 : i32
      %ge3A_132 = vector.broadcast %ge3A_131 : i32 to vector<16xi32>
      %ge3A_133 = arith.cmpi sge, %sub3A_130, %ge3A_132 : vector<16xi32>
      %lt3A_134 = arith.constant 5000 : i32
      %lt3A_135 = vector.broadcast %lt3A_134 : i32 to vector<16xi32>
      %lt3A_136 = arith.cmpi slt, %sub3A_130, %lt3A_135 : vector<16xi32>
      %and3A_137 = arith.andi %ge3A_133, %lt3A_136 : vector<16xi1>
      %jit3A_138 = arith.constant 5000 : i32
      %broadcast_in_dim3A_139 = vector.broadcast %jit3A_138 : i32 to vector<16xi32>
      %select_n3A_140 = arith.select %and3A_137, %sub3A_130, %broadcast_in_dim3A_139 : vector<16xi1>, vector<16xi32>
      %swap3A_141 = arith.constant 80 : index
      %swap3A_142 = tpu.vector_load %arg7[%swap3A_141] {strides = array<i32>} : memref<128xi32, #tpu.memory_space<vmem>>, vector<16xi32>,
      %swap3A_143 = vector.shape_cast %swap3A_142 : vector<16xi32> to vector<16xi32>
      %swap3A_144 = vector.shape_cast %select_n3A_140 : vector<16xi32> to vector<16xi32>
      tpu.vector_store %arg7[%swap3A_141], %swap3A_144 {strides = array<i32>} : memref<128xi32, #tpu.memory_space<vmem>>, vector<16xi32>,
      %get3A_145 = arith.constant 96 : index
      %get3A_146 = tpu.vector_load %arg7[%get3A_145] {strides = array<i32>} : memref<128xi32, #tpu.memory_space<vmem>>, vector<16xi32>,
      %get3A_147 = vector.shape_cast %get3A_146 : vector<16xi32> to vector<16xi32>
      %sub3A_148 = vector.broadcast %mul3A_0 : i32 to vector<16xi32>
      %sub3A_149 = arith.subi %get3A_147, %sub3A_148 : vector<16xi32>
      %ge3A_150 = arith.constant 0 : i32
      %ge3A_151 = vector.broadcast %ge3A_150 : i32 to vector<16xi32>
      %ge3A_152 = arith.cmpi sge, %sub3A_149, %ge3A_151 : vector<16xi32>
      %lt3A_153 = arith.constant 5000 : i32
      %lt3A_154 = vector.broadcast %lt3A_153 : i32 to vector<16xi32>
      %lt3A_155 = arith.cmpi slt, %sub3A_149, %lt3A_154 : vector<16xi32>
      %and3A_156 = arith.andi %ge3A_152, %lt3A_155 : vector<16xi1>
      %jit3A_157 = arith.constant 5000 : i32
      %broadcast_in_dim3A_158 = vector.broadcast %jit3A_157 : i32 to vector<16xi32>
      %select_n3A_159 = arith.select %and3A_156, %sub3A_149, %broadcast_in_dim3A_158 : vector<16xi1>, vector<16xi32>
      %swap3A_160 = arith.constant 96 : index
      %swap3A_161 = tpu.vector_load %arg7[%swap3A_160] {strides = array<i32>} : memref<128xi32, #tpu.memory_space<vmem>>, vector<16xi32>,
      %swap3A_162 = vector.shape_cast %swap3A_161 : vector<16xi32> to vector<16xi32>
      %swap3A_163 = vector.shape_cast %select_n3A_159 : vector<16xi32> to vector<16xi32>
      tpu.vector_store %arg7[%swap3A_160], %swap3A_163 {strides = array<i32>} : memref<128xi32, #tpu.memory_space<vmem>>, vector<16xi32>,
      %get3A_164 = arith.constant 112 : index
      %get3A_165 = tpu.vector_load %arg7[%get3A_164] {strides = array<i32>} : memref<128xi32, #tpu.memory_space<vmem>>, vector<16xi32>,
      %get3A_166 = vector.shape_cast %get3A_165 : vector<16xi32> to vector<16xi32>
      %sub3A_167 = vector.broadcast %mul3A_0 : i32 to vector<16xi32>
      %sub3A_168 = arith.subi %get3A_166, %sub3A_167 : vector<16xi32>
      %ge3A_169 = arith.constant 0 : i32
      %ge3A_170 = vector.broadcast %ge3A_169 : i32 to vector<16xi32>
      %ge3A_171 = arith.cmpi sge, %sub3A_168, %ge3A_170 : vector<16xi32>
      %lt3A_172 = arith.constant 5000 : i32
      %lt3A_173 = vector.broadcast %lt3A_172 : i32 to vector<16xi32>
      %lt3A_174 = arith.cmpi slt, %sub3A_168, %lt3A_173 : vector<16xi32>
      %and3A_175 = arith.andi %ge3A_171, %lt3A_174 : vector<16xi1>
      %jit3A_176 = arith.constant 5000 : i32
      %broadcast_in_dim3A_177 = vector.broadcast %jit3A_176 : i32 to vector<16xi32>
      %select_n3A_178 = arith.select %and3A_175, %sub3A_168, %broadcast_in_dim3A_177 : vector<16xi1>, vector<16xi32>
      %swap3A_179 = arith.constant 112 : index
      %swap3A_180 = tpu.vector_load %arg7[%swap3A_179] {strides = array<i32>} : memref<128xi32, #tpu.memory_space<vmem>>, vector<16xi32>,
      %swap3A_181 = vector.shape_cast %swap3A_180 : vector<16xi32> to vector<16xi32>
      %swap3A_182 = vector.shape_cast %select_n3A_178 : vector<16xi32> to vector<16xi32>
      tpu.vector_store %arg7[%swap3A_179], %swap3A_182 {strides = array<i32>} : memref<128xi32, #tpu.memory_space<vmem>>, vector<16xi32>,
      "tpu.region"() ({
        %run_scoped3A_183 = tpu.sem_alloc : memref<!tpu.dma_semaphore, #tpu.memory_space<semaphore_mem>>
        %dma_start3A = arith.constant 0 : i32
        %dma_start3A_184 = arith.constant 0 : i32
        %dma_start3A_185 = tpu.memref_slice %arg10[%dma_start3A, %dma_start3A_184] : memref<5120x128xf32, #tpu.memory_space<vmem_shared>> -> memref<5120x128xf32, #tpu.memory_space<vmem_shared>>
        tpu.enqueue_indirect_dma source(%arg8 : memref<128x128xf32, #tpu.memory_space<vmem>>) target(%dma_start3A_185 : memref<5120x128xf32, #tpu.memory_space<vmem_shared>>) offsets(%arg7 : memref<128xi32, #tpu.memory_space<vmem>>) semaphore(%run_scoped3A_183 : memref<!tpu.dma_semaphore, #tpu.memory_space<semaphore_mem>>) {add = true}
        %dma_wait3A = arith.constant 0 : i32
        %dma_wait3A_186 = arith.constant 0 : i32
        %dma_wait3A_187 = tpu.memref_slice %arg10[%dma_wait3A, %dma_wait3A_186] : memref<5120x128xf32, #tpu.memory_space<vmem_shared>> -> memref<5120x128xf32, #tpu.memory_space<vmem_shared>>
        tpu.wait_indirect_dma semaphore(%run_scoped3A_183 : memref<!tpu.dma_semaphore, #tpu.memory_space<semaphore_mem>>) src(%arg8 : memref<128x128xf32, #tpu.memory_space<vmem>>) dst(%dma_wait3A_187 : memref<5120x128xf32, #tpu.memory_space<vmem_shared>>)
        tpu.yield
      }) : () -> ()
    }
    %while3A_30 = arith.constant 1 : i32
    scf.for %while3A_33 = %while3A_28 to %while3A_24 step %while3A_30  : i32 {
      %add3A_34 = arith.addi %add3A, %while3A_33 : i32
      %mul3A_35 = arith.constant 128 : i32
      %mul3A_36 = arith.muli %add3A_34, %mul3A_35 : i32
      "tpu.region"() ({
        %run_scoped3A_183 = tpu.sem_alloc : memref<!tpu.dma_semaphore, #tpu.memory_space<semaphore_mem>>
        %dma_start3A = tpu.memref_slice %arg4[%mul3A_36] : memref<160000xi32, #tpu.memory_space<hbm>> -> memref<128xi32, #tpu.memory_space<hbm>>
        %dma_start3A_184 = tpu.memref_slice %arg4[%mul3A_36] : memref<160000xi32, #tpu.memory_space<hbm>> -> memref<128xi32, #tpu.memory_space<hbm>>
        tpu.enqueue_dma source(%dma_start3A_184 : memref<128xi32, #tpu.memory_space<hbm>>) target(%arg7 : memref<128xi32, #tpu.memory_space<vmem>>) target_semaphore(%run_scoped3A_183 : memref<!tpu.dma_semaphore, #tpu.memory_space<semaphore_mem>>)
        %dma_wait3A = tpu.memref_slice %arg4[%mul3A_36] : memref<160000xi32, #tpu.memory_space<hbm>> -> memref<128xi32, #tpu.memory_space<hbm>>
        %dma_wait3A_185 = tpu.memref_slice %arg4[%mul3A_36] : memref<160000xi32, #tpu.memory_space<hbm>> -> memref<128xi32, #tpu.memory_space<hbm>>
        tpu.wait_dma2 semaphore(%run_scoped3A_183 : memref<!tpu.dma_semaphore, #tpu.memory_space<semaphore_mem>>) src(%dma_wait3A_185 : memref<128xi32, #tpu.memory_space<hbm>>) dst(%arg7 : memref<128xi32, #tpu.memory_space<vmem>>)
        tpu.yield
      }) : () -> ()
      "tpu.region"() ({
        %run_scoped3A_183 = tpu.sem_alloc : memref<!tpu.dma_semaphore, #tpu.memory_space<semaphore_mem>>
        %dma_start3A = arith.constant 0 : i32
        %dma_start3A_184 = tpu.memref_slice %arg3[%mul3A_36, %dma_start3A] : memref<160000x128xf32, #tpu.memory_space<hbm>> -> memref<128x128xf32, #tpu.memory_space<hbm>>
        %dma_start3A_185 = arith.constant 0 : i32
        %dma_start3A_186 = tpu.memref_slice %arg3[%mul3A_36, %dma_start3A_185] : memref<160000x128xf32, #tpu.memory_space<hbm>> -> memref<128x128xf32, #tpu.memory_space<hbm>>
        tpu.enqueue_dma source(%dma_start3A_186 : memref<128x128xf32, #tpu.memory_space<hbm>>) target(%arg8 : memref<128x128xf32, #tpu.memory_space<vmem>>) target_semaphore(%run_scoped3A_183 : memref<!tpu.dma_semaphore, #tpu.memory_space<semaphore_mem>>)
        %dma_wait3A = arith.constant 0 : i32
        %dma_wait3A_187 = tpu.memref_slice %arg3[%mul3A_36, %dma_wait3A] : memref<160000x128xf32, #tpu.memory_space<hbm>> -> memref<128x128xf32, #tpu.memory_space<hbm>>
        %dma_wait3A_188 = arith.constant 0 : i32
        %dma_wait3A_189 = tpu.memref_slice %arg3[%mul3A_36, %dma_wait3A_188] : memref<160000x128xf32, #tpu.memory_space<hbm>> -> memref<128x128xf32, #tpu.memory_space<hbm>>
        tpu.wait_dma2 semaphore(%run_scoped3A_183 : memref<!tpu.dma_semaphore, #tpu.memory_space<semaphore_mem>>) src(%dma_wait3A_189 : memref<128x128xf32, #tpu.memory_space<hbm>>) dst(%arg8 : memref<128x128xf32, #tpu.memory_space<vmem>>)
        tpu.yield
      }) : () -> ()
      %get3A = arith.constant 0 : index
      %get3A_37 = tpu.vector_load %arg7[%get3A] {strides = array<i32>} : memref<128xi32, #tpu.memory_space<vmem>>, vector<16xi32>,
      %get3A_38 = vector.shape_cast %get3A_37 : vector<16xi32> to vector<16xi32>
      %sub3A = vector.broadcast %mul3A_0 : i32 to vector<16xi32>
      %sub3A_39 = arith.subi %get3A_38, %sub3A : vector<16xi32>
      %ge3A = arith.constant 0 : i32
      %ge3A_40 = vector.broadcast %ge3A : i32 to vector<16xi32>
      %ge3A_41 = arith.cmpi sge, %sub3A_39, %ge3A_40 : vector<16xi32>
      %lt3A_42 = arith.constant 5000 : i32
      %lt3A_43 = vector.broadcast %lt3A_42 : i32 to vector<16xi32>
      %lt3A_44 = arith.cmpi slt, %sub3A_39, %lt3A_43 : vector<16xi32>
      %and3A = arith.andi %ge3A_41, %lt3A_44 : vector<16xi1>
      %jit3A_45 = arith.constant 5000 : i32
      %broadcast_in_dim3A = vector.broadcast %jit3A_45 : i32 to vector<16xi32>
      %select_n3A_46 = arith.select %and3A, %sub3A_39, %broadcast_in_dim3A : vector<16xi1>, vector<16xi32>
      %swap3A = arith.constant 0 : index
      %swap3A_47 = tpu.vector_load %arg7[%swap3A] {strides = array<i32>} : memref<128xi32, #tpu.memory_space<vmem>>, vector<16xi32>,
      %swap3A_48 = vector.shape_cast %swap3A_47 : vector<16xi32> to vector<16xi32>
      %swap3A_49 = vector.shape_cast %select_n3A_46 : vector<16xi32> to vector<16xi32>
      tpu.vector_store %arg7[%swap3A], %swap3A_49 {strides = array<i32>} : memref<128xi32, #tpu.memory_space<vmem>>, vector<16xi32>,
      %get3A_50 = arith.constant 16 : index
      %get3A_51 = tpu.vector_load %arg7[%get3A_50] {strides = array<i32>} : memref<128xi32, #tpu.memory_space<vmem>>, vector<16xi32>,
      %get3A_52 = vector.shape_cast %get3A_51 : vector<16xi32> to vector<16xi32>
      %sub3A_53 = vector.broadcast %mul3A_0 : i32 to vector<16xi32>
      %sub3A_54 = arith.subi %get3A_52, %sub3A_53 : vector<16xi32>
      %ge3A_55 = arith.constant 0 : i32
      %ge3A_56 = vector.broadcast %ge3A_55 : i32 to vector<16xi32>
      %ge3A_57 = arith.cmpi sge, %sub3A_54, %ge3A_56 : vector<16xi32>
      %lt3A_58 = arith.constant 5000 : i32
      %lt3A_59 = vector.broadcast %lt3A_58 : i32 to vector<16xi32>
      %lt3A_60 = arith.cmpi slt, %sub3A_54, %lt3A_59 : vector<16xi32>
      %and3A_61 = arith.andi %ge3A_57, %lt3A_60 : vector<16xi1>
      %jit3A_62 = arith.constant 5000 : i32
      %broadcast_in_dim3A_63 = vector.broadcast %jit3A_62 : i32 to vector<16xi32>
      %select_n3A_64 = arith.select %and3A_61, %sub3A_54, %broadcast_in_dim3A_63 : vector<16xi1>, vector<16xi32>
      %swap3A_65 = arith.constant 16 : index
      %swap3A_66 = tpu.vector_load %arg7[%swap3A_65] {strides = array<i32>} : memref<128xi32, #tpu.memory_space<vmem>>, vector<16xi32>,
      %swap3A_67 = vector.shape_cast %swap3A_66 : vector<16xi32> to vector<16xi32>
      %swap3A_68 = vector.shape_cast %select_n3A_64 : vector<16xi32> to vector<16xi32>
      tpu.vector_store %arg7[%swap3A_65], %swap3A_68 {strides = array<i32>} : memref<128xi32, #tpu.memory_space<vmem>>, vector<16xi32>,
      %get3A_69 = arith.constant 32 : index
      %get3A_70 = tpu.vector_load %arg7[%get3A_69] {strides = array<i32>} : memref<128xi32, #tpu.memory_space<vmem>>, vector<16xi32>,
      %get3A_71 = vector.shape_cast %get3A_70 : vector<16xi32> to vector<16xi32>
      %sub3A_72 = vector.broadcast %mul3A_0 : i32 to vector<16xi32>
      %sub3A_73 = arith.subi %get3A_71, %sub3A_72 : vector<16xi32>
      %ge3A_74 = arith.constant 0 : i32
      %ge3A_75 = vector.broadcast %ge3A_74 : i32 to vector<16xi32>
      %ge3A_76 = arith.cmpi sge, %sub3A_73, %ge3A_75 : vector<16xi32>
      %lt3A_77 = arith.constant 5000 : i32
      %lt3A_78 = vector.broadcast %lt3A_77 : i32 to vector<16xi32>
      %lt3A_79 = arith.cmpi slt, %sub3A_73, %lt3A_78 : vector<16xi32>
      %and3A_80 = arith.andi %ge3A_76, %lt3A_79 : vector<16xi1>
      %jit3A_81 = arith.constant 5000 : i32
      %broadcast_in_dim3A_82 = vector.broadcast %jit3A_81 : i32 to vector<16xi32>
      %select_n3A_83 = arith.select %and3A_80, %sub3A_73, %broadcast_in_dim3A_82 : vector<16xi1>, vector<16xi32>
      %swap3A_84 = arith.constant 32 : index
      %swap3A_85 = tpu.vector_load %arg7[%swap3A_84] {strides = array<i32>} : memref<128xi32, #tpu.memory_space<vmem>>, vector<16xi32>,
      %swap3A_86 = vector.shape_cast %swap3A_85 : vector<16xi32> to vector<16xi32>
      %swap3A_87 = vector.shape_cast %select_n3A_83 : vector<16xi32> to vector<16xi32>
      tpu.vector_store %arg7[%swap3A_84], %swap3A_87 {strides = array<i32>} : memref<128xi32, #tpu.memory_space<vmem>>, vector<16xi32>,
      %get3A_88 = arith.constant 48 : index
      %get3A_89 = tpu.vector_load %arg7[%get3A_88] {strides = array<i32>} : memref<128xi32, #tpu.memory_space<vmem>>, vector<16xi32>,
      %get3A_90 = vector.shape_cast %get3A_89 : vector<16xi32> to vector<16xi32>
      %sub3A_91 = vector.broadcast %mul3A_0 : i32 to vector<16xi32>
      %sub3A_92 = arith.subi %get3A_90, %sub3A_91 : vector<16xi32>
      %ge3A_93 = arith.constant 0 : i32
      %ge3A_94 = vector.broadcast %ge3A_93 : i32 to vector<16xi32>
      %ge3A_95 = arith.cmpi sge, %sub3A_92, %ge3A_94 : vector<16xi32>
      %lt3A_96 = arith.constant 5000 : i32
      %lt3A_97 = vector.broadcast %lt3A_96 : i32 to vector<16xi32>
      %lt3A_98 = arith.cmpi slt, %sub3A_92, %lt3A_97 : vector<16xi32>
      %and3A_99 = arith.andi %ge3A_95, %lt3A_98 : vector<16xi1>
      %jit3A_100 = arith.constant 5000 : i32
      %broadcast_in_dim3A_101 = vector.broadcast %jit3A_100 : i32 to vector<16xi32>
      %select_n3A_102 = arith.select %and3A_99, %sub3A_92, %broadcast_in_dim3A_101 : vector<16xi1>, vector<16xi32>
      %swap3A_103 = arith.constant 48 : index
      %swap3A_104 = tpu.vector_load %arg7[%swap3A_103] {strides = array<i32>} : memref<128xi32, #tpu.memory_space<vmem>>, vector<16xi32>,
      %swap3A_105 = vector.shape_cast %swap3A_104 : vector<16xi32> to vector<16xi32>
      %swap3A_106 = vector.shape_cast %select_n3A_102 : vector<16xi32> to vector<16xi32>
      tpu.vector_store %arg7[%swap3A_103], %swap3A_106 {strides = array<i32>} : memref<128xi32, #tpu.memory_space<vmem>>, vector<16xi32>,
      %get3A_107 = arith.constant 64 : index
      %get3A_108 = tpu.vector_load %arg7[%get3A_107] {strides = array<i32>} : memref<128xi32, #tpu.memory_space<vmem>>, vector<16xi32>,
      %get3A_109 = vector.shape_cast %get3A_108 : vector<16xi32> to vector<16xi32>
      %sub3A_110 = vector.broadcast %mul3A_0 : i32 to vector<16xi32>
      %sub3A_111 = arith.subi %get3A_109, %sub3A_110 : vector<16xi32>
      %ge3A_112 = arith.constant 0 : i32
      %ge3A_113 = vector.broadcast %ge3A_112 : i32 to vector<16xi32>
      %ge3A_114 = arith.cmpi sge, %sub3A_111, %ge3A_113 : vector<16xi32>
      %lt3A_115 = arith.constant 5000 : i32
      %lt3A_116 = vector.broadcast %lt3A_115 : i32 to vector<16xi32>
      %lt3A_117 = arith.cmpi slt, %sub3A_111, %lt3A_116 : vector<16xi32>
      %and3A_118 = arith.andi %ge3A_114, %lt3A_117 : vector<16xi1>
      %jit3A_119 = arith.constant 5000 : i32
      %broadcast_in_dim3A_120 = vector.broadcast %jit3A_119 : i32 to vector<16xi32>
      %select_n3A_121 = arith.select %and3A_118, %sub3A_111, %broadcast_in_dim3A_120 : vector<16xi1>, vector<16xi32>
      %swap3A_122 = arith.constant 64 : index
      %swap3A_123 = tpu.vector_load %arg7[%swap3A_122] {strides = array<i32>} : memref<128xi32, #tpu.memory_space<vmem>>, vector<16xi32>,
      %swap3A_124 = vector.shape_cast %swap3A_123 : vector<16xi32> to vector<16xi32>
      %swap3A_125 = vector.shape_cast %select_n3A_121 : vector<16xi32> to vector<16xi32>
      tpu.vector_store %arg7[%swap3A_122], %swap3A_125 {strides = array<i32>} : memref<128xi32, #tpu.memory_space<vmem>>, vector<16xi32>,
      %get3A_126 = arith.constant 80 : index
      %get3A_127 = tpu.vector_load %arg7[%get3A_126] {strides = array<i32>} : memref<128xi32, #tpu.memory_space<vmem>>, vector<16xi32>,
      %get3A_128 = vector.shape_cast %get3A_127 : vector<16xi32> to vector<16xi32>
      %sub3A_129 = vector.broadcast %mul3A_0 : i32 to vector<16xi32>
      %sub3A_130 = arith.subi %get3A_128, %sub3A_129 : vector<16xi32>
      %ge3A_131 = arith.constant 0 : i32
      %ge3A_132 = vector.broadcast %ge3A_131 : i32 to vector<16xi32>
      %ge3A_133 = arith.cmpi sge, %sub3A_130, %ge3A_132 : vector<16xi32>
      %lt3A_134 = arith.constant 5000 : i32
      %lt3A_135 = vector.broadcast %lt3A_134 : i32 to vector<16xi32>
      %lt3A_136 = arith.cmpi slt, %sub3A_130, %lt3A_135 : vector<16xi32>
      %and3A_137 = arith.andi %ge3A_133, %lt3A_136 : vector<16xi1>
      %jit3A_138 = arith.constant 5000 : i32
      %broadcast_in_dim3A_139 = vector.broadcast %jit3A_138 : i32 to vector<16xi32>
      %select_n3A_140 = arith.select %and3A_137, %sub3A_130, %broadcast_in_dim3A_139 : vector<16xi1>, vector<16xi32>
      %swap3A_141 = arith.constant 80 : index
      %swap3A_142 = tpu.vector_load %arg7[%swap3A_141] {strides = array<i32>} : memref<128xi32, #tpu.memory_space<vmem>>, vector<16xi32>,
      %swap3A_143 = vector.shape_cast %swap3A_142 : vector<16xi32> to vector<16xi32>
      %swap3A_144 = vector.shape_cast %select_n3A_140 : vector<16xi32> to vector<16xi32>
      tpu.vector_store %arg7[%swap3A_141], %swap3A_144 {strides = array<i32>} : memref<128xi32, #tpu.memory_space<vmem>>, vector<16xi32>,
      %get3A_145 = arith.constant 96 : index
      %get3A_146 = tpu.vector_load %arg7[%get3A_145] {strides = array<i32>} : memref<128xi32, #tpu.memory_space<vmem>>, vector<16xi32>,
      %get3A_147 = vector.shape_cast %get3A_146 : vector<16xi32> to vector<16xi32>
      %sub3A_148 = vector.broadcast %mul3A_0 : i32 to vector<16xi32>
      %sub3A_149 = arith.subi %get3A_147, %sub3A_148 : vector<16xi32>
      %ge3A_150 = arith.constant 0 : i32
      %ge3A_151 = vector.broadcast %ge3A_150 : i32 to vector<16xi32>
      %ge3A_152 = arith.cmpi sge, %sub3A_149, %ge3A_151 : vector<16xi32>
      %lt3A_153 = arith.constant 5000 : i32
      %lt3A_154 = vector.broadcast %lt3A_153 : i32 to vector<16xi32>
      %lt3A_155 = arith.cmpi slt, %sub3A_149, %lt3A_154 : vector<16xi32>
      %and3A_156 = arith.andi %ge3A_152, %lt3A_155 : vector<16xi1>
      %jit3A_157 = arith.constant 5000 : i32
      %broadcast_in_dim3A_158 = vector.broadcast %jit3A_157 : i32 to vector<16xi32>
      %select_n3A_159 = arith.select %and3A_156, %sub3A_149, %broadcast_in_dim3A_158 : vector<16xi1>, vector<16xi32>
      %swap3A_160 = arith.constant 96 : index
      %swap3A_161 = tpu.vector_load %arg7[%swap3A_160] {strides = array<i32>} : memref<128xi32, #tpu.memory_space<vmem>>, vector<16xi32>,
      %swap3A_162 = vector.shape_cast %swap3A_161 : vector<16xi32> to vector<16xi32>
      %swap3A_163 = vector.shape_cast %select_n3A_159 : vector<16xi32> to vector<16xi32>
      tpu.vector_store %arg7[%swap3A_160], %swap3A_163 {strides = array<i32>} : memref<128xi32, #tpu.memory_space<vmem>>, vector<16xi32>,
      %get3A_164 = arith.constant 112 : index
      %get3A_165 = tpu.vector_load %arg7[%get3A_164] {strides = array<i32>} : memref<128xi32, #tpu.memory_space<vmem>>, vector<16xi32>,
      %get3A_166 = vector.shape_cast %get3A_165 : vector<16xi32> to vector<16xi32>
      %sub3A_167 = vector.broadcast %mul3A_0 : i32 to vector<16xi32>
      %sub3A_168 = arith.subi %get3A_166, %sub3A_167 : vector<16xi32>
      %ge3A_169 = arith.constant 0 : i32
      %ge3A_170 = vector.broadcast %ge3A_169 : i32 to vector<16xi32>
      %ge3A_171 = arith.cmpi sge, %sub3A_168, %ge3A_170 : vector<16xi32>
      %lt3A_172 = arith.constant 5000 : i32
      %lt3A_173 = vector.broadcast %lt3A_172 : i32 to vector<16xi32>
      %lt3A_174 = arith.cmpi slt, %sub3A_168, %lt3A_173 : vector<16xi32>
      %and3A_175 = arith.andi %ge3A_171, %lt3A_174 : vector<16xi1>
      %jit3A_176 = arith.constant 5000 : i32
      %broadcast_in_dim3A_177 = vector.broadcast %jit3A_176 : i32 to vector<16xi32>
      %select_n3A_178 = arith.select %and3A_175, %sub3A_168, %broadcast_in_dim3A_177 : vector<16xi1>, vector<16xi32>
      %swap3A_179 = arith.constant 112 : index
      %swap3A_180 = tpu.vector_load %arg7[%swap3A_179] {strides = array<i32>} : memref<128xi32, #tpu.memory_space<vmem>>, vector<16xi32>,
      %swap3A_181 = vector.shape_cast %swap3A_180 : vector<16xi32> to vector<16xi32>
      %swap3A_182 = vector.shape_cast %select_n3A_178 : vector<16xi32> to vector<16xi32>
      tpu.vector_store %arg7[%swap3A_179], %swap3A_182 {strides = array<i32>} : memref<128xi32, #tpu.memory_space<vmem>>, vector<16xi32>,
      "tpu.region"() ({
        %run_scoped3A_183 = tpu.sem_alloc : memref<!tpu.dma_semaphore, #tpu.memory_space<semaphore_mem>>
        %dma_start3A = arith.constant 0 : i32
        %dma_start3A_184 = arith.constant 0 : i32
        %dma_start3A_185 = tpu.memref_slice %arg10[%dma_start3A, %dma_start3A_184] : memref<5120x128xf32, #tpu.memory_space<vmem_shared>> -> memref<5120x128xf32, #tpu.memory_space<vmem_shared>>
        tpu.enqueue_indirect_dma source(%arg8 : memref<128x128xf32, #tpu.memory_space<vmem>>) target(%dma_start3A_185 : memref<5120x128xf32, #tpu.memory_space<vmem_shared>>) offsets(%arg7 : memref<128xi32, #tpu.memory_space<vmem>>) semaphore(%run_scoped3A_183 : memref<!tpu.dma_semaphore, #tpu.memory_space<semaphore_mem>>) {add = true}
        %dma_wait3A = arith.constant 0 : i32
        %dma_wait3A_186 = arith.constant 0 : i32
        %dma_wait3A_187 = tpu.memref_slice %arg10[%dma_wait3A, %dma_wait3A_186] : memref<5120x128xf32, #tpu.memory_space<vmem_shared>> -> memref<5120x128xf32, #tpu.memory_space<vmem_shared>>
        tpu.wait_indirect_dma semaphore(%run_scoped3A_183 : memref<!tpu.dma_semaphore, #tpu.memory_space<semaphore_mem>>) src(%arg8 : memref<128x128xf32, #tpu.memory_space<vmem>>) dst(%dma_wait3A_187 : memref<5120x128xf32, #tpu.memory_space<vmem_shared>>)
        tpu.yield
      }) : () -> ()
    }
    %barrier3A_31 = arith.constant 0 : index
    tpu.barrier barrier_id(%barrier3A_31)
    "tpu.region"() ({
      %run_scoped3A_33 = tpu.sem_alloc : memref<!tpu.dma_semaphore, #tpu.memory_space<semaphore_mem>>
      %dma_start3A = arith.constant 0 : i32
      %dma_start3A_34 = tpu.memref_slice %arg10[%mul3A_9, %dma_start3A] : memref<5120x128xf32, #tpu.memory_space<vmem_shared>> -> memref<320x128xf32, #tpu.memory_space<vmem_shared>>
      %dma_start3A_35 = arith.constant 0 : i32
      %dma_start3A_36 = tpu.memref_slice %arg10[%mul3A_9, %dma_start3A_35] : memref<5120x128xf32, #tpu.memory_space<vmem_shared>> -> memref<320x128xf32, #tpu.memory_space<vmem_shared>>
      tpu.enqueue_dma source(%dma_start3A_36 : memref<320x128xf32, #tpu.memory_space<vmem_shared>>) target(%arg9 : memref<320x128xf32, #tpu.memory_space<vmem>>) target_semaphore(%run_scoped3A_33 : memref<!tpu.dma_semaphore, #tpu.memory_space<semaphore_mem>>)
      %dma_wait3A = arith.constant 0 : i32
      %dma_wait3A_37 = tpu.memref_slice %arg10[%mul3A_9, %dma_wait3A] : memref<5120x128xf32, #tpu.memory_space<vmem_shared>> -> memref<320x128xf32, #tpu.memory_space<vmem_shared>>
      %dma_wait3A_38 = arith.constant 0 : i32
      %dma_wait3A_39 = tpu.memref_slice %arg10[%mul3A_9, %dma_wait3A_38] : memref<5120x128xf32, #tpu.memory_space<vmem_shared>> -> memref<320x128xf32, #tpu.memory_space<vmem_shared>>
      tpu.wait_dma2 semaphore(%run_scoped3A_33 : memref<!tpu.dma_semaphore, #tpu.memory_space<semaphore_mem>>) src(%dma_wait3A_39 : memref<320x128xf32, #tpu.memory_space<vmem_shared>>) dst(%arg9 : memref<320x128xf32, #tpu.memory_space<vmem>>)
      tpu.yield
    }) : () -> ()
    %run_scoped3A_32 = arith.constant 1 : i32
    "tpu.region"() ({
      %run_scoped3A_33 = tpu.sem_alloc : memref<!tpu.dma_semaphore, #tpu.memory_space<semaphore_mem>>
      %dma_start3A = arith.constant 0 : i32
      %dma_start3A_34 = tpu.memref_slice %arg6[%arg0, %run_scoped3A_32, %mul3A_9, %dma_start3A] : memref<2x2x5120x128xf32, #tpu.memory_space<hbm>> -> memref<1x1x320x128xf32, #tpu.memory_space<hbm>>
      %dma_start3A_35 = tpu.memref_squeeze %dma_start3A_34 : memref<1x1x320x128xf32, #tpu.memory_space<hbm>> -> memref<320x128xf32, #tpu.memory_space<hbm>>
      %dma_start3A_36 = arith.constant 0 : i32
      %dma_start3A_37 = tpu.memref_slice %arg6[%arg0, %run_scoped3A_32, %mul3A_9, %dma_start3A_36] : memref<2x2x5120x128xf32, #tpu.memory_space<hbm>> -> memref<1x1x320x128xf32, #tpu.memory_space<hbm>>
      %dma_start3A_38 = tpu.memref_squeeze %dma_start3A_37 : memref<1x1x320x128xf32, #tpu.memory_space<hbm>> -> memref<320x128xf32, #tpu.memory_space<hbm>>
      tpu.enqueue_dma source(%arg9 : memref<320x128xf32, #tpu.memory_space<vmem>>) target(%dma_start3A_38 : memref<320x128xf32, #tpu.memory_space<hbm>>) target_semaphore(%run_scoped3A_33 : memref<!tpu.dma_semaphore, #tpu.memory_space<semaphore_mem>>)
      %dma_wait3A = arith.constant 0 : i32
      %dma_wait3A_39 = tpu.memref_slice %arg6[%arg0, %run_scoped3A_32, %mul3A_9, %dma_wait3A] : memref<2x2x5120x128xf32, #tpu.memory_space<hbm>> -> memref<1x1x320x128xf32, #tpu.memory_space<hbm>>
      %dma_wait3A_40 = tpu.memref_squeeze %dma_wait3A_39 : memref<1x1x320x128xf32, #tpu.memory_space<hbm>> -> memref<320x128xf32, #tpu.memory_space<hbm>>
      %dma_wait3A_41 = arith.constant 0 : i32
      %dma_wait3A_42 = tpu.memref_slice %arg6[%arg0, %run_scoped3A_32, %mul3A_9, %dma_wait3A_41] : memref<2x2x5120x128xf32, #tpu.memory_space<hbm>> -> memref<1x1x320x128xf32, #tpu.memory_space<hbm>>
      %dma_wait3A_43 = tpu.memref_squeeze %dma_wait3A_42 : memref<1x1x320x128xf32, #tpu.memory_space<hbm>> -> memref<320x128xf32, #tpu.memory_space<hbm>>
      tpu.wait_dma2 semaphore(%run_scoped3A_33 : memref<!tpu.dma_semaphore, #tpu.memory_space<semaphore_mem>>) src(%arg9 : memref<320x128xf32, #tpu.memory_space<vmem>>) dst(%dma_wait3A_43 : memref<320x128xf32, #tpu.memory_space<hbm>>)
      tpu.yield
    }) : () -> ()
    return
  }
}

#map = affine_map<(d0, d1) -> (0, 0)>
#map1 = affine_map<(d0, d1) -> (0)>
#map2 = affine_map<(d0, d1) -> (0, 0, 0, 0)>
module attributes {stable_mosaic.version = 14 : i64} {
  func.func @_scatter_body(%arg0: i32, %arg1: i32, %arg2: memref<160000x128xf32, #tpu.memory_space<hbm>>, %arg3: memref<160000x128xf32, #tpu.memory_space<hbm>>, %arg4: memref<160000xi32, #tpu.memory_space<hbm>>, %arg5: memref<320x128xf32, #tpu.memory_space<hbm>>, %arg6: memref<2x2x5120x128xf32, #tpu.memory_space<hbm>>, %arg7: memref<128xi32, #tpu.memory_space<vmem>>, %arg8: memref<128x128xf32, #tpu.memory_space<vmem>>, %arg9: memref<320x128xf32, #tpu.memory_space<vmem>>, %arg10: memref<5120x128xf32, #tpu.memory_space<vmem_shared>>) attributes {dimension_semantics = [#tpu.dimension_semantics<core_parallel>, #tpu.dimension_semantics<subcore_parallel>], iteration_bounds = array<i64: 2, 16>, scalar_prefetch = 0 : i64, scratch_operands = 4 : i64, tpu.core_type = #tpu.core_type<sc_vector_subcore>, window_params = [{transform_indices = #map}, {transform_indices = #map}, {transform_indices = #map1}, {transform_indices = #map}, {transform_indices = #map2}]} {
    %mul3A = arith.constant 5000 : i32
    %mul3A_0 = arith.muli %arg0, %mul3A : i32
    %mul3A_1 = arith.constant 78 : i32
    %mul3A_2 = arith.muli %arg1, %mul3A_1 : i32
    %min3A = arith.constant 2 : i32
    %min3A_3 = arith.minsi %arg1, %min3A : i32
    %add3A = arith.addi %mul3A_2, %min3A_3 : i32
    %lt3A = arith.constant 2 : i32
    %lt3A_4 = arith.cmpi slt, %arg1, %lt3A : i32
    %jit3A = arith.constant 1 : i32
    %jit3A_5 = arith.constant 0 : i32
    %select_n3A = arith.select %lt3A_4, %jit3A, %jit3A_5 : i32
    %add3A_6 = arith.constant 78 : i32
    %add3A_7 = arith.addi %add3A_6, %select_n3A : i32
    %mul3A_8 = arith.constant 320 : i32
    %mul3A_9 = arith.muli %arg1, %mul3A_8 : i32
    "tpu.region"() ({
      %run_scoped3A_33 = tpu.sem_alloc : memref<!tpu.dma_semaphore, #tpu.memory_space<semaphore_mem>>
      tpu.enqueue_dma source(%arg5 : memref<320x128xf32, #tpu.memory_space<hbm>>) target(%arg9 : memref<320x128xf32, #tpu.memory_space<vmem>>) target_semaphore(%run_scoped3A_33 : memref<!tpu.dma_semaphore, #tpu.memory_space<semaphore_mem>>)
      tpu.wait_dma2 semaphore(%run_scoped3A_33 : memref<!tpu.dma_semaphore, #tpu.memory_space<semaphore_mem>>) src(%arg5 : memref<320x128xf32, #tpu.memory_space<hbm>>) dst(%arg9 : memref<320x128xf32, #tpu.memory_space<vmem>>)
      tpu.yield
    }) : () -> ()
    "tpu.region"() ({
      %run_scoped3A_33 = tpu.sem_alloc : memref<!tpu.dma_semaphore, #tpu.memory_space<semaphore_mem>>
      %dma_start3A = arith.constant 0 : i32
      %dma_start3A_34 = tpu.memref_slice %arg10[%mul3A_9, %dma_start3A] : memref<5120x128xf32, #tpu.memory_space<vmem_shared>> -> memref<320x128xf32, #tpu.memory_space<vmem_shared>>
      %dma_start3A_35 = arith.constant 0 : i32
      %dma_start3A_36 = tpu.memref_slice %arg10[%mul3A_9, %dma_start3A_35] : memref<5120x128xf32, #tpu.memory_space<vmem_shared>> -> memref<320x128xf32, #tpu.memory_space<vmem_shared>>
      tpu.enqueue_dma source(%arg9 : memref<320x128xf32, #tpu.memory_space<vmem>>) target(%dma_start3A_36 : memref<320x128xf32, #tpu.memory_space<vmem_shared>>) target_semaphore(%run_scoped3A_33 : memref<!tpu.dma_semaphore, #tpu.memory_space<semaphore_mem>>)
      %dma_wait3A = arith.constant 0 : i32
      %dma_wait3A_37 = tpu.memref_slice %arg10[%mul3A_9, %dma_wait3A] : memref<5120x128xf32, #tpu.memory_space<vmem_shared>> -> memref<320x128xf32, #tpu.memory_space<vmem_shared>>
      %dma_wait3A_38 = arith.constant 0 : i32
      %dma_wait3A_39 = tpu.memref_slice %arg10[%mul3A_9, %dma_wait3A_38] : memref<5120x128xf32, #tpu.memory_space<vmem_shared>> -> memref<320x128xf32, #tpu.memory_space<vmem_shared>>
      tpu.wait_dma2 semaphore(%run_scoped3A_33 : memref<!tpu.dma_semaphore, #tpu.memory_space<semaphore_mem>>) src(%arg9 : memref<320x128xf32, #tpu.memory_space<vmem>>) dst(%dma_wait3A_39 : memref<320x128xf32, #tpu.memory_space<vmem_shared>>)
      tpu.yield
    }) : () -> ()
    %barrier3A = arith.constant 0 : index
    tpu.barrier barrier_id(%barrier3A)
    %while3A = arith.constant 0 : i32
    %while3A_10 = arith.constant 0 : i32
    %while3A_11 = arith.subi %add3A_7, %while3A_10 : i32
    %while3A_12 = arith.addi %while3A_10, %while3A_11 : i32
    %while3A_13 = arith.constant 1 : i32
    %while3A_14 = arith.divsi %while3A_11, %while3A_13 : i32
    %while3A_15 = arith.muli %while3A_14, %while3A_13 : i32
    %while3A_16 = arith.addi %while3A_10, %while3A_15 : i32
    %while3A_17 = arith.constant 1 : i32
    scf.for %while3A_33 = %while3A_10 to %while3A_16 step %while3A_17  : i32 {
      %add3A_34 = arith.addi %add3A, %while3A_33 : i32
      %mul3A_35 = arith.constant 128 : i32
      %mul3A_36 = arith.muli %add3A_34, %mul3A_35 : i32
      "tpu.region"() ({
        %run_scoped3A_183 = tpu.sem_alloc : memref<!tpu.dma_semaphore, #tpu.memory_space<semaphore_mem>>
        %dma_start3A = tpu.memref_slice %arg4[%mul3A_36] : memref<160000xi32, #tpu.memory_space<hbm>> -> memref<128xi32, #tpu.memory_space<hbm>>
        %dma_start3A_184 = tpu.memref_slice %arg4[%mul3A_36] : memref<160000xi32, #tpu.memory_space<hbm>> -> memref<128xi32, #tpu.memory_space<hbm>>
        tpu.enqueue_dma source(%dma_start3A_184 : memref<128xi32, #tpu.memory_space<hbm>>) target(%arg7 : memref<128xi32, #tpu.memory_space<vmem>>) target_semaphore(%run_scoped3A_183 : memref<!tpu.dma_semaphore, #tpu.memory_space<semaphore_mem>>)
        %dma_wait3A = tpu.memref_slice %arg4[%mul3A_36] : memref<160000xi32, #tpu.memory_space<hbm>> -> memref<128xi32, #tpu.memory_space<hbm>>
        %dma_wait3A_185 = tpu.memref_slice %arg4[%mul3A_36] : memref<160000xi32, #tpu.memory_space<hbm>> -> memref<128xi32, #tpu.memory_space<hbm>>
        tpu.wait_dma2 semaphore(%run_scoped3A_183 : memref<!tpu.dma_semaphore, #tpu.memory_space<semaphore_mem>>) src(%dma_wait3A_185 : memref<128xi32, #tpu.memory_space<hbm>>) dst(%arg7 : memref<128xi32, #tpu.memory_space<vmem>>)
        tpu.yield
      }) : () -> ()
      "tpu.region"() ({
        %run_scoped3A_183 = tpu.sem_alloc : memref<!tpu.dma_semaphore, #tpu.memory_space<semaphore_mem>>
        %dma_start3A = arith.constant 0 : i32
        %dma_start3A_184 = tpu.memref_slice %arg2[%mul3A_36, %dma_start3A] : memref<160000x128xf32, #tpu.memory_space<hbm>> -> memref<128x128xf32, #tpu.memory_space<hbm>>
        %dma_start3A_185 = arith.constant 0 : i32
        %dma_start3A_186 = tpu.memref_slice %arg2[%mul3A_36, %dma_start3A_185] : memref<160000x128xf32, #tpu.memory_space<hbm>> -> memref<128x128xf32, #tpu.memory_space<hbm>>
        tpu.enqueue_dma source(%dma_start3A_186 : memref<128x128xf32, #tpu.memory_space<hbm>>) target(%arg8 : memref<128x128xf32, #tpu.memory_space<vmem>>) target_semaphore(%run_scoped3A_183 : memref<!tpu.dma_semaphore, #tpu.memory_space<semaphore_mem>>)
        %dma_wait3A = arith.constant 0 : i32
        %dma_wait3A_187 = tpu.memref_slice %arg2[%mul3A_36, %dma_wait3A] : memref<160000x128xf32, #tpu.memory_space<hbm>> -> memref<128x128xf32, #tpu.memory_space<hbm>>
        %dma_wait3A_188 = arith.constant 0 : i32
        %dma_wait3A_189 = tpu.memref_slice %arg2[%mul3A_36, %dma_wait3A_188] : memref<160000x128xf32, #tpu.memory_space<hbm>> -> memref<128x128xf32, #tpu.memory_space<hbm>>
        tpu.wait_dma2 semaphore(%run_scoped3A_183 : memref<!tpu.dma_semaphore, #tpu.memory_space<semaphore_mem>>) src(%dma_wait3A_189 : memref<128x128xf32, #tpu.memory_space<hbm>>) dst(%arg8 : memref<128x128xf32, #tpu.memory_space<vmem>>)
        tpu.yield
      }) : () -> ()
      %get3A = arith.constant 0 : index
      %get3A_37 = tpu.vector_load %arg7[%get3A] {strides = array<i32>} : memref<128xi32, #tpu.memory_space<vmem>>, vector<16xi32>,
      %get3A_38 = vector.shape_cast %get3A_37 : vector<16xi32> to vector<16xi32>
      %sub3A = vector.broadcast %mul3A_0 : i32 to vector<16xi32>
      %sub3A_39 = arith.subi %get3A_38, %sub3A : vector<16xi32>
      %ge3A = arith.constant 0 : i32
      %ge3A_40 = vector.broadcast %ge3A : i32 to vector<16xi32>
      %ge3A_41 = arith.cmpi sge, %sub3A_39, %ge3A_40 : vector<16xi32>
      %lt3A_42 = arith.constant 5000 : i32
      %lt3A_43 = vector.broadcast %lt3A_42 : i32 to vector<16xi32>
      %lt3A_44 = arith.cmpi slt, %sub3A_39, %lt3A_43 : vector<16xi32>
      %and3A = arith.andi %ge3A_41, %lt3A_44 : vector<16xi1>
      %jit3A_45 = arith.constant 5000 : i32
      %broadcast_in_dim3A = vector.broadcast %jit3A_45 : i32 to vector<16xi32>
      %select_n3A_46 = arith.select %and3A, %sub3A_39, %broadcast_in_dim3A : vector<16xi1>, vector<16xi32>
      %swap3A = arith.constant 0 : index
      %swap3A_47 = tpu.vector_load %arg7[%swap3A] {strides = array<i32>} : memref<128xi32, #tpu.memory_space<vmem>>, vector<16xi32>,
      %swap3A_48 = vector.shape_cast %swap3A_47 : vector<16xi32> to vector<16xi32>
      %swap3A_49 = vector.shape_cast %select_n3A_46 : vector<16xi32> to vector<16xi32>
      tpu.vector_store %arg7[%swap3A], %swap3A_49 {strides = array<i32>} : memref<128xi32, #tpu.memory_space<vmem>>, vector<16xi32>,
      %get3A_50 = arith.constant 16 : index
      %get3A_51 = tpu.vector_load %arg7[%get3A_50] {strides = array<i32>} : memref<128xi32, #tpu.memory_space<vmem>>, vector<16xi32>,
      %get3A_52 = vector.shape_cast %get3A_51 : vector<16xi32> to vector<16xi32>
      %sub3A_53 = vector.broadcast %mul3A_0 : i32 to vector<16xi32>
      %sub3A_54 = arith.subi %get3A_52, %sub3A_53 : vector<16xi32>
      %ge3A_55 = arith.constant 0 : i32
      %ge3A_56 = vector.broadcast %ge3A_55 : i32 to vector<16xi32>
      %ge3A_57 = arith.cmpi sge, %sub3A_54, %ge3A_56 : vector<16xi32>
      %lt3A_58 = arith.constant 5000 : i32
      %lt3A_59 = vector.broadcast %lt3A_58 : i32 to vector<16xi32>
      %lt3A_60 = arith.cmpi slt, %sub3A_54, %lt3A_59 : vector<16xi32>
      %and3A_61 = arith.andi %ge3A_57, %lt3A_60 : vector<16xi1>
      %jit3A_62 = arith.constant 5000 : i32
      %broadcast_in_dim3A_63 = vector.broadcast %jit3A_62 : i32 to vector<16xi32>
      %select_n3A_64 = arith.select %and3A_61, %sub3A_54, %broadcast_in_dim3A_63 : vector<16xi1>, vector<16xi32>
      %swap3A_65 = arith.constant 16 : index
      %swap3A_66 = tpu.vector_load %arg7[%swap3A_65] {strides = array<i32>} : memref<128xi32, #tpu.memory_space<vmem>>, vector<16xi32>,
      %swap3A_67 = vector.shape_cast %swap3A_66 : vector<16xi32> to vector<16xi32>
      %swap3A_68 = vector.shape_cast %select_n3A_64 : vector<16xi32> to vector<16xi32>
      tpu.vector_store %arg7[%swap3A_65], %swap3A_68 {strides = array<i32>} : memref<128xi32, #tpu.memory_space<vmem>>, vector<16xi32>,
      %get3A_69 = arith.constant 32 : index
      %get3A_70 = tpu.vector_load %arg7[%get3A_69] {strides = array<i32>} : memref<128xi32, #tpu.memory_space<vmem>>, vector<16xi32>,
      %get3A_71 = vector.shape_cast %get3A_70 : vector<16xi32> to vector<16xi32>
      %sub3A_72 = vector.broadcast %mul3A_0 : i32 to vector<16xi32>
      %sub3A_73 = arith.subi %get3A_71, %sub3A_72 : vector<16xi32>
      %ge3A_74 = arith.constant 0 : i32
      %ge3A_75 = vector.broadcast %ge3A_74 : i32 to vector<16xi32>
      %ge3A_76 = arith.cmpi sge, %sub3A_73, %ge3A_75 : vector<16xi32>
      %lt3A_77 = arith.constant 5000 : i32
      %lt3A_78 = vector.broadcast %lt3A_77 : i32 to vector<16xi32>
      %lt3A_79 = arith.cmpi slt, %sub3A_73, %lt3A_78 : vector<16xi32>
      %and3A_80 = arith.andi %ge3A_76, %lt3A_79 : vector<16xi1>
      %jit3A_81 = arith.constant 5000 : i32
      %broadcast_in_dim3A_82 = vector.broadcast %jit3A_81 : i32 to vector<16xi32>
      %select_n3A_83 = arith.select %and3A_80, %sub3A_73, %broadcast_in_dim3A_82 : vector<16xi1>, vector<16xi32>
      %swap3A_84 = arith.constant 32 : index
      %swap3A_85 = tpu.vector_load %arg7[%swap3A_84] {strides = array<i32>} : memref<128xi32, #tpu.memory_space<vmem>>, vector<16xi32>,
      %swap3A_86 = vector.shape_cast %swap3A_85 : vector<16xi32> to vector<16xi32>
      %swap3A_87 = vector.shape_cast %select_n3A_83 : vector<16xi32> to vector<16xi32>
      tpu.vector_store %arg7[%swap3A_84], %swap3A_87 {strides = array<i32>} : memref<128xi32, #tpu.memory_space<vmem>>, vector<16xi32>,
      %get3A_88 = arith.constant 48 : index
      %get3A_89 = tpu.vector_load %arg7[%get3A_88] {strides = array<i32>} : memref<128xi32, #tpu.memory_space<vmem>>, vector<16xi32>,
      %get3A_90 = vector.shape_cast %get3A_89 : vector<16xi32> to vector<16xi32>
      %sub3A_91 = vector.broadcast %mul3A_0 : i32 to vector<16xi32>
      %sub3A_92 = arith.subi %get3A_90, %sub3A_91 : vector<16xi32>
      %ge3A_93 = arith.constant 0 : i32
      %ge3A_94 = vector.broadcast %ge3A_93 : i32 to vector<16xi32>
      %ge3A_95 = arith.cmpi sge, %sub3A_92, %ge3A_94 : vector<16xi32>
      %lt3A_96 = arith.constant 5000 : i32
      %lt3A_97 = vector.broadcast %lt3A_96 : i32 to vector<16xi32>
      %lt3A_98 = arith.cmpi slt, %sub3A_92, %lt3A_97 : vector<16xi32>
      %and3A_99 = arith.andi %ge3A_95, %lt3A_98 : vector<16xi1>
      %jit3A_100 = arith.constant 5000 : i32
      %broadcast_in_dim3A_101 = vector.broadcast %jit3A_100 : i32 to vector<16xi32>
      %select_n3A_102 = arith.select %and3A_99, %sub3A_92, %broadcast_in_dim3A_101 : vector<16xi1>, vector<16xi32>
      %swap3A_103 = arith.constant 48 : index
      %swap3A_104 = tpu.vector_load %arg7[%swap3A_103] {strides = array<i32>} : memref<128xi32, #tpu.memory_space<vmem>>, vector<16xi32>,
      %swap3A_105 = vector.shape_cast %swap3A_104 : vector<16xi32> to vector<16xi32>
      %swap3A_106 = vector.shape_cast %select_n3A_102 : vector<16xi32> to vector<16xi32>
      tpu.vector_store %arg7[%swap3A_103], %swap3A_106 {strides = array<i32>} : memref<128xi32, #tpu.memory_space<vmem>>, vector<16xi32>,
      %get3A_107 = arith.constant 64 : index
      %get3A_108 = tpu.vector_load %arg7[%get3A_107] {strides = array<i32>} : memref<128xi32, #tpu.memory_space<vmem>>, vector<16xi32>,
      %get3A_109 = vector.shape_cast %get3A_108 : vector<16xi32> to vector<16xi32>
      %sub3A_110 = vector.broadcast %mul3A_0 : i32 to vector<16xi32>
      %sub3A_111 = arith.subi %get3A_109, %sub3A_110 : vector<16xi32>
      %ge3A_112 = arith.constant 0 : i32
      %ge3A_113 = vector.broadcast %ge3A_112 : i32 to vector<16xi32>
      %ge3A_114 = arith.cmpi sge, %sub3A_111, %ge3A_113 : vector<16xi32>
      %lt3A_115 = arith.constant 5000 : i32
      %lt3A_116 = vector.broadcast %lt3A_115 : i32 to vector<16xi32>
      %lt3A_117 = arith.cmpi slt, %sub3A_111, %lt3A_116 : vector<16xi32>
      %and3A_118 = arith.andi %ge3A_114, %lt3A_117 : vector<16xi1>
      %jit3A_119 = arith.constant 5000 : i32
      %broadcast_in_dim3A_120 = vector.broadcast %jit3A_119 : i32 to vector<16xi32>
      %select_n3A_121 = arith.select %and3A_118, %sub3A_111, %broadcast_in_dim3A_120 : vector<16xi1>, vector<16xi32>
      %swap3A_122 = arith.constant 64 : index
      %swap3A_123 = tpu.vector_load %arg7[%swap3A_122] {strides = array<i32>} : memref<128xi32, #tpu.memory_space<vmem>>, vector<16xi32>,
      %swap3A_124 = vector.shape_cast %swap3A_123 : vector<16xi32> to vector<16xi32>
      %swap3A_125 = vector.shape_cast %select_n3A_121 : vector<16xi32> to vector<16xi32>
      tpu.vector_store %arg7[%swap3A_122], %swap3A_125 {strides = array<i32>} : memref<128xi32, #tpu.memory_space<vmem>>, vector<16xi32>,
      %get3A_126 = arith.constant 80 : index
      %get3A_127 = tpu.vector_load %arg7[%get3A_126] {strides = array<i32>} : memref<128xi32, #tpu.memory_space<vmem>>, vector<16xi32>,
      %get3A_128 = vector.shape_cast %get3A_127 : vector<16xi32> to vector<16xi32>
      %sub3A_129 = vector.broadcast %mul3A_0 : i32 to vector<16xi32>
      %sub3A_130 = arith.subi %get3A_128, %sub3A_129 : vector<16xi32>
      %ge3A_131 = arith.constant 0 : i32
      %ge3A_132 = vector.broadcast %ge3A_131 : i32 to vector<16xi32>
      %ge3A_133 = arith.cmpi sge, %sub3A_130, %ge3A_132 : vector<16xi32>
      %lt3A_134 = arith.constant 5000 : i32
      %lt3A_135 = vector.broadcast %lt3A_134 : i32 to vector<16xi32>
      %lt3A_136 = arith.cmpi slt, %sub3A_130, %lt3A_135 : vector<16xi32>
      %and3A_137 = arith.andi %ge3A_133, %lt3A_136 : vector<16xi1>
      %jit3A_138 = arith.constant 5000 : i32
      %broadcast_in_dim3A_139 = vector.broadcast %jit3A_138 : i32 to vector<16xi32>
      %select_n3A_140 = arith.select %and3A_137, %sub3A_130, %broadcast_in_dim3A_139 : vector<16xi1>, vector<16xi32>
      %swap3A_141 = arith.constant 80 : index
      %swap3A_142 = tpu.vector_load %arg7[%swap3A_141] {strides = array<i32>} : memref<128xi32, #tpu.memory_space<vmem>>, vector<16xi32>,
      %swap3A_143 = vector.shape_cast %swap3A_142 : vector<16xi32> to vector<16xi32>
      %swap3A_144 = vector.shape_cast %select_n3A_140 : vector<16xi32> to vector<16xi32>
      tpu.vector_store %arg7[%swap3A_141], %swap3A_144 {strides = array<i32>} : memref<128xi32, #tpu.memory_space<vmem>>, vector<16xi32>,
      %get3A_145 = arith.constant 96 : index
      %get3A_146 = tpu.vector_load %arg7[%get3A_145] {strides = array<i32>} : memref<128xi32, #tpu.memory_space<vmem>>, vector<16xi32>,
      %get3A_147 = vector.shape_cast %get3A_146 : vector<16xi32> to vector<16xi32>
      %sub3A_148 = vector.broadcast %mul3A_0 : i32 to vector<16xi32>
      %sub3A_149 = arith.subi %get3A_147, %sub3A_148 : vector<16xi32>
      %ge3A_150 = arith.constant 0 : i32
      %ge3A_151 = vector.broadcast %ge3A_150 : i32 to vector<16xi32>
      %ge3A_152 = arith.cmpi sge, %sub3A_149, %ge3A_151 : vector<16xi32>
      %lt3A_153 = arith.constant 5000 : i32
      %lt3A_154 = vector.broadcast %lt3A_153 : i32 to vector<16xi32>
      %lt3A_155 = arith.cmpi slt, %sub3A_149, %lt3A_154 : vector<16xi32>
      %and3A_156 = arith.andi %ge3A_152, %lt3A_155 : vector<16xi1>
      %jit3A_157 = arith.constant 5000 : i32
      %broadcast_in_dim3A_158 = vector.broadcast %jit3A_157 : i32 to vector<16xi32>
      %select_n3A_159 = arith.select %and3A_156, %sub3A_149, %broadcast_in_dim3A_158 : vector<16xi1>, vector<16xi32>
      %swap3A_160 = arith.constant 96 : index
      %swap3A_161 = tpu.vector_load %arg7[%swap3A_160] {strides = array<i32>} : memref<128xi32, #tpu.memory_space<vmem>>, vector<16xi32>,
      %swap3A_162 = vector.shape_cast %swap3A_161 : vector<16xi32> to vector<16xi32>
      %swap3A_163 = vector.shape_cast %select_n3A_159 : vector<16xi32> to vector<16xi32>
      tpu.vector_store %arg7[%swap3A_160], %swap3A_163 {strides = array<i32>} : memref<128xi32, #tpu.memory_space<vmem>>, vector<16xi32>,
      %get3A_164 = arith.constant 112 : index
      %get3A_165 = tpu.vector_load %arg7[%get3A_164] {strides = array<i32>} : memref<128xi32, #tpu.memory_space<vmem>>, vector<16xi32>,
      %get3A_166 = vector.shape_cast %get3A_165 : vector<16xi32> to vector<16xi32>
      %sub3A_167 = vector.broadcast %mul3A_0 : i32 to vector<16xi32>
      %sub3A_168 = arith.subi %get3A_166, %sub3A_167 : vector<16xi32>
      %ge3A_169 = arith.constant 0 : i32
      %ge3A_170 = vector.broadcast %ge3A_169 : i32 to vector<16xi32>
      %ge3A_171 = arith.cmpi sge, %sub3A_168, %ge3A_170 : vector<16xi32>
      %lt3A_172 = arith.constant 5000 : i32
      %lt3A_173 = vector.broadcast %lt3A_172 : i32 to vector<16xi32>
      %lt3A_174 = arith.cmpi slt, %sub3A_168, %lt3A_173 : vector<16xi32>
      %and3A_175 = arith.andi %ge3A_171, %lt3A_174 : vector<16xi1>
      %jit3A_176 = arith.constant 5000 : i32
      %broadcast_in_dim3A_177 = vector.broadcast %jit3A_176 : i32 to vector<16xi32>
      %select_n3A_178 = arith.select %and3A_175, %sub3A_168, %broadcast_in_dim3A_177 : vector<16xi1>, vector<16xi32>
      %swap3A_179 = arith.constant 112 : index
      %swap3A_180 = tpu.vector_load %arg7[%swap3A_179] {strides = array<i32>} : memref<128xi32, #tpu.memory_space<vmem>>, vector<16xi32>,
      %swap3A_181 = vector.shape_cast %swap3A_180 : vector<16xi32> to vector<16xi32>
      %swap3A_182 = vector.shape_cast %select_n3A_178 : vector<16xi32> to vector<16xi32>
      tpu.vector_store %arg7[%swap3A_179], %swap3A_182 {strides = array<i32>} : memref<128xi32, #tpu.memory_space<vmem>>, vector<16xi32>,
      "tpu.region"() ({
        %run_scoped3A_183 = tpu.sem_alloc : memref<!tpu.dma_semaphore, #tpu.memory_space<semaphore_mem>>
        %dma_start3A = arith.constant 0 : i32
        %dma_start3A_184 = arith.constant 0 : i32
        %dma_start3A_185 = tpu.memref_slice %arg10[%dma_start3A, %dma_start3A_184] : memref<5120x128xf32, #tpu.memory_space<vmem_shared>> -> memref<5120x128xf32, #tpu.memory_space<vmem_shared>>
        tpu.enqueue_indirect_dma source(%arg8 : memref<128x128xf32, #tpu.memory_space<vmem>>) target(%dma_start3A_185 : memref<5120x128xf32, #tpu.memory_space<vmem_shared>>) offsets(%arg7 : memref<128xi32, #tpu.memory_space<vmem>>) semaphore(%run_scoped3A_183 : memref<!tpu.dma_semaphore, #tpu.memory_space<semaphore_mem>>) {add = true}
        %dma_wait3A = arith.constant 0 : i32
        %dma_wait3A_186 = arith.constant 0 : i32
        %dma_wait3A_187 = tpu.memref_slice %arg10[%dma_wait3A, %dma_wait3A_186] : memref<5120x128xf32, #tpu.memory_space<vmem_shared>> -> memref<5120x128xf32, #tpu.memory_space<vmem_shared>>
        tpu.wait_indirect_dma semaphore(%run_scoped3A_183 : memref<!tpu.dma_semaphore, #tpu.memory_space<semaphore_mem>>) src(%arg8 : memref<128x128xf32, #tpu.memory_space<vmem>>) dst(%dma_wait3A_187 : memref<5120x128xf32, #tpu.memory_space<vmem_shared>>)
        tpu.yield
      }) : () -> ()
    }
    %while3A_18 = arith.constant 1 : i32
    scf.for %while3A_33 = %while3A_16 to %while3A_12 step %while3A_18  : i32 {
      %add3A_34 = arith.addi %add3A, %while3A_33 : i32
      %mul3A_35 = arith.constant 128 : i32
      %mul3A_36 = arith.muli %add3A_34, %mul3A_35 : i32
      "tpu.region"() ({
        %run_scoped3A_183 = tpu.sem_alloc : memref<!tpu.dma_semaphore, #tpu.memory_space<semaphore_mem>>
        %dma_start3A = tpu.memref_slice %arg4[%mul3A_36] : memref<160000xi32, #tpu.memory_space<hbm>> -> memref<128xi32, #tpu.memory_space<hbm>>
        %dma_start3A_184 = tpu.memref_slice %arg4[%mul3A_36] : memref<160000xi32, #tpu.memory_space<hbm>> -> memref<128xi32, #tpu.memory_space<hbm>>
        tpu.enqueue_dma source(%dma_start3A_184 : memref<128xi32, #tpu.memory_space<hbm>>) target(%arg7 : memref<128xi32, #tpu.memory_space<vmem>>) target_semaphore(%run_scoped3A_183 : memref<!tpu.dma_semaphore, #tpu.memory_space<semaphore_mem>>)
        %dma_wait3A = tpu.memref_slice %arg4[%mul3A_36] : memref<160000xi32, #tpu.memory_space<hbm>> -> memref<128xi32, #tpu.memory_space<hbm>>
        %dma_wait3A_185 = tpu.memref_slice %arg4[%mul3A_36] : memref<160000xi32, #tpu.memory_space<hbm>> -> memref<128xi32, #tpu.memory_space<hbm>>
        tpu.wait_dma2 semaphore(%run_scoped3A_183 : memref<!tpu.dma_semaphore, #tpu.memory_space<semaphore_mem>>) src(%dma_wait3A_185 : memref<128xi32, #tpu.memory_space<hbm>>) dst(%arg7 : memref<128xi32, #tpu.memory_space<vmem>>)
        tpu.yield
      }) : () -> ()
      "tpu.region"() ({
        %run_scoped3A_183 = tpu.sem_alloc : memref<!tpu.dma_semaphore, #tpu.memory_space<semaphore_mem>>
        %dma_start3A = arith.constant 0 : i32
        %dma_start3A_184 = tpu.memref_slice %arg2[%mul3A_36, %dma_start3A] : memref<160000x128xf32, #tpu.memory_space<hbm>> -> memref<128x128xf32, #tpu.memory_space<hbm>>
        %dma_start3A_185 = arith.constant 0 : i32
        %dma_start3A_186 = tpu.memref_slice %arg2[%mul3A_36, %dma_start3A_185] : memref<160000x128xf32, #tpu.memory_space<hbm>> -> memref<128x128xf32, #tpu.memory_space<hbm>>
        tpu.enqueue_dma source(%dma_start3A_186 : memref<128x128xf32, #tpu.memory_space<hbm>>) target(%arg8 : memref<128x128xf32, #tpu.memory_space<vmem>>) target_semaphore(%run_scoped3A_183 : memref<!tpu.dma_semaphore, #tpu.memory_space<semaphore_mem>>)
        %dma_wait3A = arith.constant 0 : i32
        %dma_wait3A_187 = tpu.memref_slice %arg2[%mul3A_36, %dma_wait3A] : memref<160000x128xf32, #tpu.memory_space<hbm>> -> memref<128x128xf32, #tpu.memory_space<hbm>>
        %dma_wait3A_188 = arith.constant 0 : i32
        %dma_wait3A_189 = tpu.memref_slice %arg2[%mul3A_36, %dma_wait3A_188] : memref<160000x128xf32, #tpu.memory_space<hbm>> -> memref<128x128xf32, #tpu.memory_space<hbm>>
        tpu.wait_dma2 semaphore(%run_scoped3A_183 : memref<!tpu.dma_semaphore, #tpu.memory_space<semaphore_mem>>) src(%dma_wait3A_189 : memref<128x128xf32, #tpu.memory_space<hbm>>) dst(%arg8 : memref<128x128xf32, #tpu.memory_space<vmem>>)
        tpu.yield
      }) : () -> ()
      %get3A = arith.constant 0 : index
      %get3A_37 = tpu.vector_load %arg7[%get3A] {strides = array<i32>} : memref<128xi32, #tpu.memory_space<vmem>>, vector<16xi32>,
      %get3A_38 = vector.shape_cast %get3A_37 : vector<16xi32> to vector<16xi32>
      %sub3A = vector.broadcast %mul3A_0 : i32 to vector<16xi32>
      %sub3A_39 = arith.subi %get3A_38, %sub3A : vector<16xi32>
      %ge3A = arith.constant 0 : i32
      %ge3A_40 = vector.broadcast %ge3A : i32 to vector<16xi32>
      %ge3A_41 = arith.cmpi sge, %sub3A_39, %ge3A_40 : vector<16xi32>
      %lt3A_42 = arith.constant 5000 : i32
      %lt3A_43 = vector.broadcast %lt3A_42 : i32 to vector<16xi32>
      %lt3A_44 = arith.cmpi slt, %sub3A_39, %lt3A_43 : vector<16xi32>
      %and3A = arith.andi %ge3A_41, %lt3A_44 : vector<16xi1>
      %jit3A_45 = arith.constant 5000 : i32
      %broadcast_in_dim3A = vector.broadcast %jit3A_45 : i32 to vector<16xi32>
      %select_n3A_46 = arith.select %and3A, %sub3A_39, %broadcast_in_dim3A : vector<16xi1>, vector<16xi32>
      %swap3A = arith.constant 0 : index
      %swap3A_47 = tpu.vector_load %arg7[%swap3A] {strides = array<i32>} : memref<128xi32, #tpu.memory_space<vmem>>, vector<16xi32>,
      %swap3A_48 = vector.shape_cast %swap3A_47 : vector<16xi32> to vector<16xi32>
      %swap3A_49 = vector.shape_cast %select_n3A_46 : vector<16xi32> to vector<16xi32>
      tpu.vector_store %arg7[%swap3A], %swap3A_49 {strides = array<i32>} : memref<128xi32, #tpu.memory_space<vmem>>, vector<16xi32>,
      %get3A_50 = arith.constant 16 : index
      %get3A_51 = tpu.vector_load %arg7[%get3A_50] {strides = array<i32>} : memref<128xi32, #tpu.memory_space<vmem>>, vector<16xi32>,
      %get3A_52 = vector.shape_cast %get3A_51 : vector<16xi32> to vector<16xi32>
      %sub3A_53 = vector.broadcast %mul3A_0 : i32 to vector<16xi32>
      %sub3A_54 = arith.subi %get3A_52, %sub3A_53 : vector<16xi32>
      %ge3A_55 = arith.constant 0 : i32
      %ge3A_56 = vector.broadcast %ge3A_55 : i32 to vector<16xi32>
      %ge3A_57 = arith.cmpi sge, %sub3A_54, %ge3A_56 : vector<16xi32>
      %lt3A_58 = arith.constant 5000 : i32
      %lt3A_59 = vector.broadcast %lt3A_58 : i32 to vector<16xi32>
      %lt3A_60 = arith.cmpi slt, %sub3A_54, %lt3A_59 : vector<16xi32>
      %and3A_61 = arith.andi %ge3A_57, %lt3A_60 : vector<16xi1>
      %jit3A_62 = arith.constant 5000 : i32
      %broadcast_in_dim3A_63 = vector.broadcast %jit3A_62 : i32 to vector<16xi32>
      %select_n3A_64 = arith.select %and3A_61, %sub3A_54, %broadcast_in_dim3A_63 : vector<16xi1>, vector<16xi32>
      %swap3A_65 = arith.constant 16 : index
      %swap3A_66 = tpu.vector_load %arg7[%swap3A_65] {strides = array<i32>} : memref<128xi32, #tpu.memory_space<vmem>>, vector<16xi32>,
      %swap3A_67 = vector.shape_cast %swap3A_66 : vector<16xi32> to vector<16xi32>
      %swap3A_68 = vector.shape_cast %select_n3A_64 : vector<16xi32> to vector<16xi32>
      tpu.vector_store %arg7[%swap3A_65], %swap3A_68 {strides = array<i32>} : memref<128xi32, #tpu.memory_space<vmem>>, vector<16xi32>,
      %get3A_69 = arith.constant 32 : index
      %get3A_70 = tpu.vector_load %arg7[%get3A_69] {strides = array<i32>} : memref<128xi32, #tpu.memory_space<vmem>>, vector<16xi32>,
      %get3A_71 = vector.shape_cast %get3A_70 : vector<16xi32> to vector<16xi32>
      %sub3A_72 = vector.broadcast %mul3A_0 : i32 to vector<16xi32>
      %sub3A_73 = arith.subi %get3A_71, %sub3A_72 : vector<16xi32>
      %ge3A_74 = arith.constant 0 : i32
      %ge3A_75 = vector.broadcast %ge3A_74 : i32 to vector<16xi32>
      %ge3A_76 = arith.cmpi sge, %sub3A_73, %ge3A_75 : vector<16xi32>
      %lt3A_77 = arith.constant 5000 : i32
      %lt3A_78 = vector.broadcast %lt3A_77 : i32 to vector<16xi32>
      %lt3A_79 = arith.cmpi slt, %sub3A_73, %lt3A_78 : vector<16xi32>
      %and3A_80 = arith.andi %ge3A_76, %lt3A_79 : vector<16xi1>
      %jit3A_81 = arith.constant 5000 : i32
      %broadcast_in_dim3A_82 = vector.broadcast %jit3A_81 : i32 to vector<16xi32>
      %select_n3A_83 = arith.select %and3A_80, %sub3A_73, %broadcast_in_dim3A_82 : vector<16xi1>, vector<16xi32>
      %swap3A_84 = arith.constant 32 : index
      %swap3A_85 = tpu.vector_load %arg7[%swap3A_84] {strides = array<i32>} : memref<128xi32, #tpu.memory_space<vmem>>, vector<16xi32>,
      %swap3A_86 = vector.shape_cast %swap3A_85 : vector<16xi32> to vector<16xi32>
      %swap3A_87 = vector.shape_cast %select_n3A_83 : vector<16xi32> to vector<16xi32>
      tpu.vector_store %arg7[%swap3A_84], %swap3A_87 {strides = array<i32>} : memref<128xi32, #tpu.memory_space<vmem>>, vector<16xi32>,
      %get3A_88 = arith.constant 48 : index
      %get3A_89 = tpu.vector_load %arg7[%get3A_88] {strides = array<i32>} : memref<128xi32, #tpu.memory_space<vmem>>, vector<16xi32>,
      %get3A_90 = vector.shape_cast %get3A_89 : vector<16xi32> to vector<16xi32>
      %sub3A_91 = vector.broadcast %mul3A_0 : i32 to vector<16xi32>
      %sub3A_92 = arith.subi %get3A_90, %sub3A_91 : vector<16xi32>
      %ge3A_93 = arith.constant 0 : i32
      %ge3A_94 = vector.broadcast %ge3A_93 : i32 to vector<16xi32>
      %ge3A_95 = arith.cmpi sge, %sub3A_92, %ge3A_94 : vector<16xi32>
      %lt3A_96 = arith.constant 5000 : i32
      %lt3A_97 = vector.broadcast %lt3A_96 : i32 to vector<16xi32>
      %lt3A_98 = arith.cmpi slt, %sub3A_92, %lt3A_97 : vector<16xi32>
      %and3A_99 = arith.andi %ge3A_95, %lt3A_98 : vector<16xi1>
      %jit3A_100 = arith.constant 5000 : i32
      %broadcast_in_dim3A_101 = vector.broadcast %jit3A_100 : i32 to vector<16xi32>
      %select_n3A_102 = arith.select %and3A_99, %sub3A_92, %broadcast_in_dim3A_101 : vector<16xi1>, vector<16xi32>
      %swap3A_103 = arith.constant 48 : index
      %swap3A_104 = tpu.vector_load %arg7[%swap3A_103] {strides = array<i32>} : memref<128xi32, #tpu.memory_space<vmem>>, vector<16xi32>,
      %swap3A_105 = vector.shape_cast %swap3A_104 : vector<16xi32> to vector<16xi32>
      %swap3A_106 = vector.shape_cast %select_n3A_102 : vector<16xi32> to vector<16xi32>
      tpu.vector_store %arg7[%swap3A_103], %swap3A_106 {strides = array<i32>} : memref<128xi32, #tpu.memory_space<vmem>>, vector<16xi32>,
      %get3A_107 = arith.constant 64 : index
      %get3A_108 = tpu.vector_load %arg7[%get3A_107] {strides = array<i32>} : memref<128xi32, #tpu.memory_space<vmem>>, vector<16xi32>,
      %get3A_109 = vector.shape_cast %get3A_108 : vector<16xi32> to vector<16xi32>
      %sub3A_110 = vector.broadcast %mul3A_0 : i32 to vector<16xi32>
      %sub3A_111 = arith.subi %get3A_109, %sub3A_110 : vector<16xi32>
      %ge3A_112 = arith.constant 0 : i32
      %ge3A_113 = vector.broadcast %ge3A_112 : i32 to vector<16xi32>
      %ge3A_114 = arith.cmpi sge, %sub3A_111, %ge3A_113 : vector<16xi32>
      %lt3A_115 = arith.constant 5000 : i32
      %lt3A_116 = vector.broadcast %lt3A_115 : i32 to vector<16xi32>
      %lt3A_117 = arith.cmpi slt, %sub3A_111, %lt3A_116 : vector<16xi32>
      %and3A_118 = arith.andi %ge3A_114, %lt3A_117 : vector<16xi1>
      %jit3A_119 = arith.constant 5000 : i32
      %broadcast_in_dim3A_120 = vector.broadcast %jit3A_119 : i32 to vector<16xi32>
      %select_n3A_121 = arith.select %and3A_118, %sub3A_111, %broadcast_in_dim3A_120 : vector<16xi1>, vector<16xi32>
      %swap3A_122 = arith.constant 64 : index
      %swap3A_123 = tpu.vector_load %arg7[%swap3A_122] {strides = array<i32>} : memref<128xi32, #tpu.memory_space<vmem>>, vector<16xi32>,
      %swap3A_124 = vector.shape_cast %swap3A_123 : vector<16xi32> to vector<16xi32>
      %swap3A_125 = vector.shape_cast %select_n3A_121 : vector<16xi32> to vector<16xi32>
      tpu.vector_store %arg7[%swap3A_122], %swap3A_125 {strides = array<i32>} : memref<128xi32, #tpu.memory_space<vmem>>, vector<16xi32>,
      %get3A_126 = arith.constant 80 : index
      %get3A_127 = tpu.vector_load %arg7[%get3A_126] {strides = array<i32>} : memref<128xi32, #tpu.memory_space<vmem>>, vector<16xi32>,
      %get3A_128 = vector.shape_cast %get3A_127 : vector<16xi32> to vector<16xi32>
      %sub3A_129 = vector.broadcast %mul3A_0 : i32 to vector<16xi32>
      %sub3A_130 = arith.subi %get3A_128, %sub3A_129 : vector<16xi32>
      %ge3A_131 = arith.constant 0 : i32
      %ge3A_132 = vector.broadcast %ge3A_131 : i32 to vector<16xi32>
      %ge3A_133 = arith.cmpi sge, %sub3A_130, %ge3A_132 : vector<16xi32>
      %lt3A_134 = arith.constant 5000 : i32
      %lt3A_135 = vector.broadcast %lt3A_134 : i32 to vector<16xi32>
      %lt3A_136 = arith.cmpi slt, %sub3A_130, %lt3A_135 : vector<16xi32>
      %and3A_137 = arith.andi %ge3A_133, %lt3A_136 : vector<16xi1>
      %jit3A_138 = arith.constant 5000 : i32
      %broadcast_in_dim3A_139 = vector.broadcast %jit3A_138 : i32 to vector<16xi32>
      %select_n3A_140 = arith.select %and3A_137, %sub3A_130, %broadcast_in_dim3A_139 : vector<16xi1>, vector<16xi32>
      %swap3A_141 = arith.constant 80 : index
      %swap3A_142 = tpu.vector_load %arg7[%swap3A_141] {strides = array<i32>} : memref<128xi32, #tpu.memory_space<vmem>>, vector<16xi32>,
      %swap3A_143 = vector.shape_cast %swap3A_142 : vector<16xi32> to vector<16xi32>
      %swap3A_144 = vector.shape_cast %select_n3A_140 : vector<16xi32> to vector<16xi32>
      tpu.vector_store %arg7[%swap3A_141], %swap3A_144 {strides = array<i32>} : memref<128xi32, #tpu.memory_space<vmem>>, vector<16xi32>,
      %get3A_145 = arith.constant 96 : index
      %get3A_146 = tpu.vector_load %arg7[%get3A_145] {strides = array<i32>} : memref<128xi32, #tpu.memory_space<vmem>>, vector<16xi32>,
      %get3A_147 = vector.shape_cast %get3A_146 : vector<16xi32> to vector<16xi32>
      %sub3A_148 = vector.broadcast %mul3A_0 : i32 to vector<16xi32>
      %sub3A_149 = arith.subi %get3A_147, %sub3A_148 : vector<16xi32>
      %ge3A_150 = arith.constant 0 : i32
      %ge3A_151 = vector.broadcast %ge3A_150 : i32 to vector<16xi32>
      %ge3A_152 = arith.cmpi sge, %sub3A_149, %ge3A_151 : vector<16xi32>
      %lt3A_153 = arith.constant 5000 : i32
      %lt3A_154 = vector.broadcast %lt3A_153 : i32 to vector<16xi32>
      %lt3A_155 = arith.cmpi slt, %sub3A_149, %lt3A_154 : vector<16xi32>
      %and3A_156 = arith.andi %ge3A_152, %lt3A_155 : vector<16xi1>
      %jit3A_157 = arith.constant 5000 : i32
      %broadcast_in_dim3A_158 = vector.broadcast %jit3A_157 : i32 to vector<16xi32>
      %select_n3A_159 = arith.select %and3A_156, %sub3A_149, %broadcast_in_dim3A_158 : vector<16xi1>, vector<16xi32>
      %swap3A_160 = arith.constant 96 : index
      %swap3A_161 = tpu.vector_load %arg7[%swap3A_160] {strides = array<i32>} : memref<128xi32, #tpu.memory_space<vmem>>, vector<16xi32>,
      %swap3A_162 = vector.shape_cast %swap3A_161 : vector<16xi32> to vector<16xi32>
      %swap3A_163 = vector.shape_cast %select_n3A_159 : vector<16xi32> to vector<16xi32>
      tpu.vector_store %arg7[%swap3A_160], %swap3A_163 {strides = array<i32>} : memref<128xi32, #tpu.memory_space<vmem>>, vector<16xi32>,
      %get3A_164 = arith.constant 112 : index
      %get3A_165 = tpu.vector_load %arg7[%get3A_164] {strides = array<i32>} : memref<128xi32, #tpu.memory_space<vmem>>, vector<16xi32>,
      %get3A_166 = vector.shape_cast %get3A_165 : vector<16xi32> to vector<16xi32>
      %sub3A_167 = vector.broadcast %mul3A_0 : i32 to vector<16xi32>
      %sub3A_168 = arith.subi %get3A_166, %sub3A_167 : vector<16xi32>
      %ge3A_169 = arith.constant 0 : i32
      %ge3A_170 = vector.broadcast %ge3A_169 : i32 to vector<16xi32>
      %ge3A_171 = arith.cmpi sge, %sub3A_168, %ge3A_170 : vector<16xi32>
      %lt3A_172 = arith.constant 5000 : i32
      %lt3A_173 = vector.broadcast %lt3A_172 : i32 to vector<16xi32>
      %lt3A_174 = arith.cmpi slt, %sub3A_168, %lt3A_173 : vector<16xi32>
      %and3A_175 = arith.andi %ge3A_171, %lt3A_174 : vector<16xi1>
      %jit3A_176 = arith.constant 5000 : i32
      %broadcast_in_dim3A_177 = vector.broadcast %jit3A_176 : i32 to vector<16xi32>
      %select_n3A_178 = arith.select %and3A_175, %sub3A_168, %broadcast_in_dim3A_177 : vector<16xi1>, vector<16xi32>
      %swap3A_179 = arith.constant 112 : index
      %swap3A_180 = tpu.vector_load %arg7[%swap3A_179] {strides = array<i32>} : memref<128xi32, #tpu.memory_space<vmem>>, vector<16xi32>,
      %swap3A_181 = vector.shape_cast %swap3A_180 : vector<16xi32> to vector<16xi32>
      %swap3A_182 = vector.shape_cast %select_n3A_178 : vector<16xi32> to vector<16xi32>
      tpu.vector_store %arg7[%swap3A_179], %swap3A_182 {strides = array<i32>} : memref<128xi32, #tpu.memory_space<vmem>>, vector<16xi32>,
      "tpu.region"() ({
        %run_scoped3A_183 = tpu.sem_alloc : memref<!tpu.dma_semaphore, #tpu.memory_space<semaphore_mem>>
        %dma_start3A = arith.constant 0 : i32
        %dma_start3A_184 = arith.constant 0 : i32
        %dma_start3A_185 = tpu.memref_slice %arg10[%dma_start3A, %dma_start3A_184] : memref<5120x128xf32, #tpu.memory_space<vmem_shared>> -> memref<5120x128xf32, #tpu.memory_space<vmem_shared>>
        tpu.enqueue_indirect_dma source(%arg8 : memref<128x128xf32, #tpu.memory_space<vmem>>) target(%dma_start3A_185 : memref<5120x128xf32, #tpu.memory_space<vmem_shared>>) offsets(%arg7 : memref<128xi32, #tpu.memory_space<vmem>>) semaphore(%run_scoped3A_183 : memref<!tpu.dma_semaphore, #tpu.memory_space<semaphore_mem>>) {add = true}
        %dma_wait3A = arith.constant 0 : i32
        %dma_wait3A_186 = arith.constant 0 : i32
        %dma_wait3A_187 = tpu.memref_slice %arg10[%dma_wait3A, %dma_wait3A_186] : memref<5120x128xf32, #tpu.memory_space<vmem_shared>> -> memref<5120x128xf32, #tpu.memory_space<vmem_shared>>
        tpu.wait_indirect_dma semaphore(%run_scoped3A_183 : memref<!tpu.dma_semaphore, #tpu.memory_space<semaphore_mem>>) src(%arg8 : memref<128x128xf32, #tpu.memory_space<vmem>>) dst(%dma_wait3A_187 : memref<5120x128xf32, #tpu.memory_space<vmem_shared>>)
        tpu.yield
      }) : () -> ()
    }
    %barrier3A_19 = arith.constant 0 : index
    tpu.barrier barrier_id(%barrier3A_19)
    "tpu.region"() ({
      %run_scoped3A_33 = tpu.sem_alloc : memref<!tpu.dma_semaphore, #tpu.memory_space<semaphore_mem>>
      %dma_start3A = arith.constant 0 : i32
      %dma_start3A_34 = tpu.memref_slice %arg10[%mul3A_9, %dma_start3A] : memref<5120x128xf32, #tpu.memory_space<vmem_shared>> -> memref<320x128xf32, #tpu.memory_space<vmem_shared>>
      %dma_start3A_35 = arith.constant 0 : i32
      %dma_start3A_36 = tpu.memref_slice %arg10[%mul3A_9, %dma_start3A_35] : memref<5120x128xf32, #tpu.memory_space<vmem_shared>> -> memref<320x128xf32, #tpu.memory_space<vmem_shared>>
      tpu.enqueue_dma source(%dma_start3A_36 : memref<320x128xf32, #tpu.memory_space<vmem_shared>>) target(%arg9 : memref<320x128xf32, #tpu.memory_space<vmem>>) target_semaphore(%run_scoped3A_33 : memref<!tpu.dma_semaphore, #tpu.memory_space<semaphore_mem>>)
      %dma_wait3A = arith.constant 0 : i32
      %dma_wait3A_37 = tpu.memref_slice %arg10[%mul3A_9, %dma_wait3A] : memref<5120x128xf32, #tpu.memory_space<vmem_shared>> -> memref<320x128xf32, #tpu.memory_space<vmem_shared>>
      %dma_wait3A_38 = arith.constant 0 : i32
      %dma_wait3A_39 = tpu.memref_slice %arg10[%mul3A_9, %dma_wait3A_38] : memref<5120x128xf32, #tpu.memory_space<vmem_shared>> -> memref<320x128xf32, #tpu.memory_space<vmem_shared>>
      tpu.wait_dma2 semaphore(%run_scoped3A_33 : memref<!tpu.dma_semaphore, #tpu.memory_space<semaphore_mem>>) src(%dma_wait3A_39 : memref<320x128xf32, #tpu.memory_space<vmem_shared>>) dst(%arg9 : memref<320x128xf32, #tpu.memory_space<vmem>>)
      tpu.yield
    }) : () -> ()
    %run_scoped3A = arith.constant 0 : i32
    "tpu.region"() ({
      %run_scoped3A_33 = tpu.sem_alloc : memref<!tpu.dma_semaphore, #tpu.memory_space<semaphore_mem>>
      %dma_start3A = arith.constant 0 : i32
      %dma_start3A_34 = tpu.memref_slice %arg6[%arg0, %run_scoped3A, %mul3A_9, %dma_start3A] : memref<2x2x5120x128xf32, #tpu.memory_space<hbm>> -> memref<1x1x320x128xf32, #tpu.memory_space<hbm>>
      %dma_start3A_35 = tpu.memref_squeeze %dma_start3A_34 : memref<1x1x320x128xf32, #tpu.memory_space<hbm>> -> memref<320x128xf32, #tpu.memory_space<hbm>>
      %dma_start3A_36 = arith.constant 0 : i32
      %dma_start3A_37 = tpu.memref_slice %arg6[%arg0, %run_scoped3A, %mul3A_9, %dma_start3A_36] : memref<2x2x5120x128xf32, #tpu.memory_space<hbm>> -> memref<1x1x320x128xf32, #tpu.memory_space<hbm>>
      %dma_start3A_38 = tpu.memref_squeeze %dma_start3A_37 : memref<1x1x320x128xf32, #tpu.memory_space<hbm>> -> memref<320x128xf32, #tpu.memory_space<hbm>>
      tpu.enqueue_dma source(%arg9 : memref<320x128xf32, #tpu.memory_space<vmem>>) target(%dma_start3A_38 : memref<320x128xf32, #tpu.memory_space<hbm>>) target_semaphore(%run_scoped3A_33 : memref<!tpu.dma_semaphore, #tpu.memory_space<semaphore_mem>>)
      %dma_wait3A = arith.constant 0 : i32
      %dma_wait3A_39 = tpu.memref_slice %arg6[%arg0, %run_scoped3A, %mul3A_9, %dma_wait3A] : memref<2x2x5120x128xf32, #tpu.memory_space<hbm>> -> memref<1x1x320x128xf32, #tpu.memory_space<hbm>>
      %dma_wait3A_40 = tpu.memref_squeeze %dma_wait3A_39 : memref<1x1x320x128xf32, #tpu.memory_space<hbm>> -> memref<320x128xf32, #tpu.memory_space<hbm>>
      %dma_wait3A_41 = arith.constant 0 : i32
      %dma_wait3A_42 = tpu.memref_slice %arg6[%arg0, %run_scoped3A, %mul3A_9, %dma_wait3A_41] : memref<2x2x5120x128xf32, #tpu.memory_space<hbm>> -> memref<1x1x320x128xf32, #tpu.memory_space<hbm>>
      %dma_wait3A_43 = tpu.memref_squeeze %dma_wait3A_42 : memref<1x1x320x128xf32, #tpu.memory_space<hbm>> -> memref<320x128xf32, #tpu.memory_space<hbm>>
      tpu.wait_dma2 semaphore(%run_scoped3A_33 : memref<!tpu.dma_semaphore, #tpu.memory_space<semaphore_mem>>) src(%arg9 : memref<320x128xf32, #tpu.memory_space<vmem>>) dst(%dma_wait3A_43 : memref<320x128xf32, #tpu.memory_space<hbm>>)
      tpu.yield
    }) : () -> ()
    "tpu.region"() ({
      %run_scoped3A_33 = tpu.sem_alloc : memref<!tpu.dma_semaphore, #tpu.memory_space<semaphore_mem>>
      tpu.enqueue_dma source(%arg5 : memref<320x128xf32, #tpu.memory_space<hbm>>) target(%arg9 : memref<320x128xf32, #tpu.memory_space<vmem>>) target_semaphore(%run_scoped3A_33 : memref<!tpu.dma_semaphore, #tpu.memory_space<semaphore_mem>>)
      tpu.wait_dma2 semaphore(%run_scoped3A_33 : memref<!tpu.dma_semaphore, #tpu.memory_space<semaphore_mem>>) src(%arg5 : memref<320x128xf32, #tpu.memory_space<hbm>>) dst(%arg9 : memref<320x128xf32, #tpu.memory_space<vmem>>)
      tpu.yield
    }) : () -> ()
    "tpu.region"() ({
      %run_scoped3A_33 = tpu.sem_alloc : memref<!tpu.dma_semaphore, #tpu.memory_space<semaphore_mem>>
      %dma_start3A = arith.constant 0 : i32
      %dma_start3A_34 = tpu.memref_slice %arg10[%mul3A_9, %dma_start3A] : memref<5120x128xf32, #tpu.memory_space<vmem_shared>> -> memref<320x128xf32, #tpu.memory_space<vmem_shared>>
      %dma_start3A_35 = arith.constant 0 : i32
      %dma_start3A_36 = tpu.memref_slice %arg10[%mul3A_9, %dma_start3A_35] : memref<5120x128xf32, #tpu.memory_space<vmem_shared>> -> memref<320x128xf32, #tpu.memory_space<vmem_shared>>
      tpu.enqueue_dma source(%arg9 : memref<320x128xf32, #tpu.memory_space<vmem>>) target(%dma_start3A_36 : memref<320x128xf32, #tpu.memory_space<vmem_shared>>) target_semaphore(%run_scoped3A_33 : memref<!tpu.dma_semaphore, #tpu.memory_space<semaphore_mem>>)
      %dma_wait3A = arith.constant 0 : i32
      %dma_wait3A_37 = tpu.memref_slice %arg10[%mul3A_9, %dma_wait3A] : memref<5120x128xf32, #tpu.memory_space<vmem_shared>> -> memref<320x128xf32, #tpu.memory_space<vmem_shared>>
      %dma_wait3A_38 = arith.constant 0 : i32
      %dma_wait3A_39 = tpu.memref_slice %arg10[%mul3A_9, %dma_wait3A_38] : memref<5120x128xf32, #tpu.memory_space<vmem_shared>> -> memref<320x128xf32, #tpu.memory_space<vmem_shared>>
      tpu.wait_dma2 semaphore(%run_scoped3A_33 : memref<!tpu.dma_semaphore, #tpu.memory_space<semaphore_mem>>) src(%arg9 : memref<320x128xf32, #tpu.memory_space<vmem>>) dst(%dma_wait3A_39 : memref<320x128xf32, #tpu.memory_space<vmem_shared>>)
      tpu.yield
    }) : () -> ()
    %barrier3A_20 = arith.constant 0 : index
    tpu.barrier barrier_id(%barrier3A_20)
    %while3A_21 = arith.constant 0 : i32
    %while3A_22 = arith.constant 0 : i32
    %while3A_23 = arith.subi %add3A_7, %while3A_22 : i32
    %while3A_24 = arith.addi %while3A_22, %while3A_23 : i32
    %while3A_25 = arith.constant 1 : i32
    %while3A_26 = arith.divsi %while3A_23, %while3A_25 : i32
    %while3A_27 = arith.muli %while3A_26, %while3A_25 : i32
    %while3A_28 = arith.addi %while3A_22, %while3A_27 : i32
    %while3A_29 = arith.constant 1 : i32
    scf.for %while3A_33 = %while3A_22 to %while3A_28 step %while3A_29  : i32 {
      %add3A_34 = arith.addi %add3A, %while3A_33 : i32
      %mul3A_35 = arith.constant 128 : i32
      %mul3A_36 = arith.muli %add3A_34, %mul3A_35 : i32
      "tpu.region"() ({
        %run_scoped3A_183 = tpu.sem_alloc : memref<!tpu.dma_semaphore, #tpu.memory_space<semaphore_mem>>
        %dma_start3A = tpu.memref_slice %arg4[%mul3A_36] : memref<160000xi32, #tpu.memory_space<hbm>> -> memref<128xi32, #tpu.memory_space<hbm>>
        %dma_start3A_184 = tpu.memref_slice %arg4[%mul3A_36] : memref<160000xi32, #tpu.memory_space<hbm>> -> memref<128xi32, #tpu.memory_space<hbm>>
        tpu.enqueue_dma source(%dma_start3A_184 : memref<128xi32, #tpu.memory_space<hbm>>) target(%arg7 : memref<128xi32, #tpu.memory_space<vmem>>) target_semaphore(%run_scoped3A_183 : memref<!tpu.dma_semaphore, #tpu.memory_space<semaphore_mem>>)
        %dma_wait3A = tpu.memref_slice %arg4[%mul3A_36] : memref<160000xi32, #tpu.memory_space<hbm>> -> memref<128xi32, #tpu.memory_space<hbm>>
        %dma_wait3A_185 = tpu.memref_slice %arg4[%mul3A_36] : memref<160000xi32, #tpu.memory_space<hbm>> -> memref<128xi32, #tpu.memory_space<hbm>>
        tpu.wait_dma2 semaphore(%run_scoped3A_183 : memref<!tpu.dma_semaphore, #tpu.memory_space<semaphore_mem>>) src(%dma_wait3A_185 : memref<128xi32, #tpu.memory_space<hbm>>) dst(%arg7 : memref<128xi32, #tpu.memory_space<vmem>>)
        tpu.yield
      }) : () -> ()
      "tpu.region"() ({
        %run_scoped3A_183 = tpu.sem_alloc : memref<!tpu.dma_semaphore, #tpu.memory_space<semaphore_mem>>
        %dma_start3A = arith.constant 0 : i32
        %dma_start3A_184 = tpu.memref_slice %arg3[%mul3A_36, %dma_start3A] : memref<160000x128xf32, #tpu.memory_space<hbm>> -> memref<128x128xf32, #tpu.memory_space<hbm>>
        %dma_start3A_185 = arith.constant 0 : i32
        %dma_start3A_186 = tpu.memref_slice %arg3[%mul3A_36, %dma_start3A_185] : memref<160000x128xf32, #tpu.memory_space<hbm>> -> memref<128x128xf32, #tpu.memory_space<hbm>>
        tpu.enqueue_dma source(%dma_start3A_186 : memref<128x128xf32, #tpu.memory_space<hbm>>) target(%arg8 : memref<128x128xf32, #tpu.memory_space<vmem>>) target_semaphore(%run_scoped3A_183 : memref<!tpu.dma_semaphore, #tpu.memory_space<semaphore_mem>>)
        %dma_wait3A = arith.constant 0 : i32
        %dma_wait3A_187 = tpu.memref_slice %arg3[%mul3A_36, %dma_wait3A] : memref<160000x128xf32, #tpu.memory_space<hbm>> -> memref<128x128xf32, #tpu.memory_space<hbm>>
        %dma_wait3A_188 = arith.constant 0 : i32
        %dma_wait3A_189 = tpu.memref_slice %arg3[%mul3A_36, %dma_wait3A_188] : memref<160000x128xf32, #tpu.memory_space<hbm>> -> memref<128x128xf32, #tpu.memory_space<hbm>>
        tpu.wait_dma2 semaphore(%run_scoped3A_183 : memref<!tpu.dma_semaphore, #tpu.memory_space<semaphore_mem>>) src(%dma_wait3A_189 : memref<128x128xf32, #tpu.memory_space<hbm>>) dst(%arg8 : memref<128x128xf32, #tpu.memory_space<vmem>>)
        tpu.yield
      }) : () -> ()
      %get3A = arith.constant 0 : index
      %get3A_37 = tpu.vector_load %arg7[%get3A] {strides = array<i32>} : memref<128xi32, #tpu.memory_space<vmem>>, vector<16xi32>,
      %get3A_38 = vector.shape_cast %get3A_37 : vector<16xi32> to vector<16xi32>
      %sub3A = vector.broadcast %mul3A_0 : i32 to vector<16xi32>
      %sub3A_39 = arith.subi %get3A_38, %sub3A : vector<16xi32>
      %ge3A = arith.constant 0 : i32
      %ge3A_40 = vector.broadcast %ge3A : i32 to vector<16xi32>
      %ge3A_41 = arith.cmpi sge, %sub3A_39, %ge3A_40 : vector<16xi32>
      %lt3A_42 = arith.constant 5000 : i32
      %lt3A_43 = vector.broadcast %lt3A_42 : i32 to vector<16xi32>
      %lt3A_44 = arith.cmpi slt, %sub3A_39, %lt3A_43 : vector<16xi32>
      %and3A = arith.andi %ge3A_41, %lt3A_44 : vector<16xi1>
      %jit3A_45 = arith.constant 5000 : i32
      %broadcast_in_dim3A = vector.broadcast %jit3A_45 : i32 to vector<16xi32>
      %select_n3A_46 = arith.select %and3A, %sub3A_39, %broadcast_in_dim3A : vector<16xi1>, vector<16xi32>
      %swap3A = arith.constant 0 : index
      %swap3A_47 = tpu.vector_load %arg7[%swap3A] {strides = array<i32>} : memref<128xi32, #tpu.memory_space<vmem>>, vector<16xi32>,
      %swap3A_48 = vector.shape_cast %swap3A_47 : vector<16xi32> to vector<16xi32>
      %swap3A_49 = vector.shape_cast %select_n3A_46 : vector<16xi32> to vector<16xi32>
      tpu.vector_store %arg7[%swap3A], %swap3A_49 {strides = array<i32>} : memref<128xi32, #tpu.memory_space<vmem>>, vector<16xi32>,
      %get3A_50 = arith.constant 16 : index
      %get3A_51 = tpu.vector_load %arg7[%get3A_50] {strides = array<i32>} : memref<128xi32, #tpu.memory_space<vmem>>, vector<16xi32>,
      %get3A_52 = vector.shape_cast %get3A_51 : vector<16xi32> to vector<16xi32>
      %sub3A_53 = vector.broadcast %mul3A_0 : i32 to vector<16xi32>
      %sub3A_54 = arith.subi %get3A_52, %sub3A_53 : vector<16xi32>
      %ge3A_55 = arith.constant 0 : i32
      %ge3A_56 = vector.broadcast %ge3A_55 : i32 to vector<16xi32>
      %ge3A_57 = arith.cmpi sge, %sub3A_54, %ge3A_56 : vector<16xi32>
      %lt3A_58 = arith.constant 5000 : i32
      %lt3A_59 = vector.broadcast %lt3A_58 : i32 to vector<16xi32>
      %lt3A_60 = arith.cmpi slt, %sub3A_54, %lt3A_59 : vector<16xi32>
      %and3A_61 = arith.andi %ge3A_57, %lt3A_60 : vector<16xi1>
      %jit3A_62 = arith.constant 5000 : i32
      %broadcast_in_dim3A_63 = vector.broadcast %jit3A_62 : i32 to vector<16xi32>
      %select_n3A_64 = arith.select %and3A_61, %sub3A_54, %broadcast_in_dim3A_63 : vector<16xi1>, vector<16xi32>
      %swap3A_65 = arith.constant 16 : index
      %swap3A_66 = tpu.vector_load %arg7[%swap3A_65] {strides = array<i32>} : memref<128xi32, #tpu.memory_space<vmem>>, vector<16xi32>,
      %swap3A_67 = vector.shape_cast %swap3A_66 : vector<16xi32> to vector<16xi32>
      %swap3A_68 = vector.shape_cast %select_n3A_64 : vector<16xi32> to vector<16xi32>
      tpu.vector_store %arg7[%swap3A_65], %swap3A_68 {strides = array<i32>} : memref<128xi32, #tpu.memory_space<vmem>>, vector<16xi32>,
      %get3A_69 = arith.constant 32 : index
      %get3A_70 = tpu.vector_load %arg7[%get3A_69] {strides = array<i32>} : memref<128xi32, #tpu.memory_space<vmem>>, vector<16xi32>,
      %get3A_71 = vector.shape_cast %get3A_70 : vector<16xi32> to vector<16xi32>
      %sub3A_72 = vector.broadcast %mul3A_0 : i32 to vector<16xi32>
      %sub3A_73 = arith.subi %get3A_71, %sub3A_72 : vector<16xi32>
      %ge3A_74 = arith.constant 0 : i32
      %ge3A_75 = vector.broadcast %ge3A_74 : i32 to vector<16xi32>
      %ge3A_76 = arith.cmpi sge, %sub3A_73, %ge3A_75 : vector<16xi32>
      %lt3A_77 = arith.constant 5000 : i32
      %lt3A_78 = vector.broadcast %lt3A_77 : i32 to vector<16xi32>
      %lt3A_79 = arith.cmpi slt, %sub3A_73, %lt3A_78 : vector<16xi32>
      %and3A_80 = arith.andi %ge3A_76, %lt3A_79 : vector<16xi1>
      %jit3A_81 = arith.constant 5000 : i32
      %broadcast_in_dim3A_82 = vector.broadcast %jit3A_81 : i32 to vector<16xi32>
      %select_n3A_83 = arith.select %and3A_80, %sub3A_73, %broadcast_in_dim3A_82 : vector<16xi1>, vector<16xi32>
      %swap3A_84 = arith.constant 32 : index
      %swap3A_85 = tpu.vector_load %arg7[%swap3A_84] {strides = array<i32>} : memref<128xi32, #tpu.memory_space<vmem>>, vector<16xi32>,
      %swap3A_86 = vector.shape_cast %swap3A_85 : vector<16xi32> to vector<16xi32>
      %swap3A_87 = vector.shape_cast %select_n3A_83 : vector<16xi32> to vector<16xi32>
      tpu.vector_store %arg7[%swap3A_84], %swap3A_87 {strides = array<i32>} : memref<128xi32, #tpu.memory_space<vmem>>, vector<16xi32>,
      %get3A_88 = arith.constant 48 : index
      %get3A_89 = tpu.vector_load %arg7[%get3A_88] {strides = array<i32>} : memref<128xi32, #tpu.memory_space<vmem>>, vector<16xi32>,
      %get3A_90 = vector.shape_cast %get3A_89 : vector<16xi32> to vector<16xi32>
      %sub3A_91 = vector.broadcast %mul3A_0 : i32 to vector<16xi32>
      %sub3A_92 = arith.subi %get3A_90, %sub3A_91 : vector<16xi32>
      %ge3A_93 = arith.constant 0 : i32
      %ge3A_94 = vector.broadcast %ge3A_93 : i32 to vector<16xi32>
      %ge3A_95 = arith.cmpi sge, %sub3A_92, %ge3A_94 : vector<16xi32>
      %lt3A_96 = arith.constant 5000 : i32
      %lt3A_97 = vector.broadcast %lt3A_96 : i32 to vector<16xi32>
      %lt3A_98 = arith.cmpi slt, %sub3A_92, %lt3A_97 : vector<16xi32>
      %and3A_99 = arith.andi %ge3A_95, %lt3A_98 : vector<16xi1>
      %jit3A_100 = arith.constant 5000 : i32
      %broadcast_in_dim3A_101 = vector.broadcast %jit3A_100 : i32 to vector<16xi32>
      %select_n3A_102 = arith.select %and3A_99, %sub3A_92, %broadcast_in_dim3A_101 : vector<16xi1>, vector<16xi32>
      %swap3A_103 = arith.constant 48 : index
      %swap3A_104 = tpu.vector_load %arg7[%swap3A_103] {strides = array<i32>} : memref<128xi32, #tpu.memory_space<vmem>>, vector<16xi32>,
      %swap3A_105 = vector.shape_cast %swap3A_104 : vector<16xi32> to vector<16xi32>
      %swap3A_106 = vector.shape_cast %select_n3A_102 : vector<16xi32> to vector<16xi32>
      tpu.vector_store %arg7[%swap3A_103], %swap3A_106 {strides = array<i32>} : memref<128xi32, #tpu.memory_space<vmem>>, vector<16xi32>,
      %get3A_107 = arith.constant 64 : index
      %get3A_108 = tpu.vector_load %arg7[%get3A_107] {strides = array<i32>} : memref<128xi32, #tpu.memory_space<vmem>>, vector<16xi32>,
      %get3A_109 = vector.shape_cast %get3A_108 : vector<16xi32> to vector<16xi32>
      %sub3A_110 = vector.broadcast %mul3A_0 : i32 to vector<16xi32>
      %sub3A_111 = arith.subi %get3A_109, %sub3A_110 : vector<16xi32>
      %ge3A_112 = arith.constant 0 : i32
      %ge3A_113 = vector.broadcast %ge3A_112 : i32 to vector<16xi32>
      %ge3A_114 = arith.cmpi sge, %sub3A_111, %ge3A_113 : vector<16xi32>
      %lt3A_115 = arith.constant 5000 : i32
      %lt3A_116 = vector.broadcast %lt3A_115 : i32 to vector<16xi32>
      %lt3A_117 = arith.cmpi slt, %sub3A_111, %lt3A_116 : vector<16xi32>
      %and3A_118 = arith.andi %ge3A_114, %lt3A_117 : vector<16xi1>
      %jit3A_119 = arith.constant 5000 : i32
      %broadcast_in_dim3A_120 = vector.broadcast %jit3A_119 : i32 to vector<16xi32>
      %select_n3A_121 = arith.select %and3A_118, %sub3A_111, %broadcast_in_dim3A_120 : vector<16xi1>, vector<16xi32>
      %swap3A_122 = arith.constant 64 : index
      %swap3A_123 = tpu.vector_load %arg7[%swap3A_122] {strides = array<i32>} : memref<128xi32, #tpu.memory_space<vmem>>, vector<16xi32>,
      %swap3A_124 = vector.shape_cast %swap3A_123 : vector<16xi32> to vector<16xi32>
      %swap3A_125 = vector.shape_cast %select_n3A_121 : vector<16xi32> to vector<16xi32>
      tpu.vector_store %arg7[%swap3A_122], %swap3A_125 {strides = array<i32>} : memref<128xi32, #tpu.memory_space<vmem>>, vector<16xi32>,
      %get3A_126 = arith.constant 80 : index
      %get3A_127 = tpu.vector_load %arg7[%get3A_126] {strides = array<i32>} : memref<128xi32, #tpu.memory_space<vmem>>, vector<16xi32>,
      %get3A_128 = vector.shape_cast %get3A_127 : vector<16xi32> to vector<16xi32>
      %sub3A_129 = vector.broadcast %mul3A_0 : i32 to vector<16xi32>
      %sub3A_130 = arith.subi %get3A_128, %sub3A_129 : vector<16xi32>
      %ge3A_131 = arith.constant 0 : i32
      %ge3A_132 = vector.broadcast %ge3A_131 : i32 to vector<16xi32>
      %ge3A_133 = arith.cmpi sge, %sub3A_130, %ge3A_132 : vector<16xi32>
      %lt3A_134 = arith.constant 5000 : i32
      %lt3A_135 = vector.broadcast %lt3A_134 : i32 to vector<16xi32>
      %lt3A_136 = arith.cmpi slt, %sub3A_130, %lt3A_135 : vector<16xi32>
      %and3A_137 = arith.andi %ge3A_133, %lt3A_136 : vector<16xi1>
      %jit3A_138 = arith.constant 5000 : i32
      %broadcast_in_dim3A_139 = vector.broadcast %jit3A_138 : i32 to vector<16xi32>
      %select_n3A_140 = arith.select %and3A_137, %sub3A_130, %broadcast_in_dim3A_139 : vector<16xi1>, vector<16xi32>
      %swap3A_141 = arith.constant 80 : index
      %swap3A_142 = tpu.vector_load %arg7[%swap3A_141] {strides = array<i32>} : memref<128xi32, #tpu.memory_space<vmem>>, vector<16xi32>,
      %swap3A_143 = vector.shape_cast %swap3A_142 : vector<16xi32> to vector<16xi32>
      %swap3A_144 = vector.shape_cast %select_n3A_140 : vector<16xi32> to vector<16xi32>
      tpu.vector_store %arg7[%swap3A_141], %swap3A_144 {strides = array<i32>} : memref<128xi32, #tpu.memory_space<vmem>>, vector<16xi32>,
      %get3A_145 = arith.constant 96 : index
      %get3A_146 = tpu.vector_load %arg7[%get3A_145] {strides = array<i32>} : memref<128xi32, #tpu.memory_space<vmem>>, vector<16xi32>,
      %get3A_147 = vector.shape_cast %get3A_146 : vector<16xi32> to vector<16xi32>
      %sub3A_148 = vector.broadcast %mul3A_0 : i32 to vector<16xi32>
      %sub3A_149 = arith.subi %get3A_147, %sub3A_148 : vector<16xi32>
      %ge3A_150 = arith.constant 0 : i32
      %ge3A_151 = vector.broadcast %ge3A_150 : i32 to vector<16xi32>
      %ge3A_152 = arith.cmpi sge, %sub3A_149, %ge3A_151 : vector<16xi32>
      %lt3A_153 = arith.constant 5000 : i32
      %lt3A_154 = vector.broadcast %lt3A_153 : i32 to vector<16xi32>
      %lt3A_155 = arith.cmpi slt, %sub3A_149, %lt3A_154 : vector<16xi32>
      %and3A_156 = arith.andi %ge3A_152, %lt3A_155 : vector<16xi1>
      %jit3A_157 = arith.constant 5000 : i32
      %broadcast_in_dim3A_158 = vector.broadcast %jit3A_157 : i32 to vector<16xi32>
      %select_n3A_159 = arith.select %and3A_156, %sub3A_149, %broadcast_in_dim3A_158 : vector<16xi1>, vector<16xi32>
      %swap3A_160 = arith.constant 96 : index
      %swap3A_161 = tpu.vector_load %arg7[%swap3A_160] {strides = array<i32>} : memref<128xi32, #tpu.memory_space<vmem>>, vector<16xi32>,
      %swap3A_162 = vector.shape_cast %swap3A_161 : vector<16xi32> to vector<16xi32>
      %swap3A_163 = vector.shape_cast %select_n3A_159 : vector<16xi32> to vector<16xi32>
      tpu.vector_store %arg7[%swap3A_160], %swap3A_163 {strides = array<i32>} : memref<128xi32, #tpu.memory_space<vmem>>, vector<16xi32>,
      %get3A_164 = arith.constant 112 : index
      %get3A_165 = tpu.vector_load %arg7[%get3A_164] {strides = array<i32>} : memref<128xi32, #tpu.memory_space<vmem>>, vector<16xi32>,
      %get3A_166 = vector.shape_cast %get3A_165 : vector<16xi32> to vector<16xi32>
      %sub3A_167 = vector.broadcast %mul3A_0 : i32 to vector<16xi32>
      %sub3A_168 = arith.subi %get3A_166, %sub3A_167 : vector<16xi32>
      %ge3A_169 = arith.constant 0 : i32
      %ge3A_170 = vector.broadcast %ge3A_169 : i32 to vector<16xi32>
      %ge3A_171 = arith.cmpi sge, %sub3A_168, %ge3A_170 : vector<16xi32>
      %lt3A_172 = arith.constant 5000 : i32
      %lt3A_173 = vector.broadcast %lt3A_172 : i32 to vector<16xi32>
      %lt3A_174 = arith.cmpi slt, %sub3A_168, %lt3A_173 : vector<16xi32>
      %and3A_175 = arith.andi %ge3A_171, %lt3A_174 : vector<16xi1>
      %jit3A_176 = arith.constant 5000 : i32
      %broadcast_in_dim3A_177 = vector.broadcast %jit3A_176 : i32 to vector<16xi32>
      %select_n3A_178 = arith.select %and3A_175, %sub3A_168, %broadcast_in_dim3A_177 : vector<16xi1>, vector<16xi32>
      %swap3A_179 = arith.constant 112 : index
      %swap3A_180 = tpu.vector_load %arg7[%swap3A_179] {strides = array<i32>} : memref<128xi32, #tpu.memory_space<vmem>>, vector<16xi32>,
      %swap3A_181 = vector.shape_cast %swap3A_180 : vector<16xi32> to vector<16xi32>
      %swap3A_182 = vector.shape_cast %select_n3A_178 : vector<16xi32> to vector<16xi32>
      tpu.vector_store %arg7[%swap3A_179], %swap3A_182 {strides = array<i32>} : memref<128xi32, #tpu.memory_space<vmem>>, vector<16xi32>,
      "tpu.region"() ({
        %run_scoped3A_183 = tpu.sem_alloc : memref<!tpu.dma_semaphore, #tpu.memory_space<semaphore_mem>>
        %dma_start3A = arith.constant 0 : i32
        %dma_start3A_184 = arith.constant 0 : i32
        %dma_start3A_185 = tpu.memref_slice %arg10[%dma_start3A, %dma_start3A_184] : memref<5120x128xf32, #tpu.memory_space<vmem_shared>> -> memref<5120x128xf32, #tpu.memory_space<vmem_shared>>
        tpu.enqueue_indirect_dma source(%arg8 : memref<128x128xf32, #tpu.memory_space<vmem>>) target(%dma_start3A_185 : memref<5120x128xf32, #tpu.memory_space<vmem_shared>>) offsets(%arg7 : memref<128xi32, #tpu.memory_space<vmem>>) semaphore(%run_scoped3A_183 : memref<!tpu.dma_semaphore, #tpu.memory_space<semaphore_mem>>) {add = true}
        %dma_wait3A = arith.constant 0 : i32
        %dma_wait3A_186 = arith.constant 0 : i32
        %dma_wait3A_187 = tpu.memref_slice %arg10[%dma_wait3A, %dma_wait3A_186] : memref<5120x128xf32, #tpu.memory_space<vmem_shared>> -> memref<5120x128xf32, #tpu.memory_space<vmem_shared>>
        tpu.wait_indirect_dma semaphore(%run_scoped3A_183 : memref<!tpu.dma_semaphore, #tpu.memory_space<semaphore_mem>>) src(%arg8 : memref<128x128xf32, #tpu.memory_space<vmem>>) dst(%dma_wait3A_187 : memref<5120x128xf32, #tpu.memory_space<vmem_shared>>)
        tpu.yield
      }) : () -> ()
    }
    %while3A_30 = arith.constant 1 : i32
    scf.for %while3A_33 = %while3A_28 to %while3A_24 step %while3A_30  : i32 {
      %add3A_34 = arith.addi %add3A, %while3A_33 : i32
      %mul3A_35 = arith.constant 128 : i32
      %mul3A_36 = arith.muli %add3A_34, %mul3A_35 : i32
      "tpu.region"() ({
        %run_scoped3A_183 = tpu.sem_alloc : memref<!tpu.dma_semaphore, #tpu.memory_space<semaphore_mem>>
        %dma_start3A = tpu.memref_slice %arg4[%mul3A_36] : memref<160000xi32, #tpu.memory_space<hbm>> -> memref<128xi32, #tpu.memory_space<hbm>>
        %dma_start3A_184 = tpu.memref_slice %arg4[%mul3A_36] : memref<160000xi32, #tpu.memory_space<hbm>> -> memref<128xi32, #tpu.memory_space<hbm>>
        tpu.enqueue_dma source(%dma_start3A_184 : memref<128xi32, #tpu.memory_space<hbm>>) target(%arg7 : memref<128xi32, #tpu.memory_space<vmem>>) target_semaphore(%run_scoped3A_183 : memref<!tpu.dma_semaphore, #tpu.memory_space<semaphore_mem>>)
        %dma_wait3A = tpu.memref_slice %arg4[%mul3A_36] : memref<160000xi32, #tpu.memory_space<hbm>> -> memref<128xi32, #tpu.memory_space<hbm>>
        %dma_wait3A_185 = tpu.memref_slice %arg4[%mul3A_36] : memref<160000xi32, #tpu.memory_space<hbm>> -> memref<128xi32, #tpu.memory_space<hbm>>
        tpu.wait_dma2 semaphore(%run_scoped3A_183 : memref<!tpu.dma_semaphore, #tpu.memory_space<semaphore_mem>>) src(%dma_wait3A_185 : memref<128xi32, #tpu.memory_space<hbm>>) dst(%arg7 : memref<128xi32, #tpu.memory_space<vmem>>)
        tpu.yield
      }) : () -> ()
      "tpu.region"() ({
        %run_scoped3A_183 = tpu.sem_alloc : memref<!tpu.dma_semaphore, #tpu.memory_space<semaphore_mem>>
        %dma_start3A = arith.constant 0 : i32
        %dma_start3A_184 = tpu.memref_slice %arg3[%mul3A_36, %dma_start3A] : memref<160000x128xf32, #tpu.memory_space<hbm>> -> memref<128x128xf32, #tpu.memory_space<hbm>>
        %dma_start3A_185 = arith.constant 0 : i32
        %dma_start3A_186 = tpu.memref_slice %arg3[%mul3A_36, %dma_start3A_185] : memref<160000x128xf32, #tpu.memory_space<hbm>> -> memref<128x128xf32, #tpu.memory_space<hbm>>
        tpu.enqueue_dma source(%dma_start3A_186 : memref<128x128xf32, #tpu.memory_space<hbm>>) target(%arg8 : memref<128x128xf32, #tpu.memory_space<vmem>>) target_semaphore(%run_scoped3A_183 : memref<!tpu.dma_semaphore, #tpu.memory_space<semaphore_mem>>)
        %dma_wait3A = arith.constant 0 : i32
        %dma_wait3A_187 = tpu.memref_slice %arg3[%mul3A_36, %dma_wait3A] : memref<160000x128xf32, #tpu.memory_space<hbm>> -> memref<128x128xf32, #tpu.memory_space<hbm>>
        %dma_wait3A_188 = arith.constant 0 : i32
        %dma_wait3A_189 = tpu.memref_slice %arg3[%mul3A_36, %dma_wait3A_188] : memref<160000x128xf32, #tpu.memory_space<hbm>> -> memref<128x128xf32, #tpu.memory_space<hbm>>
        tpu.wait_dma2 semaphore(%run_scoped3A_183 : memref<!tpu.dma_semaphore, #tpu.memory_space<semaphore_mem>>) src(%dma_wait3A_189 : memref<128x128xf32, #tpu.memory_space<hbm>>) dst(%arg8 : memref<128x128xf32, #tpu.memory_space<vmem>>)
        tpu.yield
      }) : () -> ()
      %get3A = arith.constant 0 : index
      %get3A_37 = tpu.vector_load %arg7[%get3A] {strides = array<i32>} : memref<128xi32, #tpu.memory_space<vmem>>, vector<16xi32>,
      %get3A_38 = vector.shape_cast %get3A_37 : vector<16xi32> to vector<16xi32>
      %sub3A = vector.broadcast %mul3A_0 : i32 to vector<16xi32>
      %sub3A_39 = arith.subi %get3A_38, %sub3A : vector<16xi32>
      %ge3A = arith.constant 0 : i32
      %ge3A_40 = vector.broadcast %ge3A : i32 to vector<16xi32>
      %ge3A_41 = arith.cmpi sge, %sub3A_39, %ge3A_40 : vector<16xi32>
      %lt3A_42 = arith.constant 5000 : i32
      %lt3A_43 = vector.broadcast %lt3A_42 : i32 to vector<16xi32>
      %lt3A_44 = arith.cmpi slt, %sub3A_39, %lt3A_43 : vector<16xi32>
      %and3A = arith.andi %ge3A_41, %lt3A_44 : vector<16xi1>
      %jit3A_45 = arith.constant 5000 : i32
      %broadcast_in_dim3A = vector.broadcast %jit3A_45 : i32 to vector<16xi32>
      %select_n3A_46 = arith.select %and3A, %sub3A_39, %broadcast_in_dim3A : vector<16xi1>, vector<16xi32>
      %swap3A = arith.constant 0 : index
      %swap3A_47 = tpu.vector_load %arg7[%swap3A] {strides = array<i32>} : memref<128xi32, #tpu.memory_space<vmem>>, vector<16xi32>,
      %swap3A_48 = vector.shape_cast %swap3A_47 : vector<16xi32> to vector<16xi32>
      %swap3A_49 = vector.shape_cast %select_n3A_46 : vector<16xi32> to vector<16xi32>
      tpu.vector_store %arg7[%swap3A], %swap3A_49 {strides = array<i32>} : memref<128xi32, #tpu.memory_space<vmem>>, vector<16xi32>,
      %get3A_50 = arith.constant 16 : index
      %get3A_51 = tpu.vector_load %arg7[%get3A_50] {strides = array<i32>} : memref<128xi32, #tpu.memory_space<vmem>>, vector<16xi32>,
      %get3A_52 = vector.shape_cast %get3A_51 : vector<16xi32> to vector<16xi32>
      %sub3A_53 = vector.broadcast %mul3A_0 : i32 to vector<16xi32>
      %sub3A_54 = arith.subi %get3A_52, %sub3A_53 : vector<16xi32>
      %ge3A_55 = arith.constant 0 : i32
      %ge3A_56 = vector.broadcast %ge3A_55 : i32 to vector<16xi32>
      %ge3A_57 = arith.cmpi sge, %sub3A_54, %ge3A_56 : vector<16xi32>
      %lt3A_58 = arith.constant 5000 : i32
      %lt3A_59 = vector.broadcast %lt3A_58 : i32 to vector<16xi32>
      %lt3A_60 = arith.cmpi slt, %sub3A_54, %lt3A_59 : vector<16xi32>
      %and3A_61 = arith.andi %ge3A_57, %lt3A_60 : vector<16xi1>
      %jit3A_62 = arith.constant 5000 : i32
      %broadcast_in_dim3A_63 = vector.broadcast %jit3A_62 : i32 to vector<16xi32>
      %select_n3A_64 = arith.select %and3A_61, %sub3A_54, %broadcast_in_dim3A_63 : vector<16xi1>, vector<16xi32>
      %swap3A_65 = arith.constant 16 : index
      %swap3A_66 = tpu.vector_load %arg7[%swap3A_65] {strides = array<i32>} : memref<128xi32, #tpu.memory_space<vmem>>, vector<16xi32>,
      %swap3A_67 = vector.shape_cast %swap3A_66 : vector<16xi32> to vector<16xi32>
      %swap3A_68 = vector.shape_cast %select_n3A_64 : vector<16xi32> to vector<16xi32>
      tpu.vector_store %arg7[%swap3A_65], %swap3A_68 {strides = array<i32>} : memref<128xi32, #tpu.memory_space<vmem>>, vector<16xi32>,
      %get3A_69 = arith.constant 32 : index
      %get3A_70 = tpu.vector_load %arg7[%get3A_69] {strides = array<i32>} : memref<128xi32, #tpu.memory_space<vmem>>, vector<16xi32>,
      %get3A_71 = vector.shape_cast %get3A_70 : vector<16xi32> to vector<16xi32>
      %sub3A_72 = vector.broadcast %mul3A_0 : i32 to vector<16xi32>
      %sub3A_73 = arith.subi %get3A_71, %sub3A_72 : vector<16xi32>
      %ge3A_74 = arith.constant 0 : i32
      %ge3A_75 = vector.broadcast %ge3A_74 : i32 to vector<16xi32>
      %ge3A_76 = arith.cmpi sge, %sub3A_73, %ge3A_75 : vector<16xi32>
      %lt3A_77 = arith.constant 5000 : i32
      %lt3A_78 = vector.broadcast %lt3A_77 : i32 to vector<16xi32>
      %lt3A_79 = arith.cmpi slt, %sub3A_73, %lt3A_78 : vector<16xi32>
      %and3A_80 = arith.andi %ge3A_76, %lt3A_79 : vector<16xi1>
      %jit3A_81 = arith.constant 5000 : i32
      %broadcast_in_dim3A_82 = vector.broadcast %jit3A_81 : i32 to vector<16xi32>
      %select_n3A_83 = arith.select %and3A_80, %sub3A_73, %broadcast_in_dim3A_82 : vector<16xi1>, vector<16xi32>
      %swap3A_84 = arith.constant 32 : index
      %swap3A_85 = tpu.vector_load %arg7[%swap3A_84] {strides = array<i32>} : memref<128xi32, #tpu.memory_space<vmem>>, vector<16xi32>,
      %swap3A_86 = vector.shape_cast %swap3A_85 : vector<16xi32> to vector<16xi32>
      %swap3A_87 = vector.shape_cast %select_n3A_83 : vector<16xi32> to vector<16xi32>
      tpu.vector_store %arg7[%swap3A_84], %swap3A_87 {strides = array<i32>} : memref<128xi32, #tpu.memory_space<vmem>>, vector<16xi32>,
      %get3A_88 = arith.constant 48 : index
      %get3A_89 = tpu.vector_load %arg7[%get3A_88] {strides = array<i32>} : memref<128xi32, #tpu.memory_space<vmem>>, vector<16xi32>,
      %get3A_90 = vector.shape_cast %get3A_89 : vector<16xi32> to vector<16xi32>
      %sub3A_91 = vector.broadcast %mul3A_0 : i32 to vector<16xi32>
      %sub3A_92 = arith.subi %get3A_90, %sub3A_91 : vector<16xi32>
      %ge3A_93 = arith.constant 0 : i32
      %ge3A_94 = vector.broadcast %ge3A_93 : i32 to vector<16xi32>
      %ge3A_95 = arith.cmpi sge, %sub3A_92, %ge3A_94 : vector<16xi32>
      %lt3A_96 = arith.constant 5000 : i32
      %lt3A_97 = vector.broadcast %lt3A_96 : i32 to vector<16xi32>
      %lt3A_98 = arith.cmpi slt, %sub3A_92, %lt3A_97 : vector<16xi32>
      %and3A_99 = arith.andi %ge3A_95, %lt3A_98 : vector<16xi1>
      %jit3A_100 = arith.constant 5000 : i32
      %broadcast_in_dim3A_101 = vector.broadcast %jit3A_100 : i32 to vector<16xi32>
      %select_n3A_102 = arith.select %and3A_99, %sub3A_92, %broadcast_in_dim3A_101 : vector<16xi1>, vector<16xi32>
      %swap3A_103 = arith.constant 48 : index
      %swap3A_104 = tpu.vector_load %arg7[%swap3A_103] {strides = array<i32>} : memref<128xi32, #tpu.memory_space<vmem>>, vector<16xi32>,
      %swap3A_105 = vector.shape_cast %swap3A_104 : vector<16xi32> to vector<16xi32>
      %swap3A_106 = vector.shape_cast %select_n3A_102 : vector<16xi32> to vector<16xi32>
      tpu.vector_store %arg7[%swap3A_103], %swap3A_106 {strides = array<i32>} : memref<128xi32, #tpu.memory_space<vmem>>, vector<16xi32>,
      %get3A_107 = arith.constant 64 : index
      %get3A_108 = tpu.vector_load %arg7[%get3A_107] {strides = array<i32>} : memref<128xi32, #tpu.memory_space<vmem>>, vector<16xi32>,
      %get3A_109 = vector.shape_cast %get3A_108 : vector<16xi32> to vector<16xi32>
      %sub3A_110 = vector.broadcast %mul3A_0 : i32 to vector<16xi32>
      %sub3A_111 = arith.subi %get3A_109, %sub3A_110 : vector<16xi32>
      %ge3A_112 = arith.constant 0 : i32
      %ge3A_113 = vector.broadcast %ge3A_112 : i32 to vector<16xi32>
      %ge3A_114 = arith.cmpi sge, %sub3A_111, %ge3A_113 : vector<16xi32>
      %lt3A_115 = arith.constant 5000 : i32
      %lt3A_116 = vector.broadcast %lt3A_115 : i32 to vector<16xi32>
      %lt3A_117 = arith.cmpi slt, %sub3A_111, %lt3A_116 : vector<16xi32>
      %and3A_118 = arith.andi %ge3A_114, %lt3A_117 : vector<16xi1>
      %jit3A_119 = arith.constant 5000 : i32
      %broadcast_in_dim3A_120 = vector.broadcast %jit3A_119 : i32 to vector<16xi32>
      %select_n3A_121 = arith.select %and3A_118, %sub3A_111, %broadcast_in_dim3A_120 : vector<16xi1>, vector<16xi32>
      %swap3A_122 = arith.constant 64 : index
      %swap3A_123 = tpu.vector_load %arg7[%swap3A_122] {strides = array<i32>} : memref<128xi32, #tpu.memory_space<vmem>>, vector<16xi32>,
      %swap3A_124 = vector.shape_cast %swap3A_123 : vector<16xi32> to vector<16xi32>
      %swap3A_125 = vector.shape_cast %select_n3A_121 : vector<16xi32> to vector<16xi32>
      tpu.vector_store %arg7[%swap3A_122], %swap3A_125 {strides = array<i32>} : memref<128xi32, #tpu.memory_space<vmem>>, vector<16xi32>,
      %get3A_126 = arith.constant 80 : index
      %get3A_127 = tpu.vector_load %arg7[%get3A_126] {strides = array<i32>} : memref<128xi32, #tpu.memory_space<vmem>>, vector<16xi32>,
      %get3A_128 = vector.shape_cast %get3A_127 : vector<16xi32> to vector<16xi32>
      %sub3A_129 = vector.broadcast %mul3A_0 : i32 to vector<16xi32>
      %sub3A_130 = arith.subi %get3A_128, %sub3A_129 : vector<16xi32>
      %ge3A_131 = arith.constant 0 : i32
      %ge3A_132 = vector.broadcast %ge3A_131 : i32 to vector<16xi32>
      %ge3A_133 = arith.cmpi sge, %sub3A_130, %ge3A_132 : vector<16xi32>
      %lt3A_134 = arith.constant 5000 : i32
      %lt3A_135 = vector.broadcast %lt3A_134 : i32 to vector<16xi32>
      %lt3A_136 = arith.cmpi slt, %sub3A_130, %lt3A_135 : vector<16xi32>
      %and3A_137 = arith.andi %ge3A_133, %lt3A_136 : vector<16xi1>
      %jit3A_138 = arith.constant 5000 : i32
      %broadcast_in_dim3A_139 = vector.broadcast %jit3A_138 : i32 to vector<16xi32>
      %select_n3A_140 = arith.select %and3A_137, %sub3A_130, %broadcast_in_dim3A_139 : vector<16xi1>, vector<16xi32>
      %swap3A_141 = arith.constant 80 : index
      %swap3A_142 = tpu.vector_load %arg7[%swap3A_141] {strides = array<i32>} : memref<128xi32, #tpu.memory_space<vmem>>, vector<16xi32>,
      %swap3A_143 = vector.shape_cast %swap3A_142 : vector<16xi32> to vector<16xi32>
      %swap3A_144 = vector.shape_cast %select_n3A_140 : vector<16xi32> to vector<16xi32>
      tpu.vector_store %arg7[%swap3A_141], %swap3A_144 {strides = array<i32>} : memref<128xi32, #tpu.memory_space<vmem>>, vector<16xi32>,
      %get3A_145 = arith.constant 96 : index
      %get3A_146 = tpu.vector_load %arg7[%get3A_145] {strides = array<i32>} : memref<128xi32, #tpu.memory_space<vmem>>, vector<16xi32>,
      %get3A_147 = vector.shape_cast %get3A_146 : vector<16xi32> to vector<16xi32>
      %sub3A_148 = vector.broadcast %mul3A_0 : i32 to vector<16xi32>
      %sub3A_149 = arith.subi %get3A_147, %sub3A_148 : vector<16xi32>
      %ge3A_150 = arith.constant 0 : i32
      %ge3A_151 = vector.broadcast %ge3A_150 : i32 to vector<16xi32>
      %ge3A_152 = arith.cmpi sge, %sub3A_149, %ge3A_151 : vector<16xi32>
      %lt3A_153 = arith.constant 5000 : i32
      %lt3A_154 = vector.broadcast %lt3A_153 : i32 to vector<16xi32>
      %lt3A_155 = arith.cmpi slt, %sub3A_149, %lt3A_154 : vector<16xi32>
      %and3A_156 = arith.andi %ge3A_152, %lt3A_155 : vector<16xi1>
      %jit3A_157 = arith.constant 5000 : i32
      %broadcast_in_dim3A_158 = vector.broadcast %jit3A_157 : i32 to vector<16xi32>
      %select_n3A_159 = arith.select %and3A_156, %sub3A_149, %broadcast_in_dim3A_158 : vector<16xi1>, vector<16xi32>
      %swap3A_160 = arith.constant 96 : index
      %swap3A_161 = tpu.vector_load %arg7[%swap3A_160] {strides = array<i32>} : memref<128xi32, #tpu.memory_space<vmem>>, vector<16xi32>,
      %swap3A_162 = vector.shape_cast %swap3A_161 : vector<16xi32> to vector<16xi32>
      %swap3A_163 = vector.shape_cast %select_n3A_159 : vector<16xi32> to vector<16xi32>
      tpu.vector_store %arg7[%swap3A_160], %swap3A_163 {strides = array<i32>} : memref<128xi32, #tpu.memory_space<vmem>>, vector<16xi32>,
      %get3A_164 = arith.constant 112 : index
      %get3A_165 = tpu.vector_load %arg7[%get3A_164] {strides = array<i32>} : memref<128xi32, #tpu.memory_space<vmem>>, vector<16xi32>,
      %get3A_166 = vector.shape_cast %get3A_165 : vector<16xi32> to vector<16xi32>
      %sub3A_167 = vector.broadcast %mul3A_0 : i32 to vector<16xi32>
      %sub3A_168 = arith.subi %get3A_166, %sub3A_167 : vector<16xi32>
      %ge3A_169 = arith.constant 0 : i32
      %ge3A_170 = vector.broadcast %ge3A_169 : i32 to vector<16xi32>
      %ge3A_171 = arith.cmpi sge, %sub3A_168, %ge3A_170 : vector<16xi32>
      %lt3A_172 = arith.constant 5000 : i32
      %lt3A_173 = vector.broadcast %lt3A_172 : i32 to vector<16xi32>
      %lt3A_174 = arith.cmpi slt, %sub3A_168, %lt3A_173 : vector<16xi32>
      %and3A_175 = arith.andi %ge3A_171, %lt3A_174 : vector<16xi1>
      %jit3A_176 = arith.constant 5000 : i32
      %broadcast_in_dim3A_177 = vector.broadcast %jit3A_176 : i32 to vector<16xi32>
      %select_n3A_178 = arith.select %and3A_175, %sub3A_168, %broadcast_in_dim3A_177 : vector<16xi1>, vector<16xi32>
      %swap3A_179 = arith.constant 112 : index
      %swap3A_180 = tpu.vector_load %arg7[%swap3A_179] {strides = array<i32>} : memref<128xi32, #tpu.memory_space<vmem>>, vector<16xi32>,
      %swap3A_181 = vector.shape_cast %swap3A_180 : vector<16xi32> to vector<16xi32>
      %swap3A_182 = vector.shape_cast %select_n3A_178 : vector<16xi32> to vector<16xi32>
      tpu.vector_store %arg7[%swap3A_179], %swap3A_182 {strides = array<i32>} : memref<128xi32, #tpu.memory_space<vmem>>, vector<16xi32>,
      "tpu.region"() ({
        %run_scoped3A_183 = tpu.sem_alloc : memref<!tpu.dma_semaphore, #tpu.memory_space<semaphore_mem>>
        %dma_start3A = arith.constant 0 : i32
        %dma_start3A_184 = arith.constant 0 : i32
        %dma_start3A_185 = tpu.memref_slice %arg10[%dma_start3A, %dma_start3A_184] : memref<5120x128xf32, #tpu.memory_space<vmem_shared>> -> memref<5120x128xf32, #tpu.memory_space<vmem_shared>>
        tpu.enqueue_indirect_dma source(%arg8 : memref<128x128xf32, #tpu.memory_space<vmem>>) target(%dma_start3A_185 : memref<5120x128xf32, #tpu.memory_space<vmem_shared>>) offsets(%arg7 : memref<128xi32, #tpu.memory_space<vmem>>) semaphore(%run_scoped3A_183 : memref<!tpu.dma_semaphore, #tpu.memory_space<semaphore_mem>>) {add = true}
        %dma_wait3A = arith.constant 0 : i32
        %dma_wait3A_186 = arith.constant 0 : i32
        %dma_wait3A_187 = tpu.memref_slice %arg10[%dma_wait3A, %dma_wait3A_186] : memref<5120x128xf32, #tpu.memory_space<vmem_shared>> -> memref<5120x128xf32, #tpu.memory_space<vmem_shared>>
        tpu.wait_indirect_dma semaphore(%run_scoped3A_183 : memref<!tpu.dma_semaphore, #tpu.memory_space<semaphore_mem>>) src(%arg8 : memref<128x128xf32, #tpu.memory_space<vmem>>) dst(%dma_wait3A_187 : memref<5120x128xf32, #tpu.memory_space<vmem_shared>>)
        tpu.yield
      }) : () -> ()
    }
    %barrier3A_31 = arith.constant 0 : index
    tpu.barrier barrier_id(%barrier3A_31)
    "tpu.region"() ({
      %run_scoped3A_33 = tpu.sem_alloc : memref<!tpu.dma_semaphore, #tpu.memory_space<semaphore_mem>>
      %dma_start3A = arith.constant 0 : i32
      %dma_start3A_34 = tpu.memref_slice %arg10[%mul3A_9, %dma_start3A] : memref<5120x128xf32, #tpu.memory_space<vmem_shared>> -> memref<320x128xf32, #tpu.memory_space<vmem_shared>>
      %dma_start3A_35 = arith.constant 0 : i32
      %dma_start3A_36 = tpu.memref_slice %arg10[%mul3A_9, %dma_start3A_35] : memref<5120x128xf32, #tpu.memory_space<vmem_shared>> -> memref<320x128xf32, #tpu.memory_space<vmem_shared>>
      tpu.enqueue_dma source(%dma_start3A_36 : memref<320x128xf32, #tpu.memory_space<vmem_shared>>) target(%arg9 : memref<320x128xf32, #tpu.memory_space<vmem>>) target_semaphore(%run_scoped3A_33 : memref<!tpu.dma_semaphore, #tpu.memory_space<semaphore_mem>>)
      %dma_wait3A = arith.constant 0 : i32
      %dma_wait3A_37 = tpu.memref_slice %arg10[%mul3A_9, %dma_wait3A] : memref<5120x128xf32, #tpu.memory_space<vmem_shared>> -> memref<320x128xf32, #tpu.memory_space<vmem_shared>>
      %dma_wait3A_38 = arith.constant 0 : i32
      %dma_wait3A_39 = tpu.memref_slice %arg10[%mul3A_9, %dma_wait3A_38] : memref<5120x128xf32, #tpu.memory_space<vmem_shared>> -> memref<320x128xf32, #tpu.memory_space<vmem_shared>>
      tpu.wait_dma2 semaphore(%run_scoped3A_33 : memref<!tpu.dma_semaphore, #tpu.memory_space<semaphore_mem>>) src(%dma_wait3A_39 : memref<320x128xf32, #tpu.memory_space<vmem_shared>>) dst(%arg9 : memref<320x128xf32, #tpu.memory_space<vmem>>)
      tpu.yield
    }) : () -> ()
    %run_scoped3A_32 = arith.constant 1 : i32
    "tpu.region"() ({
      %run_scoped3A_33 = tpu.sem_alloc : memref<!tpu.dma_semaphore, #tpu.memory_space<semaphore_mem>>
      %dma_start3A = arith.constant 0 : i32
      %dma_start3A_34 = tpu.memref_slice %arg6[%arg0, %run_scoped3A_32, %mul3A_9, %dma_start3A] : memref<2x2x5120x128xf32, #tpu.memory_space<hbm>> -> memref<1x1x320x128xf32, #tpu.memory_space<hbm>>
      %dma_start3A_35 = tpu.memref_squeeze %dma_start3A_34 : memref<1x1x320x128xf32, #tpu.memory_space<hbm>> -> memref<320x128xf32, #tpu.memory_space<hbm>>
      %dma_start3A_36 = arith.constant 0 : i32
      %dma_start3A_37 = tpu.memref_slice %arg6[%arg0, %run_scoped3A_32, %mul3A_9, %dma_start3A_36] : memref<2x2x5120x128xf32, #tpu.memory_space<hbm>> -> memref<1x1x320x128xf32, #tpu.memory_space<hbm>>
      %dma_start3A_38 = tpu.memref_squeeze %dma_start3A_37 : memref<1x1x320x128xf32, #tpu.memory_space<hbm>> -> memref<320x128xf32, #tpu.memory_space<hbm>>
      tpu.enqueue_dma source(%arg9 : memref<320x128xf32, #tpu.memory_space<vmem>>) target(%dma_start3A_38 : memref<320x128xf32, #tpu.memory_space<hbm>>) target_semaphore(%run_scoped3A_33 : memref<!tpu.dma_semaphore, #tpu.memory_space<semaphore_mem>>)
      %dma_wait3A = arith.constant 0 : i32
      %dma_wait3A_39 = tpu.memref_slice %arg6[%arg0, %run_scoped3A_32, %mul3A_9, %dma_wait3A] : memref<2x2x5120x128xf32, #tpu.memory_space<hbm>> -> memref<1x1x320x128xf32, #tpu.memory_space<hbm>>
      %dma_wait3A_40 = tpu.memref_squeeze %dma_wait3A_39 : memref<1x1x320x128xf32, #tpu.memory_space<hbm>> -> memref<320x128xf32, #tpu.memory_space<hbm>>
      %dma_wait3A_41 = arith.constant 0 : i32
      %dma_wait3A_42 = tpu.memref_slice %arg6[%arg0, %run_scoped3A_32, %mul3A_9, %dma_wait3A_41] : memref<2x2x5120x128xf32, #tpu.memory_space<hbm>> -> memref<1x1x320x128xf32, #tpu.memory_space<hbm>>
      %dma_wait3A_43 = tpu.memref_squeeze %dma_wait3A_42 : memref<1x1x320x128xf32, #tpu.memory_space<hbm>> -> memref<320x128xf32, #tpu.memory_space<hbm>>
      tpu.wait_dma2 semaphore(%run_scoped3A_33 : memref<!tpu.dma_semaphore, #tpu.memory_space<semaphore_mem>>) src(%arg9 : memref<320x128xf32, #tpu.memory_space<vmem>>) dst(%dma_wait3A_43 : memref<320x128xf32, #tpu.memory_space<hbm>>)
      tpu.yield
    }) : () -> ()
    return
  }
}

module attributes {stable_mosaic.version = 14 : i64} {
  func.func @_msg_body(%arg0: i32, %arg1: memref<2000x256xf32, #tpu.memory_space<vmem>>, %arg2: memref<2000x256xf32, #tpu.memory_space<vmem>>, %arg3: memref<2000x32xf32, #tpu.memory_space<vmem>>, %arg4: memref<2000x16xf32, #tpu.memory_space<vmem>>, %arg5: memref<144x144xf32, #tpu.memory_space<vmem>>, %arg6: memref<4x64xf32, #tpu.memory_space<vmem>>, %arg7: memref<144x9xf32, #tpu.memory_space<vmem>>, %arg8: memref<144x64xf32, #tpu.memory_space<vmem>>, %arg9: memref<1x128xf32, #tpu.memory_space<vmem>>, %arg10: memref<1x4xf32, #tpu.memory_space<vmem>>, %arg11: memref<128x128xf32, #tpu.memory_space<vmem>>, %arg12: memref<32x128xf32, #tpu.memory_space<vmem>>, %arg13: memref<128x128xf32, #tpu.memory_space<vmem>>, %arg14: memref<9x128xf32, #tpu.memory_space<vmem>>, %arg15: memref<128x4xf32, #tpu.memory_space<vmem>>, %arg16: memref<64x64xf32, #tpu.memory_space<vmem>>, %arg17: memref<4x64xf32, #tpu.memory_space<vmem>>, %arg18: memref<64x4xf32, #tpu.memory_space<vmem>>, %arg19: memref<64x64xf32, #tpu.memory_space<vmem>>, %arg20: memref<1x128xf32, #tpu.memory_space<vmem>>, %arg21: memref<1x4xf32, #tpu.memory_space<vmem>>, %arg22: memref<128x128xf32, #tpu.memory_space<vmem>>, %arg23: memref<4x128xf32, #tpu.memory_space<vmem>>, %arg24: memref<128x4xf32, #tpu.memory_space<vmem>>, %arg25: memref<64x64xf32, #tpu.memory_space<vmem>>, %arg26: memref<4x64xf32, #tpu.memory_space<vmem>>, %arg27: memref<64x4xf32, #tpu.memory_space<vmem>>, %arg28: memref<64x64xf32, #tpu.memory_space<vmem>>, %arg29: memref<1x128xf32, #tpu.memory_space<vmem>>, %arg30: memref<1x4xf32, #tpu.memory_space<vmem>>, %arg31: memref<128x128xf32, #tpu.memory_space<vmem>>, %arg32: memref<4x128xf32, #tpu.memory_space<vmem>>, %arg33: memref<128x4xf32, #tpu.memory_space<vmem>>, %arg34: memref<2000x128xf32, #tpu.memory_space<vmem>>, %arg35: memref<2000x128xf32, #tpu.memory_space<vmem>>) attributes {dimension_semantics = [#tpu.dimension_semantics<arbitrary>], iteration_bounds = array<i64: 80>, scalar_prefetch = 0 : i64, scratch_operands = 0 : i64, tpu.core_type = #tpu.core_type<tc>, window_params = [{transform_indices = @transform_0, window_bounds = array<i64: 2000, 256>}, {transform_indices = @transform_1, window_bounds = array<i64: 2000, 256>}, {transform_indices = @transform_2, window_bounds = array<i64: 2000, 32>}, {transform_indices = @transform_3, window_bounds = array<i64: 2000, 16>}, {pipeline_mode = #tpu.pipeline_mode<synchronous>, transform_indices = @transform_4, window_bounds = array<i64: 144, 144>}, {pipeline_mode = #tpu.pipeline_mode<synchronous>, transform_indices = @transform_5, window_bounds = array<i64: 4, 64>}, {pipeline_mode = #tpu.pipeline_mode<synchronous>, transform_indices = @transform_6, window_bounds = array<i64: 144, 9>}, {pipeline_mode = #tpu.pipeline_mode<synchronous>, transform_indices = @transform_7, window_bounds = array<i64: 144, 64>}, {pipeline_mode = #tpu.pipeline_mode<synchronous>, transform_indices = @transform_8, window_bounds = array<i64: 1, 128>}, {pipeline_mode = #tpu.pipeline_mode<synchronous>, transform_indices = @transform_9, window_bounds = array<i64: 1, 4>}, {pipeline_mode = #tpu.pipeline_mode<synchronous>, transform_indices = @transform_10, window_bounds = array<i64: 128, 128>}, {pipeline_mode = #tpu.pipeline_mode<synchronous>, transform_indices = @transform_11, window_bounds = array<i64: 32, 128>}, {pipeline_mode = #tpu.pipeline_mode<synchronous>, transform_indices = @transform_12, window_bounds = array<i64: 128, 128>}, {pipeline_mode = #tpu.pipeline_mode<synchronous>, transform_indices = @transform_13, window_bounds = array<i64: 9, 128>}, {pipeline_mode = #tpu.pipeline_mode<synchronous>, transform_indices = @transform_14, window_bounds = array<i64: 128, 4>}, {pipeline_mode = #tpu.pipeline_mode<synchronous>, transform_indices = @transform_15, window_bounds = array<i64: 64, 64>}, {pipeline_mode = #tpu.pipeline_mode<synchronous>, transform_indices = @transform_16, window_bounds = array<i64: 4, 64>}, {pipeline_mode = #tpu.pipeline_mode<synchronous>, transform_indices = @transform_17, window_bounds = array<i64: 64, 4>}, {pipeline_mode = #tpu.pipeline_mode<synchronous>, transform_indices = @transform_18, window_bounds = array<i64: 64, 64>}, {pipeline_mode = #tpu.pipeline_mode<synchronous>, transform_indices = @transform_19, window_bounds = array<i64: 1, 128>}, {pipeline_mode = #tpu.pipeline_mode<synchronous>, transform_indices = @transform_20, window_bounds = array<i64: 1, 4>}, {pipeline_mode = #tpu.pipeline_mode<synchronous>, transform_indices = @transform_21, window_bounds = array<i64: 128, 128>}, {pipeline_mode = #tpu.pipeline_mode<synchronous>, transform_indices = @transform_22, window_bounds = array<i64: 4, 128>}, {pipeline_mode = #tpu.pipeline_mode<synchronous>, transform_indices = @transform_23, window_bounds = array<i64: 128, 4>}, {pipeline_mode = #tpu.pipeline_mode<synchronous>, transform_indices = @transform_24, window_bounds = array<i64: 64, 64>}, {pipeline_mode = #tpu.pipeline_mode<synchronous>, transform_indices = @transform_25, window_bounds = array<i64: 4, 64>}, {pipeline_mode = #tpu.pipeline_mode<synchronous>, transform_indices = @transform_26, window_bounds = array<i64: 64, 4>}, {pipeline_mode = #tpu.pipeline_mode<synchronous>, transform_indices = @transform_27, window_bounds = array<i64: 64, 64>}, {pipeline_mode = #tpu.pipeline_mode<synchronous>, transform_indices = @transform_28, window_bounds = array<i64: 1, 128>}, {pipeline_mode = #tpu.pipeline_mode<synchronous>, transform_indices = @transform_29, window_bounds = array<i64: 1, 4>}, {pipeline_mode = #tpu.pipeline_mode<synchronous>, transform_indices = @transform_30, window_bounds = array<i64: 128, 128>}, {pipeline_mode = #tpu.pipeline_mode<synchronous>, transform_indices = @transform_31, window_bounds = array<i64: 4, 128>}, {pipeline_mode = #tpu.pipeline_mode<synchronous>, transform_indices = @transform_32, window_bounds = array<i64: 128, 4>}, {transform_indices = @transform_33, window_bounds = array<i64: 2000, 128>}, {transform_indices = @transform_34, window_bounds = array<i64: 2000, 128>}]} {
    %get3A = arith.constant 0 : index
    %get3A_0 = arith.constant 0 : index
    %get3A_1 = vector.load %arg5[%get3A, %get3A_0] : memref<144x144xf32, #tpu.memory_space<vmem>>, vector<144x144xf32>
    %get3A_2 = arith.constant 0 : index
    %get3A_3 = arith.constant 0 : index
    %get3A_4 = vector.load %arg6[%get3A_2, %get3A_3] : memref<4x64xf32, #tpu.memory_space<vmem>>, vector<4x64xf32>
    %get3A_5 = arith.constant 0 : index
    %get3A_6 = arith.constant 0 : index
    %get3A_7 = vector.load %arg7[%get3A_5, %get3A_6] : memref<144x9xf32, #tpu.memory_space<vmem>>, vector<144x9xf32>
    %get3A_8 = arith.constant 0 : index
    %get3A_9 = arith.constant 0 : index
    %get3A_10 = vector.load %arg8[%get3A_8, %get3A_9] : memref<144x64xf32, #tpu.memory_space<vmem>>, vector<144x64xf32>
    %get3A_11 = arith.constant 0 : index
    %get3A_12 = arith.constant 0 : index
    %get3A_13 = vector.load %arg9[%get3A_11, %get3A_12] : memref<1x128xf32, #tpu.memory_space<vmem>>, vector<1x128xf32>
    %get3A_14 = arith.constant 0 : index
    %get3A_15 = arith.constant 0 : index
    %get3A_16 = vector.load %arg10[%get3A_14, %get3A_15] : memref<1x4xf32, #tpu.memory_space<vmem>>, vector<1x4xf32>
    %get3A_17 = arith.constant 0 : index
    %get3A_18 = arith.constant 0 : index
    %get3A_19 = vector.load %arg11[%get3A_17, %get3A_18] : memref<128x128xf32, #tpu.memory_space<vmem>>, vector<128x128xf32>
    %get3A_20 = arith.constant 0 : index
    %get3A_21 = arith.constant 0 : index
    %get3A_22 = vector.load %arg12[%get3A_20, %get3A_21] : memref<32x128xf32, #tpu.memory_space<vmem>>, vector<32x128xf32>
    %get3A_23 = arith.constant 0 : index
    %get3A_24 = arith.constant 0 : index
    %get3A_25 = vector.load %arg13[%get3A_23, %get3A_24] : memref<128x128xf32, #tpu.memory_space<vmem>>, vector<128x128xf32>
    %get3A_26 = arith.constant 0 : index
    %get3A_27 = arith.constant 0 : index
    %get3A_28 = vector.load %arg14[%get3A_26, %get3A_27] : memref<9x128xf32, #tpu.memory_space<vmem>>, vector<9x128xf32>
    %get3A_29 = arith.constant 0 : index
    %get3A_30 = arith.constant 0 : index
    %get3A_31 = vector.load %arg15[%get3A_29, %get3A_30] : memref<128x4xf32, #tpu.memory_space<vmem>>, vector<128x4xf32>
    %get3A_32 = arith.constant 0 : index
    %get3A_33 = arith.constant 0 : index
    %get3A_34 = vector.load %arg16[%get3A_32, %get3A_33] : memref<64x64xf32, #tpu.memory_space<vmem>>, vector<64x64xf32>
    %get3A_35 = arith.constant 0 : index
    %get3A_36 = arith.constant 0 : index
    %get3A_37 = vector.load %arg17[%get3A_35, %get3A_36] : memref<4x64xf32, #tpu.memory_space<vmem>>, vector<4x64xf32>
    %get3A_38 = arith.constant 0 : index
    %get3A_39 = arith.constant 0 : index
    %get3A_40 = vector.load %arg18[%get3A_38, %get3A_39] : memref<64x4xf32, #tpu.memory_space<vmem>>, vector<64x4xf32>
    %get3A_41 = arith.constant 0 : index
    %get3A_42 = arith.constant 0 : index
    %get3A_43 = vector.load %arg19[%get3A_41, %get3A_42] : memref<64x64xf32, #tpu.memory_space<vmem>>, vector<64x64xf32>
    %get3A_44 = arith.constant 0 : index
    %get3A_45 = arith.constant 0 : index
    %get3A_46 = vector.load %arg20[%get3A_44, %get3A_45] : memref<1x128xf32, #tpu.memory_space<vmem>>, vector<1x128xf32>
    %get3A_47 = arith.constant 0 : index
    %get3A_48 = arith.constant 0 : index
    %get3A_49 = vector.load %arg21[%get3A_47, %get3A_48] : memref<1x4xf32, #tpu.memory_space<vmem>>, vector<1x4xf32>
    %get3A_50 = arith.constant 0 : index
    %get3A_51 = arith.constant 0 : index
    %get3A_52 = vector.load %arg22[%get3A_50, %get3A_51] : memref<128x128xf32, #tpu.memory_space<vmem>>, vector<128x128xf32>
    %get3A_53 = arith.constant 0 : index
    %get3A_54 = arith.constant 0 : index
    %get3A_55 = vector.load %arg23[%get3A_53, %get3A_54] : memref<4x128xf32, #tpu.memory_space<vmem>>, vector<4x128xf32>
    %get3A_56 = arith.constant 0 : index
    %get3A_57 = arith.constant 0 : index
    %get3A_58 = vector.load %arg24[%get3A_56, %get3A_57] : memref<128x4xf32, #tpu.memory_space<vmem>>, vector<128x4xf32>
    %get3A_59 = arith.constant 0 : index
    %get3A_60 = arith.constant 0 : index
    %get3A_61 = vector.load %arg25[%get3A_59, %get3A_60] : memref<64x64xf32, #tpu.memory_space<vmem>>, vector<64x64xf32>
    %get3A_62 = arith.constant 0 : index
    %get3A_63 = arith.constant 0 : index
    %get3A_64 = vector.load %arg26[%get3A_62, %get3A_63] : memref<4x64xf32, #tpu.memory_space<vmem>>, vector<4x64xf32>
    %get3A_65 = arith.constant 0 : index
    %get3A_66 = arith.constant 0 : index
    %get3A_67 = vector.load %arg27[%get3A_65, %get3A_66] : memref<64x4xf32, #tpu.memory_space<vmem>>, vector<64x4xf32>
    %get3A_68 = arith.constant 0 : index
    %get3A_69 = arith.constant 0 : index
    %get3A_70 = vector.load %arg28[%get3A_68, %get3A_69] : memref<64x64xf32, #tpu.memory_space<vmem>>, vector<64x64xf32>
    %get3A_71 = arith.constant 0 : index
    %get3A_72 = arith.constant 0 : index
    %get3A_73 = vector.load %arg29[%get3A_71, %get3A_72] : memref<1x128xf32, #tpu.memory_space<vmem>>, vector<1x128xf32>
    %get3A_74 = arith.constant 0 : index
    %get3A_75 = arith.constant 0 : index
    %get3A_76 = vector.load %arg30[%get3A_74, %get3A_75] : memref<1x4xf32, #tpu.memory_space<vmem>>, vector<1x4xf32>
    %get3A_77 = arith.constant 0 : index
    %get3A_78 = arith.constant 0 : index
    %get3A_79 = vector.load %arg31[%get3A_77, %get3A_78] : memref<128x128xf32, #tpu.memory_space<vmem>>, vector<128x128xf32>
    %get3A_80 = arith.constant 0 : index
    %get3A_81 = arith.constant 0 : index
    %get3A_82 = vector.load %arg32[%get3A_80, %get3A_81] : memref<4x128xf32, #tpu.memory_space<vmem>>, vector<4x128xf32>
    %get3A_83 = arith.constant 0 : index
    %get3A_84 = arith.constant 0 : index
    %get3A_85 = vector.load %arg33[%get3A_83, %get3A_84] : memref<128x4xf32, #tpu.memory_space<vmem>>, vector<128x4xf32>
    %get3A_86 = arith.constant 0 : index
    %get3A_87 = arith.constant 0 : index
    %get3A_88 = vector.load %arg1[%get3A_86, %get3A_87] : memref<2000x256xf32, #tpu.memory_space<vmem>>, vector<2000x256xf32>
    %get3A_89 = arith.constant 0 : index
    %get3A_90 = arith.constant 0 : index
    %get3A_91 = vector.load %arg2[%get3A_89, %get3A_90] : memref<2000x256xf32, #tpu.memory_space<vmem>>, vector<2000x256xf32>
    %slice3A = vector.extract_strided_slice %get3A_88 {offsets = [0, 0], sizes = [2000, 128], strides = [1, 1]} : vector<2000x256xf32> to vector<2000x128xf32>
    %slice3A_92 = vector.extract_strided_slice %get3A_88 {offsets = [0, 128], sizes = [2000, 64], strides = [1, 1]} : vector<2000x256xf32> to vector<2000x64xf32>
    %slice3A_93 = vector.extract_strided_slice %get3A_91 {offsets = [0, 0], sizes = [2000, 128], strides = [1, 1]} : vector<2000x256xf32> to vector<2000x128xf32>
    %slice3A_94 = vector.extract_strided_slice %get3A_91 {offsets = [0, 128], sizes = [2000, 64], strides = [1, 1]} : vector<2000x256xf32> to vector<2000x64xf32>
    %get3A_95 = arith.constant 0 : index
    %get3A_96 = arith.constant 0 : index
    %get3A_97 = vector.load %arg3[%get3A_95, %get3A_96] : memref<2000x32xf32, #tpu.memory_space<vmem>>, vector<2000x32xf32>
    %slice3A_98 = vector.extract_strided_slice %get3A_1 {offsets = [0, 0], sizes = [64, 144], strides = [1, 1]} : vector<144x144xf32> to vector<64x144xf32>
    %get3A_99 = arith.constant 0 : index
    %get3A_100 = arith.constant 0 : index
    %get3A_101 = vector.load %arg4[%get3A_99, %get3A_100] : memref<2000x16xf32, #tpu.memory_space<vmem>>, vector<2000x16xf32>
    %slice3A_102 = vector.extract_strided_slice %get3A_1 {offsets = [64, 0], sizes = [16, 144], strides = [1, 1]} : vector<144x144xf32> to vector<16x144xf32>
    %slice3A_103 = vector.extract_strided_slice %get3A_1 {offsets = [80, 0], sizes = [64, 144], strides = [1, 1]} : vector<144x144xf32> to vector<64x144xf32>
    %dot_general3A = arith.constant dense<0.000000e+00> : vector<2000x144xf32>
    %dot_general3A_104 = tpu.matmul %slice3A_92, %slice3A_98, %dot_general3A {dimension_numbers = #tpu.dot_dimension_numbers<[1], [0], [0], [1], [0, 0, 1, 1], [], []>, precision = #tpu.contract_precision<fp32>, transpose_lhs_hint = false} : vector<2000x64xf32>, vector<64x144xf32>, vector<2000x144xf32> -> vector<2000x144xf32>
    %dot_general3A_105 = arith.constant dense<0.000000e+00> : vector<2000x144xf32>
    %dot_general3A_106 = tpu.matmul %get3A_101, %slice3A_102, %dot_general3A_105 {dimension_numbers = #tpu.dot_dimension_numbers<[1], [0], [0], [1], [0, 0, 1, 1], [], []>, precision = #tpu.contract_precision<fp32>, transpose_lhs_hint = false} : vector<2000x16xf32>, vector<16x144xf32>, vector<2000x144xf32> -> vector<2000x144xf32>
    %add3A = arith.addf %dot_general3A_104, %dot_general3A_106 : vector<2000x144xf32>
    %dot_general3A_107 = arith.constant dense<0.000000e+00> : vector<2000x144xf32>
    %dot_general3A_108 = tpu.matmul %slice3A_94, %slice3A_103, %dot_general3A_107 {dimension_numbers = #tpu.dot_dimension_numbers<[1], [0], [0], [1], [0, 0, 1, 1], [], []>, precision = #tpu.contract_precision<fp32>, transpose_lhs_hint = false} : vector<2000x64xf32>, vector<64x144xf32>, vector<2000x144xf32> -> vector<2000x144xf32>
    %add3A_109 = arith.addf %add3A, %dot_general3A_108 : vector<2000x144xf32>
    %mul3A = arith.mulf %add3A_109, %add3A_109 : vector<2000x144xf32>
    %dot_general3A_110 = arith.constant dense<0.000000e+00> : vector<2000x9xf32>
    %dot_general3A_111 = tpu.matmul %mul3A, %get3A_7, %dot_general3A_110 {dimension_numbers = #tpu.dot_dimension_numbers<[1], [0], [0], [1], [0, 0, 1, 1], [], []>, precision = #tpu.contract_precision<fp32>, transpose_lhs_hint = false} : vector<2000x144xf32>, vector<144x9xf32>, vector<2000x9xf32> -> vector<2000x9xf32>
    %max3A = arith.constant 9.99999993E-9 : f32
    %max3A_112 = vector.broadcast %max3A : f32 to vector<2000x9xf32>
    %max3A_113 = arith.maximumf %dot_general3A_111, %max3A_112 : vector<2000x9xf32>
    %sqrt3A = math.sqrt %max3A_113 : vector<2000x9xf32>
    %dot_general3A_114 = arith.constant dense<0.000000e+00> : vector<2000x128xf32>
    %dot_general3A_115 = tpu.matmul %slice3A, %get3A_19, %dot_general3A_114 {dimension_numbers = #tpu.dot_dimension_numbers<[1], [0], [0], [1], [0, 0, 1, 1], [], []>, precision = #tpu.contract_precision<fp32>, transpose_lhs_hint = false} : vector<2000x128xf32>, vector<128x128xf32>, vector<2000x128xf32> -> vector<2000x128xf32>
    %add3A_116 = vector.broadcast %get3A_13 : vector<1x128xf32> to vector<2000x128xf32>
    %add3A_117 = arith.addf %add3A_116, %dot_general3A_115 : vector<2000x128xf32>
    %dot_general3A_118 = arith.constant dense<0.000000e+00> : vector<2000x128xf32>
    %dot_general3A_119 = tpu.matmul %get3A_97, %get3A_22, %dot_general3A_118 {dimension_numbers = #tpu.dot_dimension_numbers<[1], [0], [0], [1], [0, 0, 1, 1], [], []>, precision = #tpu.contract_precision<fp32>, transpose_lhs_hint = false} : vector<2000x32xf32>, vector<32x128xf32>, vector<2000x128xf32> -> vector<2000x128xf32>
    %add3A_120 = arith.addf %add3A_117, %dot_general3A_119 : vector<2000x128xf32>
    %dot_general3A_121 = arith.constant dense<0.000000e+00> : vector<2000x128xf32>
    %dot_general3A_122 = tpu.matmul %slice3A_93, %get3A_25, %dot_general3A_121 {dimension_numbers = #tpu.dot_dimension_numbers<[1], [0], [0], [1], [0, 0, 1, 1], [], []>, precision = #tpu.contract_precision<fp32>, transpose_lhs_hint = false} : vector<2000x128xf32>, vector<128x128xf32>, vector<2000x128xf32> -> vector<2000x128xf32>
    %add3A_123 = arith.addf %add3A_120, %dot_general3A_122 : vector<2000x128xf32>
    %dot_general3A_124 = arith.constant dense<0.000000e+00> : vector<2000x128xf32>
    %dot_general3A_125 = tpu.matmul %sqrt3A, %get3A_28, %dot_general3A_124 {dimension_numbers = #tpu.dot_dimension_numbers<[1], [0], [0], [1], [0, 0, 1, 1], [], []>, precision = #tpu.contract_precision<fp32>, transpose_lhs_hint = false} : vector<2000x9xf32>, vector<9x128xf32>, vector<2000x128xf32> -> vector<2000x128xf32>
    %add3A_126 = arith.addf %add3A_123, %dot_general3A_125 : vector<2000x128xf32>
    %logistic3A = arith.negf %add3A_126 : vector<2000x128xf32>
    %logistic3A_127 = math.exp %logistic3A : vector<2000x128xf32>
    %logistic3A_128 = arith.constant 1.000000e+00 : f32
    %logistic3A_129 = vector.broadcast %logistic3A_128 : f32 to vector<2000x128xf32>
    %logistic3A_130 = arith.addf %logistic3A_129, %logistic3A_127 : vector<2000x128xf32>
    %logistic3A_131 = arith.divf %logistic3A_129, %logistic3A_130 : vector<2000x128xf32>
    %dot_general3A_132 = arith.constant dense<0.000000e+00> : vector<2000x4xf32>
    %dot_general3A_133 = tpu.matmul %logistic3A_131, %get3A_31, %dot_general3A_132 {dimension_numbers = #tpu.dot_dimension_numbers<[1], [0], [0], [1], [0, 0, 1, 1], [], []>, precision = #tpu.contract_precision<fp32>, transpose_lhs_hint = false} : vector<2000x128xf32>, vector<128x4xf32>, vector<2000x4xf32> -> vector<2000x4xf32>
    %add3A_134 = vector.broadcast %get3A_16 : vector<1x4xf32> to vector<2000x4xf32>
    %add3A_135 = arith.addf %dot_general3A_133, %add3A_134 : vector<2000x4xf32>
    %logistic3A_136 = arith.negf %add3A_135 : vector<2000x4xf32>
    %logistic3A_137 = math.exp %logistic3A_136 : vector<2000x4xf32>
    %logistic3A_138 = arith.constant 1.000000e+00 : f32
    %logistic3A_139 = vector.broadcast %logistic3A_138 : f32 to vector<2000x4xf32>
    %logistic3A_140 = arith.addf %logistic3A_139, %logistic3A_137 : vector<2000x4xf32>
    %logistic3A_141 = arith.divf %logistic3A_139, %logistic3A_140 : vector<2000x4xf32>
    %dot_general3A_142 = arith.constant dense<0.000000e+00> : vector<2000x64xf32>
    %dot_general3A_143 = tpu.matmul %add3A_109, %get3A_10, %dot_general3A_142 {dimension_numbers = #tpu.dot_dimension_numbers<[1], [0], [0], [1], [0, 0, 1, 1], [], []>, precision = #tpu.contract_precision<fp32>, transpose_lhs_hint = false} : vector<2000x144xf32>, vector<144x64xf32>, vector<2000x64xf32> -> vector<2000x64xf32>
    %dot_general3A_144 = arith.constant dense<0.000000e+00> : vector<2000x64xf32>
    %dot_general3A_145 = tpu.matmul %logistic3A_141, %get3A_4, %dot_general3A_144 {dimension_numbers = #tpu.dot_dimension_numbers<[1], [0], [0], [1], [0, 0, 1, 1], [], []>, precision = #tpu.contract_precision<fp32>, transpose_lhs_hint = false} : vector<2000x4xf32>, vector<4x64xf32>, vector<2000x64xf32> -> vector<2000x64xf32>
    %mul3A_146 = arith.mulf %dot_general3A_143, %dot_general3A_145 : vector<2000x64xf32>
    %max3A_147 = arith.constant 0.000000e+00 : f32
    %max3A_148 = vector.broadcast %max3A_147 : f32 to vector<2000x128xf32>
    %max3A_149 = arith.maximumf %add3A_126, %max3A_148 : vector<2000x128xf32>
    %dot_general3A_150 = arith.constant dense<0.000000e+00> : vector<2000x64xf32>
    %dot_general3A_151 = tpu.matmul %mul3A_146, %get3A_34, %dot_general3A_150 {dimension_numbers = #tpu.dot_dimension_numbers<[1], [0], [0], [1], [0, 0, 1, 1], [], []>, precision = #tpu.contract_precision<fp32>, transpose_lhs_hint = false} : vector<2000x64xf32>, vector<64x64xf32>, vector<2000x64xf32> -> vector<2000x64xf32>
    %mul3A_152 = arith.mulf %dot_general3A_151, %dot_general3A_151 : vector<2000x64xf32>
    %dot_general3A_153 = arith.constant dense<0.000000e+00> : vector<2000x4xf32>
    %dot_general3A_154 = tpu.matmul %mul3A_152, %get3A_40, %dot_general3A_153 {dimension_numbers = #tpu.dot_dimension_numbers<[1], [0], [0], [1], [0, 0, 1, 1], [], []>, precision = #tpu.contract_precision<fp32>, transpose_lhs_hint = false} : vector<2000x64xf32>, vector<64x4xf32>, vector<2000x4xf32> -> vector<2000x4xf32>
    %max3A_155 = arith.constant 9.99999993E-9 : f32
    %max3A_156 = vector.broadcast %max3A_155 : f32 to vector<2000x4xf32>
    %max3A_157 = arith.maximumf %dot_general3A_154, %max3A_156 : vector<2000x4xf32>
    %sqrt3A_158 = math.sqrt %max3A_157 : vector<2000x4xf32>
    %dot_general3A_159 = arith.constant dense<0.000000e+00> : vector<2000x128xf32>
    %dot_general3A_160 = tpu.matmul %max3A_149, %get3A_52, %dot_general3A_159 {dimension_numbers = #tpu.dot_dimension_numbers<[1], [0], [0], [1], [0, 0, 1, 1], [], []>, precision = #tpu.contract_precision<fp32>, transpose_lhs_hint = false} : vector<2000x128xf32>, vector<128x128xf32>, vector<2000x128xf32> -> vector<2000x128xf32>
    %add3A_161 = vector.broadcast %get3A_46 : vector<1x128xf32> to vector<2000x128xf32>
    %add3A_162 = arith.addf %add3A_161, %dot_general3A_160 : vector<2000x128xf32>
    %dot_general3A_163 = arith.constant dense<0.000000e+00> : vector<2000x128xf32>
    %dot_general3A_164 = tpu.matmul %sqrt3A_158, %get3A_55, %dot_general3A_163 {dimension_numbers = #tpu.dot_dimension_numbers<[1], [0], [0], [1], [0, 0, 1, 1], [], []>, precision = #tpu.contract_precision<fp32>, transpose_lhs_hint = false} : vector<2000x4xf32>, vector<4x128xf32>, vector<2000x128xf32> -> vector<2000x128xf32>
    %add3A_165 = arith.addf %add3A_162, %dot_general3A_164 : vector<2000x128xf32>
    %logistic3A_166 = arith.negf %add3A_165 : vector<2000x128xf32>
    %logistic3A_167 = math.exp %logistic3A_166 : vector<2000x128xf32>
    %logistic3A_168 = arith.constant 1.000000e+00 : f32
    %logistic3A_169 = vector.broadcast %logistic3A_168 : f32 to vector<2000x128xf32>
    %logistic3A_170 = arith.addf %logistic3A_169, %logistic3A_167 : vector<2000x128xf32>
    %logistic3A_171 = arith.divf %logistic3A_169, %logistic3A_170 : vector<2000x128xf32>
    %dot_general3A_172 = arith.constant dense<0.000000e+00> : vector<2000x4xf32>
    %dot_general3A_173 = tpu.matmul %logistic3A_171, %get3A_58, %dot_general3A_172 {dimension_numbers = #tpu.dot_dimension_numbers<[1], [0], [0], [1], [0, 0, 1, 1], [], []>, precision = #tpu.contract_precision<fp32>, transpose_lhs_hint = false} : vector<2000x128xf32>, vector<128x4xf32>, vector<2000x4xf32> -> vector<2000x4xf32>
    %add3A_174 = vector.broadcast %get3A_49 : vector<1x4xf32> to vector<2000x4xf32>
    %add3A_175 = arith.addf %dot_general3A_173, %add3A_174 : vector<2000x4xf32>
    %logistic3A_176 = arith.negf %add3A_175 : vector<2000x4xf32>
    %logistic3A_177 = math.exp %logistic3A_176 : vector<2000x4xf32>
    %logistic3A_178 = arith.constant 1.000000e+00 : f32
    %logistic3A_179 = vector.broadcast %logistic3A_178 : f32 to vector<2000x4xf32>
    %logistic3A_180 = arith.addf %logistic3A_179, %logistic3A_177 : vector<2000x4xf32>
    %logistic3A_181 = arith.divf %logistic3A_179, %logistic3A_180 : vector<2000x4xf32>
    %dot_general3A_182 = arith.constant dense<0.000000e+00> : vector<2000x64xf32>
    %dot_general3A_183 = tpu.matmul %dot_general3A_151, %get3A_43, %dot_general3A_182 {dimension_numbers = #tpu.dot_dimension_numbers<[1], [0], [0], [1], [0, 0, 1, 1], [], []>, precision = #tpu.contract_precision<fp32>, transpose_lhs_hint = false} : vector<2000x64xf32>, vector<64x64xf32>, vector<2000x64xf32> -> vector<2000x64xf32>
    %dot_general3A_184 = arith.constant dense<0.000000e+00> : vector<2000x64xf32>
    %dot_general3A_185 = tpu.matmul %logistic3A_181, %get3A_37, %dot_general3A_184 {dimension_numbers = #tpu.dot_dimension_numbers<[1], [0], [0], [1], [0, 0, 1, 1], [], []>, precision = #tpu.contract_precision<fp32>, transpose_lhs_hint = false} : vector<2000x4xf32>, vector<4x64xf32>, vector<2000x64xf32> -> vector<2000x64xf32>
    %mul3A_186 = arith.mulf %dot_general3A_183, %dot_general3A_185 : vector<2000x64xf32>
    %max3A_187 = arith.constant 0.000000e+00 : f32
    %max3A_188 = vector.broadcast %max3A_187 : f32 to vector<2000x128xf32>
    %max3A_189 = arith.maximumf %add3A_165, %max3A_188 : vector<2000x128xf32>
    %dot_general3A_190 = arith.constant dense<0.000000e+00> : vector<2000x64xf32>
    %dot_general3A_191 = tpu.matmul %mul3A_186, %get3A_61, %dot_general3A_190 {dimension_numbers = #tpu.dot_dimension_numbers<[1], [0], [0], [1], [0, 0, 1, 1], [], []>, precision = #tpu.contract_precision<fp32>, transpose_lhs_hint = false} : vector<2000x64xf32>, vector<64x64xf32>, vector<2000x64xf32> -> vector<2000x64xf32>
    %mul3A_192 = arith.mulf %dot_general3A_191, %dot_general3A_191 : vector<2000x64xf32>
    %dot_general3A_193 = arith.constant dense<0.000000e+00> : vector<2000x4xf32>
    %dot_general3A_194 = tpu.matmul %mul3A_192, %get3A_67, %dot_general3A_193 {dimension_numbers = #tpu.dot_dimension_numbers<[1], [0], [0], [1], [0, 0, 1, 1], [], []>, precision = #tpu.contract_precision<fp32>, transpose_lhs_hint = false} : vector<2000x64xf32>, vector<64x4xf32>, vector<2000x4xf32> -> vector<2000x4xf32>
    %max3A_195 = arith.constant 9.99999993E-9 : f32
    %max3A_196 = vector.broadcast %max3A_195 : f32 to vector<2000x4xf32>
    %max3A_197 = arith.maximumf %dot_general3A_194, %max3A_196 : vector<2000x4xf32>
    %sqrt3A_198 = math.sqrt %max3A_197 : vector<2000x4xf32>
    %dot_general3A_199 = arith.constant dense<0.000000e+00> : vector<2000x128xf32>
    %dot_general3A_200 = tpu.matmul %max3A_189, %get3A_79, %dot_general3A_199 {dimension_numbers = #tpu.dot_dimension_numbers<[1], [0], [0], [1], [0, 0, 1, 1], [], []>, precision = #tpu.contract_precision<fp32>, transpose_lhs_hint = false} : vector<2000x128xf32>, vector<128x128xf32>, vector<2000x128xf32> -> vector<2000x128xf32>
    %add3A_201 = vector.broadcast %get3A_73 : vector<1x128xf32> to vector<2000x128xf32>
    %add3A_202 = arith.addf %add3A_201, %dot_general3A_200 : vector<2000x128xf32>
    %dot_general3A_203 = arith.constant dense<0.000000e+00> : vector<2000x128xf32>
    %dot_general3A_204 = tpu.matmul %sqrt3A_198, %get3A_82, %dot_general3A_203 {dimension_numbers = #tpu.dot_dimension_numbers<[1], [0], [0], [1], [0, 0, 1, 1], [], []>, precision = #tpu.contract_precision<fp32>, transpose_lhs_hint = false} : vector<2000x4xf32>, vector<4x128xf32>, vector<2000x128xf32> -> vector<2000x128xf32>
    %add3A_205 = arith.addf %add3A_202, %dot_general3A_204 : vector<2000x128xf32>
    %dot_general3A_206 = arith.constant dense<0.000000e+00> : vector<2000x4xf32>
    %dot_general3A_207 = tpu.matmul %add3A_205, %get3A_85, %dot_general3A_206 {dimension_numbers = #tpu.dot_dimension_numbers<[1], [0], [0], [1], [0, 0, 1, 1], [], []>, precision = #tpu.contract_precision<fp32>, transpose_lhs_hint = false} : vector<2000x128xf32>, vector<128x4xf32>, vector<2000x4xf32> -> vector<2000x4xf32>
    %add3A_208 = vector.broadcast %get3A_76 : vector<1x4xf32> to vector<2000x4xf32>
    %add3A_209 = arith.addf %dot_general3A_207, %add3A_208 : vector<2000x4xf32>
    %logistic3A_210 = arith.negf %add3A_209 : vector<2000x4xf32>
    %logistic3A_211 = math.exp %logistic3A_210 : vector<2000x4xf32>
    %logistic3A_212 = arith.constant 1.000000e+00 : f32
    %logistic3A_213 = vector.broadcast %logistic3A_212 : f32 to vector<2000x4xf32>
    %logistic3A_214 = arith.addf %logistic3A_213, %logistic3A_211 : vector<2000x4xf32>
    %logistic3A_215 = arith.divf %logistic3A_213, %logistic3A_214 : vector<2000x4xf32>
    %dot_general3A_216 = arith.constant dense<0.000000e+00> : vector<2000x64xf32>
    %dot_general3A_217 = tpu.matmul %dot_general3A_191, %get3A_70, %dot_general3A_216 {dimension_numbers = #tpu.dot_dimension_numbers<[1], [0], [0], [1], [0, 0, 1, 1], [], []>, precision = #tpu.contract_precision<fp32>, transpose_lhs_hint = false} : vector<2000x64xf32>, vector<64x64xf32>, vector<2000x64xf32> -> vector<2000x64xf32>
    %dot_general3A_218 = arith.constant dense<0.000000e+00> : vector<2000x64xf32>
    %dot_general3A_219 = tpu.matmul %logistic3A_215, %get3A_64, %dot_general3A_218 {dimension_numbers = #tpu.dot_dimension_numbers<[1], [0], [0], [1], [0, 0, 1, 1], [], []>, precision = #tpu.contract_precision<fp32>, transpose_lhs_hint = false} : vector<2000x4xf32>, vector<4x64xf32>, vector<2000x64xf32> -> vector<2000x64xf32>
    %mul3A_220 = arith.mulf %dot_general3A_217, %dot_general3A_219 : vector<2000x64xf32>
    %swap3A = arith.constant 0 : index
    %swap3A_221 = arith.constant 0 : index
    %swap3A_222 = vector.load %arg34[%swap3A, %swap3A_221] : memref<2000x128xf32, #tpu.memory_space<vmem>>, vector<2000x128xf32>
    tpu.vector_store %arg34[%swap3A, %swap3A_221], %add3A_205 {strides = array<i32>} : memref<2000x128xf32, #tpu.memory_space<vmem>>, vector<2000x128xf32>,
    %broadcast_in_dim3A = arith.constant 1.000000e+00 : f32
    %broadcast_in_dim3A_223 = vector.broadcast %broadcast_in_dim3A : f32 to vector<2000x64xf32>
    %concatenate3A = tpu.concatenate %mul3A_220, %broadcast_in_dim3A_223 in 1 : vector<2000x64xf32>, vector<2000x64xf32> -> vector<2000x128xf32>
    %swap3A_224 = arith.constant 0 : index
    %swap3A_225 = arith.constant 0 : index
    %swap3A_226 = vector.load %arg35[%swap3A_224, %swap3A_225] : memref<2000x128xf32, #tpu.memory_space<vmem>>, vector<2000x128xf32>
    tpu.vector_store %arg35[%swap3A_224, %swap3A_225], %concatenate3A {strides = array<i32>} : memref<2000x128xf32, #tpu.memory_space<vmem>>, vector<2000x128xf32>,
    return
  }
  func.func @transform_0(%arg0: i32) -> (i32, i32) {
    %c0_i32 = arith.constant 0 : i32
    %c0_i32_0 = arith.constant 0 : i32
    return %arg0, %c0_i32 : i32, i32
  }
  func.func @transform_1(%arg0: i32) -> (i32, i32) {
    %c0_i32 = arith.constant 0 : i32
    %c0_i32_0 = arith.constant 0 : i32
    return %arg0, %c0_i32 : i32, i32
  }
  func.func @transform_2(%arg0: i32) -> (i32, i32) {
    %c0_i32 = arith.constant 0 : i32
    %c0_i32_0 = arith.constant 0 : i32
    return %arg0, %c0_i32 : i32, i32
  }
  func.func @transform_3(%arg0: i32) -> (i32, i32) {
    %c0_i32 = arith.constant 0 : i32
    %c0_i32_0 = arith.constant 0 : i32
    return %arg0, %c0_i32 : i32, i32
  }
  func.func @transform_4(%arg0: i32) -> (i32, i32) {
    %c0_i32 = arith.constant 0 : i32
    %c0_i32_0 = arith.constant 0 : i32
    %c0_i32_1 = arith.constant 0 : i32
    return %c0_i32, %c0_i32_0 : i32, i32
  }
  func.func @transform_5(%arg0: i32) -> (i32, i32) {
    %c0_i32 = arith.constant 0 : i32
    %c0_i32_0 = arith.constant 0 : i32
    %c0_i32_1 = arith.constant 0 : i32
    return %c0_i32, %c0_i32_0 : i32, i32
  }
  func.func @transform_6(%arg0: i32) -> (i32, i32) {
    %c0_i32 = arith.constant 0 : i32
    %c0_i32_0 = arith.constant 0 : i32
    %c0_i32_1 = arith.constant 0 : i32
    return %c0_i32, %c0_i32_0 : i32, i32
  }
  func.func @transform_7(%arg0: i32) -> (i32, i32) {
    %c0_i32 = arith.constant 0 : i32
    %c0_i32_0 = arith.constant 0 : i32
    %c0_i32_1 = arith.constant 0 : i32
    return %c0_i32, %c0_i32_0 : i32, i32
  }
  func.func @transform_8(%arg0: i32) -> (i32, i32) {
    %c0_i32 = arith.constant 0 : i32
    %c0_i32_0 = arith.constant 0 : i32
    %c0_i32_1 = arith.constant 0 : i32
    return %c0_i32, %c0_i32_0 : i32, i32
  }
  func.func @transform_9(%arg0: i32) -> (i32, i32) {
    %c0_i32 = arith.constant 0 : i32
    %c0_i32_0 = arith.constant 0 : i32
    %c0_i32_1 = arith.constant 0 : i32
    return %c0_i32, %c0_i32_0 : i32, i32
  }
  func.func @transform_10(%arg0: i32) -> (i32, i32) {
    %c0_i32 = arith.constant 0 : i32
    %c0_i32_0 = arith.constant 0 : i32
    %c0_i32_1 = arith.constant 0 : i32
    return %c0_i32, %c0_i32_0 : i32, i32
  }
  func.func @transform_11(%arg0: i32) -> (i32, i32) {
    %c0_i32 = arith.constant 0 : i32
    %c0_i32_0 = arith.constant 0 : i32
    %c0_i32_1 = arith.constant 0 : i32
    return %c0_i32, %c0_i32_0 : i32, i32
  }
  func.func @transform_12(%arg0: i32) -> (i32, i32) {
    %c0_i32 = arith.constant 0 : i32
    %c0_i32_0 = arith.constant 0 : i32
    %c0_i32_1 = arith.constant 0 : i32
    return %c0_i32, %c0_i32_0 : i32, i32
  }
  func.func @transform_13(%arg0: i32) -> (i32, i32) {
    %c0_i32 = arith.constant 0 : i32
    %c0_i32_0 = arith.constant 0 : i32
    %c0_i32_1 = arith.constant 0 : i32
    return %c0_i32, %c0_i32_0 : i32, i32
  }
  func.func @transform_14(%arg0: i32) -> (i32, i32) {
    %c0_i32 = arith.constant 0 : i32
    %c0_i32_0 = arith.constant 0 : i32
    %c0_i32_1 = arith.constant 0 : i32
    return %c0_i32, %c0_i32_0 : i32, i32
  }
  func.func @transform_15(%arg0: i32) -> (i32, i32) {
    %c0_i32 = arith.constant 0 : i32
    %c0_i32_0 = arith.constant 0 : i32
    %c0_i32_1 = arith.constant 0 : i32
    return %c0_i32, %c0_i32_0 : i32, i32
  }
  func.func @transform_16(%arg0: i32) -> (i32, i32) {
    %c0_i32 = arith.constant 0 : i32
    %c0_i32_0 = arith.constant 0 : i32
    %c0_i32_1 = arith.constant 0 : i32
    return %c0_i32, %c0_i32_0 : i32, i32
  }
  func.func @transform_17(%arg0: i32) -> (i32, i32) {
    %c0_i32 = arith.constant 0 : i32
    %c0_i32_0 = arith.constant 0 : i32
    %c0_i32_1 = arith.constant 0 : i32
    return %c0_i32, %c0_i32_0 : i32, i32
  }
  func.func @transform_18(%arg0: i32) -> (i32, i32) {
    %c0_i32 = arith.constant 0 : i32
    %c0_i32_0 = arith.constant 0 : i32
    %c0_i32_1 = arith.constant 0 : i32
    return %c0_i32, %c0_i32_0 : i32, i32
  }
  func.func @transform_19(%arg0: i32) -> (i32, i32) {
    %c0_i32 = arith.constant 0 : i32
    %c0_i32_0 = arith.constant 0 : i32
    %c0_i32_1 = arith.constant 0 : i32
    return %c0_i32, %c0_i32_0 : i32, i32
  }
  func.func @transform_20(%arg0: i32) -> (i32, i32) {
    %c0_i32 = arith.constant 0 : i32
    %c0_i32_0 = arith.constant 0 : i32
    %c0_i32_1 = arith.constant 0 : i32
    return %c0_i32, %c0_i32_0 : i32, i32
  }
  func.func @transform_21(%arg0: i32) -> (i32, i32) {
    %c0_i32 = arith.constant 0 : i32
    %c0_i32_0 = arith.constant 0 : i32
    %c0_i32_1 = arith.constant 0 : i32
    return %c0_i32, %c0_i32_0 : i32, i32
  }
  func.func @transform_22(%arg0: i32) -> (i32, i32) {
    %c0_i32 = arith.constant 0 : i32
    %c0_i32_0 = arith.constant 0 : i32
    %c0_i32_1 = arith.constant 0 : i32
    return %c0_i32, %c0_i32_0 : i32, i32
  }
  func.func @transform_23(%arg0: i32) -> (i32, i32) {
    %c0_i32 = arith.constant 0 : i32
    %c0_i32_0 = arith.constant 0 : i32
    %c0_i32_1 = arith.constant 0 : i32
    return %c0_i32, %c0_i32_0 : i32, i32
  }
  func.func @transform_24(%arg0: i32) -> (i32, i32) {
    %c0_i32 = arith.constant 0 : i32
    %c0_i32_0 = arith.constant 0 : i32
    %c0_i32_1 = arith.constant 0 : i32
    return %c0_i32, %c0_i32_0 : i32, i32
  }
  func.func @transform_25(%arg0: i32) -> (i32, i32) {
    %c0_i32 = arith.constant 0 : i32
    %c0_i32_0 = arith.constant 0 : i32
    %c0_i32_1 = arith.constant 0 : i32
    return %c0_i32, %c0_i32_0 : i32, i32
  }
  func.func @transform_26(%arg0: i32) -> (i32, i32) {
    %c0_i32 = arith.constant 0 : i32
    %c0_i32_0 = arith.constant 0 : i32
    %c0_i32_1 = arith.constant 0 : i32
    return %c0_i32, %c0_i32_0 : i32, i32
  }
  func.func @transform_27(%arg0: i32) -> (i32, i32) {
    %c0_i32 = arith.constant 0 : i32
    %c0_i32_0 = arith.constant 0 : i32
    %c0_i32_1 = arith.constant 0 : i32
    return %c0_i32, %c0_i32_0 : i32, i32
  }
  func.func @transform_28(%arg0: i32) -> (i32, i32) {
    %c0_i32 = arith.constant 0 : i32
    %c0_i32_0 = arith.constant 0 : i32
    %c0_i32_1 = arith.constant 0 : i32
    return %c0_i32, %c0_i32_0 : i32, i32
  }
  func.func @transform_29(%arg0: i32) -> (i32, i32) {
    %c0_i32 = arith.constant 0 : i32
    %c0_i32_0 = arith.constant 0 : i32
    %c0_i32_1 = arith.constant 0 : i32
    return %c0_i32, %c0_i32_0 : i32, i32
  }
  func.func @transform_30(%arg0: i32) -> (i32, i32) {
    %c0_i32 = arith.constant 0 : i32
    %c0_i32_0 = arith.constant 0 : i32
    %c0_i32_1 = arith.constant 0 : i32
    return %c0_i32, %c0_i32_0 : i32, i32
  }
  func.func @transform_31(%arg0: i32) -> (i32, i32) {
    %c0_i32 = arith.constant 0 : i32
    %c0_i32_0 = arith.constant 0 : i32
    %c0_i32_1 = arith.constant 0 : i32
    return %c0_i32, %c0_i32_0 : i32, i32
  }
  func.func @transform_32(%arg0: i32) -> (i32, i32) {
    %c0_i32 = arith.constant 0 : i32
    %c0_i32_0 = arith.constant 0 : i32
    %c0_i32_1 = arith.constant 0 : i32
    return %c0_i32, %c0_i32_0 : i32, i32
  }
  func.func @transform_33(%arg0: i32) -> (i32, i32) {
    %c0_i32 = arith.constant 0 : i32
    %c0_i32_0 = arith.constant 0 : i32
    return %arg0, %c0_i32 : i32, i32
  }
  func.func @transform_34(%arg0: i32) -> (i32, i32) {
    %c0_i32 = arith.constant 0 : i32
    %c0_i32_0 = arith.constant 0 : i32
    return %arg0, %c0_i32 : i32, i32
  }
}

module attributes {stable_mosaic.version = 14 : i64} {
  func.func @_node_body(%arg0: i32, %arg1: memref<2000x128xf32, #tpu.memory_space<vmem>>, %arg2: memref<2000x64xf32, #tpu.memory_space<vmem>>, %arg3: memref<2000x128xf32, #tpu.memory_space<vmem>>, %arg4: memref<2000x128xf32, #tpu.memory_space<vmem>>, %arg5: memref<1x128xf32, #tpu.memory_space<vmem>>, %arg6: memref<1x128xf32, #tpu.memory_space<vmem>>, %arg7: memref<1x128xf32, #tpu.memory_space<vmem>>, %arg8: memref<1x128xf32, #tpu.memory_space<vmem>>, %arg9: memref<64x128xf32, #tpu.memory_space<vmem>>, %arg10: memref<8x128xf32, #tpu.memory_space<vmem>>, %arg11: memref<128x8xf32, #tpu.memory_space<vmem>>, %arg12: memref<128x128xf32, #tpu.memory_space<vmem>>, %arg13: memref<1x512xf32, #tpu.memory_space<vmem>>, %arg14: memref<1x8xf32, #tpu.memory_space<vmem>>, %arg15: memref<128x512xf32, #tpu.memory_space<vmem>>, %arg16: memref<8x512xf32, #tpu.memory_space<vmem>>, %arg17: memref<512x8xf32, #tpu.memory_space<vmem>>, %arg18: memref<128x128xf32, #tpu.memory_space<vmem>>, %arg19: memref<4x64xf32, #tpu.memory_space<vmem>>, %arg20: memref<128x8xf32, #tpu.memory_space<vmem>>, %arg21: memref<128x64xf32, #tpu.memory_space<vmem>>, %arg22: memref<1x128xf32, #tpu.memory_space<vmem>>, %arg23: memref<1x4xf32, #tpu.memory_space<vmem>>, %arg24: memref<512x128xf32, #tpu.memory_space<vmem>>, %arg25: memref<8x128xf32, #tpu.memory_space<vmem>>, %arg26: memref<128x4xf32, #tpu.memory_space<vmem>>, %arg27: memref<64x4xf32, #tpu.memory_space<vmem>>, %arg28: memref<2000x128xf32, #tpu.memory_space<vmem>>, %arg29: memref<2000x64xf32, #tpu.memory_space<vmem>>) attributes {dimension_semantics = [#tpu.dimension_semantics<arbitrary>], iteration_bounds = array<i64: 5>, scalar_prefetch = 0 : i64, scratch_operands = 0 : i64, tpu.core_type = #tpu.core_type<tc>, window_params = [{transform_indices = @transform_0, window_bounds = array<i64: 2000, 128>}, {transform_indices = @transform_1, window_bounds = array<i64: 2000, 64>}, {transform_indices = @transform_2, window_bounds = array<i64: 2000, 128>}, {transform_indices = @transform_3, window_bounds = array<i64: 2000, 128>}, {pipeline_mode = #tpu.pipeline_mode<synchronous>, transform_indices = @transform_4, window_bounds = array<i64: 1, 128>}, {pipeline_mode = #tpu.pipeline_mode<synchronous>, transform_indices = @transform_5, window_bounds = array<i64: 1, 128>}, {pipeline_mode = #tpu.pipeline_mode<synchronous>, transform_indices = @transform_6, window_bounds = array<i64: 1, 128>}, {pipeline_mode = #tpu.pipeline_mode<synchronous>, transform_indices = @transform_7, window_bounds = array<i64: 1, 128>}, {pipeline_mode = #tpu.pipeline_mode<synchronous>, transform_indices = @transform_8, window_bounds = array<i64: 64, 128>}, {pipeline_mode = #tpu.pipeline_mode<synchronous>, transform_indices = @transform_9, window_bounds = array<i64: 8, 128>}, {pipeline_mode = #tpu.pipeline_mode<synchronous>, transform_indices = @transform_10, window_bounds = array<i64: 128, 8>}, {pipeline_mode = #tpu.pipeline_mode<synchronous>, transform_indices = @transform_11, window_bounds = array<i64: 128, 128>}, {pipeline_mode = #tpu.pipeline_mode<synchronous>, transform_indices = @transform_12, window_bounds = array<i64: 1, 512>}, {pipeline_mode = #tpu.pipeline_mode<synchronous>, transform_indices = @transform_13, window_bounds = array<i64: 1, 8>}, {pipeline_mode = #tpu.pipeline_mode<synchronous>, transform_indices = @transform_14, window_bounds = array<i64: 128, 512>}, {pipeline_mode = #tpu.pipeline_mode<synchronous>, transform_indices = @transform_15, window_bounds = array<i64: 8, 512>}, {pipeline_mode = #tpu.pipeline_mode<synchronous>, transform_indices = @transform_16, window_bounds = array<i64: 512, 8>}, {pipeline_mode = #tpu.pipeline_mode<synchronous>, transform_indices = @transform_17, window_bounds = array<i64: 128, 128>}, {pipeline_mode = #tpu.pipeline_mode<synchronous>, transform_indices = @transform_18, window_bounds = array<i64: 4, 64>}, {pipeline_mode = #tpu.pipeline_mode<synchronous>, transform_indices = @transform_19, window_bounds = array<i64: 128, 8>}, {pipeline_mode = #tpu.pipeline_mode<synchronous>, transform_indices = @transform_20, window_bounds = array<i64: 128, 64>}, {pipeline_mode = #tpu.pipeline_mode<synchronous>, transform_indices = @transform_21, window_bounds = array<i64: 1, 128>}, {pipeline_mode = #tpu.pipeline_mode<synchronous>, transform_indices = @transform_22, window_bounds = array<i64: 1, 4>}, {pipeline_mode = #tpu.pipeline_mode<synchronous>, transform_indices = @transform_23, window_bounds = array<i64: 512, 128>}, {pipeline_mode = #tpu.pipeline_mode<synchronous>, transform_indices = @transform_24, window_bounds = array<i64: 8, 128>}, {pipeline_mode = #tpu.pipeline_mode<synchronous>, transform_indices = @transform_25, window_bounds = array<i64: 128, 4>}, {pipeline_mode = #tpu.pipeline_mode<synchronous>, transform_indices = @transform_26, window_bounds = array<i64: 64, 4>}, {transform_indices = @transform_27, window_bounds = array<i64: 2000, 128>}, {transform_indices = @transform_28, window_bounds = array<i64: 2000, 64>}]} {
    %get3A = arith.constant 0 : index
    %get3A_0 = arith.constant 0 : index
    %get3A_1 = vector.load %arg9[%get3A, %get3A_0] : memref<64x128xf32, #tpu.memory_space<vmem>>, vector<64x128xf32>
    %get3A_2 = arith.constant 0 : index
    %get3A_3 = arith.constant 0 : index
    %get3A_4 = vector.load %arg10[%get3A_2, %get3A_3] : memref<8x128xf32, #tpu.memory_space<vmem>>, vector<8x128xf32>
    %get3A_5 = arith.constant 0 : index
    %get3A_6 = arith.constant 0 : index
    %get3A_7 = vector.load %arg11[%get3A_5, %get3A_6] : memref<128x8xf32, #tpu.memory_space<vmem>>, vector<128x8xf32>
    %get3A_8 = arith.constant 0 : index
    %get3A_9 = arith.constant 0 : index
    %get3A_10 = vector.load %arg12[%get3A_8, %get3A_9] : memref<128x128xf32, #tpu.memory_space<vmem>>, vector<128x128xf32>
    %get3A_11 = arith.constant 0 : index
    %get3A_12 = arith.constant 0 : index
    %get3A_13 = vector.load %arg13[%get3A_11, %get3A_12] : memref<1x512xf32, #tpu.memory_space<vmem>>, vector<1x512xf32>
    %get3A_14 = arith.constant 0 : index
    %get3A_15 = arith.constant 0 : index
    %get3A_16 = vector.load %arg14[%get3A_14, %get3A_15] : memref<1x8xf32, #tpu.memory_space<vmem>>, vector<1x8xf32>
    %get3A_17 = arith.constant 0 : index
    %get3A_18 = arith.constant 0 : index
    %get3A_19 = vector.load %arg15[%get3A_17, %get3A_18] : memref<128x512xf32, #tpu.memory_space<vmem>>, vector<128x512xf32>
    %get3A_20 = arith.constant 0 : index
    %get3A_21 = arith.constant 0 : index
    %get3A_22 = vector.load %arg16[%get3A_20, %get3A_21] : memref<8x512xf32, #tpu.memory_space<vmem>>, vector<8x512xf32>
    %get3A_23 = arith.constant 0 : index
    %get3A_24 = arith.constant 0 : index
    %get3A_25 = vector.load %arg17[%get3A_23, %get3A_24] : memref<512x8xf32, #tpu.memory_space<vmem>>, vector<512x8xf32>
    %get3A_26 = arith.constant 0 : index
    %get3A_27 = arith.constant 0 : index
    %get3A_28 = vector.load %arg18[%get3A_26, %get3A_27] : memref<128x128xf32, #tpu.memory_space<vmem>>, vector<128x128xf32>
    %get3A_29 = arith.constant 0 : index
    %get3A_30 = arith.constant 0 : index
    %get3A_31 = vector.load %arg19[%get3A_29, %get3A_30] : memref<4x64xf32, #tpu.memory_space<vmem>>, vector<4x64xf32>
    %get3A_32 = arith.constant 0 : index
    %get3A_33 = arith.constant 0 : index
    %get3A_34 = vector.load %arg20[%get3A_32, %get3A_33] : memref<128x8xf32, #tpu.memory_space<vmem>>, vector<128x8xf32>
    %get3A_35 = arith.constant 0 : index
    %get3A_36 = arith.constant 0 : index
    %get3A_37 = vector.load %arg21[%get3A_35, %get3A_36] : memref<128x64xf32, #tpu.memory_space<vmem>>, vector<128x64xf32>
    %get3A_38 = arith.constant 0 : index
    %get3A_39 = arith.constant 0 : index
    %get3A_40 = vector.load %arg22[%get3A_38, %get3A_39] : memref<1x128xf32, #tpu.memory_space<vmem>>, vector<1x128xf32>
    %get3A_41 = arith.constant 0 : index
    %get3A_42 = arith.constant 0 : index
    %get3A_43 = vector.load %arg23[%get3A_41, %get3A_42] : memref<1x4xf32, #tpu.memory_space<vmem>>, vector<1x4xf32>
    %get3A_44 = arith.constant 0 : index
    %get3A_45 = arith.constant 0 : index
    %get3A_46 = vector.load %arg24[%get3A_44, %get3A_45] : memref<512x128xf32, #tpu.memory_space<vmem>>, vector<512x128xf32>
    %get3A_47 = arith.constant 0 : index
    %get3A_48 = arith.constant 0 : index
    %get3A_49 = vector.load %arg25[%get3A_47, %get3A_48] : memref<8x128xf32, #tpu.memory_space<vmem>>, vector<8x128xf32>
    %get3A_50 = arith.constant 0 : index
    %get3A_51 = arith.constant 0 : index
    %get3A_52 = vector.load %arg26[%get3A_50, %get3A_51] : memref<128x4xf32, #tpu.memory_space<vmem>>, vector<128x4xf32>
    %get3A_53 = arith.constant 0 : index
    %get3A_54 = arith.constant 0 : index
    %get3A_55 = vector.load %arg3[%get3A_53, %get3A_54] : memref<2000x128xf32, #tpu.memory_space<vmem>>, vector<2000x128xf32>
    %get3A_56 = arith.constant 0 : index
    %get3A_57 = arith.constant 0 : index
    %get3A_58 = vector.load %arg4[%get3A_56, %get3A_57] : memref<2000x128xf32, #tpu.memory_space<vmem>>, vector<2000x128xf32>
    %slice3A = vector.extract_strided_slice %get3A_58 {offsets = [0, 64], sizes = [2000, 1], strides = [1, 1]} : vector<2000x128xf32> to vector<2000x1xf32>
    %max3A = arith.constant 1.000000e+00 : f32
    %max3A_59 = vector.broadcast %max3A : f32 to vector<2000x1xf32>
    %max3A_60 = arith.maximumf %slice3A, %max3A_59 : vector<2000x1xf32>
    %div3A = arith.constant 1.000000e+00 : f32
    %div3A_61 = vector.broadcast %div3A : f32 to vector<2000x1xf32>
    %div3A_62 = arith.divf %div3A_61, %max3A_60 : vector<2000x1xf32>
    %get3A_63 = arith.constant 0 : index
    %get3A_64 = arith.constant 0 : index
    %get3A_65 = vector.load %arg1[%get3A_63, %get3A_64] : memref<2000x128xf32, #tpu.memory_space<vmem>>, vector<2000x128xf32>
    %mul3A = vector.broadcast %div3A_62 : vector<2000x1xf32> to vector<2000x128xf32>
    %mul3A_66 = arith.mulf %get3A_55, %mul3A : vector<2000x128xf32>
    %add3A = arith.addf %get3A_65, %mul3A_66 : vector<2000x128xf32>
    %get3A_67 = arith.constant 0 : index
    %get3A_68 = arith.constant 0 : index
    %get3A_69 = vector.load %arg2[%get3A_67, %get3A_68] : memref<2000x64xf32, #tpu.memory_space<vmem>>, vector<2000x64xf32>
    %slice3A_70 = vector.extract_strided_slice %get3A_58 {offsets = [0, 0], sizes = [2000, 64], strides = [1, 1]} : vector<2000x128xf32> to vector<2000x64xf32>
    %mul3A_71 = vector.broadcast %div3A_62 : vector<2000x1xf32> to vector<2000x64xf32>
    %mul3A_72 = arith.mulf %slice3A_70, %mul3A_71 : vector<2000x64xf32>
    %add3A_73 = arith.addf %get3A_69, %mul3A_72 : vector<2000x64xf32>
    %get3A_74 = arith.constant 0 : index
    %get3A_75 = arith.constant 0 : index
    %get3A_76 = vector.load %arg27[%get3A_74, %get3A_75] : memref<64x4xf32, #tpu.memory_space<vmem>>, vector<64x4xf32>
    %get3A_77 = arith.constant 0 : index
    %get3A_78 = arith.constant 0 : index
    %get3A_79 = vector.load %arg7[%get3A_77, %get3A_78] : memref<1x128xf32, #tpu.memory_space<vmem>>, vector<1x128xf32>
    %get3A_80 = arith.constant 0 : index
    %get3A_81 = arith.constant 0 : index
    %get3A_82 = vector.load %arg5[%get3A_80, %get3A_81] : memref<1x128xf32, #tpu.memory_space<vmem>>, vector<1x128xf32>
    %reduce_sum3A = arith.constant dense<0.000000e+00> : vector<2000xf32>
    %reduce_sum3A_83 = vector.multi_reduction <add>, %add3A, %reduce_sum3A [1] : vector<2000x128xf32> to vector<2000xf32>
    %broadcast_in_dim3A = vector.shape_cast %reduce_sum3A_83 : vector<2000xf32> to vector<2000x1xf32>
    %div3A_84 = arith.constant 1.280000e+02 : f32
    %div3A_85 = vector.broadcast %div3A_84 : f32 to vector<2000x1xf32>
    %div3A_86 = arith.divf %broadcast_in_dim3A, %div3A_85 : vector<2000x1xf32>
    %sub3A = vector.broadcast %div3A_86 : vector<2000x1xf32> to vector<2000x128xf32>
    %sub3A_87 = arith.subf %add3A, %sub3A : vector<2000x128xf32>
    %sub3A_88 = vector.broadcast %div3A_86 : vector<2000x1xf32> to vector<2000x128xf32>
    %sub3A_89 = arith.subf %add3A, %sub3A_88 : vector<2000x128xf32>
    %mul3A_90 = arith.mulf %sub3A_87, %sub3A_89 : vector<2000x128xf32>
    %reduce_sum3A_91 = arith.constant dense<0.000000e+00> : vector<2000xf32>
    %reduce_sum3A_92 = vector.multi_reduction <add>, %mul3A_90, %reduce_sum3A_91 [1] : vector<2000x128xf32> to vector<2000xf32>
    %broadcast_in_dim3A_93 = vector.shape_cast %reduce_sum3A_92 : vector<2000xf32> to vector<2000x1xf32>
    %div3A_94 = arith.constant 1.280000e+02 : f32
    %div3A_95 = vector.broadcast %div3A_94 : f32 to vector<2000x1xf32>
    %div3A_96 = arith.divf %broadcast_in_dim3A_93, %div3A_95 : vector<2000x1xf32>
    %sub3A_97 = vector.broadcast %div3A_86 : vector<2000x1xf32> to vector<2000x128xf32>
    %sub3A_98 = arith.subf %add3A, %sub3A_97 : vector<2000x128xf32>
    %add3A_99 = arith.constant 9.99999974E-6 : f32
    %add3A_100 = vector.broadcast %add3A_99 : f32 to vector<2000x1xf32>
    %add3A_101 = arith.addf %div3A_96, %add3A_100 : vector<2000x1xf32>
    %rsqrt3A = math.rsqrt %add3A_101 : vector<2000x1xf32>
    %mul3A_102 = vector.broadcast %rsqrt3A : vector<2000x1xf32> to vector<2000x128xf32>
    %mul3A_103 = arith.mulf %sub3A_98, %mul3A_102 : vector<2000x128xf32>
    %mul3A_104 = vector.broadcast %get3A_79 : vector<1x128xf32> to vector<2000x128xf32>
    %mul3A_105 = arith.mulf %mul3A_103, %mul3A_104 : vector<2000x128xf32>
    %add3A_106 = vector.broadcast %get3A_82 : vector<1x128xf32> to vector<2000x128xf32>
    %add3A_107 = arith.addf %mul3A_105, %add3A_106 : vector<2000x128xf32>
    %mul3A_108 = arith.mulf %add3A_73, %add3A_73 : vector<2000x64xf32>
    %dot_general3A = arith.constant dense<0.000000e+00> : vector<2000x4xf32>
    %dot_general3A_109 = tpu.matmul %mul3A_108, %get3A_76, %dot_general3A {dimension_numbers = #tpu.dot_dimension_numbers<[1], [0], [0], [1], [0, 0, 1, 1], [], []>, precision = #tpu.contract_precision<fp32>, transpose_lhs_hint = false} : vector<2000x64xf32>, vector<64x4xf32>, vector<2000x4xf32> -> vector<2000x4xf32>
    %max3A_110 = arith.constant 9.99999993E-9 : f32
    %max3A_111 = vector.broadcast %max3A_110 : f32 to vector<2000x4xf32>
    %max3A_112 = arith.maximumf %dot_general3A_109, %max3A_111 : vector<2000x4xf32>
    %reduce_sum3A_113 = arith.constant dense<0.000000e+00> : vector<2000xf32>
    %reduce_sum3A_114 = vector.multi_reduction <add>, %max3A_112, %reduce_sum3A_113 [1] : vector<2000x4xf32> to vector<2000xf32>
    %broadcast_in_dim3A_115 = vector.shape_cast %reduce_sum3A_114 : vector<2000xf32> to vector<2000x1xf32>
    %div3A_116 = arith.constant 4.000000e+00 : f32
    %div3A_117 = vector.broadcast %div3A_116 : f32 to vector<2000x1xf32>
    %div3A_118 = arith.divf %broadcast_in_dim3A_115, %div3A_117 : vector<2000x1xf32>
    %sqrt3A = math.sqrt %div3A_118 : vector<2000x1xf32>
    %div3A_119 = vector.broadcast %sqrt3A : vector<2000x1xf32> to vector<2000x64xf32>
    %div3A_120 = arith.divf %add3A_73, %div3A_119 : vector<2000x64xf32>
    %dot_general3A_121 = arith.constant dense<0.000000e+00> : vector<2000x128xf32>
    %dot_general3A_122 = tpu.matmul %div3A_120, %get3A_1, %dot_general3A_121 {dimension_numbers = #tpu.dot_dimension_numbers<[1], [0], [0], [1], [0, 0, 1, 1], [], []>, precision = #tpu.contract_precision<fp32>, transpose_lhs_hint = false} : vector<2000x64xf32>, vector<64x128xf32>, vector<2000x128xf32> -> vector<2000x128xf32>
    %mul3A_123 = arith.mulf %dot_general3A_122, %dot_general3A_122 : vector<2000x128xf32>
    %dot_general3A_124 = arith.constant dense<0.000000e+00> : vector<2000x8xf32>
    %dot_general3A_125 = tpu.matmul %mul3A_123, %get3A_7, %dot_general3A_124 {dimension_numbers = #tpu.dot_dimension_numbers<[1], [0], [0], [1], [0, 0, 1, 1], [], []>, precision = #tpu.contract_precision<fp32>, transpose_lhs_hint = false} : vector<2000x128xf32>, vector<128x8xf32>, vector<2000x8xf32> -> vector<2000x8xf32>
    %max3A_126 = arith.constant 9.99999993E-9 : f32
    %max3A_127 = vector.broadcast %max3A_126 : f32 to vector<2000x8xf32>
    %max3A_128 = arith.maximumf %dot_general3A_125, %max3A_127 : vector<2000x8xf32>
    %sqrt3A_129 = math.sqrt %max3A_128 : vector<2000x8xf32>
    %dot_general3A_130 = arith.constant dense<0.000000e+00> : vector<2000x512xf32>
    %dot_general3A_131 = tpu.matmul %add3A_107, %get3A_19, %dot_general3A_130 {dimension_numbers = #tpu.dot_dimension_numbers<[1], [0], [0], [1], [0, 0, 1, 1], [], []>, precision = #tpu.contract_precision<fp32>, transpose_lhs_hint = false} : vector<2000x128xf32>, vector<128x512xf32>, vector<2000x512xf32> -> vector<2000x512xf32>
    %add3A_132 = vector.broadcast %get3A_13 : vector<1x512xf32> to vector<2000x512xf32>
    %add3A_133 = arith.addf %add3A_132, %dot_general3A_131 : vector<2000x512xf32>
    %dot_general3A_134 = arith.constant dense<0.000000e+00> : vector<2000x512xf32>
    %dot_general3A_135 = tpu.matmul %sqrt3A_129, %get3A_22, %dot_general3A_134 {dimension_numbers = #tpu.dot_dimension_numbers<[1], [0], [0], [1], [0, 0, 1, 1], [], []>, precision = #tpu.contract_precision<fp32>, transpose_lhs_hint = false} : vector<2000x8xf32>, vector<8x512xf32>, vector<2000x512xf32> -> vector<2000x512xf32>
    %add3A_136 = arith.addf %add3A_133, %dot_general3A_135 : vector<2000x512xf32>
    %logistic3A = arith.negf %add3A_136 : vector<2000x512xf32>
    %logistic3A_137 = math.exp %logistic3A : vector<2000x512xf32>
    %logistic3A_138 = arith.constant 1.000000e+00 : f32
    %logistic3A_139 = vector.broadcast %logistic3A_138 : f32 to vector<2000x512xf32>
    %logistic3A_140 = arith.addf %logistic3A_139, %logistic3A_137 : vector<2000x512xf32>
    %logistic3A_141 = arith.divf %logistic3A_139, %logistic3A_140 : vector<2000x512xf32>
    %dot_general3A_142 = arith.constant dense<0.000000e+00> : vector<2000x8xf32>
    %dot_general3A_143 = tpu.matmul %logistic3A_141, %get3A_25, %dot_general3A_142 {dimension_numbers = #tpu.dot_dimension_numbers<[1], [0], [0], [1], [0, 0, 1, 1], [], []>, precision = #tpu.contract_precision<fp32>, transpose_lhs_hint = false} : vector<2000x512xf32>, vector<512x8xf32>, vector<2000x8xf32> -> vector<2000x8xf32>
    %add3A_144 = vector.broadcast %get3A_16 : vector<1x8xf32> to vector<2000x8xf32>
    %add3A_145 = arith.addf %dot_general3A_143, %add3A_144 : vector<2000x8xf32>
    %logistic3A_146 = arith.negf %add3A_145 : vector<2000x8xf32>
    %logistic3A_147 = math.exp %logistic3A_146 : vector<2000x8xf32>
    %logistic3A_148 = arith.constant 1.000000e+00 : f32
    %logistic3A_149 = vector.broadcast %logistic3A_148 : f32 to vector<2000x8xf32>
    %logistic3A_150 = arith.addf %logistic3A_149, %logistic3A_147 : vector<2000x8xf32>
    %logistic3A_151 = arith.divf %logistic3A_149, %logistic3A_150 : vector<2000x8xf32>
    %dot_general3A_152 = arith.constant dense<0.000000e+00> : vector<2000x128xf32>
    %dot_general3A_153 = tpu.matmul %dot_general3A_122, %get3A_10, %dot_general3A_152 {dimension_numbers = #tpu.dot_dimension_numbers<[1], [0], [0], [1], [0, 0, 1, 1], [], []>, precision = #tpu.contract_precision<fp32>, transpose_lhs_hint = false} : vector<2000x128xf32>, vector<128x128xf32>, vector<2000x128xf32> -> vector<2000x128xf32>
    %dot_general3A_154 = arith.constant dense<0.000000e+00> : vector<2000x128xf32>
    %dot_general3A_155 = tpu.matmul %logistic3A_151, %get3A_4, %dot_general3A_154 {dimension_numbers = #tpu.dot_dimension_numbers<[1], [0], [0], [1], [0, 0, 1, 1], [], []>, precision = #tpu.contract_precision<fp32>, transpose_lhs_hint = false} : vector<2000x8xf32>, vector<8x128xf32>, vector<2000x128xf32> -> vector<2000x128xf32>
    %mul3A_156 = arith.mulf %dot_general3A_153, %dot_general3A_155 : vector<2000x128xf32>
    %max3A_157 = arith.constant 0.000000e+00 : f32
    %max3A_158 = vector.broadcast %max3A_157 : f32 to vector<2000x512xf32>
    %max3A_159 = arith.maximumf %add3A_136, %max3A_158 : vector<2000x512xf32>
    %dot_general3A_160 = arith.constant dense<0.000000e+00> : vector<2000x128xf32>
    %dot_general3A_161 = tpu.matmul %mul3A_156, %get3A_28, %dot_general3A_160 {dimension_numbers = #tpu.dot_dimension_numbers<[1], [0], [0], [1], [0, 0, 1, 1], [], []>, precision = #tpu.contract_precision<fp32>, transpose_lhs_hint = false} : vector<2000x128xf32>, vector<128x128xf32>, vector<2000x128xf32> -> vector<2000x128xf32>
    %mul3A_162 = arith.mulf %dot_general3A_161, %dot_general3A_161 : vector<2000x128xf32>
    %dot_general3A_163 = arith.constant dense<0.000000e+00> : vector<2000x8xf32>
    %dot_general3A_164 = tpu.matmul %mul3A_162, %get3A_34, %dot_general3A_163 {dimension_numbers = #tpu.dot_dimension_numbers<[1], [0], [0], [1], [0, 0, 1, 1], [], []>, precision = #tpu.contract_precision<fp32>, transpose_lhs_hint = false} : vector<2000x128xf32>, vector<128x8xf32>, vector<2000x8xf32> -> vector<2000x8xf32>
    %max3A_165 = arith.constant 9.99999993E-9 : f32
    %max3A_166 = vector.broadcast %max3A_165 : f32 to vector<2000x8xf32>
    %max3A_167 = arith.maximumf %dot_general3A_164, %max3A_166 : vector<2000x8xf32>
    %sqrt3A_168 = math.sqrt %max3A_167 : vector<2000x8xf32>
    %dot_general3A_169 = arith.constant dense<0.000000e+00> : vector<2000x128xf32>
    %dot_general3A_170 = tpu.matmul %max3A_159, %get3A_46, %dot_general3A_169 {dimension_numbers = #tpu.dot_dimension_numbers<[1], [0], [0], [1], [0, 0, 1, 1], [], []>, precision = #tpu.contract_precision<fp32>, transpose_lhs_hint = false} : vector<2000x512xf32>, vector<512x128xf32>, vector<2000x128xf32> -> vector<2000x128xf32>
    %add3A_171 = vector.broadcast %get3A_40 : vector<1x128xf32> to vector<2000x128xf32>
    %add3A_172 = arith.addf %add3A_171, %dot_general3A_170 : vector<2000x128xf32>
    %dot_general3A_173 = arith.constant dense<0.000000e+00> : vector<2000x128xf32>
    %dot_general3A_174 = tpu.matmul %sqrt3A_168, %get3A_49, %dot_general3A_173 {dimension_numbers = #tpu.dot_dimension_numbers<[1], [0], [0], [1], [0, 0, 1, 1], [], []>, precision = #tpu.contract_precision<fp32>, transpose_lhs_hint = false} : vector<2000x8xf32>, vector<8x128xf32>, vector<2000x128xf32> -> vector<2000x128xf32>
    %add3A_175 = arith.addf %add3A_172, %dot_general3A_174 : vector<2000x128xf32>
    %dot_general3A_176 = arith.constant dense<0.000000e+00> : vector<2000x4xf32>
    %dot_general3A_177 = tpu.matmul %add3A_175, %get3A_52, %dot_general3A_176 {dimension_numbers = #tpu.dot_dimension_numbers<[1], [0], [0], [1], [0, 0, 1, 1], [], []>, precision = #tpu.contract_precision<fp32>, transpose_lhs_hint = false} : vector<2000x128xf32>, vector<128x4xf32>, vector<2000x4xf32> -> vector<2000x4xf32>
    %add3A_178 = vector.broadcast %get3A_43 : vector<1x4xf32> to vector<2000x4xf32>
    %add3A_179 = arith.addf %dot_general3A_177, %add3A_178 : vector<2000x4xf32>
    %logistic3A_180 = arith.negf %add3A_179 : vector<2000x4xf32>
    %logistic3A_181 = math.exp %logistic3A_180 : vector<2000x4xf32>
    %logistic3A_182 = arith.constant 1.000000e+00 : f32
    %logistic3A_183 = vector.broadcast %logistic3A_182 : f32 to vector<2000x4xf32>
    %logistic3A_184 = arith.addf %logistic3A_183, %logistic3A_181 : vector<2000x4xf32>
    %logistic3A_185 = arith.divf %logistic3A_183, %logistic3A_184 : vector<2000x4xf32>
    %dot_general3A_186 = arith.constant dense<0.000000e+00> : vector<2000x64xf32>
    %dot_general3A_187 = tpu.matmul %dot_general3A_161, %get3A_37, %dot_general3A_186 {dimension_numbers = #tpu.dot_dimension_numbers<[1], [0], [0], [1], [0, 0, 1, 1], [], []>, precision = #tpu.contract_precision<fp32>, transpose_lhs_hint = false} : vector<2000x128xf32>, vector<128x64xf32>, vector<2000x64xf32> -> vector<2000x64xf32>
    %dot_general3A_188 = arith.constant dense<0.000000e+00> : vector<2000x64xf32>
    %dot_general3A_189 = tpu.matmul %logistic3A_185, %get3A_31, %dot_general3A_188 {dimension_numbers = #tpu.dot_dimension_numbers<[1], [0], [0], [1], [0, 0, 1, 1], [], []>, precision = #tpu.contract_precision<fp32>, transpose_lhs_hint = false} : vector<2000x4xf32>, vector<4x64xf32>, vector<2000x64xf32> -> vector<2000x64xf32>
    %mul3A_190 = arith.mulf %dot_general3A_187, %dot_general3A_189 : vector<2000x64xf32>
    %add3A_191 = arith.addf %add3A_107, %add3A_175 : vector<2000x128xf32>
    %add3A_192 = arith.addf %div3A_120, %mul3A_190 : vector<2000x64xf32>
    %get3A_193 = arith.constant 0 : index
    %get3A_194 = arith.constant 0 : index
    %get3A_195 = vector.load %arg8[%get3A_193, %get3A_194] : memref<1x128xf32, #tpu.memory_space<vmem>>, vector<1x128xf32>
    %get3A_196 = arith.constant 0 : index
    %get3A_197 = arith.constant 0 : index
    %get3A_198 = vector.load %arg6[%get3A_196, %get3A_197] : memref<1x128xf32, #tpu.memory_space<vmem>>, vector<1x128xf32>
    %reduce_sum3A_199 = arith.constant dense<0.000000e+00> : vector<2000xf32>
    %reduce_sum3A_200 = vector.multi_reduction <add>, %add3A_191, %reduce_sum3A_199 [1] : vector<2000x128xf32> to vector<2000xf32>
    %broadcast_in_dim3A_201 = vector.shape_cast %reduce_sum3A_200 : vector<2000xf32> to vector<2000x1xf32>
    %div3A_202 = arith.constant 1.280000e+02 : f32
    %div3A_203 = vector.broadcast %div3A_202 : f32 to vector<2000x1xf32>
    %div3A_204 = arith.divf %broadcast_in_dim3A_201, %div3A_203 : vector<2000x1xf32>
    %sub3A_205 = vector.broadcast %div3A_204 : vector<2000x1xf32> to vector<2000x128xf32>
    %sub3A_206 = arith.subf %add3A_191, %sub3A_205 : vector<2000x128xf32>
    %sub3A_207 = vector.broadcast %div3A_204 : vector<2000x1xf32> to vector<2000x128xf32>
    %sub3A_208 = arith.subf %add3A_191, %sub3A_207 : vector<2000x128xf32>
    %mul3A_209 = arith.mulf %sub3A_206, %sub3A_208 : vector<2000x128xf32>
    %reduce_sum3A_210 = arith.constant dense<0.000000e+00> : vector<2000xf32>
    %reduce_sum3A_211 = vector.multi_reduction <add>, %mul3A_209, %reduce_sum3A_210 [1] : vector<2000x128xf32> to vector<2000xf32>
    %broadcast_in_dim3A_212 = vector.shape_cast %reduce_sum3A_211 : vector<2000xf32> to vector<2000x1xf32>
    %div3A_213 = arith.constant 1.280000e+02 : f32
    %div3A_214 = vector.broadcast %div3A_213 : f32 to vector<2000x1xf32>
    %div3A_215 = arith.divf %broadcast_in_dim3A_212, %div3A_214 : vector<2000x1xf32>
    %sub3A_216 = vector.broadcast %div3A_204 : vector<2000x1xf32> to vector<2000x128xf32>
    %sub3A_217 = arith.subf %add3A_191, %sub3A_216 : vector<2000x128xf32>
    %add3A_218 = arith.constant 9.99999974E-6 : f32
    %add3A_219 = vector.broadcast %add3A_218 : f32 to vector<2000x1xf32>
    %add3A_220 = arith.addf %div3A_215, %add3A_219 : vector<2000x1xf32>
    %rsqrt3A_221 = math.rsqrt %add3A_220 : vector<2000x1xf32>
    %mul3A_222 = vector.broadcast %rsqrt3A_221 : vector<2000x1xf32> to vector<2000x128xf32>
    %mul3A_223 = arith.mulf %sub3A_217, %mul3A_222 : vector<2000x128xf32>
    %mul3A_224 = vector.broadcast %get3A_195 : vector<1x128xf32> to vector<2000x128xf32>
    %mul3A_225 = arith.mulf %mul3A_223, %mul3A_224 : vector<2000x128xf32>
    %add3A_226 = vector.broadcast %get3A_198 : vector<1x128xf32> to vector<2000x128xf32>
    %add3A_227 = arith.addf %mul3A_225, %add3A_226 : vector<2000x128xf32>
    %mul3A_228 = arith.mulf %add3A_192, %add3A_192 : vector<2000x64xf32>
    %dot_general3A_229 = arith.constant dense<0.000000e+00> : vector<2000x4xf32>
    %dot_general3A_230 = tpu.matmul %mul3A_228, %get3A_76, %dot_general3A_229 {dimension_numbers = #tpu.dot_dimension_numbers<[1], [0], [0], [1], [0, 0, 1, 1], [], []>, precision = #tpu.contract_precision<fp32>, transpose_lhs_hint = false} : vector<2000x64xf32>, vector<64x4xf32>, vector<2000x4xf32> -> vector<2000x4xf32>
    %max3A_231 = arith.constant 9.99999993E-9 : f32
    %max3A_232 = vector.broadcast %max3A_231 : f32 to vector<2000x4xf32>
    %max3A_233 = arith.maximumf %dot_general3A_230, %max3A_232 : vector<2000x4xf32>
    %reduce_sum3A_234 = arith.constant dense<0.000000e+00> : vector<2000xf32>
    %reduce_sum3A_235 = vector.multi_reduction <add>, %max3A_233, %reduce_sum3A_234 [1] : vector<2000x4xf32> to vector<2000xf32>
    %broadcast_in_dim3A_236 = vector.shape_cast %reduce_sum3A_235 : vector<2000xf32> to vector<2000x1xf32>
    %div3A_237 = arith.constant 4.000000e+00 : f32
    %div3A_238 = vector.broadcast %div3A_237 : f32 to vector<2000x1xf32>
    %div3A_239 = arith.divf %broadcast_in_dim3A_236, %div3A_238 : vector<2000x1xf32>
    %sqrt3A_240 = math.sqrt %div3A_239 : vector<2000x1xf32>
    %div3A_241 = vector.broadcast %sqrt3A_240 : vector<2000x1xf32> to vector<2000x64xf32>
    %div3A_242 = arith.divf %add3A_192, %div3A_241 : vector<2000x64xf32>
    %swap3A = arith.constant 0 : index
    %swap3A_243 = arith.constant 0 : index
    %swap3A_244 = vector.load %arg28[%swap3A, %swap3A_243] : memref<2000x128xf32, #tpu.memory_space<vmem>>, vector<2000x128xf32>
    tpu.vector_store %arg28[%swap3A, %swap3A_243], %add3A_227 {strides = array<i32>} : memref<2000x128xf32, #tpu.memory_space<vmem>>, vector<2000x128xf32>,
    %swap3A_245 = arith.constant 0 : index
    %swap3A_246 = arith.constant 0 : index
    %swap3A_247 = vector.load %arg29[%swap3A_245, %swap3A_246] : memref<2000x64xf32, #tpu.memory_space<vmem>>, vector<2000x64xf32>
    tpu.vector_store %arg29[%swap3A_245, %swap3A_246], %div3A_242 {strides = array<i32>} : memref<2000x64xf32, #tpu.memory_space<vmem>>, vector<2000x64xf32>,
    return
  }
  func.func @transform_0(%arg0: i32) -> (i32, i32) {
    %c0_i32 = arith.constant 0 : i32
    %c0_i32_0 = arith.constant 0 : i32
    return %arg0, %c0_i32 : i32, i32
  }
  func.func @transform_1(%arg0: i32) -> (i32, i32) {
    %c0_i32 = arith.constant 0 : i32
    %c0_i32_0 = arith.constant 0 : i32
    return %arg0, %c0_i32 : i32, i32
  }
  func.func @transform_2(%arg0: i32) -> (i32, i32) {
    %c0_i32 = arith.constant 0 : i32
    %c0_i32_0 = arith.constant 0 : i32
    return %arg0, %c0_i32 : i32, i32
  }
  func.func @transform_3(%arg0: i32) -> (i32, i32) {
    %c0_i32 = arith.constant 0 : i32
    %c0_i32_0 = arith.constant 0 : i32
    return %arg0, %c0_i32 : i32, i32
  }
  func.func @transform_4(%arg0: i32) -> (i32, i32) {
    %c0_i32 = arith.constant 0 : i32
    %c0_i32_0 = arith.constant 0 : i32
    %c0_i32_1 = arith.constant 0 : i32
    return %c0_i32, %c0_i32_0 : i32, i32
  }
  func.func @transform_5(%arg0: i32) -> (i32, i32) {
    %c0_i32 = arith.constant 0 : i32
    %c0_i32_0 = arith.constant 0 : i32
    %c0_i32_1 = arith.constant 0 : i32
    return %c0_i32, %c0_i32_0 : i32, i32
  }
  func.func @transform_6(%arg0: i32) -> (i32, i32) {
    %c0_i32 = arith.constant 0 : i32
    %c0_i32_0 = arith.constant 0 : i32
    %c0_i32_1 = arith.constant 0 : i32
    return %c0_i32, %c0_i32_0 : i32, i32
  }
  func.func @transform_7(%arg0: i32) -> (i32, i32) {
    %c0_i32 = arith.constant 0 : i32
    %c0_i32_0 = arith.constant 0 : i32
    %c0_i32_1 = arith.constant 0 : i32
    return %c0_i32, %c0_i32_0 : i32, i32
  }
  func.func @transform_8(%arg0: i32) -> (i32, i32) {
    %c0_i32 = arith.constant 0 : i32
    %c0_i32_0 = arith.constant 0 : i32
    %c0_i32_1 = arith.constant 0 : i32
    return %c0_i32, %c0_i32_0 : i32, i32
  }
  func.func @transform_9(%arg0: i32) -> (i32, i32) {
    %c0_i32 = arith.constant 0 : i32
    %c0_i32_0 = arith.constant 0 : i32
    %c0_i32_1 = arith.constant 0 : i32
    return %c0_i32, %c0_i32_0 : i32, i32
  }
  func.func @transform_10(%arg0: i32) -> (i32, i32) {
    %c0_i32 = arith.constant 0 : i32
    %c0_i32_0 = arith.constant 0 : i32
    %c0_i32_1 = arith.constant 0 : i32
    return %c0_i32, %c0_i32_0 : i32, i32
  }
  func.func @transform_11(%arg0: i32) -> (i32, i32) {
    %c0_i32 = arith.constant 0 : i32
    %c0_i32_0 = arith.constant 0 : i32
    %c0_i32_1 = arith.constant 0 : i32
    return %c0_i32, %c0_i32_0 : i32, i32
  }
  func.func @transform_12(%arg0: i32) -> (i32, i32) {
    %c0_i32 = arith.constant 0 : i32
    %c0_i32_0 = arith.constant 0 : i32
    %c0_i32_1 = arith.constant 0 : i32
    return %c0_i32, %c0_i32_0 : i32, i32
  }
  func.func @transform_13(%arg0: i32) -> (i32, i32) {
    %c0_i32 = arith.constant 0 : i32
    %c0_i32_0 = arith.constant 0 : i32
    %c0_i32_1 = arith.constant 0 : i32
    return %c0_i32, %c0_i32_0 : i32, i32
  }
  func.func @transform_14(%arg0: i32) -> (i32, i32) {
    %c0_i32 = arith.constant 0 : i32
    %c0_i32_0 = arith.constant 0 : i32
    %c0_i32_1 = arith.constant 0 : i32
    return %c0_i32, %c0_i32_0 : i32, i32
  }
  func.func @transform_15(%arg0: i32) -> (i32, i32) {
    %c0_i32 = arith.constant 0 : i32
    %c0_i32_0 = arith.constant 0 : i32
    %c0_i32_1 = arith.constant 0 : i32
    return %c0_i32, %c0_i32_0 : i32, i32
  }
  func.func @transform_16(%arg0: i32) -> (i32, i32) {
    %c0_i32 = arith.constant 0 : i32
    %c0_i32_0 = arith.constant 0 : i32
    %c0_i32_1 = arith.constant 0 : i32
    return %c0_i32, %c0_i32_0 : i32, i32
  }
  func.func @transform_17(%arg0: i32) -> (i32, i32) {
    %c0_i32 = arith.constant 0 : i32
    %c0_i32_0 = arith.constant 0 : i32
    %c0_i32_1 = arith.constant 0 : i32
    return %c0_i32, %c0_i32_0 : i32, i32
  }
  func.func @transform_18(%arg0: i32) -> (i32, i32) {
    %c0_i32 = arith.constant 0 : i32
    %c0_i32_0 = arith.constant 0 : i32
    %c0_i32_1 = arith.constant 0 : i32
    return %c0_i32, %c0_i32_0 : i32, i32
  }
  func.func @transform_19(%arg0: i32) -> (i32, i32) {
    %c0_i32 = arith.constant 0 : i32
    %c0_i32_0 = arith.constant 0 : i32
    %c0_i32_1 = arith.constant 0 : i32
    return %c0_i32, %c0_i32_0 : i32, i32
  }
  func.func @transform_20(%arg0: i32) -> (i32, i32) {
    %c0_i32 = arith.constant 0 : i32
    %c0_i32_0 = arith.constant 0 : i32
    %c0_i32_1 = arith.constant 0 : i32
    return %c0_i32, %c0_i32_0 : i32, i32
  }
  func.func @transform_21(%arg0: i32) -> (i32, i32) {
    %c0_i32 = arith.constant 0 : i32
    %c0_i32_0 = arith.constant 0 : i32
    %c0_i32_1 = arith.constant 0 : i32
    return %c0_i32, %c0_i32_0 : i32, i32
  }
  func.func @transform_22(%arg0: i32) -> (i32, i32) {
    %c0_i32 = arith.constant 0 : i32
    %c0_i32_0 = arith.constant 0 : i32
    %c0_i32_1 = arith.constant 0 : i32
    return %c0_i32, %c0_i32_0 : i32, i32
  }
  func.func @transform_23(%arg0: i32) -> (i32, i32) {
    %c0_i32 = arith.constant 0 : i32
    %c0_i32_0 = arith.constant 0 : i32
    %c0_i32_1 = arith.constant 0 : i32
    return %c0_i32, %c0_i32_0 : i32, i32
  }
  func.func @transform_24(%arg0: i32) -> (i32, i32) {
    %c0_i32 = arith.constant 0 : i32
    %c0_i32_0 = arith.constant 0 : i32
    %c0_i32_1 = arith.constant 0 : i32
    return %c0_i32, %c0_i32_0 : i32, i32
  }
  func.func @transform_25(%arg0: i32) -> (i32, i32) {
    %c0_i32 = arith.constant 0 : i32
    %c0_i32_0 = arith.constant 0 : i32
    %c0_i32_1 = arith.constant 0 : i32
    return %c0_i32, %c0_i32_0 : i32, i32
  }
  func.func @transform_26(%arg0: i32) -> (i32, i32) {
    %c0_i32 = arith.constant 0 : i32
    %c0_i32_0 = arith.constant 0 : i32
    %c0_i32_1 = arith.constant 0 : i32
    return %c0_i32, %c0_i32_0 : i32, i32
  }
  func.func @transform_27(%arg0: i32) -> (i32, i32) {
    %c0_i32 = arith.constant 0 : i32
    %c0_i32_0 = arith.constant 0 : i32
    return %arg0, %c0_i32 : i32, i32
  }
  func.func @transform_28(%arg0: i32) -> (i32, i32) {
    %c0_i32 = arith.constant 0 : i32
    %c0_i32_0 = arith.constant 0 : i32
    return %arg0, %c0_i32 : i32, i32
  }
}

module attributes {stable_mosaic.version = 14 : i64} {
  func.func @_node_body(%arg0: i32, %arg1: memref<2000x128xf32, #tpu.memory_space<vmem>>, %arg2: memref<2000x64xf32, #tpu.memory_space<vmem>>, %arg3: memref<2000x128xf32, #tpu.memory_space<vmem>>, %arg4: memref<2000x128xf32, #tpu.memory_space<vmem>>, %arg5: memref<1x128xf32, #tpu.memory_space<vmem>>, %arg6: memref<1x128xf32, #tpu.memory_space<vmem>>, %arg7: memref<1x128xf32, #tpu.memory_space<vmem>>, %arg8: memref<1x128xf32, #tpu.memory_space<vmem>>, %arg9: memref<64x128xf32, #tpu.memory_space<vmem>>, %arg10: memref<8x128xf32, #tpu.memory_space<vmem>>, %arg11: memref<128x8xf32, #tpu.memory_space<vmem>>, %arg12: memref<128x128xf32, #tpu.memory_space<vmem>>, %arg13: memref<1x512xf32, #tpu.memory_space<vmem>>, %arg14: memref<1x8xf32, #tpu.memory_space<vmem>>, %arg15: memref<128x512xf32, #tpu.memory_space<vmem>>, %arg16: memref<8x512xf32, #tpu.memory_space<vmem>>, %arg17: memref<512x8xf32, #tpu.memory_space<vmem>>, %arg18: memref<128x128xf32, #tpu.memory_space<vmem>>, %arg19: memref<4x64xf32, #tpu.memory_space<vmem>>, %arg20: memref<128x8xf32, #tpu.memory_space<vmem>>, %arg21: memref<128x64xf32, #tpu.memory_space<vmem>>, %arg22: memref<1x128xf32, #tpu.memory_space<vmem>>, %arg23: memref<1x4xf32, #tpu.memory_space<vmem>>, %arg24: memref<512x128xf32, #tpu.memory_space<vmem>>, %arg25: memref<8x128xf32, #tpu.memory_space<vmem>>, %arg26: memref<128x4xf32, #tpu.memory_space<vmem>>, %arg27: memref<64x4xf32, #tpu.memory_space<vmem>>, %arg28: memref<2000x128xf32, #tpu.memory_space<vmem>>, %arg29: memref<2000x64xf32, #tpu.memory_space<vmem>>) attributes {dimension_semantics = [#tpu.dimension_semantics<arbitrary>], iteration_bounds = array<i64: 5>, scalar_prefetch = 0 : i64, scratch_operands = 0 : i64, tpu.core_type = #tpu.core_type<tc>, window_params = [{transform_indices = @transform_0, window_bounds = array<i64: 2000, 128>}, {transform_indices = @transform_1, window_bounds = array<i64: 2000, 64>}, {transform_indices = @transform_2, window_bounds = array<i64: 2000, 128>}, {transform_indices = @transform_3, window_bounds = array<i64: 2000, 128>}, {pipeline_mode = #tpu.pipeline_mode<synchronous>, transform_indices = @transform_4, window_bounds = array<i64: 1, 128>}, {pipeline_mode = #tpu.pipeline_mode<synchronous>, transform_indices = @transform_5, window_bounds = array<i64: 1, 128>}, {pipeline_mode = #tpu.pipeline_mode<synchronous>, transform_indices = @transform_6, window_bounds = array<i64: 1, 128>}, {pipeline_mode = #tpu.pipeline_mode<synchronous>, transform_indices = @transform_7, window_bounds = array<i64: 1, 128>}, {pipeline_mode = #tpu.pipeline_mode<synchronous>, transform_indices = @transform_8, window_bounds = array<i64: 64, 128>}, {pipeline_mode = #tpu.pipeline_mode<synchronous>, transform_indices = @transform_9, window_bounds = array<i64: 8, 128>}, {pipeline_mode = #tpu.pipeline_mode<synchronous>, transform_indices = @transform_10, window_bounds = array<i64: 128, 8>}, {pipeline_mode = #tpu.pipeline_mode<synchronous>, transform_indices = @transform_11, window_bounds = array<i64: 128, 128>}, {pipeline_mode = #tpu.pipeline_mode<synchronous>, transform_indices = @transform_12, window_bounds = array<i64: 1, 512>}, {pipeline_mode = #tpu.pipeline_mode<synchronous>, transform_indices = @transform_13, window_bounds = array<i64: 1, 8>}, {pipeline_mode = #tpu.pipeline_mode<synchronous>, transform_indices = @transform_14, window_bounds = array<i64: 128, 512>}, {pipeline_mode = #tpu.pipeline_mode<synchronous>, transform_indices = @transform_15, window_bounds = array<i64: 8, 512>}, {pipeline_mode = #tpu.pipeline_mode<synchronous>, transform_indices = @transform_16, window_bounds = array<i64: 512, 8>}, {pipeline_mode = #tpu.pipeline_mode<synchronous>, transform_indices = @transform_17, window_bounds = array<i64: 128, 128>}, {pipeline_mode = #tpu.pipeline_mode<synchronous>, transform_indices = @transform_18, window_bounds = array<i64: 4, 64>}, {pipeline_mode = #tpu.pipeline_mode<synchronous>, transform_indices = @transform_19, window_bounds = array<i64: 128, 8>}, {pipeline_mode = #tpu.pipeline_mode<synchronous>, transform_indices = @transform_20, window_bounds = array<i64: 128, 64>}, {pipeline_mode = #tpu.pipeline_mode<synchronous>, transform_indices = @transform_21, window_bounds = array<i64: 1, 128>}, {pipeline_mode = #tpu.pipeline_mode<synchronous>, transform_indices = @transform_22, window_bounds = array<i64: 1, 4>}, {pipeline_mode = #tpu.pipeline_mode<synchronous>, transform_indices = @transform_23, window_bounds = array<i64: 512, 128>}, {pipeline_mode = #tpu.pipeline_mode<synchronous>, transform_indices = @transform_24, window_bounds = array<i64: 8, 128>}, {pipeline_mode = #tpu.pipeline_mode<synchronous>, transform_indices = @transform_25, window_bounds = array<i64: 128, 4>}, {pipeline_mode = #tpu.pipeline_mode<synchronous>, transform_indices = @transform_26, window_bounds = array<i64: 64, 4>}, {transform_indices = @transform_27, window_bounds = array<i64: 2000, 128>}, {transform_indices = @transform_28, window_bounds = array<i64: 2000, 64>}]} {
    %get3A = arith.constant 0 : index
    %get3A_0 = arith.constant 0 : index
    %get3A_1 = vector.load %arg9[%get3A, %get3A_0] : memref<64x128xf32, #tpu.memory_space<vmem>>, vector<64x128xf32>
    %get3A_2 = arith.constant 0 : index
    %get3A_3 = arith.constant 0 : index
    %get3A_4 = vector.load %arg10[%get3A_2, %get3A_3] : memref<8x128xf32, #tpu.memory_space<vmem>>, vector<8x128xf32>
    %get3A_5 = arith.constant 0 : index
    %get3A_6 = arith.constant 0 : index
    %get3A_7 = vector.load %arg11[%get3A_5, %get3A_6] : memref<128x8xf32, #tpu.memory_space<vmem>>, vector<128x8xf32>
    %get3A_8 = arith.constant 0 : index
    %get3A_9 = arith.constant 0 : index
    %get3A_10 = vector.load %arg12[%get3A_8, %get3A_9] : memref<128x128xf32, #tpu.memory_space<vmem>>, vector<128x128xf32>
    %get3A_11 = arith.constant 0 : index
    %get3A_12 = arith.constant 0 : index
    %get3A_13 = vector.load %arg13[%get3A_11, %get3A_12] : memref<1x512xf32, #tpu.memory_space<vmem>>, vector<1x512xf32>
    %get3A_14 = arith.constant 0 : index
    %get3A_15 = arith.constant 0 : index
    %get3A_16 = vector.load %arg14[%get3A_14, %get3A_15] : memref<1x8xf32, #tpu.memory_space<vmem>>, vector<1x8xf32>
    %get3A_17 = arith.constant 0 : index
    %get3A_18 = arith.constant 0 : index
    %get3A_19 = vector.load %arg15[%get3A_17, %get3A_18] : memref<128x512xf32, #tpu.memory_space<vmem>>, vector<128x512xf32>
    %get3A_20 = arith.constant 0 : index
    %get3A_21 = arith.constant 0 : index
    %get3A_22 = vector.load %arg16[%get3A_20, %get3A_21] : memref<8x512xf32, #tpu.memory_space<vmem>>, vector<8x512xf32>
    %get3A_23 = arith.constant 0 : index
    %get3A_24 = arith.constant 0 : index
    %get3A_25 = vector.load %arg17[%get3A_23, %get3A_24] : memref<512x8xf32, #tpu.memory_space<vmem>>, vector<512x8xf32>
    %get3A_26 = arith.constant 0 : index
    %get3A_27 = arith.constant 0 : index
    %get3A_28 = vector.load %arg18[%get3A_26, %get3A_27] : memref<128x128xf32, #tpu.memory_space<vmem>>, vector<128x128xf32>
    %get3A_29 = arith.constant 0 : index
    %get3A_30 = arith.constant 0 : index
    %get3A_31 = vector.load %arg19[%get3A_29, %get3A_30] : memref<4x64xf32, #tpu.memory_space<vmem>>, vector<4x64xf32>
    %get3A_32 = arith.constant 0 : index
    %get3A_33 = arith.constant 0 : index
    %get3A_34 = vector.load %arg20[%get3A_32, %get3A_33] : memref<128x8xf32, #tpu.memory_space<vmem>>, vector<128x8xf32>
    %get3A_35 = arith.constant 0 : index
    %get3A_36 = arith.constant 0 : index
    %get3A_37 = vector.load %arg21[%get3A_35, %get3A_36] : memref<128x64xf32, #tpu.memory_space<vmem>>, vector<128x64xf32>
    %get3A_38 = arith.constant 0 : index
    %get3A_39 = arith.constant 0 : index
    %get3A_40 = vector.load %arg22[%get3A_38, %get3A_39] : memref<1x128xf32, #tpu.memory_space<vmem>>, vector<1x128xf32>
    %get3A_41 = arith.constant 0 : index
    %get3A_42 = arith.constant 0 : index
    %get3A_43 = vector.load %arg23[%get3A_41, %get3A_42] : memref<1x4xf32, #tpu.memory_space<vmem>>, vector<1x4xf32>
    %get3A_44 = arith.constant 0 : index
    %get3A_45 = arith.constant 0 : index
    %get3A_46 = vector.load %arg24[%get3A_44, %get3A_45] : memref<512x128xf32, #tpu.memory_space<vmem>>, vector<512x128xf32>
    %get3A_47 = arith.constant 0 : index
    %get3A_48 = arith.constant 0 : index
    %get3A_49 = vector.load %arg25[%get3A_47, %get3A_48] : memref<8x128xf32, #tpu.memory_space<vmem>>, vector<8x128xf32>
    %get3A_50 = arith.constant 0 : index
    %get3A_51 = arith.constant 0 : index
    %get3A_52 = vector.load %arg26[%get3A_50, %get3A_51] : memref<128x4xf32, #tpu.memory_space<vmem>>, vector<128x4xf32>
    %get3A_53 = arith.constant 0 : index
    %get3A_54 = arith.constant 0 : index
    %get3A_55 = vector.load %arg3[%get3A_53, %get3A_54] : memref<2000x128xf32, #tpu.memory_space<vmem>>, vector<2000x128xf32>
    %get3A_56 = arith.constant 0 : index
    %get3A_57 = arith.constant 0 : index
    %get3A_58 = vector.load %arg4[%get3A_56, %get3A_57] : memref<2000x128xf32, #tpu.memory_space<vmem>>, vector<2000x128xf32>
    %slice3A = vector.extract_strided_slice %get3A_58 {offsets = [0, 64], sizes = [2000, 1], strides = [1, 1]} : vector<2000x128xf32> to vector<2000x1xf32>
    %max3A = arith.constant 1.000000e+00 : f32
    %max3A_59 = vector.broadcast %max3A : f32 to vector<2000x1xf32>
    %max3A_60 = arith.maximumf %slice3A, %max3A_59 : vector<2000x1xf32>
    %div3A = arith.constant 1.000000e+00 : f32
    %div3A_61 = vector.broadcast %div3A : f32 to vector<2000x1xf32>
    %div3A_62 = arith.divf %div3A_61, %max3A_60 : vector<2000x1xf32>
    %get3A_63 = arith.constant 0 : index
    %get3A_64 = arith.constant 0 : index
    %get3A_65 = vector.load %arg1[%get3A_63, %get3A_64] : memref<2000x128xf32, #tpu.memory_space<vmem>>, vector<2000x128xf32>
    %mul3A = vector.broadcast %div3A_62 : vector<2000x1xf32> to vector<2000x128xf32>
    %mul3A_66 = arith.mulf %get3A_55, %mul3A : vector<2000x128xf32>
    %add3A = arith.addf %get3A_65, %mul3A_66 : vector<2000x128xf32>
    %get3A_67 = arith.constant 0 : index
    %get3A_68 = arith.constant 0 : index
    %get3A_69 = vector.load %arg2[%get3A_67, %get3A_68] : memref<2000x64xf32, #tpu.memory_space<vmem>>, vector<2000x64xf32>
    %slice3A_70 = vector.extract_strided_slice %get3A_58 {offsets = [0, 0], sizes = [2000, 64], strides = [1, 1]} : vector<2000x128xf32> to vector<2000x64xf32>
    %mul3A_71 = vector.broadcast %div3A_62 : vector<2000x1xf32> to vector<2000x64xf32>
    %mul3A_72 = arith.mulf %slice3A_70, %mul3A_71 : vector<2000x64xf32>
    %add3A_73 = arith.addf %get3A_69, %mul3A_72 : vector<2000x64xf32>
    %get3A_74 = arith.constant 0 : index
    %get3A_75 = arith.constant 0 : index
    %get3A_76 = vector.load %arg27[%get3A_74, %get3A_75] : memref<64x4xf32, #tpu.memory_space<vmem>>, vector<64x4xf32>
    %get3A_77 = arith.constant 0 : index
    %get3A_78 = arith.constant 0 : index
    %get3A_79 = vector.load %arg7[%get3A_77, %get3A_78] : memref<1x128xf32, #tpu.memory_space<vmem>>, vector<1x128xf32>
    %get3A_80 = arith.constant 0 : index
    %get3A_81 = arith.constant 0 : index
    %get3A_82 = vector.load %arg5[%get3A_80, %get3A_81] : memref<1x128xf32, #tpu.memory_space<vmem>>, vector<1x128xf32>
    %reduce_sum3A = arith.constant dense<0.000000e+00> : vector<2000xf32>
    %reduce_sum3A_83 = vector.multi_reduction <add>, %add3A, %reduce_sum3A [1] : vector<2000x128xf32> to vector<2000xf32>
    %broadcast_in_dim3A = vector.shape_cast %reduce_sum3A_83 : vector<2000xf32> to vector<2000x1xf32>
    %div3A_84 = arith.constant 1.280000e+02 : f32
    %div3A_85 = vector.broadcast %div3A_84 : f32 to vector<2000x1xf32>
    %div3A_86 = arith.divf %broadcast_in_dim3A, %div3A_85 : vector<2000x1xf32>
    %sub3A = vector.broadcast %div3A_86 : vector<2000x1xf32> to vector<2000x128xf32>
    %sub3A_87 = arith.subf %add3A, %sub3A : vector<2000x128xf32>
    %sub3A_88 = vector.broadcast %div3A_86 : vector<2000x1xf32> to vector<2000x128xf32>
    %sub3A_89 = arith.subf %add3A, %sub3A_88 : vector<2000x128xf32>
    %mul3A_90 = arith.mulf %sub3A_87, %sub3A_89 : vector<2000x128xf32>
    %reduce_sum3A_91 = arith.constant dense<0.000000e+00> : vector<2000xf32>
    %reduce_sum3A_92 = vector.multi_reduction <add>, %mul3A_90, %reduce_sum3A_91 [1] : vector<2000x128xf32> to vector<2000xf32>
    %broadcast_in_dim3A_93 = vector.shape_cast %reduce_sum3A_92 : vector<2000xf32> to vector<2000x1xf32>
    %div3A_94 = arith.constant 1.280000e+02 : f32
    %div3A_95 = vector.broadcast %div3A_94 : f32 to vector<2000x1xf32>
    %div3A_96 = arith.divf %broadcast_in_dim3A_93, %div3A_95 : vector<2000x1xf32>
    %sub3A_97 = vector.broadcast %div3A_86 : vector<2000x1xf32> to vector<2000x128xf32>
    %sub3A_98 = arith.subf %add3A, %sub3A_97 : vector<2000x128xf32>
    %add3A_99 = arith.constant 9.99999974E-6 : f32
    %add3A_100 = vector.broadcast %add3A_99 : f32 to vector<2000x1xf32>
    %add3A_101 = arith.addf %div3A_96, %add3A_100 : vector<2000x1xf32>
    %rsqrt3A = math.rsqrt %add3A_101 : vector<2000x1xf32>
    %mul3A_102 = vector.broadcast %rsqrt3A : vector<2000x1xf32> to vector<2000x128xf32>
    %mul3A_103 = arith.mulf %sub3A_98, %mul3A_102 : vector<2000x128xf32>
    %mul3A_104 = vector.broadcast %get3A_79 : vector<1x128xf32> to vector<2000x128xf32>
    %mul3A_105 = arith.mulf %mul3A_103, %mul3A_104 : vector<2000x128xf32>
    %add3A_106 = vector.broadcast %get3A_82 : vector<1x128xf32> to vector<2000x128xf32>
    %add3A_107 = arith.addf %mul3A_105, %add3A_106 : vector<2000x128xf32>
    %mul3A_108 = arith.mulf %add3A_73, %add3A_73 : vector<2000x64xf32>
    %dot_general3A = arith.constant dense<0.000000e+00> : vector<2000x4xf32>
    %dot_general3A_109 = tpu.matmul %mul3A_108, %get3A_76, %dot_general3A {dimension_numbers = #tpu.dot_dimension_numbers<[1], [0], [0], [1], [0, 0, 1, 1], [], []>, precision = #tpu.contract_precision<fp32>, transpose_lhs_hint = false} : vector<2000x64xf32>, vector<64x4xf32>, vector<2000x4xf32> -> vector<2000x4xf32>
    %max3A_110 = arith.constant 9.99999993E-9 : f32
    %max3A_111 = vector.broadcast %max3A_110 : f32 to vector<2000x4xf32>
    %max3A_112 = arith.maximumf %dot_general3A_109, %max3A_111 : vector<2000x4xf32>
    %reduce_sum3A_113 = arith.constant dense<0.000000e+00> : vector<2000xf32>
    %reduce_sum3A_114 = vector.multi_reduction <add>, %max3A_112, %reduce_sum3A_113 [1] : vector<2000x4xf32> to vector<2000xf32>
    %broadcast_in_dim3A_115 = vector.shape_cast %reduce_sum3A_114 : vector<2000xf32> to vector<2000x1xf32>
    %div3A_116 = arith.constant 4.000000e+00 : f32
    %div3A_117 = vector.broadcast %div3A_116 : f32 to vector<2000x1xf32>
    %div3A_118 = arith.divf %broadcast_in_dim3A_115, %div3A_117 : vector<2000x1xf32>
    %sqrt3A = math.sqrt %div3A_118 : vector<2000x1xf32>
    %div3A_119 = vector.broadcast %sqrt3A : vector<2000x1xf32> to vector<2000x64xf32>
    %div3A_120 = arith.divf %add3A_73, %div3A_119 : vector<2000x64xf32>
    %dot_general3A_121 = arith.constant dense<0.000000e+00> : vector<2000x128xf32>
    %dot_general3A_122 = tpu.matmul %div3A_120, %get3A_1, %dot_general3A_121 {dimension_numbers = #tpu.dot_dimension_numbers<[1], [0], [0], [1], [0, 0, 1, 1], [], []>, precision = #tpu.contract_precision<fp32>, transpose_lhs_hint = false} : vector<2000x64xf32>, vector<64x128xf32>, vector<2000x128xf32> -> vector<2000x128xf32>
    %mul3A_123 = arith.mulf %dot_general3A_122, %dot_general3A_122 : vector<2000x128xf32>
    %dot_general3A_124 = arith.constant dense<0.000000e+00> : vector<2000x8xf32>
    %dot_general3A_125 = tpu.matmul %mul3A_123, %get3A_7, %dot_general3A_124 {dimension_numbers = #tpu.dot_dimension_numbers<[1], [0], [0], [1], [0, 0, 1, 1], [], []>, precision = #tpu.contract_precision<fp32>, transpose_lhs_hint = false} : vector<2000x128xf32>, vector<128x8xf32>, vector<2000x8xf32> -> vector<2000x8xf32>
    %max3A_126 = arith.constant 9.99999993E-9 : f32
    %max3A_127 = vector.broadcast %max3A_126 : f32 to vector<2000x8xf32>
    %max3A_128 = arith.maximumf %dot_general3A_125, %max3A_127 : vector<2000x8xf32>
    %sqrt3A_129 = math.sqrt %max3A_128 : vector<2000x8xf32>
    %dot_general3A_130 = arith.constant dense<0.000000e+00> : vector<2000x512xf32>
    %dot_general3A_131 = tpu.matmul %add3A_107, %get3A_19, %dot_general3A_130 {dimension_numbers = #tpu.dot_dimension_numbers<[1], [0], [0], [1], [0, 0, 1, 1], [], []>, precision = #tpu.contract_precision<fp32>, transpose_lhs_hint = false} : vector<2000x128xf32>, vector<128x512xf32>, vector<2000x512xf32> -> vector<2000x512xf32>
    %add3A_132 = vector.broadcast %get3A_13 : vector<1x512xf32> to vector<2000x512xf32>
    %add3A_133 = arith.addf %add3A_132, %dot_general3A_131 : vector<2000x512xf32>
    %dot_general3A_134 = arith.constant dense<0.000000e+00> : vector<2000x512xf32>
    %dot_general3A_135 = tpu.matmul %sqrt3A_129, %get3A_22, %dot_general3A_134 {dimension_numbers = #tpu.dot_dimension_numbers<[1], [0], [0], [1], [0, 0, 1, 1], [], []>, precision = #tpu.contract_precision<fp32>, transpose_lhs_hint = false} : vector<2000x8xf32>, vector<8x512xf32>, vector<2000x512xf32> -> vector<2000x512xf32>
    %add3A_136 = arith.addf %add3A_133, %dot_general3A_135 : vector<2000x512xf32>
    %logistic3A = arith.negf %add3A_136 : vector<2000x512xf32>
    %logistic3A_137 = math.exp %logistic3A : vector<2000x512xf32>
    %logistic3A_138 = arith.constant 1.000000e+00 : f32
    %logistic3A_139 = vector.broadcast %logistic3A_138 : f32 to vector<2000x512xf32>
    %logistic3A_140 = arith.addf %logistic3A_139, %logistic3A_137 : vector<2000x512xf32>
    %logistic3A_141 = arith.divf %logistic3A_139, %logistic3A_140 : vector<2000x512xf32>
    %dot_general3A_142 = arith.constant dense<0.000000e+00> : vector<2000x8xf32>
    %dot_general3A_143 = tpu.matmul %logistic3A_141, %get3A_25, %dot_general3A_142 {dimension_numbers = #tpu.dot_dimension_numbers<[1], [0], [0], [1], [0, 0, 1, 1], [], []>, precision = #tpu.contract_precision<fp32>, transpose_lhs_hint = false} : vector<2000x512xf32>, vector<512x8xf32>, vector<2000x8xf32> -> vector<2000x8xf32>
    %add3A_144 = vector.broadcast %get3A_16 : vector<1x8xf32> to vector<2000x8xf32>
    %add3A_145 = arith.addf %dot_general3A_143, %add3A_144 : vector<2000x8xf32>
    %logistic3A_146 = arith.negf %add3A_145 : vector<2000x8xf32>
    %logistic3A_147 = math.exp %logistic3A_146 : vector<2000x8xf32>
    %logistic3A_148 = arith.constant 1.000000e+00 : f32
    %logistic3A_149 = vector.broadcast %logistic3A_148 : f32 to vector<2000x8xf32>
    %logistic3A_150 = arith.addf %logistic3A_149, %logistic3A_147 : vector<2000x8xf32>
    %logistic3A_151 = arith.divf %logistic3A_149, %logistic3A_150 : vector<2000x8xf32>
    %dot_general3A_152 = arith.constant dense<0.000000e+00> : vector<2000x128xf32>
    %dot_general3A_153 = tpu.matmul %dot_general3A_122, %get3A_10, %dot_general3A_152 {dimension_numbers = #tpu.dot_dimension_numbers<[1], [0], [0], [1], [0, 0, 1, 1], [], []>, precision = #tpu.contract_precision<fp32>, transpose_lhs_hint = false} : vector<2000x128xf32>, vector<128x128xf32>, vector<2000x128xf32> -> vector<2000x128xf32>
    %dot_general3A_154 = arith.constant dense<0.000000e+00> : vector<2000x128xf32>
    %dot_general3A_155 = tpu.matmul %logistic3A_151, %get3A_4, %dot_general3A_154 {dimension_numbers = #tpu.dot_dimension_numbers<[1], [0], [0], [1], [0, 0, 1, 1], [], []>, precision = #tpu.contract_precision<fp32>, transpose_lhs_hint = false} : vector<2000x8xf32>, vector<8x128xf32>, vector<2000x128xf32> -> vector<2000x128xf32>
    %mul3A_156 = arith.mulf %dot_general3A_153, %dot_general3A_155 : vector<2000x128xf32>
    %max3A_157 = arith.constant 0.000000e+00 : f32
    %max3A_158 = vector.broadcast %max3A_157 : f32 to vector<2000x512xf32>
    %max3A_159 = arith.maximumf %add3A_136, %max3A_158 : vector<2000x512xf32>
    %dot_general3A_160 = arith.constant dense<0.000000e+00> : vector<2000x128xf32>
    %dot_general3A_161 = tpu.matmul %mul3A_156, %get3A_28, %dot_general3A_160 {dimension_numbers = #tpu.dot_dimension_numbers<[1], [0], [0], [1], [0, 0, 1, 1], [], []>, precision = #tpu.contract_precision<fp32>, transpose_lhs_hint = false} : vector<2000x128xf32>, vector<128x128xf32>, vector<2000x128xf32> -> vector<2000x128xf32>
    %mul3A_162 = arith.mulf %dot_general3A_161, %dot_general3A_161 : vector<2000x128xf32>
    %dot_general3A_163 = arith.constant dense<0.000000e+00> : vector<2000x8xf32>
    %dot_general3A_164 = tpu.matmul %mul3A_162, %get3A_34, %dot_general3A_163 {dimension_numbers = #tpu.dot_dimension_numbers<[1], [0], [0], [1], [0, 0, 1, 1], [], []>, precision = #tpu.contract_precision<fp32>, transpose_lhs_hint = false} : vector<2000x128xf32>, vector<128x8xf32>, vector<2000x8xf32> -> vector<2000x8xf32>
    %max3A_165 = arith.constant 9.99999993E-9 : f32
    %max3A_166 = vector.broadcast %max3A_165 : f32 to vector<2000x8xf32>
    %max3A_167 = arith.maximumf %dot_general3A_164, %max3A_166 : vector<2000x8xf32>
    %sqrt3A_168 = math.sqrt %max3A_167 : vector<2000x8xf32>
    %dot_general3A_169 = arith.constant dense<0.000000e+00> : vector<2000x128xf32>
    %dot_general3A_170 = tpu.matmul %max3A_159, %get3A_46, %dot_general3A_169 {dimension_numbers = #tpu.dot_dimension_numbers<[1], [0], [0], [1], [0, 0, 1, 1], [], []>, precision = #tpu.contract_precision<fp32>, transpose_lhs_hint = false} : vector<2000x512xf32>, vector<512x128xf32>, vector<2000x128xf32> -> vector<2000x128xf32>
    %add3A_171 = vector.broadcast %get3A_40 : vector<1x128xf32> to vector<2000x128xf32>
    %add3A_172 = arith.addf %add3A_171, %dot_general3A_170 : vector<2000x128xf32>
    %dot_general3A_173 = arith.constant dense<0.000000e+00> : vector<2000x128xf32>
    %dot_general3A_174 = tpu.matmul %sqrt3A_168, %get3A_49, %dot_general3A_173 {dimension_numbers = #tpu.dot_dimension_numbers<[1], [0], [0], [1], [0, 0, 1, 1], [], []>, precision = #tpu.contract_precision<fp32>, transpose_lhs_hint = false} : vector<2000x8xf32>, vector<8x128xf32>, vector<2000x128xf32> -> vector<2000x128xf32>
    %add3A_175 = arith.addf %add3A_172, %dot_general3A_174 : vector<2000x128xf32>
    %dot_general3A_176 = arith.constant dense<0.000000e+00> : vector<2000x4xf32>
    %dot_general3A_177 = tpu.matmul %add3A_175, %get3A_52, %dot_general3A_176 {dimension_numbers = #tpu.dot_dimension_numbers<[1], [0], [0], [1], [0, 0, 1, 1], [], []>, precision = #tpu.contract_precision<fp32>, transpose_lhs_hint = false} : vector<2000x128xf32>, vector<128x4xf32>, vector<2000x4xf32> -> vector<2000x4xf32>
    %add3A_178 = vector.broadcast %get3A_43 : vector<1x4xf32> to vector<2000x4xf32>
    %add3A_179 = arith.addf %dot_general3A_177, %add3A_178 : vector<2000x4xf32>
    %logistic3A_180 = arith.negf %add3A_179 : vector<2000x4xf32>
    %logistic3A_181 = math.exp %logistic3A_180 : vector<2000x4xf32>
    %logistic3A_182 = arith.constant 1.000000e+00 : f32
    %logistic3A_183 = vector.broadcast %logistic3A_182 : f32 to vector<2000x4xf32>
    %logistic3A_184 = arith.addf %logistic3A_183, %logistic3A_181 : vector<2000x4xf32>
    %logistic3A_185 = arith.divf %logistic3A_183, %logistic3A_184 : vector<2000x4xf32>
    %dot_general3A_186 = arith.constant dense<0.000000e+00> : vector<2000x64xf32>
    %dot_general3A_187 = tpu.matmul %dot_general3A_161, %get3A_37, %dot_general3A_186 {dimension_numbers = #tpu.dot_dimension_numbers<[1], [0], [0], [1], [0, 0, 1, 1], [], []>, precision = #tpu.contract_precision<fp32>, transpose_lhs_hint = false} : vector<2000x128xf32>, vector<128x64xf32>, vector<2000x64xf32> -> vector<2000x64xf32>
    %dot_general3A_188 = arith.constant dense<0.000000e+00> : vector<2000x64xf32>
    %dot_general3A_189 = tpu.matmul %logistic3A_185, %get3A_31, %dot_general3A_188 {dimension_numbers = #tpu.dot_dimension_numbers<[1], [0], [0], [1], [0, 0, 1, 1], [], []>, precision = #tpu.contract_precision<fp32>, transpose_lhs_hint = false} : vector<2000x4xf32>, vector<4x64xf32>, vector<2000x64xf32> -> vector<2000x64xf32>
    %mul3A_190 = arith.mulf %dot_general3A_187, %dot_general3A_189 : vector<2000x64xf32>
    %add3A_191 = arith.addf %add3A_107, %add3A_175 : vector<2000x128xf32>
    %add3A_192 = arith.addf %div3A_120, %mul3A_190 : vector<2000x64xf32>
    %get3A_193 = arith.constant 0 : index
    %get3A_194 = arith.constant 0 : index
    %get3A_195 = vector.load %arg8[%get3A_193, %get3A_194] : memref<1x128xf32, #tpu.memory_space<vmem>>, vector<1x128xf32>
    %get3A_196 = arith.constant 0 : index
    %get3A_197 = arith.constant 0 : index
    %get3A_198 = vector.load %arg6[%get3A_196, %get3A_197] : memref<1x128xf32, #tpu.memory_space<vmem>>, vector<1x128xf32>
    %reduce_sum3A_199 = arith.constant dense<0.000000e+00> : vector<2000xf32>
    %reduce_sum3A_200 = vector.multi_reduction <add>, %add3A_191, %reduce_sum3A_199 [1] : vector<2000x128xf32> to vector<2000xf32>
    %broadcast_in_dim3A_201 = vector.shape_cast %reduce_sum3A_200 : vector<2000xf32> to vector<2000x1xf32>
    %div3A_202 = arith.constant 1.280000e+02 : f32
    %div3A_203 = vector.broadcast %div3A_202 : f32 to vector<2000x1xf32>
    %div3A_204 = arith.divf %broadcast_in_dim3A_201, %div3A_203 : vector<2000x1xf32>
    %sub3A_205 = vector.broadcast %div3A_204 : vector<2000x1xf32> to vector<2000x128xf32>
    %sub3A_206 = arith.subf %add3A_191, %sub3A_205 : vector<2000x128xf32>
    %sub3A_207 = vector.broadcast %div3A_204 : vector<2000x1xf32> to vector<2000x128xf32>
    %sub3A_208 = arith.subf %add3A_191, %sub3A_207 : vector<2000x128xf32>
    %mul3A_209 = arith.mulf %sub3A_206, %sub3A_208 : vector<2000x128xf32>
    %reduce_sum3A_210 = arith.constant dense<0.000000e+00> : vector<2000xf32>
    %reduce_sum3A_211 = vector.multi_reduction <add>, %mul3A_209, %reduce_sum3A_210 [1] : vector<2000x128xf32> to vector<2000xf32>
    %broadcast_in_dim3A_212 = vector.shape_cast %reduce_sum3A_211 : vector<2000xf32> to vector<2000x1xf32>
    %div3A_213 = arith.constant 1.280000e+02 : f32
    %div3A_214 = vector.broadcast %div3A_213 : f32 to vector<2000x1xf32>
    %div3A_215 = arith.divf %broadcast_in_dim3A_212, %div3A_214 : vector<2000x1xf32>
    %sub3A_216 = vector.broadcast %div3A_204 : vector<2000x1xf32> to vector<2000x128xf32>
    %sub3A_217 = arith.subf %add3A_191, %sub3A_216 : vector<2000x128xf32>
    %add3A_218 = arith.constant 9.99999974E-6 : f32
    %add3A_219 = vector.broadcast %add3A_218 : f32 to vector<2000x1xf32>
    %add3A_220 = arith.addf %div3A_215, %add3A_219 : vector<2000x1xf32>
    %rsqrt3A_221 = math.rsqrt %add3A_220 : vector<2000x1xf32>
    %mul3A_222 = vector.broadcast %rsqrt3A_221 : vector<2000x1xf32> to vector<2000x128xf32>
    %mul3A_223 = arith.mulf %sub3A_217, %mul3A_222 : vector<2000x128xf32>
    %mul3A_224 = vector.broadcast %get3A_195 : vector<1x128xf32> to vector<2000x128xf32>
    %mul3A_225 = arith.mulf %mul3A_223, %mul3A_224 : vector<2000x128xf32>
    %add3A_226 = vector.broadcast %get3A_198 : vector<1x128xf32> to vector<2000x128xf32>
    %add3A_227 = arith.addf %mul3A_225, %add3A_226 : vector<2000x128xf32>
    %mul3A_228 = arith.mulf %add3A_192, %add3A_192 : vector<2000x64xf32>
    %dot_general3A_229 = arith.constant dense<0.000000e+00> : vector<2000x4xf32>
    %dot_general3A_230 = tpu.matmul %mul3A_228, %get3A_76, %dot_general3A_229 {dimension_numbers = #tpu.dot_dimension_numbers<[1], [0], [0], [1], [0, 0, 1, 1], [], []>, precision = #tpu.contract_precision<fp32>, transpose_lhs_hint = false} : vector<2000x64xf32>, vector<64x4xf32>, vector<2000x4xf32> -> vector<2000x4xf32>
    %max3A_231 = arith.constant 9.99999993E-9 : f32
    %max3A_232 = vector.broadcast %max3A_231 : f32 to vector<2000x4xf32>
    %max3A_233 = arith.maximumf %dot_general3A_230, %max3A_232 : vector<2000x4xf32>
    %reduce_sum3A_234 = arith.constant dense<0.000000e+00> : vector<2000xf32>
    %reduce_sum3A_235 = vector.multi_reduction <add>, %max3A_233, %reduce_sum3A_234 [1] : vector<2000x4xf32> to vector<2000xf32>
    %broadcast_in_dim3A_236 = vector.shape_cast %reduce_sum3A_235 : vector<2000xf32> to vector<2000x1xf32>
    %div3A_237 = arith.constant 4.000000e+00 : f32
    %div3A_238 = vector.broadcast %div3A_237 : f32 to vector<2000x1xf32>
    %div3A_239 = arith.divf %broadcast_in_dim3A_236, %div3A_238 : vector<2000x1xf32>
    %sqrt3A_240 = math.sqrt %div3A_239 : vector<2000x1xf32>
    %div3A_241 = vector.broadcast %sqrt3A_240 : vector<2000x1xf32> to vector<2000x64xf32>
    %div3A_242 = arith.divf %add3A_192, %div3A_241 : vector<2000x64xf32>
    %swap3A = arith.constant 0 : index
    %swap3A_243 = arith.constant 0 : index
    %swap3A_244 = vector.load %arg28[%swap3A, %swap3A_243] : memref<2000x128xf32, #tpu.memory_space<vmem>>, vector<2000x128xf32>
    tpu.vector_store %arg28[%swap3A, %swap3A_243], %add3A_227 {strides = array<i32>} : memref<2000x128xf32, #tpu.memory_space<vmem>>, vector<2000x128xf32>,
    %swap3A_245 = arith.constant 0 : index
    %swap3A_246 = arith.constant 0 : index
    %swap3A_247 = vector.load %arg29[%swap3A_245, %swap3A_246] : memref<2000x64xf32, #tpu.memory_space<vmem>>, vector<2000x64xf32>
    tpu.vector_store %arg29[%swap3A_245, %swap3A_246], %div3A_242 {strides = array<i32>} : memref<2000x64xf32, #tpu.memory_space<vmem>>, vector<2000x64xf32>,
    return
  }
  func.func @transform_0(%arg0: i32) -> (i32, i32) {
    %c0_i32 = arith.constant 0 : i32
    %c0_i32_0 = arith.constant 0 : i32
    return %arg0, %c0_i32 : i32, i32
  }
  func.func @transform_1(%arg0: i32) -> (i32, i32) {
    %c0_i32 = arith.constant 0 : i32
    %c0_i32_0 = arith.constant 0 : i32
    return %arg0, %c0_i32 : i32, i32
  }
  func.func @transform_2(%arg0: i32) -> (i32, i32) {
    %c0_i32 = arith.constant 0 : i32
    %c0_i32_0 = arith.constant 0 : i32
    return %arg0, %c0_i32 : i32, i32
  }
  func.func @transform_3(%arg0: i32) -> (i32, i32) {
    %c0_i32 = arith.constant 0 : i32
    %c0_i32_0 = arith.constant 0 : i32
    return %arg0, %c0_i32 : i32, i32
  }
  func.func @transform_4(%arg0: i32) -> (i32, i32) {
    %c0_i32 = arith.constant 0 : i32
    %c0_i32_0 = arith.constant 0 : i32
    %c0_i32_1 = arith.constant 0 : i32
    return %c0_i32, %c0_i32_0 : i32, i32
  }
  func.func @transform_5(%arg0: i32) -> (i32, i32) {
    %c0_i32 = arith.constant 0 : i32
    %c0_i32_0 = arith.constant 0 : i32
    %c0_i32_1 = arith.constant 0 : i32
    return %c0_i32, %c0_i32_0 : i32, i32
  }
  func.func @transform_6(%arg0: i32) -> (i32, i32) {
    %c0_i32 = arith.constant 0 : i32
    %c0_i32_0 = arith.constant 0 : i32
    %c0_i32_1 = arith.constant 0 : i32
    return %c0_i32, %c0_i32_0 : i32, i32
  }
  func.func @transform_7(%arg0: i32) -> (i32, i32) {
    %c0_i32 = arith.constant 0 : i32
    %c0_i32_0 = arith.constant 0 : i32
    %c0_i32_1 = arith.constant 0 : i32
    return %c0_i32, %c0_i32_0 : i32, i32
  }
  func.func @transform_8(%arg0: i32) -> (i32, i32) {
    %c0_i32 = arith.constant 0 : i32
    %c0_i32_0 = arith.constant 0 : i32
    %c0_i32_1 = arith.constant 0 : i32
    return %c0_i32, %c0_i32_0 : i32, i32
  }
  func.func @transform_9(%arg0: i32) -> (i32, i32) {
    %c0_i32 = arith.constant 0 : i32
    %c0_i32_0 = arith.constant 0 : i32
    %c0_i32_1 = arith.constant 0 : i32
    return %c0_i32, %c0_i32_0 : i32, i32
  }
  func.func @transform_10(%arg0: i32) -> (i32, i32) {
    %c0_i32 = arith.constant 0 : i32
    %c0_i32_0 = arith.constant 0 : i32
    %c0_i32_1 = arith.constant 0 : i32
    return %c0_i32, %c0_i32_0 : i32, i32
  }
  func.func @transform_11(%arg0: i32) -> (i32, i32) {
    %c0_i32 = arith.constant 0 : i32
    %c0_i32_0 = arith.constant 0 : i32
    %c0_i32_1 = arith.constant 0 : i32
    return %c0_i32, %c0_i32_0 : i32, i32
  }
  func.func @transform_12(%arg0: i32) -> (i32, i32) {
    %c0_i32 = arith.constant 0 : i32
    %c0_i32_0 = arith.constant 0 : i32
    %c0_i32_1 = arith.constant 0 : i32
    return %c0_i32, %c0_i32_0 : i32, i32
  }
  func.func @transform_13(%arg0: i32) -> (i32, i32) {
    %c0_i32 = arith.constant 0 : i32
    %c0_i32_0 = arith.constant 0 : i32
    %c0_i32_1 = arith.constant 0 : i32
    return %c0_i32, %c0_i32_0 : i32, i32
  }
  func.func @transform_14(%arg0: i32) -> (i32, i32) {
    %c0_i32 = arith.constant 0 : i32
    %c0_i32_0 = arith.constant 0 : i32
    %c0_i32_1 = arith.constant 0 : i32
    return %c0_i32, %c0_i32_0 : i32, i32
  }
  func.func @transform_15(%arg0: i32) -> (i32, i32) {
    %c0_i32 = arith.constant 0 : i32
    %c0_i32_0 = arith.constant 0 : i32
    %c0_i32_1 = arith.constant 0 : i32
    return %c0_i32, %c0_i32_0 : i32, i32
  }
  func.func @transform_16(%arg0: i32) -> (i32, i32) {
    %c0_i32 = arith.constant 0 : i32
    %c0_i32_0 = arith.constant 0 : i32
    %c0_i32_1 = arith.constant 0 : i32
    return %c0_i32, %c0_i32_0 : i32, i32
  }
  func.func @transform_17(%arg0: i32) -> (i32, i32) {
    %c0_i32 = arith.constant 0 : i32
    %c0_i32_0 = arith.constant 0 : i32
    %c0_i32_1 = arith.constant 0 : i32
    return %c0_i32, %c0_i32_0 : i32, i32
  }
  func.func @transform_18(%arg0: i32) -> (i32, i32) {
    %c0_i32 = arith.constant 0 : i32
    %c0_i32_0 = arith.constant 0 : i32
    %c0_i32_1 = arith.constant 0 : i32
    return %c0_i32, %c0_i32_0 : i32, i32
  }
  func.func @transform_19(%arg0: i32) -> (i32, i32) {
    %c0_i32 = arith.constant 0 : i32
    %c0_i32_0 = arith.constant 0 : i32
    %c0_i32_1 = arith.constant 0 : i32
    return %c0_i32, %c0_i32_0 : i32, i32
  }
  func.func @transform_20(%arg0: i32) -> (i32, i32) {
    %c0_i32 = arith.constant 0 : i32
    %c0_i32_0 = arith.constant 0 : i32
    %c0_i32_1 = arith.constant 0 : i32
    return %c0_i32, %c0_i32_0 : i32, i32
  }
  func.func @transform_21(%arg0: i32) -> (i32, i32) {
    %c0_i32 = arith.constant 0 : i32
    %c0_i32_0 = arith.constant 0 : i32
    %c0_i32_1 = arith.constant 0 : i32
    return %c0_i32, %c0_i32_0 : i32, i32
  }
  func.func @transform_22(%arg0: i32) -> (i32, i32) {
    %c0_i32 = arith.constant 0 : i32
    %c0_i32_0 = arith.constant 0 : i32
    %c0_i32_1 = arith.constant 0 : i32
    return %c0_i32, %c0_i32_0 : i32, i32
  }
  func.func @transform_23(%arg0: i32) -> (i32, i32) {
    %c0_i32 = arith.constant 0 : i32
    %c0_i32_0 = arith.constant 0 : i32
    %c0_i32_1 = arith.constant 0 : i32
    return %c0_i32, %c0_i32_0 : i32, i32
  }
  func.func @transform_24(%arg0: i32) -> (i32, i32) {
    %c0_i32 = arith.constant 0 : i32
    %c0_i32_0 = arith.constant 0 : i32
    %c0_i32_1 = arith.constant 0 : i32
    return %c0_i32, %c0_i32_0 : i32, i32
  }
  func.func @transform_25(%arg0: i32) -> (i32, i32) {
    %c0_i32 = arith.constant 0 : i32
    %c0_i32_0 = arith.constant 0 : i32
    %c0_i32_1 = arith.constant 0 : i32
    return %c0_i32, %c0_i32_0 : i32, i32
  }
  func.func @transform_26(%arg0: i32) -> (i32, i32) {
    %c0_i32 = arith.constant 0 : i32
    %c0_i32_0 = arith.constant 0 : i32
    %c0_i32_1 = arith.constant 0 : i32
    return %c0_i32, %c0_i32_0 : i32, i32
  }
  func.func @transform_27(%arg0: i32) -> (i32, i32) {
    %c0_i32 = arith.constant 0 : i32
    %c0_i32_0 = arith.constant 0 : i32
    return %arg0, %c0_i32 : i32, i32
  }
  func.func @transform_28(%arg0: i32) -> (i32, i32) {
    %c0_i32 = arith.constant 0 : i32
    %c0_i32_0 = arith.constant 0 : i32
    return %arg0, %c0_i32 : i32, i32
  }
}

module attributes {stable_mosaic.version = 14 : i64} {
  func.func @_heads_body(%arg0: i32, %arg1: memref<1x100x128xf32, #tpu.memory_space<vmem>>, %arg2: memref<1x100x64xf32, #tpu.memory_space<vmem>>, %arg3: memref<64x64xf32, #tpu.memory_space<vmem>>, %arg4: memref<64x4xf32, #tpu.memory_space<vmem>>, %arg5: memref<1x16xf32, #tpu.memory_space<vmem>>, %arg6: memref<128x16xf32, #tpu.memory_space<vmem>>, %arg7: memref<4x16xf32, #tpu.memory_space<vmem>>, %arg8: memref<64x64xf32, #tpu.memory_space<vmem>>, %arg9: memref<64x4xf32, #tpu.memory_space<vmem>>, %arg10: memref<1x100xf32, #tpu.memory_space<vmem>>, %arg11: memref<128x100xf32, #tpu.memory_space<vmem>>, %arg12: memref<4x100xf32, #tpu.memory_space<vmem>>, %arg13: memref<64x64xf32, #tpu.memory_space<vmem>>, %arg14: memref<64x4xf32, #tpu.memory_space<vmem>>, %arg15: memref<1x100xf32, #tpu.memory_space<vmem>>, %arg16: memref<128x100xf32, #tpu.memory_space<vmem>>, %arg17: memref<4x100xf32, #tpu.memory_space<vmem>>, %arg18: memref<64x64xf32, #tpu.memory_space<vmem>>, %arg19: memref<64x4xf32, #tpu.memory_space<vmem>>, %arg20: memref<1x100xf32, #tpu.memory_space<vmem>>, %arg21: memref<128x100xf32, #tpu.memory_space<vmem>>, %arg22: memref<4x100xf32, #tpu.memory_space<vmem>>, %arg23: memref<64x64xf32, #tpu.memory_space<vmem>>, %arg24: memref<64x4xf32, #tpu.memory_space<vmem>>, %arg25: memref<1x100xf32, #tpu.memory_space<vmem>>, %arg26: memref<128x100xf32, #tpu.memory_space<vmem>>, %arg27: memref<4x100xf32, #tpu.memory_space<vmem>>, %arg28: memref<64x4xf32, #tpu.memory_space<vmem>>, %arg29: memref<100x100xf32, #tpu.memory_space<vmem>>, %arg30: memref<20x100x100xf32, #tpu.memory_space<vmem>>, %arg31: memref<1x17xf32, #tpu.memory_space<vmem>>, %arg32: memref<16x17xf32, #tpu.memory_space<vmem>>, %arg33: memref<1x100x17xf32, #tpu.memory_space<vmem>>, %arg34: memref<1x20x100x100xf32, #tpu.memory_space<vmem>>) attributes {dimension_semantics = [#tpu.dimension_semantics<arbitrary>], iteration_bounds = array<i64: 100>, scalar_prefetch = 0 : i64, scratch_operands = 0 : i64, tpu.core_type = #tpu.core_type<tc>, window_params = [{transform_indices = @transform_0, window_bounds = array<i64: 1, 100, 128>}, {transform_indices = @transform_1, window_bounds = array<i64: 1, 100, 64>}, {pipeline_mode = #tpu.pipeline_mode<synchronous>, transform_indices = @transform_2, window_bounds = array<i64: 64, 64>}, {pipeline_mode = #tpu.pipeline_mode<synchronous>, transform_indices = @transform_3, window_bounds = array<i64: 64, 4>}, {pipeline_mode = #tpu.pipeline_mode<synchronous>, transform_indices = @transform_4, window_bounds = array<i64: 1, 16>}, {pipeline_mode = #tpu.pipeline_mode<synchronous>, transform_indices = @transform_5, window_bounds = array<i64: 128, 16>}, {pipeline_mode = #tpu.pipeline_mode<synchronous>, transform_indices = @transform_6, window_bounds = array<i64: 4, 16>}, {pipeline_mode = #tpu.pipeline_mode<synchronous>, transform_indices = @transform_7, window_bounds = array<i64: 64, 64>}, {pipeline_mode = #tpu.pipeline_mode<synchronous>, transform_indices = @transform_8, window_bounds = array<i64: 64, 4>}, {pipeline_mode = #tpu.pipeline_mode<synchronous>, transform_indices = @transform_9, window_bounds = array<i64: 1, 100>}, {pipeline_mode = #tpu.pipeline_mode<synchronous>, transform_indices = @transform_10, window_bounds = array<i64: 128, 100>}, {pipeline_mode = #tpu.pipeline_mode<synchronous>, transform_indices = @transform_11, window_bounds = array<i64: 4, 100>}, {pipeline_mode = #tpu.pipeline_mode<synchronous>, transform_indices = @transform_12, window_bounds = array<i64: 64, 64>}, {pipeline_mode = #tpu.pipeline_mode<synchronous>, transform_indices = @transform_13, window_bounds = array<i64: 64, 4>}, {pipeline_mode = #tpu.pipeline_mode<synchronous>, transform_indices = @transform_14, window_bounds = array<i64: 1, 100>}, {pipeline_mode = #tpu.pipeline_mode<synchronous>, transform_indices = @transform_15, window_bounds = array<i64: 128, 100>}, {pipeline_mode = #tpu.pipeline_mode<synchronous>, transform_indices = @transform_16, window_bounds = array<i64: 4, 100>}, {pipeline_mode = #tpu.pipeline_mode<synchronous>, transform_indices = @transform_17, window_bounds = array<i64: 64, 64>}, {pipeline_mode = #tpu.pipeline_mode<synchronous>, transform_indices = @transform_18, window_bounds = array<i64: 64, 4>}, {pipeline_mode = #tpu.pipeline_mode<synchronous>, transform_indices = @transform_19, window_bounds = array<i64: 1, 100>}, {pipeline_mode = #tpu.pipeline_mode<synchronous>, transform_indices = @transform_20, window_bounds = array<i64: 128, 100>}, {pipeline_mode = #tpu.pipeline_mode<synchronous>, transform_indices = @transform_21, window_bounds = array<i64: 4, 100>}, {pipeline_mode = #tpu.pipeline_mode<synchronous>, transform_indices = @transform_22, window_bounds = array<i64: 64, 64>}, {pipeline_mode = #tpu.pipeline_mode<synchronous>, transform_indices = @transform_23, window_bounds = array<i64: 64, 4>}, {pipeline_mode = #tpu.pipeline_mode<synchronous>, transform_indices = @transform_24, window_bounds = array<i64: 1, 100>}, {pipeline_mode = #tpu.pipeline_mode<synchronous>, transform_indices = @transform_25, window_bounds = array<i64: 128, 100>}, {pipeline_mode = #tpu.pipeline_mode<synchronous>, transform_indices = @transform_26, window_bounds = array<i64: 4, 100>}, {pipeline_mode = #tpu.pipeline_mode<synchronous>, transform_indices = @transform_27, window_bounds = array<i64: 64, 4>}, {pipeline_mode = #tpu.pipeline_mode<synchronous>, transform_indices = @transform_28, window_bounds = array<i64: 100, 100>}, {pipeline_mode = #tpu.pipeline_mode<synchronous>, transform_indices = @transform_29, window_bounds = array<i64: 20, 100, 100>}, {pipeline_mode = #tpu.pipeline_mode<synchronous>, transform_indices = @transform_30, window_bounds = array<i64: 1, 17>}, {pipeline_mode = #tpu.pipeline_mode<synchronous>, transform_indices = @transform_31, window_bounds = array<i64: 16, 17>}, {transform_indices = @transform_32, window_bounds = array<i64: 1, 100, 17>}, {transform_indices = @transform_33, window_bounds = array<i64: 1, 20, 100, 100>}]} {
    %get3A = arith.constant 0 : index
    %get3A_0 = arith.constant 0 : index
    %get3A_1 = arith.constant 0 : index
    %get3A_2 = vector.load %arg1[%get3A, %get3A_0, %get3A_1] : memref<1x100x128xf32, #tpu.memory_space<vmem>>, vector<1x100x128xf32>
    %get3A_3 = vector.shape_cast %get3A_2 : vector<1x100x128xf32> to vector<100x128xf32>
    %get3A_4 = arith.constant 0 : index
    %get3A_5 = arith.constant 0 : index
    %get3A_6 = arith.constant 0 : index
    %get3A_7 = vector.load %arg2[%get3A_4, %get3A_5, %get3A_6] : memref<1x100x64xf32, #tpu.memory_space<vmem>>, vector<1x100x64xf32>
    %get3A_8 = vector.shape_cast %get3A_7 : vector<1x100x64xf32> to vector<100x64xf32>
    %get3A_9 = arith.constant 0 : index
    %get3A_10 = arith.constant 0 : index
    %get3A_11 = vector.load %arg28[%get3A_9, %get3A_10] : memref<64x4xf32, #tpu.memory_space<vmem>>, vector<64x4xf32>
    %get3A_12 = arith.constant 0 : index
    %get3A_13 = arith.constant 0 : index
    %get3A_14 = vector.load %arg3[%get3A_12, %get3A_13] : memref<64x64xf32, #tpu.memory_space<vmem>>, vector<64x64xf32>
    %dot_general3A = arith.constant dense<0.000000e+00> : vector<100x64xf32>
    %dot_general3A_15 = tpu.matmul %get3A_8, %get3A_14, %dot_general3A {dimension_numbers = #tpu.dot_dimension_numbers<[1], [0], [0], [1], [0, 0, 1, 1], [], []>, precision = #tpu.contract_precision<fp32>, transpose_lhs_hint = false} : vector<100x64xf32>, vector<64x64xf32>, vector<100x64xf32> -> vector<100x64xf32>
    %mul3A = arith.mulf %dot_general3A_15, %dot_general3A_15 : vector<100x64xf32>
    %dot_general3A_16 = arith.constant dense<0.000000e+00> : vector<100x4xf32>
    %dot_general3A_17 = tpu.matmul %mul3A, %get3A_11, %dot_general3A_16 {dimension_numbers = #tpu.dot_dimension_numbers<[1], [0], [0], [1], [0, 0, 1, 1], [], []>, precision = #tpu.contract_precision<fp32>, transpose_lhs_hint = false} : vector<100x64xf32>, vector<64x4xf32>, vector<100x4xf32> -> vector<100x4xf32>
    %max3A = arith.constant 9.99999993E-9 : f32
    %max3A_18 = vector.broadcast %max3A : f32 to vector<100x4xf32>
    %max3A_19 = arith.maximumf %dot_general3A_17, %max3A_18 : vector<100x4xf32>
    %sqrt3A = math.sqrt %max3A_19 : vector<100x4xf32>
    %get3A_20 = arith.constant 0 : index
    %get3A_21 = arith.constant 0 : index
    %get3A_22 = vector.load %arg6[%get3A_20, %get3A_21] : memref<128x16xf32, #tpu.memory_space<vmem>>, vector<128x16xf32>
    %dot_general3A_23 = arith.constant dense<0.000000e+00> : vector<100x16xf32>
    %dot_general3A_24 = tpu.matmul %get3A_3, %get3A_22, %dot_general3A_23 {dimension_numbers = #tpu.dot_dimension_numbers<[1], [0], [0], [1], [0, 0, 1, 1], [], []>, precision = #tpu.contract_precision<fp32>, transpose_lhs_hint = false} : vector<100x128xf32>, vector<128x16xf32>, vector<100x16xf32> -> vector<100x16xf32>
    %get3A_25 = arith.constant 0 : index
    %get3A_26 = arith.constant 0 : index
    %get3A_27 = vector.load %arg7[%get3A_25, %get3A_26] : memref<4x16xf32, #tpu.memory_space<vmem>>, vector<4x16xf32>
    %dot_general3A_28 = arith.constant dense<0.000000e+00> : vector<100x16xf32>
    %dot_general3A_29 = tpu.matmul %sqrt3A, %get3A_27, %dot_general3A_28 {dimension_numbers = #tpu.dot_dimension_numbers<[1], [0], [0], [1], [0, 0, 1, 1], [], []>, precision = #tpu.contract_precision<fp32>, transpose_lhs_hint = false} : vector<100x4xf32>, vector<4x16xf32>, vector<100x16xf32> -> vector<100x16xf32>
    %add3A = arith.addf %dot_general3A_24, %dot_general3A_29 : vector<100x16xf32>
    %get3A_30 = arith.constant 0 : index
    %get3A_31 = arith.constant 0 : index
    %get3A_32 = vector.load %arg5[%get3A_30, %get3A_31] : memref<1x16xf32, #tpu.memory_space<vmem>>, vector<1x16xf32>
    %add3A_33 = vector.broadcast %get3A_32 : vector<1x16xf32> to vector<100x16xf32>
    %add3A_34 = arith.addf %add3A, %add3A_33 : vector<100x16xf32>
    %tanh3A = math.tanh %add3A_34 : vector<100x16xf32>
    %get3A_35 = arith.constant 0 : index
    %get3A_36 = arith.constant 0 : index
    %get3A_37 = vector.load %arg32[%get3A_35, %get3A_36] : memref<16x17xf32, #tpu.memory_space<vmem>>, vector<16x17xf32>
    %dot_general3A_38 = arith.constant dense<0.000000e+00> : vector<100x17xf32>
    %dot_general3A_39 = tpu.matmul %tanh3A, %get3A_37, %dot_general3A_38 {dimension_numbers = #tpu.dot_dimension_numbers<[1], [0], [0], [1], [0, 0, 1, 1], [], []>, precision = #tpu.contract_precision<fp32>, transpose_lhs_hint = false} : vector<100x16xf32>, vector<16x17xf32>, vector<100x17xf32> -> vector<100x17xf32>
    %get3A_40 = arith.constant 0 : index
    %get3A_41 = arith.constant 0 : index
    %get3A_42 = vector.load %arg31[%get3A_40, %get3A_41] : memref<1x17xf32, #tpu.memory_space<vmem>>, vector<1x17xf32>
    %add3A_43 = vector.broadcast %get3A_42 : vector<1x17xf32> to vector<100x17xf32>
    %add3A_44 = arith.addf %dot_general3A_39, %add3A_43 : vector<100x17xf32>
    %swap3A = arith.constant 0 : index
    %swap3A_45 = arith.constant 0 : index
    %swap3A_46 = arith.constant 0 : index
    %swap3A_47 = vector.load %arg33[%swap3A, %swap3A_45, %swap3A_46] : memref<1x100x17xf32, #tpu.memory_space<vmem>>, vector<1x100x17xf32>
    %swap3A_48 = vector.shape_cast %swap3A_47 : vector<1x100x17xf32> to vector<100x17xf32>
    %swap3A_49 = vector.shape_cast %add3A_44 : vector<100x17xf32> to vector<1x100x17xf32>
    tpu.vector_store %arg33[%swap3A, %swap3A_45, %swap3A_46], %swap3A_49 {strides = array<i32>} : memref<1x100x17xf32, #tpu.memory_space<vmem>>, vector<1x100x17xf32>,
    %get3A_50 = arith.constant 0 : index
    %get3A_51 = arith.constant 0 : index
    %get3A_52 = vector.load %arg8[%get3A_50, %get3A_51] : memref<64x64xf32, #tpu.memory_space<vmem>>, vector<64x64xf32>
    %dot_general3A_53 = arith.constant dense<0.000000e+00> : vector<100x64xf32>
    %dot_general3A_54 = tpu.matmul %get3A_8, %get3A_52, %dot_general3A_53 {dimension_numbers = #tpu.dot_dimension_numbers<[1], [0], [0], [1], [0, 0, 1, 1], [], []>, precision = #tpu.contract_precision<fp32>, transpose_lhs_hint = false} : vector<100x64xf32>, vector<64x64xf32>, vector<100x64xf32> -> vector<100x64xf32>
    %mul3A_55 = arith.mulf %dot_general3A_54, %dot_general3A_54 : vector<100x64xf32>
    %dot_general3A_56 = arith.constant dense<0.000000e+00> : vector<100x4xf32>
    %dot_general3A_57 = tpu.matmul %mul3A_55, %get3A_11, %dot_general3A_56 {dimension_numbers = #tpu.dot_dimension_numbers<[1], [0], [0], [1], [0, 0, 1, 1], [], []>, precision = #tpu.contract_precision<fp32>, transpose_lhs_hint = false} : vector<100x64xf32>, vector<64x4xf32>, vector<100x4xf32> -> vector<100x4xf32>
    %max3A_58 = arith.constant 9.99999993E-9 : f32
    %max3A_59 = vector.broadcast %max3A_58 : f32 to vector<100x4xf32>
    %max3A_60 = arith.maximumf %dot_general3A_57, %max3A_59 : vector<100x4xf32>
    %sqrt3A_61 = math.sqrt %max3A_60 : vector<100x4xf32>
    %get3A_62 = arith.constant 0 : index
    %get3A_63 = arith.constant 0 : index
    %get3A_64 = vector.load %arg11[%get3A_62, %get3A_63] : memref<128x100xf32, #tpu.memory_space<vmem>>, vector<128x100xf32>
    %dot_general3A_65 = arith.constant dense<0.000000e+00> : vector<100x100xf32>
    %dot_general3A_66 = tpu.matmul %get3A_3, %get3A_64, %dot_general3A_65 {dimension_numbers = #tpu.dot_dimension_numbers<[1], [0], [0], [1], [0, 0, 1, 1], [], []>, precision = #tpu.contract_precision<fp32>, transpose_lhs_hint = false} : vector<100x128xf32>, vector<128x100xf32>, vector<100x100xf32> -> vector<100x100xf32>
    %get3A_67 = arith.constant 0 : index
    %get3A_68 = arith.constant 0 : index
    %get3A_69 = vector.load %arg12[%get3A_67, %get3A_68] : memref<4x100xf32, #tpu.memory_space<vmem>>, vector<4x100xf32>
    %dot_general3A_70 = arith.constant dense<0.000000e+00> : vector<100x100xf32>
    %dot_general3A_71 = tpu.matmul %sqrt3A_61, %get3A_69, %dot_general3A_70 {dimension_numbers = #tpu.dot_dimension_numbers<[1], [0], [0], [1], [0, 0, 1, 1], [], []>, precision = #tpu.contract_precision<fp32>, transpose_lhs_hint = false} : vector<100x4xf32>, vector<4x100xf32>, vector<100x100xf32> -> vector<100x100xf32>
    %add3A_72 = arith.addf %dot_general3A_66, %dot_general3A_71 : vector<100x100xf32>
    %get3A_73 = arith.constant 0 : index
    %get3A_74 = arith.constant 0 : index
    %get3A_75 = vector.load %arg10[%get3A_73, %get3A_74] : memref<1x100xf32, #tpu.memory_space<vmem>>, vector<1x100xf32>
    %add3A_76 = vector.broadcast %get3A_75 : vector<1x100xf32> to vector<100x100xf32>
    %add3A_77 = arith.addf %add3A_72, %add3A_76 : vector<100x100xf32>
    %max3A_78 = arith.constant 0.000000e+00 : f32
    %max3A_79 = vector.broadcast %max3A_78 : f32 to vector<100x100xf32>
    %max3A_80 = arith.maximumf %add3A_77, %max3A_79 : vector<100x100xf32>
    %get3A_81 = arith.constant 0 : index
    %get3A_82 = arith.constant 0 : index
    %get3A_83 = vector.load %arg13[%get3A_81, %get3A_82] : memref<64x64xf32, #tpu.memory_space<vmem>>, vector<64x64xf32>
    %dot_general3A_84 = arith.constant dense<0.000000e+00> : vector<100x64xf32>
    %dot_general3A_85 = tpu.matmul %get3A_8, %get3A_83, %dot_general3A_84 {dimension_numbers = #tpu.dot_dimension_numbers<[1], [0], [0], [1], [0, 0, 1, 1], [], []>, precision = #tpu.contract_precision<fp32>, transpose_lhs_hint = false} : vector<100x64xf32>, vector<64x64xf32>, vector<100x64xf32> -> vector<100x64xf32>
    %mul3A_86 = arith.mulf %dot_general3A_85, %dot_general3A_85 : vector<100x64xf32>
    %dot_general3A_87 = arith.constant dense<0.000000e+00> : vector<100x4xf32>
    %dot_general3A_88 = tpu.matmul %mul3A_86, %get3A_11, %dot_general3A_87 {dimension_numbers = #tpu.dot_dimension_numbers<[1], [0], [0], [1], [0, 0, 1, 1], [], []>, precision = #tpu.contract_precision<fp32>, transpose_lhs_hint = false} : vector<100x64xf32>, vector<64x4xf32>, vector<100x4xf32> -> vector<100x4xf32>
    %max3A_89 = arith.constant 9.99999993E-9 : f32
    %max3A_90 = vector.broadcast %max3A_89 : f32 to vector<100x4xf32>
    %max3A_91 = arith.maximumf %dot_general3A_88, %max3A_90 : vector<100x4xf32>
    %sqrt3A_92 = math.sqrt %max3A_91 : vector<100x4xf32>
    %get3A_93 = arith.constant 0 : index
    %get3A_94 = arith.constant 0 : index
    %get3A_95 = vector.load %arg16[%get3A_93, %get3A_94] : memref<128x100xf32, #tpu.memory_space<vmem>>, vector<128x100xf32>
    %dot_general3A_96 = arith.constant dense<0.000000e+00> : vector<100x100xf32>
    %dot_general3A_97 = tpu.matmul %get3A_3, %get3A_95, %dot_general3A_96 {dimension_numbers = #tpu.dot_dimension_numbers<[1], [0], [0], [1], [0, 0, 1, 1], [], []>, precision = #tpu.contract_precision<fp32>, transpose_lhs_hint = false} : vector<100x128xf32>, vector<128x100xf32>, vector<100x100xf32> -> vector<100x100xf32>
    %get3A_98 = arith.constant 0 : index
    %get3A_99 = arith.constant 0 : index
    %get3A_100 = vector.load %arg17[%get3A_98, %get3A_99] : memref<4x100xf32, #tpu.memory_space<vmem>>, vector<4x100xf32>
    %dot_general3A_101 = arith.constant dense<0.000000e+00> : vector<100x100xf32>
    %dot_general3A_102 = tpu.matmul %sqrt3A_92, %get3A_100, %dot_general3A_101 {dimension_numbers = #tpu.dot_dimension_numbers<[1], [0], [0], [1], [0, 0, 1, 1], [], []>, precision = #tpu.contract_precision<fp32>, transpose_lhs_hint = false} : vector<100x4xf32>, vector<4x100xf32>, vector<100x100xf32> -> vector<100x100xf32>
    %add3A_103 = arith.addf %dot_general3A_97, %dot_general3A_102 : vector<100x100xf32>
    %get3A_104 = arith.constant 0 : index
    %get3A_105 = arith.constant 0 : index
    %get3A_106 = vector.load %arg15[%get3A_104, %get3A_105] : memref<1x100xf32, #tpu.memory_space<vmem>>, vector<1x100xf32>
    %add3A_107 = vector.broadcast %get3A_106 : vector<1x100xf32> to vector<100x100xf32>
    %add3A_108 = arith.addf %add3A_103, %add3A_107 : vector<100x100xf32>
    %max3A_109 = arith.constant 0.000000e+00 : f32
    %max3A_110 = vector.broadcast %max3A_109 : f32 to vector<100x100xf32>
    %max3A_111 = arith.maximumf %add3A_108, %max3A_110 : vector<100x100xf32>
    %get3A_112 = arith.constant 0 : index
    %get3A_113 = arith.constant 0 : index
    %get3A_114 = vector.load %arg18[%get3A_112, %get3A_113] : memref<64x64xf32, #tpu.memory_space<vmem>>, vector<64x64xf32>
    %dot_general3A_115 = arith.constant dense<0.000000e+00> : vector<100x64xf32>
    %dot_general3A_116 = tpu.matmul %get3A_8, %get3A_114, %dot_general3A_115 {dimension_numbers = #tpu.dot_dimension_numbers<[1], [0], [0], [1], [0, 0, 1, 1], [], []>, precision = #tpu.contract_precision<fp32>, transpose_lhs_hint = false} : vector<100x64xf32>, vector<64x64xf32>, vector<100x64xf32> -> vector<100x64xf32>
    %mul3A_117 = arith.mulf %dot_general3A_116, %dot_general3A_116 : vector<100x64xf32>
    %dot_general3A_118 = arith.constant dense<0.000000e+00> : vector<100x4xf32>
    %dot_general3A_119 = tpu.matmul %mul3A_117, %get3A_11, %dot_general3A_118 {dimension_numbers = #tpu.dot_dimension_numbers<[1], [0], [0], [1], [0, 0, 1, 1], [], []>, precision = #tpu.contract_precision<fp32>, transpose_lhs_hint = false} : vector<100x64xf32>, vector<64x4xf32>, vector<100x4xf32> -> vector<100x4xf32>
    %max3A_120 = arith.constant 9.99999993E-9 : f32
    %max3A_121 = vector.broadcast %max3A_120 : f32 to vector<100x4xf32>
    %max3A_122 = arith.maximumf %dot_general3A_119, %max3A_121 : vector<100x4xf32>
    %sqrt3A_123 = math.sqrt %max3A_122 : vector<100x4xf32>
    %get3A_124 = arith.constant 0 : index
    %get3A_125 = arith.constant 0 : index
    %get3A_126 = vector.load %arg21[%get3A_124, %get3A_125] : memref<128x100xf32, #tpu.memory_space<vmem>>, vector<128x100xf32>
    %dot_general3A_127 = arith.constant dense<0.000000e+00> : vector<100x100xf32>
    %dot_general3A_128 = tpu.matmul %get3A_3, %get3A_126, %dot_general3A_127 {dimension_numbers = #tpu.dot_dimension_numbers<[1], [0], [0], [1], [0, 0, 1, 1], [], []>, precision = #tpu.contract_precision<fp32>, transpose_lhs_hint = false} : vector<100x128xf32>, vector<128x100xf32>, vector<100x100xf32> -> vector<100x100xf32>
    %get3A_129 = arith.constant 0 : index
    %get3A_130 = arith.constant 0 : index
    %get3A_131 = vector.load %arg22[%get3A_129, %get3A_130] : memref<4x100xf32, #tpu.memory_space<vmem>>, vector<4x100xf32>
    %dot_general3A_132 = arith.constant dense<0.000000e+00> : vector<100x100xf32>
    %dot_general3A_133 = tpu.matmul %sqrt3A_123, %get3A_131, %dot_general3A_132 {dimension_numbers = #tpu.dot_dimension_numbers<[1], [0], [0], [1], [0, 0, 1, 1], [], []>, precision = #tpu.contract_precision<fp32>, transpose_lhs_hint = false} : vector<100x4xf32>, vector<4x100xf32>, vector<100x100xf32> -> vector<100x100xf32>
    %add3A_134 = arith.addf %dot_general3A_128, %dot_general3A_133 : vector<100x100xf32>
    %get3A_135 = arith.constant 0 : index
    %get3A_136 = arith.constant 0 : index
    %get3A_137 = vector.load %arg20[%get3A_135, %get3A_136] : memref<1x100xf32, #tpu.memory_space<vmem>>, vector<1x100xf32>
    %add3A_138 = vector.broadcast %get3A_137 : vector<1x100xf32> to vector<100x100xf32>
    %add3A_139 = arith.addf %add3A_134, %add3A_138 : vector<100x100xf32>
    %max3A_140 = arith.constant 0.000000e+00 : f32
    %max3A_141 = vector.broadcast %max3A_140 : f32 to vector<100x100xf32>
    %max3A_142 = arith.maximumf %add3A_139, %max3A_141 : vector<100x100xf32>
    %get3A_143 = arith.constant 0 : index
    %get3A_144 = arith.constant 0 : index
    %get3A_145 = vector.load %arg23[%get3A_143, %get3A_144] : memref<64x64xf32, #tpu.memory_space<vmem>>, vector<64x64xf32>
    %dot_general3A_146 = arith.constant dense<0.000000e+00> : vector<100x64xf32>
    %dot_general3A_147 = tpu.matmul %get3A_8, %get3A_145, %dot_general3A_146 {dimension_numbers = #tpu.dot_dimension_numbers<[1], [0], [0], [1], [0, 0, 1, 1], [], []>, precision = #tpu.contract_precision<fp32>, transpose_lhs_hint = false} : vector<100x64xf32>, vector<64x64xf32>, vector<100x64xf32> -> vector<100x64xf32>
    %mul3A_148 = arith.mulf %dot_general3A_147, %dot_general3A_147 : vector<100x64xf32>
    %dot_general3A_149 = arith.constant dense<0.000000e+00> : vector<100x4xf32>
    %dot_general3A_150 = tpu.matmul %mul3A_148, %get3A_11, %dot_general3A_149 {dimension_numbers = #tpu.dot_dimension_numbers<[1], [0], [0], [1], [0, 0, 1, 1], [], []>, precision = #tpu.contract_precision<fp32>, transpose_lhs_hint = false} : vector<100x64xf32>, vector<64x4xf32>, vector<100x4xf32> -> vector<100x4xf32>
    %max3A_151 = arith.constant 9.99999993E-9 : f32
    %max3A_152 = vector.broadcast %max3A_151 : f32 to vector<100x4xf32>
    %max3A_153 = arith.maximumf %dot_general3A_150, %max3A_152 : vector<100x4xf32>
    %sqrt3A_154 = math.sqrt %max3A_153 : vector<100x4xf32>
    %get3A_155 = arith.constant 0 : index
    %get3A_156 = arith.constant 0 : index
    %get3A_157 = vector.load %arg26[%get3A_155, %get3A_156] : memref<128x100xf32, #tpu.memory_space<vmem>>, vector<128x100xf32>
    %dot_general3A_158 = arith.constant dense<0.000000e+00> : vector<100x100xf32>
    %dot_general3A_159 = tpu.matmul %get3A_3, %get3A_157, %dot_general3A_158 {dimension_numbers = #tpu.dot_dimension_numbers<[1], [0], [0], [1], [0, 0, 1, 1], [], []>, precision = #tpu.contract_precision<fp32>, transpose_lhs_hint = false} : vector<100x128xf32>, vector<128x100xf32>, vector<100x100xf32> -> vector<100x100xf32>
    %get3A_160 = arith.constant 0 : index
    %get3A_161 = arith.constant 0 : index
    %get3A_162 = vector.load %arg27[%get3A_160, %get3A_161] : memref<4x100xf32, #tpu.memory_space<vmem>>, vector<4x100xf32>
    %dot_general3A_163 = arith.constant dense<0.000000e+00> : vector<100x100xf32>
    %dot_general3A_164 = tpu.matmul %sqrt3A_154, %get3A_162, %dot_general3A_163 {dimension_numbers = #tpu.dot_dimension_numbers<[1], [0], [0], [1], [0, 0, 1, 1], [], []>, precision = #tpu.contract_precision<fp32>, transpose_lhs_hint = false} : vector<100x4xf32>, vector<4x100xf32>, vector<100x100xf32> -> vector<100x100xf32>
    %add3A_165 = arith.addf %dot_general3A_159, %dot_general3A_164 : vector<100x100xf32>
    %get3A_166 = arith.constant 0 : index
    %get3A_167 = arith.constant 0 : index
    %get3A_168 = vector.load %arg25[%get3A_166, %get3A_167] : memref<1x100xf32, #tpu.memory_space<vmem>>, vector<1x100xf32>
    %add3A_169 = vector.broadcast %get3A_168 : vector<1x100xf32> to vector<100x100xf32>
    %add3A_170 = arith.addf %add3A_165, %add3A_169 : vector<100x100xf32>
    %max3A_171 = arith.constant 0.000000e+00 : f32
    %max3A_172 = vector.broadcast %max3A_171 : f32 to vector<100x100xf32>
    %max3A_173 = arith.maximumf %add3A_170, %max3A_172 : vector<100x100xf32>
    %get3A_174 = arith.constant 0 : index
    %get3A_175 = arith.constant 0 : index
    %get3A_176 = vector.load %arg29[%get3A_174, %get3A_175] : memref<100x100xf32, #tpu.memory_space<vmem>>, vector<100x100xf32>
    %dot_general3A_177 = arith.constant dense<0.000000e+00> : vector<100x100xf32>
    %dot_general3A_178 = tpu.matmul %max3A_111, %get3A_176, %dot_general3A_177 {dimension_numbers = #tpu.dot_dimension_numbers<[1], [1], [0], [0], [0, 0, 1, 0], [], []>, precision = #tpu.contract_precision<fp32>, transpose_lhs_hint = false} : vector<100x100xf32>, vector<100x100xf32>, vector<100x100xf32> -> vector<100x100xf32>
    %dot_general3A_179 = arith.constant dense<0.000000e+00> : vector<100x100xf32>
    %dot_general3A_180 = tpu.matmul %max3A_80, %dot_general3A_178, %dot_general3A_179 {dimension_numbers = #tpu.dot_dimension_numbers<[1], [1], [0], [0], [0, 0, 1, 0], [], []>, precision = #tpu.contract_precision<fp32>, transpose_lhs_hint = false} : vector<100x100xf32>, vector<100x100xf32>, vector<100x100xf32> -> vector<100x100xf32>
    %reduce_max3A = arith.constant dense<0xFF800000> : vector<100xf32>
    %reduce_max3A_181 = vector.multi_reduction <maximumf>, %dot_general3A_180, %reduce_max3A [1] : vector<100x100xf32> to vector<100xf32>
    %broadcast_in_dim3A = vector.shape_cast %reduce_max3A_181 : vector<100xf32> to vector<100x1xf32>
    %sub3A = vector.broadcast %broadcast_in_dim3A : vector<100x1xf32> to vector<100x100xf32>
    %sub3A_182 = arith.subf %dot_general3A_180, %sub3A : vector<100x100xf32>
    %exp3A = math.exp %sub3A_182 : vector<100x100xf32>
    %reduce_sum3A = arith.constant dense<0.000000e+00> : vector<100xf32>
    %reduce_sum3A_183 = vector.multi_reduction <add>, %exp3A, %reduce_sum3A [1] : vector<100x100xf32> to vector<100xf32>
    %broadcast_in_dim3A_184 = vector.shape_cast %reduce_sum3A_183 : vector<100xf32> to vector<100x1xf32>
    %div3A = vector.broadcast %broadcast_in_dim3A_184 : vector<100x1xf32> to vector<100x100xf32>
    %div3A_185 = arith.divf %exp3A, %div3A : vector<100x100xf32>
    %get3A_186 = arith.constant 0 : index
    %get3A_187 = arith.constant 0 : index
    %get3A_188 = arith.constant 0 : index
    %get3A_189 = vector.load %arg30[%get3A_186, %get3A_187, %get3A_188] : memref<20x100x100xf32, #tpu.memory_space<vmem>>, vector<1x100x100xf32>
    %get3A_190 = vector.shape_cast %get3A_189 : vector<1x100x100xf32> to vector<100x100xf32>
    %dot_general3A_191 = arith.constant dense<0.000000e+00> : vector<100x100xf32>
    %dot_general3A_192 = tpu.matmul %max3A_142, %get3A_190, %dot_general3A_191 {dimension_numbers = #tpu.dot_dimension_numbers<[1], [0], [0], [1], [0, 0, 1, 1], [], []>, precision = #tpu.contract_precision<fp32>, transpose_lhs_hint = false} : vector<100x100xf32>, vector<100x100xf32>, vector<100x100xf32> -> vector<100x100xf32>
    %dot_general3A_193 = arith.constant dense<0.000000e+00> : vector<100x100xf32>
    %dot_general3A_194 = tpu.matmul %max3A_173, %dot_general3A_192, %dot_general3A_193 {dimension_numbers = #tpu.dot_dimension_numbers<[1], [1], [0], [0], [0, 0, 1, 0], [], []>, precision = #tpu.contract_precision<fp32>, transpose_lhs_hint = false} : vector<100x100xf32>, vector<100x100xf32>, vector<100x100xf32> -> vector<100x100xf32>
    %get3A_195 = arith.constant 1 : index
    %get3A_196 = arith.constant 0 : index
    %get3A_197 = arith.constant 0 : index
    %get3A_198 = vector.load %arg30[%get3A_195, %get3A_196, %get3A_197] : memref<20x100x100xf32, #tpu.memory_space<vmem>>, vector<1x100x100xf32>
    %get3A_199 = vector.shape_cast %get3A_198 : vector<1x100x100xf32> to vector<100x100xf32>
    %dot_general3A_200 = arith.constant dense<0.000000e+00> : vector<100x100xf32>
    %dot_general3A_201 = tpu.matmul %max3A_142, %get3A_199, %dot_general3A_200 {dimension_numbers = #tpu.dot_dimension_numbers<[1], [0], [0], [1], [0, 0, 1, 1], [], []>, precision = #tpu.contract_precision<fp32>, transpose_lhs_hint = false} : vector<100x100xf32>, vector<100x100xf32>, vector<100x100xf32> -> vector<100x100xf32>
    %dot_general3A_202 = arith.constant dense<0.000000e+00> : vector<100x100xf32>
    %dot_general3A_203 = tpu.matmul %max3A_173, %dot_general3A_201, %dot_general3A_202 {dimension_numbers = #tpu.dot_dimension_numbers<[1], [1], [0], [0], [0, 0, 1, 0], [], []>, precision = #tpu.contract_precision<fp32>, transpose_lhs_hint = false} : vector<100x100xf32>, vector<100x100xf32>, vector<100x100xf32> -> vector<100x100xf32>
    %get3A_204 = arith.constant 2 : index
    %get3A_205 = arith.constant 0 : index
    %get3A_206 = arith.constant 0 : index
    %get3A_207 = vector.load %arg30[%get3A_204, %get3A_205, %get3A_206] : memref<20x100x100xf32, #tpu.memory_space<vmem>>, vector<1x100x100xf32>
    %get3A_208 = vector.shape_cast %get3A_207 : vector<1x100x100xf32> to vector<100x100xf32>
    %dot_general3A_209 = arith.constant dense<0.000000e+00> : vector<100x100xf32>
    %dot_general3A_210 = tpu.matmul %max3A_142, %get3A_208, %dot_general3A_209 {dimension_numbers = #tpu.dot_dimension_numbers<[1], [0], [0], [1], [0, 0, 1, 1], [], []>, precision = #tpu.contract_precision<fp32>, transpose_lhs_hint = false} : vector<100x100xf32>, vector<100x100xf32>, vector<100x100xf32> -> vector<100x100xf32>
    %dot_general3A_211 = arith.constant dense<0.000000e+00> : vector<100x100xf32>
    %dot_general3A_212 = tpu.matmul %max3A_173, %dot_general3A_210, %dot_general3A_211 {dimension_numbers = #tpu.dot_dimension_numbers<[1], [1], [0], [0], [0, 0, 1, 0], [], []>, precision = #tpu.contract_precision<fp32>, transpose_lhs_hint = false} : vector<100x100xf32>, vector<100x100xf32>, vector<100x100xf32> -> vector<100x100xf32>
    %get3A_213 = arith.constant 3 : index
    %get3A_214 = arith.constant 0 : index
    %get3A_215 = arith.constant 0 : index
    %get3A_216 = vector.load %arg30[%get3A_213, %get3A_214, %get3A_215] : memref<20x100x100xf32, #tpu.memory_space<vmem>>, vector<1x100x100xf32>
    %get3A_217 = vector.shape_cast %get3A_216 : vector<1x100x100xf32> to vector<100x100xf32>
    %dot_general3A_218 = arith.constant dense<0.000000e+00> : vector<100x100xf32>
    %dot_general3A_219 = tpu.matmul %max3A_142, %get3A_217, %dot_general3A_218 {dimension_numbers = #tpu.dot_dimension_numbers<[1], [0], [0], [1], [0, 0, 1, 1], [], []>, precision = #tpu.contract_precision<fp32>, transpose_lhs_hint = false} : vector<100x100xf32>, vector<100x100xf32>, vector<100x100xf32> -> vector<100x100xf32>
    %dot_general3A_220 = arith.constant dense<0.000000e+00> : vector<100x100xf32>
    %dot_general3A_221 = tpu.matmul %max3A_173, %dot_general3A_219, %dot_general3A_220 {dimension_numbers = #tpu.dot_dimension_numbers<[1], [1], [0], [0], [0, 0, 1, 0], [], []>, precision = #tpu.contract_precision<fp32>, transpose_lhs_hint = false} : vector<100x100xf32>, vector<100x100xf32>, vector<100x100xf32> -> vector<100x100xf32>
    %get3A_222 = arith.constant 4 : index
    %get3A_223 = arith.constant 0 : index
    %get3A_224 = arith.constant 0 : index
    %get3A_225 = vector.load %arg30[%get3A_222, %get3A_223, %get3A_224] : memref<20x100x100xf32, #tpu.memory_space<vmem>>, vector<1x100x100xf32>
    %get3A_226 = vector.shape_cast %get3A_225 : vector<1x100x100xf32> to vector<100x100xf32>
    %dot_general3A_227 = arith.constant dense<0.000000e+00> : vector<100x100xf32>
    %dot_general3A_228 = tpu.matmul %max3A_142, %get3A_226, %dot_general3A_227 {dimension_numbers = #tpu.dot_dimension_numbers<[1], [0], [0], [1], [0, 0, 1, 1], [], []>, precision = #tpu.contract_precision<fp32>, transpose_lhs_hint = false} : vector<100x100xf32>, vector<100x100xf32>, vector<100x100xf32> -> vector<100x100xf32>
    %dot_general3A_229 = arith.constant dense<0.000000e+00> : vector<100x100xf32>
    %dot_general3A_230 = tpu.matmul %max3A_173, %dot_general3A_228, %dot_general3A_229 {dimension_numbers = #tpu.dot_dimension_numbers<[1], [1], [0], [0], [0, 0, 1, 0], [], []>, precision = #tpu.contract_precision<fp32>, transpose_lhs_hint = false} : vector<100x100xf32>, vector<100x100xf32>, vector<100x100xf32> -> vector<100x100xf32>
    %get3A_231 = arith.constant 5 : index
    %get3A_232 = arith.constant 0 : index
    %get3A_233 = arith.constant 0 : index
    %get3A_234 = vector.load %arg30[%get3A_231, %get3A_232, %get3A_233] : memref<20x100x100xf32, #tpu.memory_space<vmem>>, vector<1x100x100xf32>
    %get3A_235 = vector.shape_cast %get3A_234 : vector<1x100x100xf32> to vector<100x100xf32>
    %dot_general3A_236 = arith.constant dense<0.000000e+00> : vector<100x100xf32>
    %dot_general3A_237 = tpu.matmul %max3A_142, %get3A_235, %dot_general3A_236 {dimension_numbers = #tpu.dot_dimension_numbers<[1], [0], [0], [1], [0, 0, 1, 1], [], []>, precision = #tpu.contract_precision<fp32>, transpose_lhs_hint = false} : vector<100x100xf32>, vector<100x100xf32>, vector<100x100xf32> -> vector<100x100xf32>
    %dot_general3A_238 = arith.constant dense<0.000000e+00> : vector<100x100xf32>
    %dot_general3A_239 = tpu.matmul %max3A_173, %dot_general3A_237, %dot_general3A_238 {dimension_numbers = #tpu.dot_dimension_numbers<[1], [1], [0], [0], [0, 0, 1, 0], [], []>, precision = #tpu.contract_precision<fp32>, transpose_lhs_hint = false} : vector<100x100xf32>, vector<100x100xf32>, vector<100x100xf32> -> vector<100x100xf32>
    %get3A_240 = arith.constant 6 : index
    %get3A_241 = arith.constant 0 : index
    %get3A_242 = arith.constant 0 : index
    %get3A_243 = vector.load %arg30[%get3A_240, %get3A_241, %get3A_242] : memref<20x100x100xf32, #tpu.memory_space<vmem>>, vector<1x100x100xf32>
    %get3A_244 = vector.shape_cast %get3A_243 : vector<1x100x100xf32> to vector<100x100xf32>
    %dot_general3A_245 = arith.constant dense<0.000000e+00> : vector<100x100xf32>
    %dot_general3A_246 = tpu.matmul %max3A_142, %get3A_244, %dot_general3A_245 {dimension_numbers = #tpu.dot_dimension_numbers<[1], [0], [0], [1], [0, 0, 1, 1], [], []>, precision = #tpu.contract_precision<fp32>, transpose_lhs_hint = false} : vector<100x100xf32>, vector<100x100xf32>, vector<100x100xf32> -> vector<100x100xf32>
    %dot_general3A_247 = arith.constant dense<0.000000e+00> : vector<100x100xf32>
    %dot_general3A_248 = tpu.matmul %max3A_173, %dot_general3A_246, %dot_general3A_247 {dimension_numbers = #tpu.dot_dimension_numbers<[1], [1], [0], [0], [0, 0, 1, 0], [], []>, precision = #tpu.contract_precision<fp32>, transpose_lhs_hint = false} : vector<100x100xf32>, vector<100x100xf32>, vector<100x100xf32> -> vector<100x100xf32>
    %get3A_249 = arith.constant 7 : index
    %get3A_250 = arith.constant 0 : index
    %get3A_251 = arith.constant 0 : index
    %get3A_252 = vector.load %arg30[%get3A_249, %get3A_250, %get3A_251] : memref<20x100x100xf32, #tpu.memory_space<vmem>>, vector<1x100x100xf32>
    %get3A_253 = vector.shape_cast %get3A_252 : vector<1x100x100xf32> to vector<100x100xf32>
    %dot_general3A_254 = arith.constant dense<0.000000e+00> : vector<100x100xf32>
    %dot_general3A_255 = tpu.matmul %max3A_142, %get3A_253, %dot_general3A_254 {dimension_numbers = #tpu.dot_dimension_numbers<[1], [0], [0], [1], [0, 0, 1, 1], [], []>, precision = #tpu.contract_precision<fp32>, transpose_lhs_hint = false} : vector<100x100xf32>, vector<100x100xf32>, vector<100x100xf32> -> vector<100x100xf32>
    %dot_general3A_256 = arith.constant dense<0.000000e+00> : vector<100x100xf32>
    %dot_general3A_257 = tpu.matmul %max3A_173, %dot_general3A_255, %dot_general3A_256 {dimension_numbers = #tpu.dot_dimension_numbers<[1], [1], [0], [0], [0, 0, 1, 0], [], []>, precision = #tpu.contract_precision<fp32>, transpose_lhs_hint = false} : vector<100x100xf32>, vector<100x100xf32>, vector<100x100xf32> -> vector<100x100xf32>
    %get3A_258 = arith.constant 8 : index
    %get3A_259 = arith.constant 0 : index
    %get3A_260 = arith.constant 0 : index
    %get3A_261 = vector.load %arg30[%get3A_258, %get3A_259, %get3A_260] : memref<20x100x100xf32, #tpu.memory_space<vmem>>, vector<1x100x100xf32>
    %get3A_262 = vector.shape_cast %get3A_261 : vector<1x100x100xf32> to vector<100x100xf32>
    %dot_general3A_263 = arith.constant dense<0.000000e+00> : vector<100x100xf32>
    %dot_general3A_264 = tpu.matmul %max3A_142, %get3A_262, %dot_general3A_263 {dimension_numbers = #tpu.dot_dimension_numbers<[1], [0], [0], [1], [0, 0, 1, 1], [], []>, precision = #tpu.contract_precision<fp32>, transpose_lhs_hint = false} : vector<100x100xf32>, vector<100x100xf32>, vector<100x100xf32> -> vector<100x100xf32>
    %dot_general3A_265 = arith.constant dense<0.000000e+00> : vector<100x100xf32>
    %dot_general3A_266 = tpu.matmul %max3A_173, %dot_general3A_264, %dot_general3A_265 {dimension_numbers = #tpu.dot_dimension_numbers<[1], [1], [0], [0], [0, 0, 1, 0], [], []>, precision = #tpu.contract_precision<fp32>, transpose_lhs_hint = false} : vector<100x100xf32>, vector<100x100xf32>, vector<100x100xf32> -> vector<100x100xf32>
    %get3A_267 = arith.constant 9 : index
    %get3A_268 = arith.constant 0 : index
    %get3A_269 = arith.constant 0 : index
    %get3A_270 = vector.load %arg30[%get3A_267, %get3A_268, %get3A_269] : memref<20x100x100xf32, #tpu.memory_space<vmem>>, vector<1x100x100xf32>
    %get3A_271 = vector.shape_cast %get3A_270 : vector<1x100x100xf32> to vector<100x100xf32>
    %dot_general3A_272 = arith.constant dense<0.000000e+00> : vector<100x100xf32>
    %dot_general3A_273 = tpu.matmul %max3A_142, %get3A_271, %dot_general3A_272 {dimension_numbers = #tpu.dot_dimension_numbers<[1], [0], [0], [1], [0, 0, 1, 1], [], []>, precision = #tpu.contract_precision<fp32>, transpose_lhs_hint = false} : vector<100x100xf32>, vector<100x100xf32>, vector<100x100xf32> -> vector<100x100xf32>
    %dot_general3A_274 = arith.constant dense<0.000000e+00> : vector<100x100xf32>
    %dot_general3A_275 = tpu.matmul %max3A_173, %dot_general3A_273, %dot_general3A_274 {dimension_numbers = #tpu.dot_dimension_numbers<[1], [1], [0], [0], [0, 0, 1, 0], [], []>, precision = #tpu.contract_precision<fp32>, transpose_lhs_hint = false} : vector<100x100xf32>, vector<100x100xf32>, vector<100x100xf32> -> vector<100x100xf32>
    %get3A_276 = arith.constant 10 : index
    %get3A_277 = arith.constant 0 : index
    %get3A_278 = arith.constant 0 : index
    %get3A_279 = vector.load %arg30[%get3A_276, %get3A_277, %get3A_278] : memref<20x100x100xf32, #tpu.memory_space<vmem>>, vector<1x100x100xf32>
    %get3A_280 = vector.shape_cast %get3A_279 : vector<1x100x100xf32> to vector<100x100xf32>
    %dot_general3A_281 = arith.constant dense<0.000000e+00> : vector<100x100xf32>
    %dot_general3A_282 = tpu.matmul %max3A_142, %get3A_280, %dot_general3A_281 {dimension_numbers = #tpu.dot_dimension_numbers<[1], [0], [0], [1], [0, 0, 1, 1], [], []>, precision = #tpu.contract_precision<fp32>, transpose_lhs_hint = false} : vector<100x100xf32>, vector<100x100xf32>, vector<100x100xf32> -> vector<100x100xf32>
    %dot_general3A_283 = arith.constant dense<0.000000e+00> : vector<100x100xf32>
    %dot_general3A_284 = tpu.matmul %max3A_173, %dot_general3A_282, %dot_general3A_283 {dimension_numbers = #tpu.dot_dimension_numbers<[1], [1], [0], [0], [0, 0, 1, 0], [], []>, precision = #tpu.contract_precision<fp32>, transpose_lhs_hint = false} : vector<100x100xf32>, vector<100x100xf32>, vector<100x100xf32> -> vector<100x100xf32>
    %get3A_285 = arith.constant 11 : index
    %get3A_286 = arith.constant 0 : index
    %get3A_287 = arith.constant 0 : index
    %get3A_288 = vector.load %arg30[%get3A_285, %get3A_286, %get3A_287] : memref<20x100x100xf32, #tpu.memory_space<vmem>>, vector<1x100x100xf32>
    %get3A_289 = vector.shape_cast %get3A_288 : vector<1x100x100xf32> to vector<100x100xf32>
    %dot_general3A_290 = arith.constant dense<0.000000e+00> : vector<100x100xf32>
    %dot_general3A_291 = tpu.matmul %max3A_142, %get3A_289, %dot_general3A_290 {dimension_numbers = #tpu.dot_dimension_numbers<[1], [0], [0], [1], [0, 0, 1, 1], [], []>, precision = #tpu.contract_precision<fp32>, transpose_lhs_hint = false} : vector<100x100xf32>, vector<100x100xf32>, vector<100x100xf32> -> vector<100x100xf32>
    %dot_general3A_292 = arith.constant dense<0.000000e+00> : vector<100x100xf32>
    %dot_general3A_293 = tpu.matmul %max3A_173, %dot_general3A_291, %dot_general3A_292 {dimension_numbers = #tpu.dot_dimension_numbers<[1], [1], [0], [0], [0, 0, 1, 0], [], []>, precision = #tpu.contract_precision<fp32>, transpose_lhs_hint = false} : vector<100x100xf32>, vector<100x100xf32>, vector<100x100xf32> -> vector<100x100xf32>
    %get3A_294 = arith.constant 12 : index
    %get3A_295 = arith.constant 0 : index
    %get3A_296 = arith.constant 0 : index
    %get3A_297 = vector.load %arg30[%get3A_294, %get3A_295, %get3A_296] : memref<20x100x100xf32, #tpu.memory_space<vmem>>, vector<1x100x100xf32>
    %get3A_298 = vector.shape_cast %get3A_297 : vector<1x100x100xf32> to vector<100x100xf32>
    %dot_general3A_299 = arith.constant dense<0.000000e+00> : vector<100x100xf32>
    %dot_general3A_300 = tpu.matmul %max3A_142, %get3A_298, %dot_general3A_299 {dimension_numbers = #tpu.dot_dimension_numbers<[1], [0], [0], [1], [0, 0, 1, 1], [], []>, precision = #tpu.contract_precision<fp32>, transpose_lhs_hint = false} : vector<100x100xf32>, vector<100x100xf32>, vector<100x100xf32> -> vector<100x100xf32>
    %dot_general3A_301 = arith.constant dense<0.000000e+00> : vector<100x100xf32>
    %dot_general3A_302 = tpu.matmul %max3A_173, %dot_general3A_300, %dot_general3A_301 {dimension_numbers = #tpu.dot_dimension_numbers<[1], [1], [0], [0], [0, 0, 1, 0], [], []>, precision = #tpu.contract_precision<fp32>, transpose_lhs_hint = false} : vector<100x100xf32>, vector<100x100xf32>, vector<100x100xf32> -> vector<100x100xf32>
    %get3A_303 = arith.constant 13 : index
    %get3A_304 = arith.constant 0 : index
    %get3A_305 = arith.constant 0 : index
    %get3A_306 = vector.load %arg30[%get3A_303, %get3A_304, %get3A_305] : memref<20x100x100xf32, #tpu.memory_space<vmem>>, vector<1x100x100xf32>
    %get3A_307 = vector.shape_cast %get3A_306 : vector<1x100x100xf32> to vector<100x100xf32>
    %dot_general3A_308 = arith.constant dense<0.000000e+00> : vector<100x100xf32>
    %dot_general3A_309 = tpu.matmul %max3A_142, %get3A_307, %dot_general3A_308 {dimension_numbers = #tpu.dot_dimension_numbers<[1], [0], [0], [1], [0, 0, 1, 1], [], []>, precision = #tpu.contract_precision<fp32>, transpose_lhs_hint = false} : vector<100x100xf32>, vector<100x100xf32>, vector<100x100xf32> -> vector<100x100xf32>
    %dot_general3A_310 = arith.constant dense<0.000000e+00> : vector<100x100xf32>
    %dot_general3A_311 = tpu.matmul %max3A_173, %dot_general3A_309, %dot_general3A_310 {dimension_numbers = #tpu.dot_dimension_numbers<[1], [1], [0], [0], [0, 0, 1, 0], [], []>, precision = #tpu.contract_precision<fp32>, transpose_lhs_hint = false} : vector<100x100xf32>, vector<100x100xf32>, vector<100x100xf32> -> vector<100x100xf32>
    %get3A_312 = arith.constant 14 : index
    %get3A_313 = arith.constant 0 : index
    %get3A_314 = arith.constant 0 : index
    %get3A_315 = vector.load %arg30[%get3A_312, %get3A_313, %get3A_314] : memref<20x100x100xf32, #tpu.memory_space<vmem>>, vector<1x100x100xf32>
    %get3A_316 = vector.shape_cast %get3A_315 : vector<1x100x100xf32> to vector<100x100xf32>
    %dot_general3A_317 = arith.constant dense<0.000000e+00> : vector<100x100xf32>
    %dot_general3A_318 = tpu.matmul %max3A_142, %get3A_316, %dot_general3A_317 {dimension_numbers = #tpu.dot_dimension_numbers<[1], [0], [0], [1], [0, 0, 1, 1], [], []>, precision = #tpu.contract_precision<fp32>, transpose_lhs_hint = false} : vector<100x100xf32>, vector<100x100xf32>, vector<100x100xf32> -> vector<100x100xf32>
    %dot_general3A_319 = arith.constant dense<0.000000e+00> : vector<100x100xf32>
    %dot_general3A_320 = tpu.matmul %max3A_173, %dot_general3A_318, %dot_general3A_319 {dimension_numbers = #tpu.dot_dimension_numbers<[1], [1], [0], [0], [0, 0, 1, 0], [], []>, precision = #tpu.contract_precision<fp32>, transpose_lhs_hint = false} : vector<100x100xf32>, vector<100x100xf32>, vector<100x100xf32> -> vector<100x100xf32>
    %get3A_321 = arith.constant 15 : index
    %get3A_322 = arith.constant 0 : index
    %get3A_323 = arith.constant 0 : index
    %get3A_324 = vector.load %arg30[%get3A_321, %get3A_322, %get3A_323] : memref<20x100x100xf32, #tpu.memory_space<vmem>>, vector<1x100x100xf32>
    %get3A_325 = vector.shape_cast %get3A_324 : vector<1x100x100xf32> to vector<100x100xf32>
    %dot_general3A_326 = arith.constant dense<0.000000e+00> : vector<100x100xf32>
    %dot_general3A_327 = tpu.matmul %max3A_142, %get3A_325, %dot_general3A_326 {dimension_numbers = #tpu.dot_dimension_numbers<[1], [0], [0], [1], [0, 0, 1, 1], [], []>, precision = #tpu.contract_precision<fp32>, transpose_lhs_hint = false} : vector<100x100xf32>, vector<100x100xf32>, vector<100x100xf32> -> vector<100x100xf32>
    %dot_general3A_328 = arith.constant dense<0.000000e+00> : vector<100x100xf32>
    %dot_general3A_329 = tpu.matmul %max3A_173, %dot_general3A_327, %dot_general3A_328 {dimension_numbers = #tpu.dot_dimension_numbers<[1], [1], [0], [0], [0, 0, 1, 0], [], []>, precision = #tpu.contract_precision<fp32>, transpose_lhs_hint = false} : vector<100x100xf32>, vector<100x100xf32>, vector<100x100xf32> -> vector<100x100xf32>
    %get3A_330 = arith.constant 16 : index
    %get3A_331 = arith.constant 0 : index
    %get3A_332 = arith.constant 0 : index
    %get3A_333 = vector.load %arg30[%get3A_330, %get3A_331, %get3A_332] : memref<20x100x100xf32, #tpu.memory_space<vmem>>, vector<1x100x100xf32>
    %get3A_334 = vector.shape_cast %get3A_333 : vector<1x100x100xf32> to vector<100x100xf32>
    %dot_general3A_335 = arith.constant dense<0.000000e+00> : vector<100x100xf32>
    %dot_general3A_336 = tpu.matmul %max3A_142, %get3A_334, %dot_general3A_335 {dimension_numbers = #tpu.dot_dimension_numbers<[1], [0], [0], [1], [0, 0, 1, 1], [], []>, precision = #tpu.contract_precision<fp32>, transpose_lhs_hint = false} : vector<100x100xf32>, vector<100x100xf32>, vector<100x100xf32> -> vector<100x100xf32>
    %dot_general3A_337 = arith.constant dense<0.000000e+00> : vector<100x100xf32>
    %dot_general3A_338 = tpu.matmul %max3A_173, %dot_general3A_336, %dot_general3A_337 {dimension_numbers = #tpu.dot_dimension_numbers<[1], [1], [0], [0], [0, 0, 1, 0], [], []>, precision = #tpu.contract_precision<fp32>, transpose_lhs_hint = false} : vector<100x100xf32>, vector<100x100xf32>, vector<100x100xf32> -> vector<100x100xf32>
    %get3A_339 = arith.constant 17 : index
    %get3A_340 = arith.constant 0 : index
    %get3A_341 = arith.constant 0 : index
    %get3A_342 = vector.load %arg30[%get3A_339, %get3A_340, %get3A_341] : memref<20x100x100xf32, #tpu.memory_space<vmem>>, vector<1x100x100xf32>
    %get3A_343 = vector.shape_cast %get3A_342 : vector<1x100x100xf32> to vector<100x100xf32>
    %dot_general3A_344 = arith.constant dense<0.000000e+00> : vector<100x100xf32>
    %dot_general3A_345 = tpu.matmul %max3A_142, %get3A_343, %dot_general3A_344 {dimension_numbers = #tpu.dot_dimension_numbers<[1], [0], [0], [1], [0, 0, 1, 1], [], []>, precision = #tpu.contract_precision<fp32>, transpose_lhs_hint = false} : vector<100x100xf32>, vector<100x100xf32>, vector<100x100xf32> -> vector<100x100xf32>
    %dot_general3A_346 = arith.constant dense<0.000000e+00> : vector<100x100xf32>
    %dot_general3A_347 = tpu.matmul %max3A_173, %dot_general3A_345, %dot_general3A_346 {dimension_numbers = #tpu.dot_dimension_numbers<[1], [1], [0], [0], [0, 0, 1, 0], [], []>, precision = #tpu.contract_precision<fp32>, transpose_lhs_hint = false} : vector<100x100xf32>, vector<100x100xf32>, vector<100x100xf32> -> vector<100x100xf32>
    %get3A_348 = arith.constant 18 : index
    %get3A_349 = arith.constant 0 : index
    %get3A_350 = arith.constant 0 : index
    %get3A_351 = vector.load %arg30[%get3A_348, %get3A_349, %get3A_350] : memref<20x100x100xf32, #tpu.memory_space<vmem>>, vector<1x100x100xf32>
    %get3A_352 = vector.shape_cast %get3A_351 : vector<1x100x100xf32> to vector<100x100xf32>
    %dot_general3A_353 = arith.constant dense<0.000000e+00> : vector<100x100xf32>
    %dot_general3A_354 = tpu.matmul %max3A_142, %get3A_352, %dot_general3A_353 {dimension_numbers = #tpu.dot_dimension_numbers<[1], [0], [0], [1], [0, 0, 1, 1], [], []>, precision = #tpu.contract_precision<fp32>, transpose_lhs_hint = false} : vector<100x100xf32>, vector<100x100xf32>, vector<100x100xf32> -> vector<100x100xf32>
    %dot_general3A_355 = arith.constant dense<0.000000e+00> : vector<100x100xf32>
    %dot_general3A_356 = tpu.matmul %max3A_173, %dot_general3A_354, %dot_general3A_355 {dimension_numbers = #tpu.dot_dimension_numbers<[1], [1], [0], [0], [0, 0, 1, 0], [], []>, precision = #tpu.contract_precision<fp32>, transpose_lhs_hint = false} : vector<100x100xf32>, vector<100x100xf32>, vector<100x100xf32> -> vector<100x100xf32>
    %get3A_357 = arith.constant 19 : index
    %get3A_358 = arith.constant 0 : index
    %get3A_359 = arith.constant 0 : index
    %get3A_360 = vector.load %arg30[%get3A_357, %get3A_358, %get3A_359] : memref<20x100x100xf32, #tpu.memory_space<vmem>>, vector<1x100x100xf32>
    %get3A_361 = vector.shape_cast %get3A_360 : vector<1x100x100xf32> to vector<100x100xf32>
    %dot_general3A_362 = arith.constant dense<0.000000e+00> : vector<100x100xf32>
    %dot_general3A_363 = tpu.matmul %max3A_142, %get3A_361, %dot_general3A_362 {dimension_numbers = #tpu.dot_dimension_numbers<[1], [0], [0], [1], [0, 0, 1, 1], [], []>, precision = #tpu.contract_precision<fp32>, transpose_lhs_hint = false} : vector<100x100xf32>, vector<100x100xf32>, vector<100x100xf32> -> vector<100x100xf32>
    %dot_general3A_364 = arith.constant dense<0.000000e+00> : vector<100x100xf32>
    %dot_general3A_365 = tpu.matmul %max3A_173, %dot_general3A_363, %dot_general3A_364 {dimension_numbers = #tpu.dot_dimension_numbers<[1], [1], [0], [0], [0, 0, 1, 0], [], []>, precision = #tpu.contract_precision<fp32>, transpose_lhs_hint = false} : vector<100x100xf32>, vector<100x100xf32>, vector<100x100xf32> -> vector<100x100xf32>
    %max3A_366 = arith.maximumf %dot_general3A_194, %dot_general3A_203 : vector<100x100xf32>
    %max3A_367 = arith.maximumf %max3A_366, %dot_general3A_212 : vector<100x100xf32>
    %max3A_368 = arith.maximumf %max3A_367, %dot_general3A_221 : vector<100x100xf32>
    %max3A_369 = arith.maximumf %max3A_368, %dot_general3A_230 : vector<100x100xf32>
    %max3A_370 = arith.maximumf %max3A_369, %dot_general3A_239 : vector<100x100xf32>
    %max3A_371 = arith.maximumf %max3A_370, %dot_general3A_248 : vector<100x100xf32>
    %max3A_372 = arith.maximumf %max3A_371, %dot_general3A_257 : vector<100x100xf32>
    %max3A_373 = arith.maximumf %max3A_372, %dot_general3A_266 : vector<100x100xf32>
    %max3A_374 = arith.maximumf %max3A_373, %dot_general3A_275 : vector<100x100xf32>
    %max3A_375 = arith.maximumf %max3A_374, %dot_general3A_284 : vector<100x100xf32>
    %max3A_376 = arith.maximumf %max3A_375, %dot_general3A_293 : vector<100x100xf32>
    %max3A_377 = arith.maximumf %max3A_376, %dot_general3A_302 : vector<100x100xf32>
    %max3A_378 = arith.maximumf %max3A_377, %dot_general3A_311 : vector<100x100xf32>
    %max3A_379 = arith.maximumf %max3A_378, %dot_general3A_320 : vector<100x100xf32>
    %max3A_380 = arith.maximumf %max3A_379, %dot_general3A_329 : vector<100x100xf32>
    %max3A_381 = arith.maximumf %max3A_380, %dot_general3A_338 : vector<100x100xf32>
    %max3A_382 = arith.maximumf %max3A_381, %dot_general3A_347 : vector<100x100xf32>
    %max3A_383 = arith.maximumf %max3A_382, %dot_general3A_356 : vector<100x100xf32>
    %max3A_384 = arith.maximumf %max3A_383, %dot_general3A_365 : vector<100x100xf32>
    %sub3A_385 = arith.subf %dot_general3A_194, %max3A_384 : vector<100x100xf32>
    %exp3A_386 = math.exp %sub3A_385 : vector<100x100xf32>
    %sub3A_387 = arith.subf %dot_general3A_203, %max3A_384 : vector<100x100xf32>
    %exp3A_388 = math.exp %sub3A_387 : vector<100x100xf32>
    %sub3A_389 = arith.subf %dot_general3A_212, %max3A_384 : vector<100x100xf32>
    %exp3A_390 = math.exp %sub3A_389 : vector<100x100xf32>
    %sub3A_391 = arith.subf %dot_general3A_221, %max3A_384 : vector<100x100xf32>
    %exp3A_392 = math.exp %sub3A_391 : vector<100x100xf32>
    %sub3A_393 = arith.subf %dot_general3A_230, %max3A_384 : vector<100x100xf32>
    %exp3A_394 = math.exp %sub3A_393 : vector<100x100xf32>
    %sub3A_395 = arith.subf %dot_general3A_239, %max3A_384 : vector<100x100xf32>
    %exp3A_396 = math.exp %sub3A_395 : vector<100x100xf32>
    %sub3A_397 = arith.subf %dot_general3A_248, %max3A_384 : vector<100x100xf32>
    %exp3A_398 = math.exp %sub3A_397 : vector<100x100xf32>
    %sub3A_399 = arith.subf %dot_general3A_257, %max3A_384 : vector<100x100xf32>
    %exp3A_400 = math.exp %sub3A_399 : vector<100x100xf32>
    %sub3A_401 = arith.subf %dot_general3A_266, %max3A_384 : vector<100x100xf32>
    %exp3A_402 = math.exp %sub3A_401 : vector<100x100xf32>
    %sub3A_403 = arith.subf %dot_general3A_275, %max3A_384 : vector<100x100xf32>
    %exp3A_404 = math.exp %sub3A_403 : vector<100x100xf32>
    %sub3A_405 = arith.subf %dot_general3A_284, %max3A_384 : vector<100x100xf32>
    %exp3A_406 = math.exp %sub3A_405 : vector<100x100xf32>
    %sub3A_407 = arith.subf %dot_general3A_293, %max3A_384 : vector<100x100xf32>
    %exp3A_408 = math.exp %sub3A_407 : vector<100x100xf32>
    %sub3A_409 = arith.subf %dot_general3A_302, %max3A_384 : vector<100x100xf32>
    %exp3A_410 = math.exp %sub3A_409 : vector<100x100xf32>
    %sub3A_411 = arith.subf %dot_general3A_311, %max3A_384 : vector<100x100xf32>
    %exp3A_412 = math.exp %sub3A_411 : vector<100x100xf32>
    %sub3A_413 = arith.subf %dot_general3A_320, %max3A_384 : vector<100x100xf32>
    %exp3A_414 = math.exp %sub3A_413 : vector<100x100xf32>
    %sub3A_415 = arith.subf %dot_general3A_329, %max3A_384 : vector<100x100xf32>
    %exp3A_416 = math.exp %sub3A_415 : vector<100x100xf32>
    %sub3A_417 = arith.subf %dot_general3A_338, %max3A_384 : vector<100x100xf32>
    %exp3A_418 = math.exp %sub3A_417 : vector<100x100xf32>
    %sub3A_419 = arith.subf %dot_general3A_347, %max3A_384 : vector<100x100xf32>
    %exp3A_420 = math.exp %sub3A_419 : vector<100x100xf32>
    %sub3A_421 = arith.subf %dot_general3A_356, %max3A_384 : vector<100x100xf32>
    %exp3A_422 = math.exp %sub3A_421 : vector<100x100xf32>
    %sub3A_423 = arith.subf %dot_general3A_365, %max3A_384 : vector<100x100xf32>
    %exp3A_424 = math.exp %sub3A_423 : vector<100x100xf32>
    %add3A_425 = arith.addf %exp3A_386, %exp3A_388 : vector<100x100xf32>
    %add3A_426 = arith.addf %add3A_425, %exp3A_390 : vector<100x100xf32>
    %add3A_427 = arith.addf %add3A_426, %exp3A_392 : vector<100x100xf32>
    %add3A_428 = arith.addf %add3A_427, %exp3A_394 : vector<100x100xf32>
    %add3A_429 = arith.addf %add3A_428, %exp3A_396 : vector<100x100xf32>
    %add3A_430 = arith.addf %add3A_429, %exp3A_398 : vector<100x100xf32>
    %add3A_431 = arith.addf %add3A_430, %exp3A_400 : vector<100x100xf32>
    %add3A_432 = arith.addf %add3A_431, %exp3A_402 : vector<100x100xf32>
    %add3A_433 = arith.addf %add3A_432, %exp3A_404 : vector<100x100xf32>
    %add3A_434 = arith.addf %add3A_433, %exp3A_406 : vector<100x100xf32>
    %add3A_435 = arith.addf %add3A_434, %exp3A_408 : vector<100x100xf32>
    %add3A_436 = arith.addf %add3A_435, %exp3A_410 : vector<100x100xf32>
    %add3A_437 = arith.addf %add3A_436, %exp3A_412 : vector<100x100xf32>
    %add3A_438 = arith.addf %add3A_437, %exp3A_414 : vector<100x100xf32>
    %add3A_439 = arith.addf %add3A_438, %exp3A_416 : vector<100x100xf32>
    %add3A_440 = arith.addf %add3A_439, %exp3A_418 : vector<100x100xf32>
    %add3A_441 = arith.addf %add3A_440, %exp3A_420 : vector<100x100xf32>
    %add3A_442 = arith.addf %add3A_441, %exp3A_422 : vector<100x100xf32>
    %add3A_443 = arith.addf %add3A_442, %exp3A_424 : vector<100x100xf32>
    %div3A_444 = arith.divf %div3A_185, %add3A_443 : vector<100x100xf32>
    %mul3A_445 = arith.mulf %exp3A_386, %div3A_444 : vector<100x100xf32>
    %broadcast_in_dim3A_446 = vector.shape_cast %mul3A_445 : vector<100x100xf32> to vector<1x100x100xf32>
    %mul3A_447 = arith.mulf %exp3A_388, %div3A_444 : vector<100x100xf32>
    %broadcast_in_dim3A_448 = vector.shape_cast %mul3A_447 : vector<100x100xf32> to vector<1x100x100xf32>
    %mul3A_449 = arith.mulf %exp3A_390, %div3A_444 : vector<100x100xf32>
    %broadcast_in_dim3A_450 = vector.shape_cast %mul3A_449 : vector<100x100xf32> to vector<1x100x100xf32>
    %mul3A_451 = arith.mulf %exp3A_392, %div3A_444 : vector<100x100xf32>
    %broadcast_in_dim3A_452 = vector.shape_cast %mul3A_451 : vector<100x100xf32> to vector<1x100x100xf32>
    %mul3A_453 = arith.mulf %exp3A_394, %div3A_444 : vector<100x100xf32>
    %broadcast_in_dim3A_454 = vector.shape_cast %mul3A_453 : vector<100x100xf32> to vector<1x100x100xf32>
    %mul3A_455 = arith.mulf %exp3A_396, %div3A_444 : vector<100x100xf32>
    %broadcast_in_dim3A_456 = vector.shape_cast %mul3A_455 : vector<100x100xf32> to vector<1x100x100xf32>
    %mul3A_457 = arith.mulf %exp3A_398, %div3A_444 : vector<100x100xf32>
    %broadcast_in_dim3A_458 = vector.shape_cast %mul3A_457 : vector<100x100xf32> to vector<1x100x100xf32>
    %mul3A_459 = arith.mulf %exp3A_400, %div3A_444 : vector<100x100xf32>
    %broadcast_in_dim3A_460 = vector.shape_cast %mul3A_459 : vector<100x100xf32> to vector<1x100x100xf32>
    %mul3A_461 = arith.mulf %exp3A_402, %div3A_444 : vector<100x100xf32>
    %broadcast_in_dim3A_462 = vector.shape_cast %mul3A_461 : vector<100x100xf32> to vector<1x100x100xf32>
    %mul3A_463 = arith.mulf %exp3A_404, %div3A_444 : vector<100x100xf32>
    %broadcast_in_dim3A_464 = vector.shape_cast %mul3A_463 : vector<100x100xf32> to vector<1x100x100xf32>
    %mul3A_465 = arith.mulf %exp3A_406, %div3A_444 : vector<100x100xf32>
    %broadcast_in_dim3A_466 = vector.shape_cast %mul3A_465 : vector<100x100xf32> to vector<1x100x100xf32>
    %mul3A_467 = arith.mulf %exp3A_408, %div3A_444 : vector<100x100xf32>
    %broadcast_in_dim3A_468 = vector.shape_cast %mul3A_467 : vector<100x100xf32> to vector<1x100x100xf32>
    %mul3A_469 = arith.mulf %exp3A_410, %div3A_444 : vector<100x100xf32>
    %broadcast_in_dim3A_470 = vector.shape_cast %mul3A_469 : vector<100x100xf32> to vector<1x100x100xf32>
    %mul3A_471 = arith.mulf %exp3A_412, %div3A_444 : vector<100x100xf32>
    %broadcast_in_dim3A_472 = vector.shape_cast %mul3A_471 : vector<100x100xf32> to vector<1x100x100xf32>
    %mul3A_473 = arith.mulf %exp3A_414, %div3A_444 : vector<100x100xf32>
    %broadcast_in_dim3A_474 = vector.shape_cast %mul3A_473 : vector<100x100xf32> to vector<1x100x100xf32>
    %mul3A_475 = arith.mulf %exp3A_416, %div3A_444 : vector<100x100xf32>
    %broadcast_in_dim3A_476 = vector.shape_cast %mul3A_475 : vector<100x100xf32> to vector<1x100x100xf32>
    %mul3A_477 = arith.mulf %exp3A_418, %div3A_444 : vector<100x100xf32>
    %broadcast_in_dim3A_478 = vector.shape_cast %mul3A_477 : vector<100x100xf32> to vector<1x100x100xf32>
    %mul3A_479 = arith.mulf %exp3A_420, %div3A_444 : vector<100x100xf32>
    %broadcast_in_dim3A_480 = vector.shape_cast %mul3A_479 : vector<100x100xf32> to vector<1x100x100xf32>
    %mul3A_481 = arith.mulf %exp3A_422, %div3A_444 : vector<100x100xf32>
    %broadcast_in_dim3A_482 = vector.shape_cast %mul3A_481 : vector<100x100xf32> to vector<1x100x100xf32>
    %mul3A_483 = arith.mulf %exp3A_424, %div3A_444 : vector<100x100xf32>
    %broadcast_in_dim3A_484 = vector.shape_cast %mul3A_483 : vector<100x100xf32> to vector<1x100x100xf32>
    %concatenate3A = tpu.concatenate %broadcast_in_dim3A_446, %broadcast_in_dim3A_448, %broadcast_in_dim3A_450, %broadcast_in_dim3A_452, %broadcast_in_dim3A_454, %broadcast_in_dim3A_456, %broadcast_in_dim3A_458, %broadcast_in_dim3A_460, %broadcast_in_dim3A_462, %broadcast_in_dim3A_464, %broadcast_in_dim3A_466, %broadcast_in_dim3A_468, %broadcast_in_dim3A_470, %broadcast_in_dim3A_472, %broadcast_in_dim3A_474, %broadcast_in_dim3A_476, %broadcast_in_dim3A_478, %broadcast_in_dim3A_480, %broadcast_in_dim3A_482, %broadcast_in_dim3A_484 in 0 : vector<1x100x100xf32>, vector<1x100x100xf32>, vector<1x100x100xf32>, vector<1x100x100xf32>, vector<1x100x100xf32>, vector<1x100x100xf32>, vector<1x100x100xf32>, vector<1x100x100xf32>, vector<1x100x100xf32>, vector<1x100x100xf32>, vector<1x100x100xf32>, vector<1x100x100xf32>, vector<1x100x100xf32>, vector<1x100x100xf32>, vector<1x100x100xf32>, vector<1x100x100xf32>, vector<1x100x100xf32>, vector<1x100x100xf32>, vector<1x100x100xf32>, vector<1x100x100xf32> -> vector<20x100x100xf32>
    %swap3A_485 = arith.constant 0 : index
    %swap3A_486 = arith.constant 0 : index
    %swap3A_487 = arith.constant 0 : index
    %swap3A_488 = arith.constant 0 : index
    %swap3A_489 = vector.load %arg34[%swap3A_485, %swap3A_486, %swap3A_487, %swap3A_488] : memref<1x20x100x100xf32, #tpu.memory_space<vmem>>, vector<1x20x100x100xf32>
    %swap3A_490 = vector.shape_cast %swap3A_489 : vector<1x20x100x100xf32> to vector<20x100x100xf32>
    %swap3A_491 = vector.shape_cast %concatenate3A : vector<20x100x100xf32> to vector<1x20x100x100xf32>
    tpu.vector_store %arg34[%swap3A_485, %swap3A_486, %swap3A_487, %swap3A_488], %swap3A_491 {strides = array<i32>} : memref<1x20x100x100xf32, #tpu.memory_space<vmem>>, vector<1x20x100x100xf32>,
    return
  }
  func.func @transform_0(%arg0: i32) -> (i32, i32, i32) {
    %c0_i32 = arith.constant 0 : i32
    %c0_i32_0 = arith.constant 0 : i32
    %c0_i32_1 = arith.constant 0 : i32
    return %arg0, %c0_i32, %c0_i32_0 : i32, i32, i32
  }
  func.func @transform_1(%arg0: i32) -> (i32, i32, i32) {
    %c0_i32 = arith.constant 0 : i32
    %c0_i32_0 = arith.constant 0 : i32
    %c0_i32_1 = arith.constant 0 : i32
    return %arg0, %c0_i32, %c0_i32_0 : i32, i32, i32
  }
  func.func @transform_2(%arg0: i32) -> (i32, i32) {
    %c0_i32 = arith.constant 0 : i32
    %c0_i32_0 = arith.constant 0 : i32
    %c0_i32_1 = arith.constant 0 : i32
    return %c0_i32, %c0_i32_0 : i32, i32
  }
  func.func @transform_3(%arg0: i32) -> (i32, i32) {
    %c0_i32 = arith.constant 0 : i32
    %c0_i32_0 = arith.constant 0 : i32
    %c0_i32_1 = arith.constant 0 : i32
    return %c0_i32, %c0_i32_0 : i32, i32
  }
  func.func @transform_4(%arg0: i32) -> (i32, i32) {
    %c0_i32 = arith.constant 0 : i32
    %c0_i32_0 = arith.constant 0 : i32
    %c0_i32_1 = arith.constant 0 : i32
    return %c0_i32, %c0_i32_0 : i32, i32
  }
  func.func @transform_5(%arg0: i32) -> (i32, i32) {
    %c0_i32 = arith.constant 0 : i32
    %c0_i32_0 = arith.constant 0 : i32
    %c0_i32_1 = arith.constant 0 : i32
    return %c0_i32, %c0_i32_0 : i32, i32
  }
  func.func @transform_6(%arg0: i32) -> (i32, i32) {
    %c0_i32 = arith.constant 0 : i32
    %c0_i32_0 = arith.constant 0 : i32
    %c0_i32_1 = arith.constant 0 : i32
    return %c0_i32, %c0_i32_0 : i32, i32
  }
  func.func @transform_7(%arg0: i32) -> (i32, i32) {
    %c0_i32 = arith.constant 0 : i32
    %c0_i32_0 = arith.constant 0 : i32
    %c0_i32_1 = arith.constant 0 : i32
    return %c0_i32, %c0_i32_0 : i32, i32
  }
  func.func @transform_8(%arg0: i32) -> (i32, i32) {
    %c0_i32 = arith.constant 0 : i32
    %c0_i32_0 = arith.constant 0 : i32
    %c0_i32_1 = arith.constant 0 : i32
    return %c0_i32, %c0_i32_0 : i32, i32
  }
  func.func @transform_9(%arg0: i32) -> (i32, i32) {
    %c0_i32 = arith.constant 0 : i32
    %c0_i32_0 = arith.constant 0 : i32
    %c0_i32_1 = arith.constant 0 : i32
    return %c0_i32, %c0_i32_0 : i32, i32
  }
  func.func @transform_10(%arg0: i32) -> (i32, i32) {
    %c0_i32 = arith.constant 0 : i32
    %c0_i32_0 = arith.constant 0 : i32
    %c0_i32_1 = arith.constant 0 : i32
    return %c0_i32, %c0_i32_0 : i32, i32
  }
  func.func @transform_11(%arg0: i32) -> (i32, i32) {
    %c0_i32 = arith.constant 0 : i32
    %c0_i32_0 = arith.constant 0 : i32
    %c0_i32_1 = arith.constant 0 : i32
    return %c0_i32, %c0_i32_0 : i32, i32
  }
  func.func @transform_12(%arg0: i32) -> (i32, i32) {
    %c0_i32 = arith.constant 0 : i32
    %c0_i32_0 = arith.constant 0 : i32
    %c0_i32_1 = arith.constant 0 : i32
    return %c0_i32, %c0_i32_0 : i32, i32
  }
  func.func @transform_13(%arg0: i32) -> (i32, i32) {
    %c0_i32 = arith.constant 0 : i32
    %c0_i32_0 = arith.constant 0 : i32
    %c0_i32_1 = arith.constant 0 : i32
    return %c0_i32, %c0_i32_0 : i32, i32
  }
  func.func @transform_14(%arg0: i32) -> (i32, i32) {
    %c0_i32 = arith.constant 0 : i32
    %c0_i32_0 = arith.constant 0 : i32
    %c0_i32_1 = arith.constant 0 : i32
    return %c0_i32, %c0_i32_0 : i32, i32
  }
  func.func @transform_15(%arg0: i32) -> (i32, i32) {
    %c0_i32 = arith.constant 0 : i32
    %c0_i32_0 = arith.constant 0 : i32
    %c0_i32_1 = arith.constant 0 : i32
    return %c0_i32, %c0_i32_0 : i32, i32
  }
  func.func @transform_16(%arg0: i32) -> (i32, i32) {
    %c0_i32 = arith.constant 0 : i32
    %c0_i32_0 = arith.constant 0 : i32
    %c0_i32_1 = arith.constant 0 : i32
    return %c0_i32, %c0_i32_0 : i32, i32
  }
  func.func @transform_17(%arg0: i32) -> (i32, i32) {
    %c0_i32 = arith.constant 0 : i32
    %c0_i32_0 = arith.constant 0 : i32
    %c0_i32_1 = arith.constant 0 : i32
    return %c0_i32, %c0_i32_0 : i32, i32
  }
  func.func @transform_18(%arg0: i32) -> (i32, i32) {
    %c0_i32 = arith.constant 0 : i32
    %c0_i32_0 = arith.constant 0 : i32
    %c0_i32_1 = arith.constant 0 : i32
    return %c0_i32, %c0_i32_0 : i32, i32
  }
  func.func @transform_19(%arg0: i32) -> (i32, i32) {
    %c0_i32 = arith.constant 0 : i32
    %c0_i32_0 = arith.constant 0 : i32
    %c0_i32_1 = arith.constant 0 : i32
    return %c0_i32, %c0_i32_0 : i32, i32
  }
  func.func @transform_20(%arg0: i32) -> (i32, i32) {
    %c0_i32 = arith.constant 0 : i32
    %c0_i32_0 = arith.constant 0 : i32
    %c0_i32_1 = arith.constant 0 : i32
    return %c0_i32, %c0_i32_0 : i32, i32
  }
  func.func @transform_21(%arg0: i32) -> (i32, i32) {
    %c0_i32 = arith.constant 0 : i32
    %c0_i32_0 = arith.constant 0 : i32
    %c0_i32_1 = arith.constant 0 : i32
    return %c0_i32, %c0_i32_0 : i32, i32
  }
  func.func @transform_22(%arg0: i32) -> (i32, i32) {
    %c0_i32 = arith.constant 0 : i32
    %c0_i32_0 = arith.constant 0 : i32
    %c0_i32_1 = arith.constant 0 : i32
    return %c0_i32, %c0_i32_0 : i32, i32
  }
  func.func @transform_23(%arg0: i32) -> (i32, i32) {
    %c0_i32 = arith.constant 0 : i32
    %c0_i32_0 = arith.constant 0 : i32
    %c0_i32_1 = arith.constant 0 : i32
    return %c0_i32, %c0_i32_0 : i32, i32
  }
  func.func @transform_24(%arg0: i32) -> (i32, i32) {
    %c0_i32 = arith.constant 0 : i32
    %c0_i32_0 = arith.constant 0 : i32
    %c0_i32_1 = arith.constant 0 : i32
    return %c0_i32, %c0_i32_0 : i32, i32
  }
  func.func @transform_25(%arg0: i32) -> (i32, i32) {
    %c0_i32 = arith.constant 0 : i32
    %c0_i32_0 = arith.constant 0 : i32
    %c0_i32_1 = arith.constant 0 : i32
    return %c0_i32, %c0_i32_0 : i32, i32
  }
  func.func @transform_26(%arg0: i32) -> (i32, i32) {
    %c0_i32 = arith.constant 0 : i32
    %c0_i32_0 = arith.constant 0 : i32
    %c0_i32_1 = arith.constant 0 : i32
    return %c0_i32, %c0_i32_0 : i32, i32
  }
  func.func @transform_27(%arg0: i32) -> (i32, i32) {
    %c0_i32 = arith.constant 0 : i32
    %c0_i32_0 = arith.constant 0 : i32
    %c0_i32_1 = arith.constant 0 : i32
    return %c0_i32, %c0_i32_0 : i32, i32
  }
  func.func @transform_28(%arg0: i32) -> (i32, i32) {
    %c0_i32 = arith.constant 0 : i32
    %c0_i32_0 = arith.constant 0 : i32
    %c0_i32_1 = arith.constant 0 : i32
    return %c0_i32, %c0_i32_0 : i32, i32
  }
  func.func @transform_29(%arg0: i32) -> (i32, i32, i32) {
    %c0_i32 = arith.constant 0 : i32
    %c0_i32_0 = arith.constant 0 : i32
    %c0_i32_1 = arith.constant 0 : i32
    %c0_i32_2 = arith.constant 0 : i32
    return %c0_i32, %c0_i32_0, %c0_i32_1 : i32, i32, i32
  }
  func.func @transform_30(%arg0: i32) -> (i32, i32) {
    %c0_i32 = arith.constant 0 : i32
    %c0_i32_0 = arith.constant 0 : i32
    %c0_i32_1 = arith.constant 0 : i32
    return %c0_i32, %c0_i32_0 : i32, i32
  }
  func.func @transform_31(%arg0: i32) -> (i32, i32) {
    %c0_i32 = arith.constant 0 : i32
    %c0_i32_0 = arith.constant 0 : i32
    %c0_i32_1 = arith.constant 0 : i32
    return %c0_i32, %c0_i32_0 : i32, i32
  }
  func.func @transform_32(%arg0: i32) -> (i32, i32, i32) {
    %c0_i32 = arith.constant 0 : i32
    %c0_i32_0 = arith.constant 0 : i32
    %c0_i32_1 = arith.constant 0 : i32
    return %arg0, %c0_i32, %c0_i32_0 : i32, i32, i32
  }
  func.func @transform_33(%arg0: i32) -> (i32, i32, i32, i32) {
    %c0_i32 = arith.constant 0 : i32
    %c0_i32_0 = arith.constant 0 : i32
    %c0_i32_1 = arith.constant 0 : i32
    %c0_i32_2 = arith.constant 0 : i32
    return %arg0, %c0_i32, %c0_i32_0, %c0_i32_1 : i32, i32, i32, i32
  }
}

</mosaic_0001>

<sc_bundles>
// kernel: kernel.11.cloned.1.call-start
scs
__scs_entry_jumppad:
0x0: {  	(pc) =	sbr.rel $0x88, $3  }
0x1: {  	(tag) =	ssettag $0x0;
	lr =	simm.s32 $0x1  }
0x2: {  	[smem:$0x3F45] =	sst lr;
	_ =	strace $0xD0000000  }
0x3: {  	_ = 	snop  }
0x4: {  	_ = 	snop  }
0x5: {  	_ = 	snop  }
0x6: {  	_ = 	snop  }
0x7: {  	_ = 	snop  }
__scs_overlays_trampoline_lowered:
0x8: {  	[smem:$0x3F54] =	sst s0  }
0x9: {  	[smem:$0x3F55] =	sst s1  }
0xa: {  	[smem:$0x3F56] =	sst s2  }
0xb: {  	[smem:$0x3F57] =	sst s3  }
0xc: {  	[smem:$0x3F58] =	sst s4  }
0xd: {  	[smem:$0x3F59] =	sst s5  }
0xe: {  	[smem:$0x3F5A] =	sst s6  }
0xf: {  	[smem:$0x3F5B] =	sst s7  }
0x10: {  	[smem:$0x3F5C] =	sst s8  }
0x11: {  	[smem:$0x3F5D] =	sst s9;
	s0 =	simm.s32 @!p0 $0x0  }
0x12: {  	s1 =	sld [smem:$0x3F43];
	s0 =	simm.s32 @p0 $0x1  }
0x13: {  	[smem:$0x3F5E] =	sst s0;
	s0 =	simm.s32 @!p1 $0x0  }
0x14: {  	s2 =	sld [smem:$0x3F42];
	s0 =	simm.s32 @p1 $0x1  }
0x15: {  	[smem:$0x3F5F] =	sst s0;
	s0 =	simm.s32 @!p2 $0x0  }
0x16: {  	s3 =	sld [smem:$0x3FDB];
	s0 =	simm.s32 @p2 $0x1  }
0x17: {  	s4 =	simm.s32 $0x1BF5;
	[smem:$0x3F61] =	sst s0  }
0x18: {  	s0 =	sld [smem:$0x3F44];
	_ =	swait.ge [sflag:s4], $0x0  }
0x19: {  	s7 =	sld [smem:$0x3F45]  }
0x1a: {  	s8 =	sadd.s32 $0xFFFFE003, lr  }
0x1b: {  	s9 =	sadd.s32 $0xFFFFFEF7, lr;
	s5 =	simm.s32 $0xFFFFFFFF;
	p2 =	slt.u32 s8, $0xFFFFF086  }
0x1c: {  	p1 =	slt.u32 s9, $0xF7A;
	s5 =	simm.s32 @!p2 $0x0  }
0x1d: {  	s5 =	simm.s32 @p1 $0x1;
	p0 =	seq.s32 s7, s2  }
0x1e: {  	s7 =	smul.u32 @!p0 $0xF7A, s2;
	p2 =	seq.s32 @!p0 s5, $0x0  }
0x1f: {  	s9 =	smul.u32 $0xF7A, s1;
	s8 =	simm.s32 @!p0 $0x1BF5;
	p2 =	por !p2, p0  }
0x20: {  	[sflag:s8] =	ssyncset.s32 @!p0 $0xFFFFF086;
	s6 =	sadd.s32 @!p0 s3, s7;
	s7 =	simm.s32 @!p0 $0x108  }
0x21: {  	s3 =	sadd.s32 s3, s9;
	s6 =	sadd.s32 @!p0 $0x88, s6;
	s7 =	simm.s32 @p2 $0x1082  }
0x22: {  	[simem:s7], [sflag:s8] =	dma.local @!p0 [hbm:s6], $0xF7A  }
0x23: {  	s9 =	sor.u32 $0xD0000000, s2;
	s6 =	simm.s32 $0x108;
	_ =	swait.ge @!p0 [sflag:s8], $0x0  }
0x24: {  	s3 =	sadd.s32 $0x88, s3;
	s6 =	simm.s32 @!p1 $0x1082;
	[sflag:s4] =	ssyncset.s32 $0xFFFFF086  }
0x25: {  	[simem:s6], [sflag:s4] =	dma.local [hbm:s3], $0xF7A  }
0x26: {  	[smem:$0x3F45] =	sst s1;
	(tag) =	ssettag s2;
	_ =	strace s9  }
0x27: {  	s1 =	sld [smem:$0x3F55]  }
0x28: {  	s2 =	sld [smem:$0x3F56]  }
0x29: {  	s4 =	sld [smem:$0x3F58]  }
0x2a: {  	p0 =	seq.s32 s5, $0x0;
	s5 =	sld [smem:$0x3F59]  }
0x2b: {  	s6 =	sld [smem:$0x3F5A]  }
0x2c: {  	s7 =	sld [smem:$0x3F5B]  }
0x2d: {  	s3 =	simm.s32 $0x108;
	s8 =	sld [smem:$0x3F5C]  }
0x2e: {  	s3 =	simm.s32 @!p0 $0x1082;
	s9 =	sld [smem:$0x3F5D]  }
0x2f: {  	lr =	sadd.s32 s0, s3;
	s0 =	sld [smem:$0x3F54]  }
0x30: {  	s3 =	sld [smem:$0x3F57]  }
0x31: {  	[smem:$0x3F60] =	sst s10  }
0x32: {  	s10 =	sld [smem:$0x3F5E];
	_ =	sdelay $0x3  }
0x33: {  	p0 =	seq.s32 s10, $0x1;
	s10 =	sld [smem:$0x3F60];
	_ =	sdelay $0x3  }
0x34: {  	[smem:$0x3F60] =	sst s10  }
0x35: {  	s10 =	sld [smem:$0x3F5F];
	_ =	sdelay $0x3  }
0x36: {  	p1 =	seq.s32 s10, $0x1;
	s10 =	sld [smem:$0x3F60];
	_ =	sdelay $0x3  }
0x37: {  	[smem:$0x3F60] =	sst s10  }
0x38: {  	s10 =	sld [smem:$0x3F61]  }
0x39: {  	_ = 	snop;
	(pc) =	sbr.ind lr, $3  }
0x3a: {  	_ = 	snop  }
0x3b: {  	_ = 	snop  }
0x3c: {  	p2 =	seq.s32 s10, $0x1;
	s10 =	sld [smem:$0x3F60]  }
0x3d: {  	_ =	shalt  }
0x3e: {  	_ =	shalt  }
0x3f: {  	_ =	shalt  }
0x40: {  	_ =	shalt  }
0x41: {  	_ =	shalt  }
0x42: {  	_ =	shalt  }
0x43: {  	_ =	shalt  }
0x44: {  	_ =	shalt  }
0x45: {  	_ =	shalt  }
0x46: {  	_ =	shalt  }
0x47: {  	_ =	shalt  }
0x48: {  	_ =	shalt  }
0x49: {  	_ =	shalt  }
0x4a: {  	_ =	shalt  }
0x4b: {  	_ =	shalt  }
0x4c: {  	_ =	shalt  }
0x4d: {  	_ =	shalt  }
0x4e: {  	_ =	shalt  }
0x4f: {  	_ =	shalt  }
0x50: {  	_ =	shalt  }
0x51: {  	_ =	shalt  }
0x52: {  	_ =	shalt  }
0x53: {  	_ =	shalt  }
0x54: {  	_ =	shalt  }
0x55: {  	_ =	shalt  }
0x56: {  	_ =	shalt  }
0x57: {  	_ =	shalt  }
0x58: {  	_ =	shalt  }
0x59: {  	_ =	shalt  }
0x5a: {  	_ =	shalt  }
0x5b: {  	_ =	shalt  }
0x5c: {  	_ =	shalt  }
0x5d: {  	_ =	shalt  }
0x5e: {  	_ =	shalt  }
0x5f: {  	_ =	shalt  }
0x60: {  	_ =	shalt  }
0x61: {  	_ =	shalt  }
0x62: {  	_ =	shalt  }
0x63: {  	_ =	shalt  }
0x64: {  	_ =	shalt  }
0x65: {  	_ =	shalt  }
0x66: {  	_ =	shalt  }
0x67: {  	_ =	shalt  }
0x68: {  	_ =	shalt  }
0x69: {  	_ =	shalt  }
0x6a: {  	_ =	shalt  }
0x6b: {  	_ =	shalt  }
0x6c: {  	_ =	shalt  }
0x6d: {  	_ =	shalt  }
0x6e: {  	_ =	shalt  }
0x6f: {  	_ =	shalt  }
0x70: {  	_ =	shalt  }
0x71: {  	_ =	shalt  }
0x72: {  	_ =	shalt  }
0x73: {  	_ =	shalt  }
0x74: {  	_ =	shalt  }
0x75: {  	_ =	shalt  }
0x76: {  	_ =	shalt  }
0x77: {  	_ =	shalt  }
0x78: {  	_ =	shalt  }
0x79: {  	_ =	shalt  }
0x7a: {  	_ =	shalt  }
0x7b: {  	_ =	shalt  }
0x7c: {  	_ =	shalt  }
0x7d: {  	_ =	shalt  }
0x7e: {  	_ =	shalt  }
0x7f: {  	_ =	shalt  }
0x80: {  	_ =	shalt  }
0x81: {  	_ =	shalt  }
0x82: {  	_ =	shalt  }
0x83: {  	_ =	shalt  }
0x84: {  	_ =	shalt  }
0x85: {  	_ =	shalt  }
0x86: {  	_ =	shalt  }
0x87: {  	_ =	shalt  }
.Lfunc_end0:
.L_simem_size_0:
called_computation_lowered:
.L_overlay_start_0:
0x88: {  	s2 =	sld [smem:$0x3FD9]  }
0x89: {  	s3 =	sld [smem:$0x3FFE];
	_ =	sdelay $0x1  }
0x8a: {  	s1 =	srdreg.scid  }
0x8b: {  	s0 =	sand.u32 $0x1, s1  }
0x8c: {  	s14 =	sshll.u32 s0, $0xA;
	s2 =	sadd.s32 s3, s2  }
0x8d: {  	s2 =	sadd.s32 s2, s14  }
0x8e: {  	[smem:$0x3F6C] =	sst s2  }
0x8f: {  	_ = 	snop  }
0x90: {  	s2 =	sld [smem:$0x3FD0];
	_ =	sdelay $0x2  }
0x91: {  	s15 =	simm.s32 $0xA;
	s4 =	simm.s32 $0x10  }
0x92: {  	[smem:s4], [sflag:s15] =	dma.local [hbm:s2], $0x1  }
0x93: {  	_ =	swait.eq [sflag:s15], $0x1  }
0x94: {  	[sflag:s15] =	ssyncset.done $0x0  }
0x95: {  	[sflag:s15] =	ssyncadd.s32 $0xFFFFFFFF  }
0x96: {  	s16 =	sld [smem:$0x12];
	(tm) =	ssettm $0x1  }
0x97: {  	s17 =	sld [smem:$0x3FFB];
	_ =	sdelay $0x3  }
0x98: {  	_ =	strace s17  }
0x99: {  	s3 =	sld [smem:$0x3FFC];
	_ =	sdelay $0x3  }
0x9a: {  	_ =	strace s3  }
0x9b: {  	s3 =	sld [smem:$0x3FFD];
	_ =	sdelay $0x3  }
0x9c: {  	_ =	strace s3  }
0x9d: {  	_ =	strace $0x8FFFFFFF  }
0x9e: {  	s18 =	sld [smem:$0x3FDB];
	_ =	sdelay $0x1  }
0x9f: {  	s19 =	simm.s32 $_scs_section_size  }
0xa0: {  	s5 =	simm.s32 $_size__tile_overlayer_lowered;
	s6 =	simm.s32 $_tile_overlayer_lowered  }
0xa1: {  	s22 =	simm.s32 $0x1BFF;
	s21 =	sshll.u32 s6, $0x1;
	s3 =	sadd.s32 s19, s18  }
0xa2: {  	s7 =	simm.s32 $0x0;
	s20 =	sshll.u32 s5, $0x1;
	s5 =	sadd.s32 s21, s3  }
0xa3: {  	[timem:s7], [sflag:s22] =	dma.local [hbm:s5], s20  }
0xa4: {  	_ =	swait.ge [sflag:s22], s20  }
0xa5: {  	s4 =	ssub.s32 $0x0, s20;
	[sflag:s22] =	ssyncset.done $0x0  }
0xa6: {  	[sflag:s22] =	ssyncadd.s32 s4;
	_ =	sdelay $0x1  }
0xa7: {  	s23 =	simm.s32 $0x1B8B  }
0xa8: {  	_ =	swait.ge [sflag:s23], $0x1  }
0xa9: {  	[sflag:s23] =	ssyncset.done $0x0  }
0xaa: {  	s25 =	simm.s32 $0x1B8E;
	s24 =	sld [smem:$0x3FFE];
	[sflag:s23] =	ssyncadd.s32 $0xFFFFFFFF  }
0xab: {  	s26 =	simm.s32 $execute0_lowered;
	[smem:$0x3FD2] =	sst s25  }
0xac: {  	s5 =	sshll.u32 s26, $0x1;
	_ =	strace $0x80000046;
	[dreg:$0x1] =	wrdreg $0xFFFFFFFF  }
0xad: {  	s28 =	simm.s32 $_size_execute0_lowered;
	s3 =	sadd.s32 s3, s5;
	[dreg:$0x0] =	wrdreg $0x0  }
0xae: {  	s5 =	sshll.u32 s28, $0x1;
	[dreg:$0x2] =	wrdreg s3  }
0xaf: {  	[dreg:$0x3] =	wrdreg s5  }
0xb0: {  	[dreg:$0x4] =	wrdreg $0xC0  }
0xb1: {  	_ =	task [dreg:s7], $0x5FFFF  }
0xb2: {  	[dreg:$0x1] =	wrdreg $0xFFFFFFFF  }
0xb3: {  	[dreg:$0x0] =	wrdreg $0x60  }
0xb4: {  	[dreg:$0x2] =	wrdreg s24  }
0xb5: {  	[dreg:$0x3] =	wrdreg s16  }
0xb6: {  	[dreg:$0x4] =	wrdreg $0x9  }
0xb7: {  	_ =	task.clear_ibuf [dreg:s7], $0x5FFFF;
	_ =	strace $0x90000046  }
0xb8: {  	s29 =	simm.s32 $0x9;
	_ =	strace $0x80000048  }
0xb9: {  	_ =	swait.ge [sflag:s29], $0x1  }
0xba: {  	[sflag:s29] =	ssyncadd.s32 $0xFFFFFFFF  }
0xbb: {  	_ =	strace $0x90000048  }
0xbc: {  	_ =	sfence  }
0xbd: {  	s30 =	sld [smem:$0x0];
	_ =	sdelay $0x2  }
0xbe: {  	s31 =	sshll.u32 s1, $0xD;
	s1 =	sshrl.u32 s1, $0x2  }
0xbf: {  	s3 =	sand.u32 $0x4000, s31;
	s1 =	sadd.s32 s1, s30  }
0xc0: {  	s0 =	sor.u32 s3, s0;
	s1 =	sshll.u32 s1, $0x11  }
0xc1: {  	s0 =	sor.u32 s1, s0  }
0xc2: {  	s0 =	sadd.s32 $0x8F2B, s0  }
0xc3: {  	[sflag:s0] =	ssyncadd.remote.s32 $0x1  }
0xc4: {  	_ =	sfence.sel $0xFFFF  }
0xc5: {  	[dreg:$0x0] =	wrdreg $0xFFFFFFFF;
	(pc) =	sbr.abs _section_cstart, $3  }
0xc6: {  	[dreg:$0x1] =	wrdreg $0xFFFFFFFF  }
0xc7: {  	_ =	task.clear_ibuf [dreg:s7], $0x2FFFF;
	_ =	strace $0x9FFFFFFF  }
0xc8: {  	(tm) =	ssettm $0x7FFFFFFF  }
0xc9: {  	_ =	shalt  }
tec
execute0_lowered:
.L_overlay_start_1:
0x0: {  	(tag) =	ssettag $0x1  }
0x1: {  	s0 =	srdreg.scid;
	s9 =	stileid.u32  }
0x2: {  	s1 =	rddreg [dreg:$0x0];
	s0 =	sand.u32 $0x1, s0;
	s2 =	sshll.u32 s9, $0x1  }
0x3: {  	s4 =	rddreg [dreg:$0x1];
	s6 =	sor.u32 s0, s2;
	s2 =	simm.s32 $0x0  }
0x4: {  	s8 =	simm.s32 $0x80;
	s31 =	simm.s32 $0x900;
	[smem:$0x7FF] =	sst s2  }
0x5: {  	s10 =	simm.s32 $0x1900;
	_ =	strace $0x80000047;
	[dreg:$0x3] =	wrdreg s8  }
0x6: {  	s12 =	simm.s32 $0x2100;
	s13 =	simm.s32 $0x2900;
	[dreg:$0x4] =	wrdreg s31  }
0x7: {  	s14 =	simm.s32 $0x3100;
	s15 =	simm.s32 $0x3900;
	[dreg:$0x6] =	wrdreg s10  }
0x8: {  	s16 =	simm.s32 $0x4100;
	s17 =	simm.s32 $0x4900;
	[dreg:$0x7] =	wrdreg s12  }
0x9: {  	s19 =	simm.s32 $0x5100;
	s21 =	simm.s32 $0x5900;
	[dreg:$0x8] =	wrdreg s13  }
0xa: {  	s23 =	simm.s32 $0x6100;
	s24 =	simm.s32 $0x6900;
	[dreg:$0x9] =	wrdreg s14  }
0xb: {  	s25 =	simm.s32 $0x7100;
	s26 =	simm.s32 $0x7900;
	[dreg:$0xa] =	wrdreg s15  }
0xc: {  	s28 =	simm.s32 $0x1;
	s29 =	simm.s32 $0x2;
	[dreg:$0xb] =	wrdreg s16  }
0xd: {  	s30 =	simm.s32 $0x0;
	s3 =	smul.u32 $0x4E, s9;
	[dreg:$0xc] =	wrdreg s17  }
0xe: {  	p0 =	seq.s32 s9, $0x0;
	s5 =	smul.u32 $0x27, s0;
	[dreg:$0xd] =	wrdreg s19  }
0xf: {  	s0 =	ssub.s32 $0x2, s0;
	s6 =	smin.u32 s6, $0x2;
	[dreg:$0xe] =	wrdreg s21  }
0x10: {  	s11 =	sshrl.u32 s0, $0x1;
	s3 =	sadd.s32 s5, s3;
	[dreg:$0xf] =	wrdreg s23  }
0x11: {  	s8 =	simm.s32 $0x1100;
	s0 =	ssub.s32 s0, s11;
	[dreg:$0x10] =	wrdreg s24  }
0x12: {  	s10 =	simm.s32 $0x3;
	s11 =	simm.s32 $0x100;
	[dreg:$0x11] =	wrdreg s25  }
0x13: {  	[dreg:$0x12] =	wrdreg s26;
	s12 =	simm.s32 $0x8100;
	s31 =	simm.s32 $0x8900  }
0x14: {  	s13 =	simm.s32 $0x9100;
	s14 =	simm.s32 $0x9900;
	s15 =	simm.s32 $0xA100  }
0x15: {  	s16 =	simm.s32 $0xA900;
	s17 =	simm.s32 $0xB100;
	s19 =	simm.s32 $0xC100  }
0x16: {  	s21 =	simm.s32 $0xD100;
	s23 =	simm.s32 $0xE100;
	s24 =	simm.s32 $0xE900  }
0x17: {  	s5 =	sadd.s32 s6, s3;
	s3 =	sadd.s32 $0x1D000, s1;
	[dreg:$0x5] =	wrdreg s8  }
0x18: {  	s0 =	smax.u32 s0, $0x1;
	s6 =	sshll.u32 s5, $0x4;
	s5 =	sshll.u32 s5, $0xC  }
0x19: {  	[dreg:$0x13] =	wrdreg s31;
	s7 =	sadd.s32 s6, s1;
	s1 =	sadd.s32 s5, s1  }
0x1a: {  	s25 =	simm.s32 $0xF100;
	[dreg:$0x14] =	wrdreg s0;
	s18 =	sadd.s32 $0x6B200, s1  }
0x1b: {  	s26 =	simm.s32 $0xF900;
	s20 =	sadd.s32 $0x54D200, s1;
	[dreg:$0x15] =	wrdreg s18  }
0x1c: {  	v2 =	vlaneseq.u32;
	s5 =	simm.s32 $0x28;
	s22 =	sadd.s32 $0x17E00, s7;
	[dreg:$0x16] =	wrdreg s20  }
0x1d: {  	vm0 =	vmmov $0xffff;
	v1 =	vshrl.u32 v2, $0x3;
	s9 =	sadd.s32 s6, s4;
	s5 =	simm.s32 @!p0 $0x27;
	[dreg:$0x17] =	wrdreg s22  }
0x1e: {  	v0 =	vand.u32 $0x7, v2;
	v2 =	vor.u32 $0x8, v2;
	v1 =	vmul.u32 $0x8, v1;
	s18 =	simm.s32 $0xB900;
	s20 =	simm.s32 $0xC900;
	s22 =	simm.s32 $0xD900  }
.LBB2_1:
0x1f: {  	s8 =	rddreg [dreg:$0x17]  }
0x20: {  	s7 =	rddreg [dreg:$0x16]  }
0x21: {  	s31 =	smov.u32 s9;
	s6 =	rddreg [dreg:$0x15];
	s4 =	smov.u32 s5  }
.LBB2_2:
0x22: {  	[tilespmem:s2], [sflag:$0x3] =	stream.linear.gather [hbm4b:s8+s2], $0x80, $0x38;
	[tilespmem:$0x10100] =	vst v63  }
0x23: {  	_ =	swait.ge [sflag:s10], $0x80  }
0x24: {  	[sflag:s10] =	ssyncset.done $0x0  }
0x25: {  	s0 =	rddreg [dreg:$0x3];
	[sflag:s10] =	ssyncadd.s32 $0xFFFFFF80  }
0x26: {  	[tilespmem:s0], [sflag:$0x3] =	stream.linear.gather [hbm4b:s31+s2], $0x80, $0x38;
	[tilespmem:$0x10100] =	vst v63  }
0x27: {  	_ =	swait.ge [sflag:s10], $0x80  }
0x28: {  	[sflag:s10] =	ssyncset.done $0x0  }
0x29: {  	[sflag:s10] =	ssyncadd.s32 $0xFFFFFF80  }
0x2a: {  	v3 =	vld [tilespmem:$0x0];
	_ =	sdelay $0x4  }
0x2b: {  	v4 =	vshll.u32 v3, $0x1  }
0x2c: {  	v3 =	vand.u32 $0x7, v3;
	v4 =	vand.u32 $0xFFFFFFF0, v4  }
0x2d: {  	v3 =	vor.u32 v3, v4  }
0x2e: {  	v4 =	vperm.xlane v3, v0;
	_ =	sdelay $0x1  }
0x2f: {  	v3 =	vperm.xlane v3, v2;
	v4 =	vadd.s32 v1, v4;
	_ =	sdelay $0x1  }
0x30: {  	v3 =	vadd.s32 v1, v3;
	_ =	sdelay $0x2  }
0x31: {  	[tilespmem:s11], [sflag:$0x1] =	stream.indirect_vreg.gather [hbm4b:s3+s2], $0x80, v4, vm0, $0xb8;
	[tilespmem:$0x10100] =	vst v63  }
0x32: {  	s1 =	rddreg [dreg:$0x4]  }
0x33: {  	[tilespmem:s1], [sflag:$0x1] =	stream.indirect_vreg.gather [hbm4b:s3+s2], $0x80, v3, vm0, $0xb8;
	[tilespmem:$0x10100] =	vst v63  }
0x34: {  	v3 =	vld [tilespmem:$0x10];
	_ =	sdelay $0x4  }
0x35: {  	v49 =	vshll.u32 v3, $0x1  }
0x36: {  	v3 =	vand.u32 $0x7, v3;
	v4 =	vand.u32 $0xFFFFFFF0, v49  }
0x37: {  	v3 =	vor.u32 v3, v4  }
0x38: {  	v4 =	vperm.xlane v3, v0;
	_ =	sdelay $0x1  }
0x39: {  	v3 =	vperm.xlane v3, v2;
	v4 =	vadd.s32 v1, v4;
	_ =	sdelay $0x1  }
0x3a: {  	v3 =	vadd.s32 v1, v3;
	_ =	sdelay $0x1  }
0x3b: {  	s0 =	rddreg [dreg:$0x5]  }
0x3c: {  	[tilespmem:s0], [sflag:$0x1] =	stream.indirect_vreg.gather [hbm4b:s3+s2], $0x80, v4, vm0, $0xb8;
	[tilespmem:$0x10100] =	vst v63  }
0x3d: {  	s1 =	rddreg [dreg:$0x6]  }
0x3e: {  	[tilespmem:s1], [sflag:$0x1] =	stream.indirect_vreg.gather [hbm4b:s3+s2], $0x80, v3, vm0, $0xb8;
	[tilespmem:$0x10100] =	vst v63  }
0x3f: {  	v3 =	vld [tilespmem:$0x20];
	_ =	sdelay $0x4  }
0x40: {  	v50 =	vshll.u32 v3, $0x1  }
0x41: {  	v3 =	vand.u32 $0x7, v3;
	v4 =	vand.u32 $0xFFFFFFF0, v50  }
0x42: {  	v3 =	vor.u32 v3, v4  }
0x43: {  	v4 =	vperm.xlane v3, v0;
	_ =	sdelay $0x1  }
0x44: {  	v3 =	vperm.xlane v3, v2;
	v4 =	vadd.s32 v1, v4;
	_ =	sdelay $0x1  }
0x45: {  	v3 =	vadd.s32 v1, v3;
	_ =	sdelay $0x1  }
0x46: {  	s0 =	rddreg [dreg:$0x7]  }
0x47: {  	[tilespmem:s0], [sflag:$0x1] =	stream.indirect_vreg.gather [hbm4b:s3+s2], $0x80, v4, vm0, $0xb8;
	[tilespmem:$0x10100] =	vst v63  }
0x48: {  	s1 =	rddreg [dreg:$0x8]  }
0x49: {  	[tilespmem:s1], [sflag:$0x1] =	stream.indirect_vreg.gather [hbm4b:s3+s2], $0x80, v3, vm0, $0xb8;
	[tilespmem:$0x10100] =	vst v63  }
0x4a: {  	v3 =	vld [tilespmem:$0x30];
	_ =	sdelay $0x4  }
0x4b: {  	v51 =	vshll.u32 v3, $0x1  }
0x4c: {  	v3 =	vand.u32 $0x7, v3;
	v4 =	vand.u32 $0xFFFFFFF0, v51  }
0x4d: {  	v3 =	vor.u32 v3, v4  }
0x4e: {  	v4 =	vperm.xlane v3, v0;
	_ =	sdelay $0x1  }
0x4f: {  	v3 =	vperm.xlane v3, v2;
	v4 =	vadd.s32 v1, v4;
	_ =	sdelay $0x1  }
0x50: {  	v3 =	vadd.s32 v1, v3;
	_ =	sdelay $0x1  }
0x51: {  	s0 =	rddreg [dreg:$0x9]  }
0x52: {  	[tilespmem:s0], [sflag:$0x1] =	stream.indirect_vreg.gather [hbm4b:s3+s2], $0x80, v4, vm0, $0xb8;
	[tilespmem:$0x10100] =	vst v63  }
0x53: {  	s1 =	rddreg [dreg:$0xa]  }
0x54: {  	[tilespmem:s1], [sflag:$0x1] =	stream.indirect_vreg.gather [hbm4b:s3+s2], $0x80, v3, vm0, $0xb8;
	[tilespmem:$0x10100] =	vst v63  }
0x55: {  	v3 =	vld [tilespmem:$0x40];
	_ =	sdelay $0x4  }
0x56: {  	v52 =	vshll.u32 v3, $0x1  }
0x57: {  	v3 =	vand.u32 $0x7, v3;
	v4 =	vand.u32 $0xFFFFFFF0, v52  }
0x58: {  	v3 =	vor.u32 v3, v4  }
0x59: {  	v4 =	vperm.xlane v3, v0;
	_ =	sdelay $0x1  }
0x5a: {  	v3 =	vperm.xlane v3, v2;
	v4 =	vadd.s32 v1, v4;
	_ =	sdelay $0x1  }
0x5b: {  	v3 =	vadd.s32 v1, v3;
	_ =	sdelay $0x1  }
0x5c: {  	s0 =	rddreg [dreg:$0xb]  }
0x5d: {  	[tilespmem:s0], [sflag:$0x1] =	stream.indirect_vreg.gather [hbm4b:s3+s2], $0x80, v4, vm0, $0xb8;
	[tilespmem:$0x10100] =	vst v63  }
0x5e: {  	s1 =	rddreg [dreg:$0xc]  }
0x5f: {  	[tilespmem:s1], [sflag:$0x1] =	stream.indirect_vreg.gather [hbm4b:s3+s2], $0x80, v3, vm0, $0xb8;
	[tilespmem:$0x10100] =	vst v63  }
0x60: {  	v3 =	vld [tilespmem:$0x50];
	_ =	sdelay $0x4  }
0x61: {  	v53 =	vshll.u32 v3, $0x1  }
0x62: {  	v3 =	vand.u32 $0x7, v3;
	v4 =	vand.u32 $0xFFFFFFF0, v53  }
0x63: {  	v3 =	vor.u32 v3, v4  }
0x64: {  	v4 =	vperm.xlane v3, v0;
	_ =	sdelay $0x1  }
0x65: {  	v3 =	vperm.xlane v3, v2;
	v4 =	vadd.s32 v1, v4;
	_ =	sdelay $0x1  }
0x66: {  	v3 =	vadd.s32 v1, v3;
	_ =	sdelay $0x1  }
0x67: {  	s0 =	rddreg [dreg:$0xd]  }
0x68: {  	[tilespmem:s0], [sflag:$0x1] =	stream.indirect_vreg.gather [hbm4b:s3+s2], $0x80, v4, vm0, $0xb8;
	[tilespmem:$0x10100] =	vst v63  }
0x69: {  	s1 =	rddreg [dreg:$0xe]  }
0x6a: {  	[tilespmem:s1], [sflag:$0x1] =	stream.indirect_vreg.gather [hbm4b:s3+s2], $0x80, v3, vm0, $0xb8;
	[tilespmem:$0x10100] =	vst v63  }
0x6b: {  	v3 =	vld [tilespmem:$0x60];
	_ =	sdelay $0x4  }
0x6c: {  	v54 =	vshll.u32 v3, $0x1  }
0x6d: {  	v3 =	vand.u32 $0x7, v3;
	v4 =	vand.u32 $0xFFFFFFF0, v54  }
0x6e: {  	v3 =	vor.u32 v3, v4  }
0x6f: {  	v4 =	vperm.xlane v3, v0;
	_ =	sdelay $0x1  }
0x70: {  	v3 =	vperm.xlane v3, v2;
	v4 =	vadd.s32 v1, v4;
	_ =	sdelay $0x1  }
0x71: {  	v3 =	vadd.s32 v1, v3;
	_ =	sdelay $0x1  }
0x72: {  	s0 =	rddreg [dreg:$0xf]  }
0x73: {  	[tilespmem:s0], [sflag:$0x1] =	stream.indirect_vreg.gather [hbm4b:s3+s2], $0x80, v4, vm0, $0xb8;
	[tilespmem:$0x10100] =	vst v63  }
0x74: {  	s1 =	rddreg [dreg:$0x10]  }
0x75: {  	[tilespmem:s1], [sflag:$0x1] =	stream.indirect_vreg.gather [hbm4b:s3+s2], $0x80, v3, vm0, $0xb8;
	[tilespmem:$0x10100] =	vst v63  }
0x76: {  	v3 =	vld [tilespmem:$0x70];
	_ =	sdelay $0x4  }
0x77: {  	v55 =	vshll.u32 v3, $0x1  }
0x78: {  	v3 =	vand.u32 $0x7, v3;
	v4 =	vand.u32 $0xFFFFFFF0, v55  }
0x79: {  	v3 =	vor.u32 v3, v4  }
0x7a: {  	v4 =	vperm.xlane v3, v0;
	_ =	sdelay $0x1  }
0x7b: {  	v3 =	vperm.xlane v3, v2;
	v4 =	vadd.s32 v1, v4;
	_ =	sdelay $0x1  }
0x7c: {  	v3 =	vadd.s32 v1, v3;
	_ =	sdelay $0x1  }
0x7d: {  	s0 =	rddreg [dreg:$0x11]  }
0x7e: {  	[tilespmem:s0], [sflag:$0x1] =	stream.indirect_vreg.gather [hbm4b:s3+s2], $0x80, v4, vm0, $0xb8;
	[tilespmem:$0x10100] =	vst v63  }
0x7f: {  	s1 =	rddreg [dreg:$0x12]  }
0x80: {  	[tilespmem:s1], [sflag:$0x1] =	stream.indirect_vreg.gather [hbm4b:s3+s2], $0x80, v3, vm0, $0xb8;
	[tilespmem:$0x10100] =	vst v63  }
0x81: {  	v3 =	vld [tilespmem:$0x80];
	_ =	sdelay $0x4  }
0x82: {  	v56 =	vshll.u32 v3, $0x1  }
0x83: {  	v3 =	vand.u32 $0x7, v3;
	v4 =	vand.u32 $0xFFFFFFF0, v56  }
0x84: {  	v3 =	vor.u32 v3, v4  }
0x85: {  	v4 =	vperm.xlane v3, v0;
	_ =	sdelay $0x1  }
0x86: {  	v3 =	vperm.xlane v3, v2;
	v4 =	vadd.s32 v1, v4;
	_ =	sdelay $0x1  }
0x87: {  	v3 =	vadd.s32 v1, v3;
	_ =	sdelay $0x2  }
0x88: {  	[tilespmem:s12], [sflag:$0x2] =	stream.indirect_vreg.gather [hbm4b:s3+s2], $0x80, v4, vm0, $0xb8;
	[tilespmem:$0x10100] =	vst v63  }
0x89: {  	s1 =	rddreg [dreg:$0x13]  }
0x8a: {  	[tilespmem:s1], [sflag:$0x2] =	stream.indirect_vreg.gather [hbm4b:s3+s2], $0x80, v3, vm0, $0xb8;
	[tilespmem:$0x10100] =	vst v63  }
0x8b: {  	v3 =	vld [tilespmem:$0x90];
	_ =	sdelay $0x4  }
0x8c: {  	v57 =	vshll.u32 v3, $0x1  }
0x8d: {  	v3 =	vand.u32 $0x7, v3;
	v4 =	vand.u32 $0xFFFFFFF0, v57  }
0x8e: {  	v3 =	vor.u32 v3, v4  }
0x8f: {  	v4 =	vperm.xlane v3, v0;
	_ =	sdelay $0x1  }
0x90: {  	v3 =	vperm.xlane v3, v2;
	v4 =	vadd.s32 v1, v4;
	_ =	sdelay $0x1  }
0x91: {  	v3 =	vadd.s32 v1, v3;
	_ =	sdelay $0x2  }
0x92: {  	[tilespmem:s13], [sflag:$0x2] =	stream.indirect_vreg.gather [hbm4b:s3+s2], $0x80, v4, vm0, $0xb8;
	[tilespmem:$0x10100] =	vst v63  }
0x93: {  	_ = 	snop  }
0x94: {  	[tilespmem:s14], [sflag:$0x2] =	stream.indirect_vreg.gather [hbm4b:s3+s2], $0x80, v3, vm0, $0xb8;
	[tilespmem:$0x10100] =	vst v63  }
0x95: {  	v3 =	vld [tilespmem:$0xA0];
	_ =	sdelay $0x4  }
0x96: {  	v58 =	vshll.u32 v3, $0x1  }
0x97: {  	v3 =	vand.u32 $0x7, v3;
	v4 =	vand.u32 $0xFFFFFFF0, v58  }
0x98: {  	v3 =	vor.u32 v3, v4  }
0x99: {  	v4 =	vperm.xlane v3, v0;
	_ =	sdelay $0x1  }
0x9a: {  	v3 =	vperm.xlane v3, v2;
	v4 =	vadd.s32 v1, v4;
	_ =	sdelay $0x1  }
0x9b: {  	v3 =	vadd.s32 v1, v3;
	_ =	sdelay $0x2  }
0x9c: {  	[tilespmem:s15], [sflag:$0x2] =	stream.indirect_vreg.gather [hbm4b:s3+s2], $0x80, v4, vm0, $0xb8;
	[tilespmem:$0x10100] =	vst v63  }
0x9d: {  	_ = 	snop  }
0x9e: {  	[tilespmem:s16], [sflag:$0x2] =	stream.indirect_vreg.gather [hbm4b:s3+s2], $0x80, v3, vm0, $0xb8;
	[tilespmem:$0x10100] =	vst v63  }
0x9f: {  	v3 =	vld [tilespmem:$0xB0];
	_ =	sdelay $0x4  }
0xa0: {  	v59 =	vshll.u32 v3, $0x1  }
0xa1: {  	v3 =	vand.u32 $0x7, v3;
	v4 =	vand.u32 $0xFFFFFFF0, v59  }
0xa2: {  	v3 =	vor.u32 v3, v4  }
0xa3: {  	v4 =	vperm.xlane v3, v0;
	_ =	sdelay $0x1  }
0xa4: {  	v3 =	vperm.xlane v3, v2;
	v4 =	vadd.s32 v1, v4;
	_ =	sdelay $0x1  }
0xa5: {  	v3 =	vadd.s32 v1, v3;
	_ =	sdelay $0x2  }
0xa6: {  	[tilespmem:s17], [sflag:$0x2] =	stream.indirect_vreg.gather [hbm4b:s3+s2], $0x80, v4, vm0, $0xb8;
	[tilespmem:$0x10100] =	vst v63  }
0xa7: {  	_ = 	snop  }
0xa8: {  	[tilespmem:s18], [sflag:$0x2] =	stream.indirect_vreg.gather [hbm4b:s3+s2], $0x80, v3, vm0, $0xb8;
	[tilespmem:$0x10100] =	vst v63  }
0xa9: {  	v3 =	vld [tilespmem:$0xC0];
	_ =	sdelay $0x4  }
0xaa: {  	v60 =	vshll.u32 v3, $0x1  }
0xab: {  	v3 =	vand.u32 $0x7, v3;
	v4 =	vand.u32 $0xFFFFFFF0, v60  }
0xac: {  	v3 =	vor.u32 v3, v4  }
0xad: {  	v4 =	vperm.xlane v3, v0;
	_ =	sdelay $0x1  }
0xae: {  	v3 =	vperm.xlane v3, v2;
	v4 =	vadd.s32 v1, v4;
	_ =	sdelay $0x1  }
0xaf: {  	v3 =	vadd.s32 v1, v3;
	_ =	sdelay $0x2  }
0xb0: {  	[tilespmem:s19], [sflag:$0x2] =	stream.indirect_vreg.gather [hbm4b:s3+s2], $0x80, v4, vm0, $0xb8;
	[tilespmem:$0x10100] =	vst v63  }
0xb1: {  	_ = 	snop  }
0xb2: {  	[tilespmem:s20], [sflag:$0x2] =	stream.indirect_vreg.gather [hbm4b:s3+s2], $0x80, v3, vm0, $0xb8;
	[tilespmem:$0x10100] =	vst v63  }
0xb3: {  	v3 =	vld [tilespmem:$0xD0];
	_ =	sdelay $0x4  }
0xb4: {  	v61 =	vshll.u32 v3, $0x1  }
0xb5: {  	v3 =	vand.u32 $0x7, v3;
	v4 =	vand.u32 $0xFFFFFFF0, v61  }
0xb6: {  	v3 =	vor.u32 v3, v4  }
0xb7: {  	v4 =	vperm.xlane v3, v0;
	_ =	sdelay $0x1  }
0xb8: {  	v3 =	vperm.xlane v3, v2;
	v4 =	vadd.s32 v1, v4;
	_ =	sdelay $0x1  }
0xb9: {  	v3 =	vadd.s32 v1, v3;
	_ =	sdelay $0x2  }
0xba: {  	[tilespmem:s21], [sflag:$0x2] =	stream.indirect_vreg.gather [hbm4b:s3+s2], $0x80, v4, vm0, $0xb8;
	[tilespmem:$0x10100] =	vst v63  }
0xbb: {  	_ = 	snop  }
0xbc: {  	[tilespmem:s22], [sflag:$0x2] =	stream.indirect_vreg.gather [hbm4b:s3+s2], $0x80, v3, vm0, $0xb8;
	[tilespmem:$0x10100] =	vst v63  }
0xbd: {  	v3 =	vld [tilespmem:$0xE0];
	_ =	sdelay $0x4  }
0xbe: {  	v62 =	vshll.u32 v3, $0x1  }
0xbf: {  	v3 =	vand.u32 $0x7, v3;
	v4 =	vand.u32 $0xFFFFFFF0, v62  }
0xc0: {  	v3 =	vor.u32 v3, v4  }
0xc1: {  	v4 =	vperm.xlane v3, v0;
	_ =	sdelay $0x1  }
0xc2: {  	v3 =	vperm.xlane v3, v2;
	v4 =	vadd.s32 v1, v4;
	_ =	sdelay $0x1  }
0xc3: {  	v3 =	vadd.s32 v1, v3;
	_ =	sdelay $0x2  }
0xc4: {  	[tilespmem:s23], [sflag:$0x2] =	stream.indirect_vreg.gather [hbm4b:s3+s2], $0x80, v4, vm0, $0xb8;
	[tilespmem:$0x10100] =	vst v63  }
0xc5: {  	_ = 	snop  }
0xc6: {  	[tilespmem:s24], [sflag:$0x2] =	stream.indirect_vreg.gather [hbm4b:s3+s2], $0x80, v3, vm0, $0xb8;
	[tilespmem:$0x10100] =	vst v63  }
0xc7: {  	v3 =	vld [tilespmem:$0xF0];
	_ =	sdelay $0x4  }
0xc8: {  	v63 =	vshll.u32 v3, $0x1  }
0xc9: {  	v3 =	vand.u32 $0x7, v3;
	v4 =	vand.u32 $0xFFFFFFF0, v63  }
0xca: {  	v3 =	vor.u32 v3, v4  }
0xcb: {  	v4 =	vperm.xlane v3, v0;
	_ =	sdelay $0x1  }
0xcc: {  	v3 =	vperm.xlane v3, v2;
	v4 =	vadd.s32 v1, v4;
	_ =	sdelay $0x1  }
0xcd: {  	v3 =	vadd.s32 v1, v3;
	_ =	sdelay $0x2  }
0xce: {  	[tilespmem:s25], [sflag:$0x2] =	stream.indirect_vreg.gather [hbm4b:s3+s2], $0x80, v4, vm0, $0xb8;
	[tilespmem:$0x10100] =	vst v63  }
0xcf: {  	_ = 	snop  }
0xd0: {  	[tilespmem:s26], [sflag:$0x2] =	stream.indirect_vreg.gather [hbm4b:s3+s2], $0x80, v3, vm0, $0xb8;
	[tilespmem:$0x10100] =	vst v63  }
0xd1: {  	_ =	swait.ge [sflag:s28], $0x8000  }
0xd2: {  	[sflag:s28] =	ssyncset.done $0x0  }
0xd3: {  	[sflag:s28] =	ssyncadd.s32 $0xFFFF8000  }
0xd4: {  	[hbm4b:s6+s2] =	stream.linear.scatter [tilespmem:s11], [sflag:$0x3], $0x8000, $0x38;
	[tilespmem:$0x10100] =	vst v63  }
0xd5: {  	_ =	swait.ge [sflag:s10], $0x8000  }
0xd6: {  	[sflag:s10] =	ssyncset.done $0x0  }
0xd7: {  	[sflag:s10] =	ssyncadd.s32 $0xFFFF8000  }
0xd8: {  	_ =	swait.ge [sflag:s29], $0x8000  }
0xd9: {  	p0 =	sne.s32 s4, $0x1;
	[sflag:s29] =	ssyncset.done $0x0  }
.Ltmp0:
0xda: {  	[sflag:s29] =	ssyncadd.s32 $0xFFFF8000;
	(pc) =	sbr.rel @p0 .LBB2_2-.Ltmp0, $4  }
0xdb: {  	[hbm4b:s7+s2] =	stream.linear.scatter [tilespmem:s12], [sflag:$0x3], $0x8000, $0x38;
	[tilespmem:$0x10100] =	vst v63  }
0xdc: {  	s8 =	sadd.s32 $0x10, s8;
	_ =	swait.ge [sflag:s10], $0x8000  }
0xdd: {  	s4 =	sadd.s32 $0xFFFFFFFF, s4;
	s31 =	sadd.s32 $0x10, s31;
	[sflag:s10] =	ssyncset.done $0x0  }
0xde: {  	s6 =	sadd.s32 $0x1000, s6;
	s7 =	sadd.s32 $0x1000, s7;
	[sflag:s10] =	ssyncadd.s32 $0xFFFF8000  }
0xdf: {  	s30 =	sadd.s32 $0x1, s30;
	s0 =	rddreg [dreg:$0x14]  }
0xe0: {  	p0 =	sne.s32 s30, s0  }
.Ltmp1:
0xe1: {  	_ = 	snop;
	(pc) =	sbr.rel @p0 .LBB2_1-.Ltmp1, $1  }
0xe2: {  	_ =	sdelay $0x3  }
0xe3: {  	_ =	sfence.sel $0x180000  }
0xe4: {  	[bflag:$0x0] =	sbarrier.arrive $0xFFFF  }
0xe5: {  	_ =	strace $0x90000047  }
0xe6: {  	s0 =	stileid.u32;
	[bflag:$0x2] =	sbarrier.arrive $0xFFFF  }
0xe7: {  	p0 =	sne.s32 s0, $0x0;
	s0 =	rddreg [dreg:$0x2]  }
0xe8: {  	s0 =	sadd.s32 @!p0 $0x100000, s0  }
0xe9: {  	[sflag:s0] =	ssyncadd.tile.s32 @!p0 $0x1;
	_ =	shalt  }
.Lfunc_end2:
_tile_overlayer_lowered:
.L_overlay_start_2:
0xea: {  	(tag) =	ssettag $0x2  }
0xeb: {  	s0 =	rddreg [dreg:$0x0];
	s2 =	stileid.u32  }
0xec: {  	s1 =	rddreg [dreg:$0x1];
	p0 =	sne.s32 s2, $0x0  }
0xed: {  	s3 =	rddreg [dreg:$0x2];
	[bflag:$0x3] =	sbarrier.arrive $0xFFFF;
	s2 =	simm.s32 @!p0 $0x1C03  }
0xee: {  	[timem:s3], [sflag:s2] =	dma.local @!p0 [hbm:s0], s1  }
0xef: {  	s0 =	simm.s32 @!p0 $0x3  }
0xf0: {  	_ =	swait.ge @!p0 [sflag:s0], s1  }
0xf1: {  	s1 =	ssub.s32 @!p0 $0x0, s1;
	[sflag:s0] =	ssyncset.done @!p0 $0x0  }
0xf2: {  	[sflag:s0] =	ssyncadd.s32 @!p0 s1  }
0xf3: {  	[bflag:$0x3] =	sbarrier.arrive $0xFFFF  }
0xf4: {  	_ =	shalt  }

// kernel: kernel.14.cloned.1.call-start
scs
__scs_entry_jumppad:
0x0: {  	(pc) =	sbr.rel $0x88, $3  }
0x1: {  	(tag) =	ssettag $0x0;
	lr =	simm.s32 $0x1  }
0x2: {  	[smem:$0x3F45] =	sst lr;
	_ =	strace $0xD0000000  }
0x3: {  	_ = 	snop  }
0x4: {  	_ = 	snop  }
0x5: {  	_ = 	snop  }
0x6: {  	_ = 	snop  }
0x7: {  	_ = 	snop  }
__scs_overlays_trampoline_lowered:
0x8: {  	[smem:$0x3F54] =	sst s0  }
0x9: {  	[smem:$0x3F55] =	sst s1  }
0xa: {  	[smem:$0x3F56] =	sst s2  }
0xb: {  	[smem:$0x3F57] =	sst s3  }
0xc: {  	[smem:$0x3F58] =	sst s4  }
0xd: {  	[smem:$0x3F59] =	sst s5  }
0xe: {  	[smem:$0x3F5A] =	sst s6  }
0xf: {  	[smem:$0x3F5B] =	sst s7  }
0x10: {  	[smem:$0x3F5C] =	sst s8  }
0x11: {  	[smem:$0x3F5D] =	sst s9;
	s0 =	simm.s32 @!p0 $0x0  }
0x12: {  	s1 =	sld [smem:$0x3F43];
	s0 =	simm.s32 @p0 $0x1  }
0x13: {  	[smem:$0x3F5E] =	sst s0;
	s0 =	simm.s32 @!p1 $0x0  }
0x14: {  	s2 =	sld [smem:$0x3F42];
	s0 =	simm.s32 @p1 $0x1  }
0x15: {  	[smem:$0x3F5F] =	sst s0;
	s0 =	simm.s32 @!p2 $0x0  }
0x16: {  	s3 =	sld [smem:$0x3FDB];
	s0 =	simm.s32 @p2 $0x1  }
0x17: {  	s4 =	simm.s32 $0x1BF5;
	[smem:$0x3F61] =	sst s0  }
0x18: {  	s0 =	sld [smem:$0x3F44];
	_ =	swait.ge [sflag:s4], $0x0  }
0x19: {  	s7 =	sld [smem:$0x3F45]  }
0x1a: {  	s8 =	sadd.s32 $0xFFFFE003, lr  }
0x1b: {  	s9 =	sadd.s32 $0xFFFFFEF7, lr;
	s5 =	simm.s32 $0xFFFFFFFF;
	p2 =	slt.u32 s8, $0xFFFFF086  }
0x1c: {  	p1 =	slt.u32 s9, $0xF7A;
	s5 =	simm.s32 @!p2 $0x0  }
0x1d: {  	s5 =	simm.s32 @p1 $0x1;
	p0 =	seq.s32 s7, s2  }
0x1e: {  	s7 =	smul.u32 @!p0 $0xF7A, s2;
	p2 =	seq.s32 @!p0 s5, $0x0  }
0x1f: {  	s9 =	smul.u32 $0xF7A, s1;
	s8 =	simm.s32 @!p0 $0x1BF5;
	p2 =	por !p2, p0  }
0x20: {  	[sflag:s8] =	ssyncset.s32 @!p0 $0xFFFFF086;
	s6 =	sadd.s32 @!p0 s3, s7;
	s7 =	simm.s32 @!p0 $0x108  }
0x21: {  	s3 =	sadd.s32 s3, s9;
	s6 =	sadd.s32 @!p0 $0x88, s6;
	s7 =	simm.s32 @p2 $0x1082  }
0x22: {  	[simem:s7], [sflag:s8] =	dma.local @!p0 [hbm:s6], $0xF7A  }
0x23: {  	s9 =	sor.u32 $0xD0000000, s2;
	s6 =	simm.s32 $0x108;
	_ =	swait.ge @!p0 [sflag:s8], $0x0  }
0x24: {  	s3 =	sadd.s32 $0x88, s3;
	s6 =	simm.s32 @!p1 $0x1082;
	[sflag:s4] =	ssyncset.s32 $0xFFFFF086  }
0x25: {  	[simem:s6], [sflag:s4] =	dma.local [hbm:s3], $0xF7A  }
0x26: {  	[smem:$0x3F45] =	sst s1;
	(tag) =	ssettag s2;
	_ =	strace s9  }
0x27: {  	s1 =	sld [smem:$0x3F55]  }
0x28: {  	s2 =	sld [smem:$0x3F56]  }
0x29: {  	s4 =	sld [smem:$0x3F58]  }
0x2a: {  	p0 =	seq.s32 s5, $0x0;
	s5 =	sld [smem:$0x3F59]  }
0x2b: {  	s6 =	sld [smem:$0x3F5A]  }
0x2c: {  	s7 =	sld [smem:$0x3F5B]  }
0x2d: {  	s3 =	simm.s32 $0x108;
	s8 =	sld [smem:$0x3F5C]  }
0x2e: {  	s3 =	simm.s32 @!p0 $0x1082;
	s9 =	sld [smem:$0x3F5D]  }
0x2f: {  	lr =	sadd.s32 s0, s3;
	s0 =	sld [smem:$0x3F54]  }
0x30: {  	s3 =	sld [smem:$0x3F57]  }
0x31: {  	[smem:$0x3F60] =	sst s10  }
0x32: {  	s10 =	sld [smem:$0x3F5E];
	_ =	sdelay $0x3  }
0x33: {  	p0 =	seq.s32 s10, $0x1;
	s10 =	sld [smem:$0x3F60];
	_ =	sdelay $0x3  }
0x34: {  	[smem:$0x3F60] =	sst s10  }
0x35: {  	s10 =	sld [smem:$0x3F5F];
	_ =	sdelay $0x3  }
0x36: {  	p1 =	seq.s32 s10, $0x1;
	s10 =	sld [smem:$0x3F60];
	_ =	sdelay $0x3  }
0x37: {  	[smem:$0x3F60] =	sst s10  }
0x38: {  	s10 =	sld [smem:$0x3F61]  }
0x39: {  	_ = 	snop;
	(pc) =	sbr.ind lr, $3  }
0x3a: {  	_ = 	snop  }
0x3b: {  	_ = 	snop  }
0x3c: {  	p2 =	seq.s32 s10, $0x1;
	s10 =	sld [smem:$0x3F60]  }
0x3d: {  	_ =	shalt  }
0x3e: {  	_ =	shalt  }
0x3f: {  	_ =	shalt  }
0x40: {  	_ =	shalt  }
0x41: {  	_ =	shalt  }
0x42: {  	_ =	shalt  }
0x43: {  	_ =	shalt  }
0x44: {  	_ =	shalt  }
0x45: {  	_ =	shalt  }
0x46: {  	_ =	shalt  }
0x47: {  	_ =	shalt  }
0x48: {  	_ =	shalt  }
0x49: {  	_ =	shalt  }
0x4a: {  	_ =	shalt  }
0x4b: {  	_ =	shalt  }
0x4c: {  	_ =	shalt  }
0x4d: {  	_ =	shalt  }
0x4e: {  	_ =	shalt  }
0x4f: {  	_ =	shalt  }
0x50: {  	_ =	shalt  }
0x51: {  	_ =	shalt  }
0x52: {  	_ =	shalt  }
0x53: {  	_ =	shalt  }
0x54: {  	_ =	shalt  }
0x55: {  	_ =	shalt  }
0x56: {  	_ =	shalt  }
0x57: {  	_ =	shalt  }
0x58: {  	_ =	shalt  }
0x59: {  	_ =	shalt  }
0x5a: {  	_ =	shalt  }
0x5b: {  	_ =	shalt  }
0x5c: {  	_ =	shalt  }
0x5d: {  	_ =	shalt  }
0x5e: {  	_ =	shalt  }
0x5f: {  	_ =	shalt  }
0x60: {  	_ =	shalt  }
0x61: {  	_ =	shalt  }
0x62: {  	_ =	shalt  }
0x63: {  	_ =	shalt  }
0x64: {  	_ =	shalt  }
0x65: {  	_ =	shalt  }
0x66: {  	_ =	shalt  }
0x67: {  	_ =	shalt  }
0x68: {  	_ =	shalt  }
0x69: {  	_ =	shalt  }
0x6a: {  	_ =	shalt  }
0x6b: {  	_ =	shalt  }
0x6c: {  	_ =	shalt  }
0x6d: {  	_ =	shalt  }
0x6e: {  	_ =	shalt  }
0x6f: {  	_ =	shalt  }
0x70: {  	_ =	shalt  }
0x71: {  	_ =	shalt  }
0x72: {  	_ =	shalt  }
0x73: {  	_ =	shalt  }
0x74: {  	_ =	shalt  }
0x75: {  	_ =	shalt  }
0x76: {  	_ =	shalt  }
0x77: {  	_ =	shalt  }
0x78: {  	_ =	shalt  }
0x79: {  	_ =	shalt  }
0x7a: {  	_ =	shalt  }
0x7b: {  	_ =	shalt  }
0x7c: {  	_ =	shalt  }
0x7d: {  	_ =	shalt  }
0x7e: {  	_ =	shalt  }
0x7f: {  	_ =	shalt  }
0x80: {  	_ =	shalt  }
0x81: {  	_ =	shalt  }
0x82: {  	_ =	shalt  }
0x83: {  	_ =	shalt  }
0x84: {  	_ =	shalt  }
0x85: {  	_ =	shalt  }
0x86: {  	_ =	shalt  }
0x87: {  	_ =	shalt  }
.Lfunc_end0:
.L_simem_size_0:
called_computation.1_lowered:
.L_overlay_start_0:
0x88: {  	s2 =	sld [smem:$0x3FD9]  }
0x89: {  	s3 =	sld [smem:$0x3FFE];
	_ =	sdelay $0x1  }
0x8a: {  	s1 =	srdreg.scid  }
0x8b: {  	s0 =	sand.u32 $0x1, s1  }
0x8c: {  	s14 =	sshll.u32 s0, $0xA;
	s2 =	sadd.s32 s3, s2  }
0x8d: {  	s2 =	sadd.s32 s2, s14  }
0x8e: {  	[smem:$0x3F6C] =	sst s2  }
0x8f: {  	_ = 	snop  }
0x90: {  	s2 =	sld [smem:$0x3FD0];
	_ =	sdelay $0x2  }
0x91: {  	s15 =	simm.s32 $0xA;
	s4 =	simm.s32 $0x10  }
0x92: {  	[smem:s4], [sflag:s15] =	dma.local [hbm:s2], $0x1  }
0x93: {  	_ =	swait.eq [sflag:s15], $0x1  }
0x94: {  	[sflag:s15] =	ssyncset.done $0x0  }
0x95: {  	[sflag:s15] =	ssyncadd.s32 $0xFFFFFFFF  }
0x96: {  	s16 =	sld [smem:$0x12];
	(tm) =	ssettm $0x1  }
0x97: {  	s17 =	sld [smem:$0x3FFB];
	_ =	sdelay $0x3  }
0x98: {  	_ =	strace s17  }
0x99: {  	s3 =	sld [smem:$0x3FFC];
	_ =	sdelay $0x3  }
0x9a: {  	_ =	strace s3  }
0x9b: {  	s3 =	sld [smem:$0x3FFD];
	_ =	sdelay $0x3  }
0x9c: {  	_ =	strace s3  }
0x9d: {  	_ =	strace $0x8FFFFFFF  }
0x9e: {  	s18 =	sld [smem:$0x3FDB];
	_ =	sdelay $0x1  }
0x9f: {  	s19 =	simm.s32 $_scs_section_size  }
0xa0: {  	s5 =	simm.s32 $_size__tile_overlayer_lowered;
	s6 =	simm.s32 $_tile_overlayer_lowered  }
0xa1: {  	s22 =	simm.s32 $0x1BFF;
	s21 =	sshll.u32 s6, $0x1;
	s3 =	sadd.s32 s19, s18  }
0xa2: {  	s7 =	simm.s32 $0x0;
	s20 =	sshll.u32 s5, $0x1;
	s5 =	sadd.s32 s21, s3  }
0xa3: {  	[timem:s7], [sflag:s22] =	dma.local [hbm:s5], s20  }
0xa4: {  	_ =	swait.ge [sflag:s22], s20  }
0xa5: {  	s4 =	ssub.s32 $0x0, s20;
	[sflag:s22] =	ssyncset.done $0x0  }
0xa6: {  	[sflag:s22] =	ssyncadd.s32 s4;
	_ =	sdelay $0x1  }
0xa7: {  	s23 =	simm.s32 $0x1B8B  }
0xa8: {  	_ =	swait.ge [sflag:s23], $0x1  }
0xa9: {  	[sflag:s23] =	ssyncset.done $0x0  }
0xaa: {  	s25 =	simm.s32 $0x1B8E;
	s24 =	sld [smem:$0x3FFE];
	[sflag:s23] =	ssyncadd.s32 $0xFFFFFFFF  }
0xab: {  	s26 =	simm.s32 $execute0_lowered;
	[smem:$0x3FD2] =	sst s25  }
0xac: {  	s5 =	sshll.u32 s26, $0x1;
	_ =	strace $0x80000049;
	[dreg:$0x1] =	wrdreg $0xFFFFFFFF  }
0xad: {  	s28 =	simm.s32 $_size_execute0_lowered;
	s3 =	sadd.s32 s3, s5;
	[dreg:$0x0] =	wrdreg $0x0  }
0xae: {  	s5 =	sshll.u32 s28, $0x1;
	[dreg:$0x2] =	wrdreg s3  }
0xaf: {  	[dreg:$0x3] =	wrdreg s5  }
0xb0: {  	[dreg:$0x4] =	wrdreg $0xC0  }
0xb1: {  	_ =	task [dreg:s7], $0x5FFFF  }
0xb2: {  	[dreg:$0x1] =	wrdreg $0xFFFFFFFF  }
0xb3: {  	[dreg:$0x0] =	wrdreg $0x60  }
0xb4: {  	[dreg:$0x2] =	wrdreg s24  }
0xb5: {  	[dreg:$0x3] =	wrdreg s16  }
0xb6: {  	[dreg:$0x4] =	wrdreg $0xE0800  }
0xb7: {  	[dreg:$0x5] =	wrdreg $0x9  }
0xb8: {  	_ =	task.clear_ibuf [dreg:s7], $0x6FFFF;
	_ =	strace $0x90000049  }
0xb9: {  	s29 =	simm.s32 $0x9;
	_ =	strace $0x8000004B  }
0xba: {  	_ =	swait.ge [sflag:s29], $0x1  }
0xbb: {  	[sflag:s29] =	ssyncadd.s32 $0xFFFFFFFF  }
0xbc: {  	_ =	strace $0x9000004B  }
0xbd: {  	_ =	sfence  }
0xbe: {  	s30 =	sld [smem:$0x0];
	_ =	sdelay $0x2  }
0xbf: {  	s31 =	sshll.u32 s1, $0xD;
	s1 =	sshrl.u32 s1, $0x2  }
0xc0: {  	s3 =	sand.u32 $0x4000, s31;
	s1 =	sadd.s32 s1, s30  }
0xc1: {  	s0 =	sor.u32 s3, s0;
	s1 =	sshll.u32 s1, $0x11  }
0xc2: {  	s0 =	sor.u32 s1, s0  }
0xc3: {  	s0 =	sadd.s32 $0x8F2B, s0  }
0xc4: {  	[sflag:s0] =	ssyncadd.remote.s32 $0x1  }
0xc5: {  	_ =	sfence.sel $0xFFFF  }
0xc6: {  	[dreg:$0x0] =	wrdreg $0xFFFFFFFF;
	(pc) =	sbr.abs _section_cstart, $3  }
0xc7: {  	[dreg:$0x1] =	wrdreg $0xFFFFFFFF  }
0xc8: {  	_ =	task.clear_ibuf [dreg:s7], $0x2FFFF;
	_ =	strace $0x9FFFFFFF  }
0xc9: {  	(tm) =	ssettm $0x7FFFFFFF  }
tec
execute0_lowered:
.L_overlay_start_1:
0x0: {  	(tag) =	ssettag $0x1  }
0x1: {  	s5 =	rddreg [dreg:$0x0]  }
0x2: {  	s11 =	rddreg [dreg:$0x1];
	s0 =	stileid.u32  }
0x3: {  	s1 =	srdreg.scid;
	s4 =	smul.u32 $0x27000, s0  }
0x4: {  	s2 =	rddreg [dreg:$0x2];
	s3 =	simm.s32 $0x0;
	s8 =	smul.u32 $0xA000, s0  }
0x5: {  	s6 =	sand.u32 $0x1, s1;
	s1 =	rddreg [dreg:$0x3];
	s12 =	smul.u32 $0x28000, s0  }
0x6: {  	[smem:$0x7FF] =	sst s3;
	p0 =	slt.u32 s0, $0x2;
	s16 =	smul.u32 $0x4E0, s0  }
0x7: {  	s30 =	smin.u32 s0, $0x2;
	s7 =	smul.u32 $0x140000, s6;
	_ =	strace $0x8000004A  }
0x8: {  	s28 =	ssub.s32 $0x2, s6;
	s14 =	smul.u32 $0x1388, s6;
	s15 =	sshll.u32 s30, $0xB  }
0x9: {  	s10 =	sadd.s32 s4, s5;
	s4 =	sadd.s32 $0x1DE00, s5;
	s9 =	sshrl.u32 s28, $0x1  }
0xa: {  	s29 =	sshrl.u32 s12, $0x2;
	s11 =	sadd.s32 s16, s11;
	s12 =	sshll.u32 s30, $0x4  }
0xb: {  	s16 =	simm.s32 $0x0;
	s7 =	sadd.s32 s8, s7;
	s9 =	ssub.s32 s28, s9  }
0xc: {  	s6 =	sadd.s32 s29, s2;
	s31 =	sadd.s32 s15, s10;
	s11 =	sadd.s32 s12, s11  }
0xd: {  	v0 =	vmov s14;
	s14 =	simm.s32 $0x1;
	s15 =	simm.s32 $0x80;
	s7 =	sshrl.u32 s7, $0x3  }
0xe: {  	s10 =	sadd.s32 $0xCABC00, s31;
	s13 =	sadd.s32 s7, s5;
	s5 =	simm.s32 $0x4F  }
0xf: {  	s9 =	smax.u32 s9, $0x1;
	s12 =	sadd.s32 $0xF1CC00, s31;
	s5 =	simm.s32 @!p0 $0x4E  }
0x10: {  	s7 =	sadd.s32 $0x1F200, s13;
	s8 =	sadd.s32 $0x33200, s13;
	s13 =	simm.s32 $0x4080  }
.LBB2_1:
0x11: {  	[tilespmem:s13], [sflag:$0x1] =	stream.linear.gather [hbm4b:s4+s3], $0xA000, $0x38;
	[tilespmem:$0x18080] =	vst v63  }
0x12: {  	_ =	swait.ge [sflag:s14], $0xA000  }
0x13: {  	[sflag:s14] =	ssyncset.done $0x0  }
0x14: {  	p1 =	sne.s32 s5, $0x1;
	[sflag:s14] =	ssyncadd.s32 $0xFFFF6000  }
0x15: {  	[spmem:s6] =	stream.linear.scatter [tilespmem:s13], [sflag:$0x1], $0xA000, $0x38;
	[tilespmem:$0x18080] =	vst v63  }
.Ltmp0:
0x16: {  	_ =	swait.ge [sflag:s14], $0xA000;
	(pc) =	sbr.rel @!p1 .LBB2_4-.Ltmp0, $4  }
0x17: {  	[sflag:s14] =	ssyncset.done $0x0  }
0x18: {  	s18 =	sadd.s32 $0xFFFFFFFF, s5;
	[sflag:s14] =	ssyncadd.s32 $0xFFFF6000  }
0x19: {  	p0 =	por $0x0, $0x0;
	s17 =	sadd.s32 $0x10, s11;
	[bflag:$0x0] =	sbarrier.arrive $0xFFFF  }
0x1a: {  	s20 =	smov.u32 s11;
	s19 =	smov.u32 s10;
	p2 =	por $0x0, $0x0  }
0x1b: {  	[tilespmem:s3], [sflag:$0x1] =	stream.linear.gather [hbm4b:s11+s3], $0x80, $0x38;
	[tilespmem:$0x18080] =	vst v63  }
0x1c: {  	_ =	swait.ge [sflag:s14], $0x80  }
0x1d: {  	[sflag:s14] =	ssyncset.done $0x0  }
0x1e: {  	[sflag:s14] =	ssyncadd.s32 $0xFFFFFF80  }
0x1f: {  	[tilespmem:s15], [sflag:$0x1] =	stream.linear.gather [hbm4b:s10+s3], $0x4000, $0x38;
	[tilespmem:$0x18080] =	vst v63  }
0x20: {  	_ =	swait.ge [sflag:s14], $0x4000  }
0x21: {  	[sflag:s14] =	ssyncset.done $0x0  }
0x22: {  	[sflag:s14] =	ssyncadd.s32 $0xFFFFC000  }
0x23: {  	v1 =	vld [tilespmem:$0x20]  }
0x24: {  	v2 =	vld [tilespmem:$0x30]  }
0x25: {  	v3 =	vld [tilespmem:$0x50]  }
0x26: {  	v4 =	vld [tilespmem:$0x10]  }
0x27: {  	v5 =	vld [tilespmem:$0x40]  }
0x28: {  	v6 =	vld [tilespmem:$0x0];
	v1 =	vsub.s32 v1, v0  }
0x29: {  	v7 =	vld [tilespmem:$0x60];
	v2 =	vsub.s32 v2, v0;
	v1 =	vmin.u32 v1, $0x1388  }
0x2a: {  	p3 =	sne.s32 s18, $0x1;
	[tilespmem:$0x20] =	vst v1;
	v1 =	vmin.u32 v2, $0x1388;
	v2 =	vsub.s32 v3, v0;
	v3 =	vld [tilespmem:$0x70]  }
.Ltmp1:
0x2b: {  	v4 =	vsub.s32 v4, v0;
	[tilespmem:$0x30] =	vst v1;
	v1 =	vmin.u32 v2, $0x1388;
	(pc) =	sbr.rel @!p3 .LBB2_4-.Ltmp1, $4  }
0x2c: {  	v63 =	vsub.s32 v5, v0;
	v2 =	vmin.u32 v4, $0x1388;
	[tilespmem:$0x50] =	vst v1  }
0x2d: {  	v1 =	vsub.s32 v6, v0;
	[tilespmem:$0x10] =	vst v2;
	v2 =	vmin.u32 v63, $0x1388  }
0x2e: {  	s19 =	sadd.s32 $0x800, s10;
	s20 =	sadd.s32 $0x10, s11;
	s21 =	sadd.s32 $0xFFFFFFFF, s18;
	v1 =	vmin.u32 v1, $0x1388;
	[tilespmem:$0x40] =	vst v2;
	v2 =	vsub.s32 v7, v0  }
0x2f: {  	p2 =	por $0x1, $0x1;
	s22 =	smov.u32 s19;
	s23 =	smov.u32 s20;
	[tilespmem:$0x0] =	vst v1;
	v1 =	vmin.u32 v2, $0x1388;
	v2 =	vsub.s32 v3, v0  }
.LBB2_3:
0x30: {  	p3 =	sne.s32 s21, $0x1;
	s22 =	sadd.s32 $0x800, s22;
	s23 =	sadd.s32 $0x10, s23;
	[tilespmem:$0x60] =	vst v1;
	v1 =	vmin.u32 v2, $0x1388  }
0x31: {  	s21 =	sadd.s32 $0xFFFFFFFF, s21;
	[tilespmem:$0x70] =	vst v1  }
0x32: {  	[spmem:s2] =	stream.indirect.scatter.add.f32 [tilespmem:s15], [sflag:$0x1], $0x80, s3, s15, $0xb8;
	[tilespmem:$0x18080] =	vst v63  }
0x33: {  	_ =	swait.ge [sflag:s14], $0x4000  }
0x34: {  	[sflag:s14] =	ssyncset.done $0x0  }
0x35: {  	[sflag:s14] =	ssyncadd.s32 $0xFFFFC000  }
0x36: {  	[tilespmem:s3], [sflag:$0x1] =	stream.linear.gather [hbm4b:s20+s3], $0x80, $0x38;
	[tilespmem:$0x18080] =	vst v63  }
0x37: {  	s20 =	smov.u32 s23;
	_ =	swait.ge [sflag:s14], $0x80  }
0x38: {  	[sflag:s14] =	ssyncset.done $0x0  }
0x39: {  	[sflag:s14] =	ssyncadd.s32 $0xFFFFFF80  }
0x3a: {  	[tilespmem:s15], [sflag:$0x1] =	stream.linear.gather [hbm4b:s19+s3], $0x4000, $0x38;
	[tilespmem:$0x18080] =	vst v63  }
0x3b: {  	s19 =	smov.u32 s22;
	_ =	swait.ge [sflag:s14], $0x4000  }
0x3c: {  	[sflag:s14] =	ssyncset.done $0x0  }
0x3d: {  	[sflag:s14] =	ssyncadd.s32 $0xFFFFC000  }
0x3e: {  	v1 =	vld [tilespmem:$0x20]  }
0x3f: {  	v2 =	vld [tilespmem:$0x30]  }
0x40: {  	v3 =	vld [tilespmem:$0x50]  }
0x41: {  	v4 =	vld [tilespmem:$0x10]  }
0x42: {  	v5 =	vld [tilespmem:$0x40]  }
0x43: {  	v6 =	vld [tilespmem:$0x0];
	v1 =	vsub.s32 v1, v0  }
0x44: {  	v1 =	vmin.u32 v1, $0x1388;
	v2 =	vsub.s32 v2, v0;
	v7 =	vld [tilespmem:$0x60]  }
0x45: {  	[tilespmem:$0x20] =	vst v1;
	v1 =	vmin.u32 v2, $0x1388;
	v2 =	vsub.s32 v3, v0;
	v3 =	vld [tilespmem:$0x70]  }
.Ltmp2:
0x46: {  	v4 =	vsub.s32 v4, v0;
	[tilespmem:$0x30] =	vst v1;
	v1 =	vmin.u32 v2, $0x1388;
	(pc) =	sbr.rel @p3 .LBB2_3-.Ltmp2, $4  }
0x47: {  	v2 =	vmin.u32 v4, $0x1388;
	v4 =	vsub.s32 v5, v0;
	[tilespmem:$0x50] =	vst v1  }
0x48: {  	v1 =	vsub.s32 v6, v0;
	[tilespmem:$0x10] =	vst v2;
	v2 =	vmin.u32 v4, $0x1388  }
0x49: {  	v1 =	vmin.u32 v1, $0x1388;
	[tilespmem:$0x40] =	vst v2;
	v2 =	vsub.s32 v7, v0  }
0x4a: {  	[tilespmem:$0x0] =	vst v1;
	v1 =	vmin.u32 v2, $0x1388;
	v2 =	vsub.s32 v3, v0  }
.LBB2_4:
0x4b: {  	[tilespmem:$0x60] =	vst @p2 v1;
	v1 =	vmin.u32 @p2 v2, $0x1388  }
0x4c: {  	[tilespmem:$0x70] =	vst @p2 v1  }
0x4d: {  	[spmem:s2] =	stream.indirect.scatter.add.f32 @p2 [tilespmem:s15], [sflag:$0x1], $0x80, s3, s15, $0xb8;
	[tilespmem:$0x18080] =	vst v63  }
0x4e: {  	_ =	swait.ge @p2 [sflag:s14], $0x4000  }
0x4f: {  	[sflag:s14] =	ssyncset.done @p2 $0x0  }
0x50: {  	[sflag:s14] =	ssyncadd.s32 @p2 $0xFFFFC000  }
0x51: {  	[tilespmem:s3], [sflag:$0x1] =	stream.linear.gather [hbm4b:s20+s3], $0x80, $0x38;
	[tilespmem:$0x18080] =	vst v63  }
0x52: {  	_ =	swait.ge [sflag:s14], $0x80  }
0x53: {  	[sflag:s14] =	ssyncset.done $0x0  }
0x54: {  	[sflag:s14] =	ssyncadd.s32 $0xFFFFFF80  }
0x55: {  	[tilespmem:s15], [sflag:$0x1] =	stream.linear.gather [hbm4b:s19+s3], $0x4000, $0x38;
	[tilespmem:$0x18080] =	vst v63  }
0x56: {  	_ =	swait.ge [sflag:s14], $0x4000  }
0x57: {  	[sflag:s14] =	ssyncset.done $0x0  }
0x58: {  	[sflag:s14] =	ssyncadd.s32 $0xFFFFC000  }
0x59: {  	v1 =	vld [tilespmem:$0x20]  }
0x5a: {  	v2 =	vld [tilespmem:$0x30]  }
0x5b: {  	v3 =	vld [tilespmem:$0x50]  }
0x5c: {  	v4 =	vld [tilespmem:$0x10]  }
0x5d: {  	v5 =	vld [tilespmem:$0x40]  }
0x5e: {  	v6 =	vld [tilespmem:$0x0];
	v1 =	vsub.s32 v1, v0  }
0x5f: {  	v7 =	vld [tilespmem:$0x60];
	v2 =	vsub.s32 v2, v0;
	v1 =	vmin.u32 v1, $0x1388  }
0x60: {  	[tilespmem:$0x20] =	vst v1;
	v1 =	vmin.u32 v2, $0x1388;
	v2 =	vsub.s32 v3, v0;
	v3 =	vld [tilespmem:$0x70]  }
0x61: {  	v4 =	vsub.s32 v4, v0;
	[tilespmem:$0x30] =	vst v1;
	v1 =	vmin.u32 v2, $0x1388  }
0x62: {  	v63 =	vsub.s32 v5, v0;
	v2 =	vmin.u32 v4, $0x1388;
	[tilespmem:$0x50] =	vst v1  }
0x63: {  	v1 =	vsub.s32 v6, v0;
	[tilespmem:$0x10] =	vst v2;
	v2 =	vmin.u32 v63, $0x1388  }
0x64: {  	v1 =	vmin.u32 v1, $0x1388;
	[tilespmem:$0x40] =	vst v2;
	v2 =	vsub.s32 v7, v0  }
0x65: {  	[tilespmem:$0x0] =	vst v1;
	v1 =	vmin.u32 v2, $0x1388;
	v2 =	vsub.s32 v3, v0  }
0x66: {  	[tilespmem:$0x60] =	vst v1;
	v1 =	vmin.u32 v2, $0x1388  }
0x67: {  	[tilespmem:$0x70] =	vst v1  }
0x68: {  	[spmem:s2] =	stream.indirect.scatter.add.f32 [tilespmem:s15], [sflag:$0x1], $0x80, s3, s15, $0xb8;
	[tilespmem:$0x18080] =	vst v63  }
0x69: {  	_ =	swait.ge [sflag:s14], $0x4000  }
0x6a: {  	[sflag:s14] =	ssyncset.done $0x0  }
0x6b: {  	[sflag:s14] =	ssyncadd.s32 $0xFFFFC000  }
0x6c: {  	[bflag:$0x0] =	sbarrier.arrive $0xFFFF  }
0x6d: {  	[tilespmem:s13], [sflag:$0x1] =	stream.linear.gather [spmem:s6], $0xA000, $0x38;
	[tilespmem:$0x18080] =	vst v63  }
0x6e: {  	_ =	swait.ge [sflag:s14], $0xA000  }
0x6f: {  	[sflag:s14] =	ssyncset.done $0x0  }
0x70: {  	[sflag:s14] =	ssyncadd.s32 $0xFFFF6000  }
0x71: {  	[hbm4b:s7+s3] =	stream.linear.scatter [tilespmem:s13], [sflag:$0x1], $0xA000, $0x38;
	[tilespmem:$0x18080] =	vst v63  }
0x72: {  	_ =	swait.ge [sflag:s14], $0xA000  }
0x73: {  	[sflag:s14] =	ssyncset.done $0x0  }
0x74: {  	[sflag:s14] =	ssyncadd.s32 $0xFFFF6000  }
0x75: {  	[tilespmem:s13], [sflag:$0x1] =	stream.linear.gather [hbm4b:s4+s3], $0xA000, $0x38;
	[tilespmem:$0x18080] =	vst v63  }
0x76: {  	_ =	swait.ge [sflag:s14], $0xA000  }
0x77: {  	[sflag:s14] =	ssyncset.done $0x0  }
0x78: {  	[sflag:s14] =	ssyncadd.s32 $0xFFFF6000  }
0x79: {  	[spmem:s6] =	stream.linear.scatter [tilespmem:s13], [sflag:$0x1], $0xA000, $0x38;
	[tilespmem:$0x18080] =	vst v63  }
.Ltmp3:
0x7a: {  	_ =	swait.ge [sflag:s14], $0xA000;
	(pc) =	sbr.rel @!p1 .LBB2_9-.Ltmp3, $4  }
0x7b: {  	[sflag:s14] =	ssyncset.done $0x0  }
0x7c: {  	[sflag:s14] =	ssyncadd.s32 $0xFFFF6000  }
0x7d: {  	[bflag:$0x0] =	sbarrier.arrive $0xFFFF  }
0x7e: {  	s20 =	smov.u32 s11;
	s19 =	smov.u32 s12  }
0x7f: {  	[tilespmem:s3], [sflag:$0x1] =	stream.linear.gather [hbm4b:s11+s3], $0x80, $0x38;
	[tilespmem:$0x18080] =	vst v63  }
0x80: {  	_ =	swait.ge [sflag:s14], $0x80  }
0x81: {  	[sflag:s14] =	ssyncset.done $0x0  }
0x82: {  	[sflag:s14] =	ssyncadd.s32 $0xFFFFFF80  }
0x83: {  	[tilespmem:s15], [sflag:$0x1] =	stream.linear.gather [hbm4b:s12+s3], $0x4000, $0x38;
	[tilespmem:$0x18080] =	vst v63  }
0x84: {  	_ =	swait.ge [sflag:s14], $0x4000  }
0x85: {  	[sflag:s14] =	ssyncset.done $0x0  }
0x86: {  	[sflag:s14] =	ssyncadd.s32 $0xFFFFC000  }
0x87: {  	v1 =	vld [tilespmem:$0x20]  }
0x88: {  	v2 =	vld [tilespmem:$0x30]  }
0x89: {  	v3 =	vld [tilespmem:$0x50]  }
0x8a: {  	v4 =	vld [tilespmem:$0x10]  }
0x8b: {  	v5 =	vld [tilespmem:$0x40]  }
0x8c: {  	v6 =	vld [tilespmem:$0x0];
	v1 =	vsub.s32 v1, v0  }
0x8d: {  	v7 =	vld [tilespmem:$0x60];
	v2 =	vsub.s32 v2, v0;
	v1 =	vmin.u32 v1, $0x1388  }
0x8e: {  	p1 =	sne.s32 s18, $0x1;
	[tilespmem:$0x20] =	vst v1;
	v1 =	vmin.u32 v2, $0x1388;
	v2 =	vsub.s32 v3, v0;
	v3 =	vld [tilespmem:$0x70]  }
.Ltmp4:
0x8f: {  	v4 =	vsub.s32 v4, v0;
	[tilespmem:$0x30] =	vst v1;
	v1 =	vmin.u32 v2, $0x1388;
	(pc) =	sbr.rel @!p1 .LBB2_6-.Ltmp4, $4  }
0x90: {  	v63 =	vsub.s32 v5, v0;
	v2 =	vmin.u32 v4, $0x1388;
	[tilespmem:$0x50] =	vst v1  }
0x91: {  	v1 =	vsub.s32 v6, v0;
	[tilespmem:$0x10] =	vst v2;
	v2 =	vmin.u32 v63, $0x1388  }
0x92: {  	s19 =	sadd.s32 $0x800, s12;
	s18 =	sadd.s32 $0xFFFFFFFF, s18;
	v1 =	vmin.u32 v1, $0x1388;
	[tilespmem:$0x40] =	vst v2;
	v2 =	vsub.s32 v7, v0  }
0x93: {  	p0 =	por $0x1, $0x1;
	s21 =	smov.u32 s17;
	s20 =	smov.u32 s19;
	[tilespmem:$0x0] =	vst v1;
	v1 =	vmin.u32 v2, $0x1388;
	v2 =	vsub.s32 v3, v0  }
.LBB2_7:
0x94: {  	p1 =	sne.s32 s18, $0x1;
	s20 =	sadd.s32 $0x800, s20;
	s21 =	sadd.s32 $0x10, s21;
	[tilespmem:$0x60] =	vst v1;
	v1 =	vmin.u32 v2, $0x1388  }
0x95: {  	s18 =	sadd.s32 $0xFFFFFFFF, s18;
	[tilespmem:$0x70] =	vst v1  }
0x96: {  	[spmem:s2] =	stream.indirect.scatter.add.f32 [tilespmem:s15], [sflag:$0x1], $0x80, s3, s15, $0xb8;
	[tilespmem:$0x18080] =	vst v63  }
0x97: {  	_ =	swait.ge [sflag:s14], $0x4000  }
0x98: {  	[sflag:s14] =	ssyncset.done $0x0  }
0x99: {  	[sflag:s14] =	ssyncadd.s32 $0xFFFFC000  }
0x9a: {  	[tilespmem:s3], [sflag:$0x1] =	stream.linear.gather [hbm4b:s17+s3], $0x80, $0x38;
	[tilespmem:$0x18080] =	vst v63  }
0x9b: {  	s17 =	smov.u32 s21;
	_ =	swait.ge [sflag:s14], $0x80  }
0x9c: {  	[sflag:s14] =	ssyncset.done $0x0  }
0x9d: {  	[sflag:s14] =	ssyncadd.s32 $0xFFFFFF80  }
0x9e: {  	[tilespmem:s15], [sflag:$0x1] =	stream.linear.gather [hbm4b:s19+s3], $0x4000, $0x38;
	[tilespmem:$0x18080] =	vst v63  }
0x9f: {  	s19 =	smov.u32 s20;
	_ =	swait.ge [sflag:s14], $0x4000  }
0xa0: {  	[sflag:s14] =	ssyncset.done $0x0  }
0xa1: {  	[sflag:s14] =	ssyncadd.s32 $0xFFFFC000  }
0xa2: {  	v1 =	vld [tilespmem:$0x20]  }
0xa3: {  	v2 =	vld [tilespmem:$0x30]  }
0xa4: {  	v3 =	vld [tilespmem:$0x50]  }
0xa5: {  	v4 =	vld [tilespmem:$0x10]  }
0xa6: {  	v5 =	vld [tilespmem:$0x40]  }
0xa7: {  	v6 =	vld [tilespmem:$0x0];
	v1 =	vsub.s32 v1, v0  }
0xa8: {  	v1 =	vmin.u32 v1, $0x1388;
	v2 =	vsub.s32 v2, v0;
	v7 =	vld [tilespmem:$0x60]  }
0xa9: {  	[tilespmem:$0x20] =	vst v1;
	v1 =	vmin.u32 v2, $0x1388;
	v2 =	vsub.s32 v3, v0;
	v3 =	vld [tilespmem:$0x70]  }
.Ltmp5:
0xaa: {  	v4 =	vsub.s32 v4, v0;
	[tilespmem:$0x30] =	vst v1;
	v1 =	vmin.u32 v2, $0x1388;
	(pc) =	sbr.rel @p1 .LBB2_7-.Ltmp5, $4  }
0xab: {  	v2 =	vmin.u32 v4, $0x1388;
	v4 =	vsub.s32 v5, v0;
	[tilespmem:$0x50] =	vst v1  }
0xac: {  	v1 =	vsub.s32 v6, v0;
	[tilespmem:$0x10] =	vst v2;
	v2 =	vmin.u32 v4, $0x1388  }
0xad: {  	v1 =	vmin.u32 v1, $0x1388;
	[tilespmem:$0x40] =	vst v2;
	v2 =	vsub.s32 v7, v0  }
0xae: {  	[tilespmem:$0x0] =	vst v1;
	v1 =	vmin.u32 v2, $0x1388;
	v2 =	vsub.s32 v3, v0  }
0xaf: {  	s20 =	smov.u32 s17  }
.LBB2_9:
0xb0: {  	[tilespmem:$0x60] =	vst @p0 v1;
	v1 =	vmin.u32 @p0 v2, $0x1388  }
0xb1: {  	[tilespmem:$0x70] =	vst @p0 v1  }
0xb2: {  	[spmem:s2] =	stream.indirect.scatter.add.f32 @p0 [tilespmem:s15], [sflag:$0x1], $0x80, s3, s15, $0xb8;
	[tilespmem:$0x18080] =	vst v63  }
0xb3: {  	_ =	swait.ge @p0 [sflag:s14], $0x4000  }
0xb4: {  	[sflag:s14] =	ssyncset.done @p0 $0x0  }
0xb5: {  	[sflag:s14] =	ssyncadd.s32 @p0 $0xFFFFC000  }
0xb6: {  	[tilespmem:s3], [sflag:$0x1] =	stream.linear.gather [hbm4b:s20+s3], $0x80, $0x38;
	[tilespmem:$0x18080] =	vst v63  }
0xb7: {  	_ =	swait.ge [sflag:s14], $0x80  }
0xb8: {  	[sflag:s14] =	ssyncset.done $0x0  }
0xb9: {  	[sflag:s14] =	ssyncadd.s32 $0xFFFFFF80  }
0xba: {  	[tilespmem:s15], [sflag:$0x1] =	stream.linear.gather [hbm4b:s19+s3], $0x4000, $0x38;
	[tilespmem:$0x18080] =	vst v63  }
0xbb: {  	_ =	swait.ge [sflag:s14], $0x4000  }
0xbc: {  	[sflag:s14] =	ssyncset.done $0x0  }
0xbd: {  	[sflag:s14] =	ssyncadd.s32 $0xFFFFC000  }
0xbe: {  	v1 =	vld [tilespmem:$0x20]  }
0xbf: {  	v2 =	vld [tilespmem:$0x30]  }
0xc0: {  	v3 =	vld [tilespmem:$0x50]  }
0xc1: {  	v4 =	vld [tilespmem:$0x10]  }
0xc2: {  	v5 =	vld [tilespmem:$0x40]  }
0xc3: {  	v6 =	vld [tilespmem:$0x0];
	v1 =	vsub.s32 v1, v0  }
0xc4: {  	v7 =	vld [tilespmem:$0x60];
	v2 =	vsub.s32 v2, v0;
	v1 =	vmin.u32 v1, $0x1388  }
0xc5: {  	[tilespmem:$0x20] =	vst v1;
	v1 =	vmin.u32 v2, $0x1388;
	v2 =	vsub.s32 v3, v0;
	v3 =	vld [tilespmem:$0x70]  }
0xc6: {  	v4 =	vsub.s32 v4, v0;
	[tilespmem:$0x30] =	vst v1;
	v1 =	vmin.u32 v2, $0x1388  }
0xc7: {  	v63 =	vsub.s32 v5, v0;
	v2 =	vmin.u32 v4, $0x1388;
	[tilespmem:$0x50] =	vst v1  }
0xc8: {  	v1 =	vsub.s32 v6, v0;
	[tilespmem:$0x10] =	vst v2;
	v2 =	vmin.u32 v63, $0x1388  }
0xc9: {  	v1 =	vmin.u32 v1, $0x1388;
	[tilespmem:$0x40] =	vst v2;
	v2 =	vsub.s32 v7, v0  }
0xca: {  	[tilespmem:$0x0] =	vst v1;
	v1 =	vmin.u32 v2, $0x1388;
	v2 =	vsub.s32 v3, v0  }
0xcb: {  	[tilespmem:$0x60] =	vst v1;
	v1 =	vmin.u32 v2, $0x1388  }
0xcc: {  	[tilespmem:$0x70] =	vst v1  }
0xcd: {  	[spmem:s2] =	stream.indirect.scatter.add.f32 [tilespmem:s15], [sflag:$0x1], $0x80, s3, s15, $0xb8;
	[tilespmem:$0x18080] =	vst v63  }
0xce: {  	_ =	swait.ge [sflag:s14], $0x4000  }
0xcf: {  	[sflag:s14] =	ssyncset.done $0x0  }
0xd0: {  	[sflag:s14] =	ssyncadd.s32 $0xFFFFC000  }
0xd1: {  	[bflag:$0x0] =	sbarrier.arrive $0xFFFF  }
0xd2: {  	[tilespmem:s13], [sflag:$0x1] =	stream.linear.gather [spmem:s6], $0xA000, $0x38;
	[tilespmem:$0x18080] =	vst v63  }
0xd3: {  	_ =	swait.ge [sflag:s14], $0xA000  }
0xd4: {  	s16 =	sadd.s32 $0x1, s16;
	[sflag:s14] =	ssyncset.done $0x0  }
0xd5: {  	p0 =	sne.s32 s16, s9;
	[sflag:s14] =	ssyncadd.s32 $0xFFFF6000  }
0xd6: {  	[hbm4b:s8+s3] =	stream.linear.scatter [tilespmem:s13], [sflag:$0x1], $0xA000, $0x38;
	[tilespmem:$0x18080] =	vst v63  }
.Ltmp6:
0xd7: {  	_ = 	snop;
	(pc) =	sbr.rel @p0 .LBB2_1-.Ltmp6, $4  }
.Ltmp7:
0xd8: {  	_ = 	snop;
	(pc) =	sbr.rel @!p0 .LBB2_10-.Ltmp7, $4  }
0xd9: {  	_ =	swait.ge [sflag:s14], $0xA000  }
0xda: {  	[sflag:s14] =	ssyncset.done $0x0  }
0xdb: {  	[sflag:s14] =	ssyncadd.s32 $0xFFFF6000  }
0xdc: {  	_ = 	snop  }
.LBB2_6:
.Ltmp8:
0xdd: {  	(pc) =	sbr.rel .LBB2_9-.Ltmp8, $2  }
0xde: {  	_ =	sdelay $0x2  }
0xdf: {  	s20 =	smov.u32 s17  }
.LBB2_10:
0xe0: {  	_ =	sfence.sel $0x180000  }
0xe1: {  	[bflag:$0x0] =	sbarrier.arrive $0xFFFF  }
0xe2: {  	p0 =	sne.s32 s0, $0x0;
	_ =	strace $0x9000004A  }
0xe3: {  	s0 =	sadd.s32 @!p0 $0x100000, s1;
	[bflag:$0x2] =	sbarrier.arrive $0xFFFF  }
0xe4: {  	[sflag:s0] =	ssyncadd.tile.s32 @!p0 $0x1;
	_ =	shalt  }
.Lfunc_end2:
_tile_overlayer_lowered:
.L_overlay_start_2:
0xe5: {  	(tag) =	ssettag $0x2  }
0xe6: {  	s0 =	rddreg [dreg:$0x0];
	s2 =	stileid.u32  }
0xe7: {  	s1 =	rddreg [dreg:$0x1];
	p0 =	sne.s32 s2, $0x0  }
0xe8: {  	s3 =	rddreg [dreg:$0x2];
	[bflag:$0x3] =	sbarrier.arrive $0xFFFF;
	s2 =	simm.s32 @!p0 $0x1C01  }
0xe9: {  	[timem:s3], [sflag:s2] =	dma.local @!p0 [hbm:s0], s1  }
0xea: {  	s0 =	simm.s32 @!p0 $0x1  }
0xeb: {  	_ =	swait.ge @!p0 [sflag:s0], s1  }
0xec: {  	s1 =	ssub.s32 @!p0 $0x0, s1;
	[sflag:s0] =	ssyncset.done @!p0 $0x0  }
0xed: {  	[sflag:s0] =	ssyncadd.s32 @!p0 s1  }
0xee: {  	[bflag:$0x3] =	sbarrier.arrive $0xFFFF  }
0xef: {  	_ =	shalt  }

// kernel: kernel.17.cloned.1.call-start
scs
__scs_entry_jumppad:
0x0: {  	(pc) =	sbr.rel $0x88, $3  }
0x1: {  	(tag) =	ssettag $0x0;
	lr =	simm.s32 $0x1  }
0x2: {  	[smem:$0x3F45] =	sst lr;
	_ =	strace $0xD0000000  }
0x3: {  	_ = 	snop  }
0x4: {  	_ = 	snop  }
0x5: {  	_ = 	snop  }
0x6: {  	_ = 	snop  }
0x7: {  	_ = 	snop  }
__scs_overlays_trampoline_lowered:
0x8: {  	[smem:$0x3F54] =	sst s0  }
0x9: {  	[smem:$0x3F55] =	sst s1  }
0xa: {  	[smem:$0x3F56] =	sst s2  }
0xb: {  	[smem:$0x3F57] =	sst s3  }
0xc: {  	[smem:$0x3F58] =	sst s4  }
0xd: {  	[smem:$0x3F59] =	sst s5  }
0xe: {  	[smem:$0x3F5A] =	sst s6  }
0xf: {  	[smem:$0x3F5B] =	sst s7  }
0x10: {  	[smem:$0x3F5C] =	sst s8  }
0x11: {  	[smem:$0x3F5D] =	sst s9;
	s0 =	simm.s32 @!p0 $0x0  }
0x12: {  	s1 =	sld [smem:$0x3F43];
	s0 =	simm.s32 @p0 $0x1  }
0x13: {  	[smem:$0x3F5E] =	sst s0;
	s0 =	simm.s32 @!p1 $0x0  }
0x14: {  	s2 =	sld [smem:$0x3F42];
	s0 =	simm.s32 @p1 $0x1  }
0x15: {  	[smem:$0x3F5F] =	sst s0;
	s0 =	simm.s32 @!p2 $0x0  }
0x16: {  	s3 =	sld [smem:$0x3FDB];
	s0 =	simm.s32 @p2 $0x1  }
0x17: {  	s4 =	simm.s32 $0x1BF5;
	[smem:$0x3F61] =	sst s0  }
0x18: {  	s0 =	sld [smem:$0x3F44];
	_ =	swait.ge [sflag:s4], $0x0  }
0x19: {  	s7 =	sld [smem:$0x3F45]  }
0x1a: {  	s8 =	sadd.s32 $0xFFFFE003, lr  }
0x1b: {  	s9 =	sadd.s32 $0xFFFFFEF7, lr;
	s5 =	simm.s32 $0xFFFFFFFF;
	p2 =	slt.u32 s8, $0xFFFFF086  }
0x1c: {  	p1 =	slt.u32 s9, $0xF7A;
	s5 =	simm.s32 @!p2 $0x0  }
0x1d: {  	s5 =	simm.s32 @p1 $0x1;
	p0 =	seq.s32 s7, s2  }
0x1e: {  	s7 =	smul.u32 @!p0 $0xF7A, s2;
	p2 =	seq.s32 @!p0 s5, $0x0  }
0x1f: {  	s9 =	smul.u32 $0xF7A, s1;
	s8 =	simm.s32 @!p0 $0x1BF5;
	p2 =	por !p2, p0  }
0x20: {  	[sflag:s8] =	ssyncset.s32 @!p0 $0xFFFFF086;
	s6 =	sadd.s32 @!p0 s3, s7;
	s7 =	simm.s32 @!p0 $0x108  }
0x21: {  	s3 =	sadd.s32 s3, s9;
	s6 =	sadd.s32 @!p0 $0x88, s6;
	s7 =	simm.s32 @p2 $0x1082  }
0x22: {  	[simem:s7], [sflag:s8] =	dma.local @!p0 [hbm:s6], $0xF7A  }
0x23: {  	s9 =	sor.u32 $0xD0000000, s2;
	s6 =	simm.s32 $0x108;
	_ =	swait.ge @!p0 [sflag:s8], $0x0  }
0x24: {  	s3 =	sadd.s32 $0x88, s3;
	s6 =	simm.s32 @!p1 $0x1082;
	[sflag:s4] =	ssyncset.s32 $0xFFFFF086  }
0x25: {  	[simem:s6], [sflag:s4] =	dma.local [hbm:s3], $0xF7A  }
0x26: {  	[smem:$0x3F45] =	sst s1;
	(tag) =	ssettag s2;
	_ =	strace s9  }
0x27: {  	s1 =	sld [smem:$0x3F55]  }
0x28: {  	s2 =	sld [smem:$0x3F56]  }
0x29: {  	s4 =	sld [smem:$0x3F58]  }
0x2a: {  	p0 =	seq.s32 s5, $0x0;
	s5 =	sld [smem:$0x3F59]  }
0x2b: {  	s6 =	sld [smem:$0x3F5A]  }
0x2c: {  	s7 =	sld [smem:$0x3F5B]  }
0x2d: {  	s3 =	simm.s32 $0x108;
	s8 =	sld [smem:$0x3F5C]  }
0x2e: {  	s3 =	simm.s32 @!p0 $0x1082;
	s9 =	sld [smem:$0x3F5D]  }
0x2f: {  	lr =	sadd.s32 s0, s3;
	s0 =	sld [smem:$0x3F54]  }
0x30: {  	s3 =	sld [smem:$0x3F57]  }
0x31: {  	[smem:$0x3F60] =	sst s10  }
0x32: {  	s10 =	sld [smem:$0x3F5E];
	_ =	sdelay $0x3  }
0x33: {  	p0 =	seq.s32 s10, $0x1;
	s10 =	sld [smem:$0x3F60];
	_ =	sdelay $0x3  }
0x34: {  	[smem:$0x3F60] =	sst s10  }
0x35: {  	s10 =	sld [smem:$0x3F5F];
	_ =	sdelay $0x3  }
0x36: {  	p1 =	seq.s32 s10, $0x1;
	s10 =	sld [smem:$0x3F60];
	_ =	sdelay $0x3  }
0x37: {  	[smem:$0x3F60] =	sst s10  }
0x38: {  	s10 =	sld [smem:$0x3F61]  }
0x39: {  	_ = 	snop;
	(pc) =	sbr.ind lr, $3  }
0x3a: {  	_ = 	snop  }
0x3b: {  	_ = 	snop  }
0x3c: {  	p2 =	seq.s32 s10, $0x1;
	s10 =	sld [smem:$0x3F60]  }
0x3d: {  	_ =	shalt  }
0x3e: {  	_ =	shalt  }
0x3f: {  	_ =	shalt  }
0x40: {  	_ =	shalt  }
0x41: {  	_ =	shalt  }
0x42: {  	_ =	shalt  }
0x43: {  	_ =	shalt  }
0x44: {  	_ =	shalt  }
0x45: {  	_ =	shalt  }
0x46: {  	_ =	shalt  }
0x47: {  	_ =	shalt  }
0x48: {  	_ =	shalt  }
0x49: {  	_ =	shalt  }
0x4a: {  	_ =	shalt  }
0x4b: {  	_ =	shalt  }
0x4c: {  	_ =	shalt  }
0x4d: {  	_ =	shalt  }
0x4e: {  	_ =	shalt  }
0x4f: {  	_ =	shalt  }
0x50: {  	_ =	shalt  }
0x51: {  	_ =	shalt  }
0x52: {  	_ =	shalt  }
0x53: {  	_ =	shalt  }
0x54: {  	_ =	shalt  }
0x55: {  	_ =	shalt  }
0x56: {  	_ =	shalt  }
0x57: {  	_ =	shalt  }
0x58: {  	_ =	shalt  }
0x59: {  	_ =	shalt  }
0x5a: {  	_ =	shalt  }
0x5b: {  	_ =	shalt  }
0x5c: {  	_ =	shalt  }
0x5d: {  	_ =	shalt  }
0x5e: {  	_ =	shalt  }
0x5f: {  	_ =	shalt  }
0x60: {  	_ =	shalt  }
0x61: {  	_ =	shalt  }
0x62: {  	_ =	shalt  }
0x63: {  	_ =	shalt  }
0x64: {  	_ =	shalt  }
0x65: {  	_ =	shalt  }
0x66: {  	_ =	shalt  }
0x67: {  	_ =	shalt  }
0x68: {  	_ =	shalt  }
0x69: {  	_ =	shalt  }
0x6a: {  	_ =	shalt  }
0x6b: {  	_ =	shalt  }
0x6c: {  	_ =	shalt  }
0x6d: {  	_ =	shalt  }
0x6e: {  	_ =	shalt  }
0x6f: {  	_ =	shalt  }
0x70: {  	_ =	shalt  }
0x71: {  	_ =	shalt  }
0x72: {  	_ =	shalt  }
0x73: {  	_ =	shalt  }
0x74: {  	_ =	shalt  }
0x75: {  	_ =	shalt  }
0x76: {  	_ =	shalt  }
0x77: {  	_ =	shalt  }
0x78: {  	_ =	shalt  }
0x79: {  	_ =	shalt  }
0x7a: {  	_ =	shalt  }
0x7b: {  	_ =	shalt  }
0x7c: {  	_ =	shalt  }
0x7d: {  	_ =	shalt  }
0x7e: {  	_ =	shalt  }
0x7f: {  	_ =	shalt  }
0x80: {  	_ =	shalt  }
0x81: {  	_ =	shalt  }
0x82: {  	_ =	shalt  }
0x83: {  	_ =	shalt  }
0x84: {  	_ =	shalt  }
0x85: {  	_ =	shalt  }
0x86: {  	_ =	shalt  }
0x87: {  	_ =	shalt  }
.Lfunc_end0:
.L_simem_size_0:
called_computation.2_lowered:
.L_overlay_start_0:
0x88: {  	s2 =	sld [smem:$0x3FD9]  }
0x89: {  	s3 =	sld [smem:$0x3FFE];
	_ =	sdelay $0x1  }
0x8a: {  	s1 =	srdreg.scid  }
0x8b: {  	s0 =	sand.u32 $0x1, s1  }
0x8c: {  	s14 =	sshll.u32 s0, $0xA;
	s2 =	sadd.s32 s3, s2  }
0x8d: {  	s2 =	sadd.s32 s2, s14  }
0x8e: {  	[smem:$0x3F6C] =	sst s2  }
0x8f: {  	_ = 	snop  }
0x90: {  	s2 =	sld [smem:$0x3FD0];
	_ =	sdelay $0x2  }
0x91: {  	s15 =	simm.s32 $0xA;
	s4 =	simm.s32 $0x10  }
0x92: {  	[smem:s4], [sflag:s15] =	dma.local [hbm:s2], $0x1  }
0x93: {  	_ =	swait.eq [sflag:s15], $0x1  }
0x94: {  	[sflag:s15] =	ssyncset.done $0x0  }
0x95: {  	[sflag:s15] =	ssyncadd.s32 $0xFFFFFFFF  }
0x96: {  	s16 =	sld [smem:$0x12];
	(tm) =	ssettm $0x1  }
0x97: {  	s17 =	sld [smem:$0x3FFB];
	_ =	sdelay $0x3  }
0x98: {  	_ =	strace s17  }
0x99: {  	s3 =	sld [smem:$0x3FFC];
	_ =	sdelay $0x3  }
0x9a: {  	_ =	strace s3  }
0x9b: {  	s3 =	sld [smem:$0x3FFD];
	_ =	sdelay $0x3  }
0x9c: {  	_ =	strace s3  }
0x9d: {  	_ =	strace $0x8FFFFFFF  }
0x9e: {  	s18 =	sld [smem:$0x3FDB];
	_ =	sdelay $0x1  }
0x9f: {  	s19 =	simm.s32 $_scs_section_size  }
0xa0: {  	s5 =	simm.s32 $_size__tile_overlayer_lowered;
	s6 =	simm.s32 $_tile_overlayer_lowered  }
0xa1: {  	s22 =	simm.s32 $0x1BFF;
	s21 =	sshll.u32 s6, $0x1;
	s3 =	sadd.s32 s19, s18  }
0xa2: {  	s7 =	simm.s32 $0x0;
	s20 =	sshll.u32 s5, $0x1;
	s5 =	sadd.s32 s21, s3  }
0xa3: {  	[timem:s7], [sflag:s22] =	dma.local [hbm:s5], s20  }
0xa4: {  	_ =	swait.ge [sflag:s22], s20  }
0xa5: {  	s4 =	ssub.s32 $0x0, s20;
	[sflag:s22] =	ssyncset.done $0x0  }
0xa6: {  	[sflag:s22] =	ssyncadd.s32 s4;
	_ =	sdelay $0x1  }
0xa7: {  	s23 =	simm.s32 $0x1B8B  }
0xa8: {  	_ =	swait.ge [sflag:s23], $0x1  }
0xa9: {  	[sflag:s23] =	ssyncset.done $0x0  }
0xaa: {  	s25 =	simm.s32 $0x1B8E;
	s24 =	sld [smem:$0x3FFE];
	[sflag:s23] =	ssyncadd.s32 $0xFFFFFFFF  }
0xab: {  	s26 =	simm.s32 $execute0_lowered;
	[smem:$0x3FD2] =	sst s25  }
0xac: {  	s5 =	sshll.u32 s26, $0x1;
	_ =	strace $0x8000004C;
	[dreg:$0x1] =	wrdreg $0xFFFFFFFF  }
0xad: {  	s28 =	simm.s32 $_size_execute0_lowered;
	s3 =	sadd.s32 s3, s5;
	[dreg:$0x0] =	wrdreg $0x0  }
0xae: {  	s5 =	sshll.u32 s28, $0x1;
	[dreg:$0x2] =	wrdreg s3  }
0xaf: {  	[dreg:$0x3] =	wrdreg s5  }
0xb0: {  	[dreg:$0x4] =	wrdreg $0xC0  }
0xb1: {  	_ =	task [dreg:s7], $0x5FFFF  }
0xb2: {  	[dreg:$0x1] =	wrdreg $0xFFFFFFFF  }
0xb3: {  	[dreg:$0x0] =	wrdreg $0x60  }
0xb4: {  	[dreg:$0x2] =	wrdreg s24  }
0xb5: {  	[dreg:$0x3] =	wrdreg s16  }
0xb6: {  	[dreg:$0x4] =	wrdreg $0x9  }
0xb7: {  	_ =	task.clear_ibuf [dreg:s7], $0x5FFFF;
	_ =	strace $0x9000004C  }
0xb8: {  	s29 =	simm.s32 $0x9;
	_ =	strace $0x8000004E  }
0xb9: {  	_ =	swait.ge [sflag:s29], $0x1  }
0xba: {  	[sflag:s29] =	ssyncadd.s32 $0xFFFFFFFF  }
0xbb: {  	_ =	strace $0x9000004E  }
0xbc: {  	_ =	sfence  }
0xbd: {  	s30 =	sld [smem:$0x0];
	_ =	sdelay $0x2  }
0xbe: {  	s31 =	sshll.u32 s1, $0xD;
	s1 =	sshrl.u32 s1, $0x2  }
0xbf: {  	s3 =	sand.u32 $0x4000, s31;
	s1 =	sadd.s32 s1, s30  }
0xc0: {  	s0 =	sor.u32 s3, s0;
	s1 =	sshll.u32 s1, $0x11  }
0xc1: {  	s0 =	sor.u32 s1, s0  }
0xc2: {  	s0 =	sadd.s32 $0x8F2B, s0  }
0xc3: {  	[sflag:s0] =	ssyncadd.remote.s32 $0x1  }
0xc4: {  	_ =	sfence.sel $0xFFFF  }
0xc5: {  	[dreg:$0x0] =	wrdreg $0xFFFFFFFF;
	(pc) =	sbr.abs _section_cstart, $3  }
0xc6: {  	[dreg:$0x1] =	wrdreg $0xFFFFFFFF  }
0xc7: {  	_ =	task.clear_ibuf [dreg:s7], $0x2FFFF;
	_ =	strace $0x9FFFFFFF  }
0xc8: {  	(tm) =	ssettm $0x7FFFFFFF  }
0xc9: {  	_ =	shalt  }
tec
execute0_lowered:
.L_overlay_start_1:
0x0: {  	(tag) =	ssettag $0x1  }
0x1: {  	s0 =	srdreg.scid;
	s9 =	stileid.u32  }
0x2: {  	s1 =	rddreg [dreg:$0x0];
	s0 =	sand.u32 $0x1, s0;
	s2 =	sshll.u32 s9, $0x1  }
0x3: {  	s4 =	rddreg [dreg:$0x1];
	s6 =	sor.u32 s0, s2;
	s2 =	simm.s32 $0x0  }
0x4: {  	s8 =	simm.s32 $0x80;
	s31 =	simm.s32 $0x900;
	[smem:$0x7FF] =	sst s2  }
0x5: {  	s10 =	simm.s32 $0x1900;
	_ =	strace $0x8000004D;
	[dreg:$0x3] =	wrdreg s8  }
0x6: {  	s12 =	simm.s32 $0x2100;
	s13 =	simm.s32 $0x2900;
	[dreg:$0x4] =	wrdreg s31  }
0x7: {  	s14 =	simm.s32 $0x3100;
	s15 =	simm.s32 $0x3900;
	[dreg:$0x6] =	wrdreg s10  }
0x8: {  	s16 =	simm.s32 $0x4100;
	s17 =	simm.s32 $0x4900;
	[dreg:$0x7] =	wrdreg s12  }
0x9: {  	s19 =	simm.s32 $0x5100;
	s21 =	simm.s32 $0x5900;
	[dreg:$0x8] =	wrdreg s13  }
0xa: {  	s23 =	simm.s32 $0x6100;
	s24 =	simm.s32 $0x6900;
	[dreg:$0x9] =	wrdreg s14  }
0xb: {  	s25 =	simm.s32 $0x7100;
	s26 =	simm.s32 $0x7900;
	[dreg:$0xa] =	wrdreg s15  }
0xc: {  	s28 =	simm.s32 $0x1;
	s29 =	simm.s32 $0x2;
	[dreg:$0xb] =	wrdreg s16  }
0xd: {  	s30 =	simm.s32 $0x0;
	s3 =	smul.u32 $0x4E, s9;
	[dreg:$0xc] =	wrdreg s17  }
0xe: {  	p0 =	seq.s32 s9, $0x0;
	s5 =	smul.u32 $0x27, s0;
	[dreg:$0xd] =	wrdreg s19  }
0xf: {  	s0 =	ssub.s32 $0x2, s0;
	s6 =	smin.u32 s6, $0x2;
	[dreg:$0xe] =	wrdreg s21  }
0x10: {  	s11 =	sshrl.u32 s0, $0x1;
	s3 =	sadd.s32 s5, s3;
	[dreg:$0xf] =	wrdreg s23  }
0x11: {  	s8 =	simm.s32 $0x1100;
	s0 =	ssub.s32 s0, s11;
	[dreg:$0x10] =	wrdreg s24  }
0x12: {  	s10 =	simm.s32 $0x3;
	s11 =	simm.s32 $0x100;
	[dreg:$0x11] =	wrdreg s25  }
0x13: {  	[dreg:$0x12] =	wrdreg s26;
	s12 =	simm.s32 $0x8100;
	s31 =	simm.s32 $0x8900  }
0x14: {  	s13 =	simm.s32 $0x9100;
	s14 =	simm.s32 $0x9900;
	s15 =	simm.s32 $0xA100  }
0x15: {  	s16 =	simm.s32 $0xA900;
	s17 =	simm.s32 $0xB100;
	s19 =	simm.s32 $0xC100  }
0x16: {  	s21 =	simm.s32 $0xD100;
	s23 =	simm.s32 $0xE100;
	s24 =	simm.s32 $0xE900  }
0x17: {  	s5 =	sadd.s32 s6, s3;
	s3 =	sadd.s32 $0x7B400, s1;
	[dreg:$0x5] =	wrdreg s8  }
0x18: {  	s0 =	smax.u32 s0, $0x1;
	s6 =	sshll.u32 s5, $0x4;
	s5 =	sshll.u32 s5, $0xC  }
0x19: {  	[dreg:$0x13] =	wrdreg s31;
	s7 =	sadd.s32 s6, s1;
	s1 =	sadd.s32 s5, s1  }
0x1a: {  	s25 =	simm.s32 $0xF100;
	[dreg:$0x14] =	wrdreg s0;
	s18 =	sadd.s32 $0xC9600, s1  }
0x1b: {  	s26 =	simm.s32 $0xF900;
	s20 =	sadd.s32 $0xCABC00, s1;
	[dreg:$0x15] =	wrdreg s18  }
0x1c: {  	v2 =	vlaneseq.u32;
	s5 =	simm.s32 $0x28;
	s22 =	sadd.s32 $0x17E00, s7;
	[dreg:$0x16] =	wrdreg s20  }
0x1d: {  	vm0 =	vmmov $0xffff;
	v1 =	vshrl.u32 v2, $0x3;
	s9 =	sadd.s32 s6, s4;
	s5 =	simm.s32 @!p0 $0x27;
	[dreg:$0x17] =	wrdreg s22  }
0x1e: {  	v0 =	vand.u32 $0x7, v2;
	v2 =	vor.u32 $0x8, v2;
	v1 =	vmul.u32 $0x8, v1;
	s18 =	simm.s32 $0xB900;
	s20 =	simm.s32 $0xC900;
	s22 =	simm.s32 $0xD900  }
.LBB2_1:
0x1f: {  	s8 =	rddreg [dreg:$0x17]  }
0x20: {  	s7 =	rddreg [dreg:$0x16]  }
0x21: {  	s31 =	smov.u32 s9;
	s6 =	rddreg [dreg:$0x15];
	s4 =	smov.u32 s5  }
.LBB2_2:
0x22: {  	[tilespmem:s2], [sflag:$0x3] =	stream.linear.gather [hbm4b:s8+s2], $0x80, $0x38;
	[tilespmem:$0x10100] =	vst v63  }
0x23: {  	_ =	swait.ge [sflag:s10], $0x80  }
0x24: {  	[sflag:s10] =	ssyncset.done $0x0  }
0x25: {  	s0 =	rddreg [dreg:$0x3];
	[sflag:s10] =	ssyncadd.s32 $0xFFFFFF80  }
0x26: {  	[tilespmem:s0], [sflag:$0x3] =	stream.linear.gather [hbm4b:s31+s2], $0x80, $0x38;
	[tilespmem:$0x10100] =	vst v63  }
0x27: {  	_ =	swait.ge [sflag:s10], $0x80  }
0x28: {  	[sflag:s10] =	ssyncset.done $0x0  }
0x29: {  	[sflag:s10] =	ssyncadd.s32 $0xFFFFFF80  }
0x2a: {  	v3 =	vld [tilespmem:$0x0];
	_ =	sdelay $0x4  }
0x2b: {  	v4 =	vshll.u32 v3, $0x1  }
0x2c: {  	v3 =	vand.u32 $0x7, v3;
	v4 =	vand.u32 $0xFFFFFFF0, v4  }
0x2d: {  	v3 =	vor.u32 v3, v4  }
0x2e: {  	v4 =	vperm.xlane v3, v0;
	_ =	sdelay $0x1  }
0x2f: {  	v3 =	vperm.xlane v3, v2;
	v4 =	vadd.s32 v1, v4;
	_ =	sdelay $0x1  }
0x30: {  	v3 =	vadd.s32 v1, v3;
	_ =	sdelay $0x2  }
0x31: {  	[tilespmem:s11], [sflag:$0x1] =	stream.indirect_vreg.gather [hbm4b:s3+s2], $0x80, v4, vm0, $0xb8;
	[tilespmem:$0x10100] =	vst v63  }
0x32: {  	s1 =	rddreg [dreg:$0x4]  }
0x33: {  	[tilespmem:s1], [sflag:$0x1] =	stream.indirect_vreg.gather [hbm4b:s3+s2], $0x80, v3, vm0, $0xb8;
	[tilespmem:$0x10100] =	vst v63  }
0x34: {  	v3 =	vld [tilespmem:$0x10];
	_ =	sdelay $0x4  }
0x35: {  	v49 =	vshll.u32 v3, $0x1  }
0x36: {  	v3 =	vand.u32 $0x7, v3;
	v4 =	vand.u32 $0xFFFFFFF0, v49  }
0x37: {  	v3 =	vor.u32 v3, v4  }
0x38: {  	v4 =	vperm.xlane v3, v0;
	_ =	sdelay $0x1  }
0x39: {  	v3 =	vperm.xlane v3, v2;
	v4 =	vadd.s32 v1, v4;
	_ =	sdelay $0x1  }
0x3a: {  	v3 =	vadd.s32 v1, v3;
	_ =	sdelay $0x1  }
0x3b: {  	s0 =	rddreg [dreg:$0x5]  }
0x3c: {  	[tilespmem:s0], [sflag:$0x1] =	stream.indirect_vreg.gather [hbm4b:s3+s2], $0x80, v4, vm0, $0xb8;
	[tilespmem:$0x10100] =	vst v63  }
0x3d: {  	s1 =	rddreg [dreg:$0x6]  }
0x3e: {  	[tilespmem:s1], [sflag:$0x1] =	stream.indirect_vreg.gather [hbm4b:s3+s2], $0x80, v3, vm0, $0xb8;
	[tilespmem:$0x10100] =	vst v63  }
0x3f: {  	v3 =	vld [tilespmem:$0x20];
	_ =	sdelay $0x4  }
0x40: {  	v50 =	vshll.u32 v3, $0x1  }
0x41: {  	v3 =	vand.u32 $0x7, v3;
	v4 =	vand.u32 $0xFFFFFFF0, v50  }
0x42: {  	v3 =	vor.u32 v3, v4  }
0x43: {  	v4 =	vperm.xlane v3, v0;
	_ =	sdelay $0x1  }
0x44: {  	v3 =	vperm.xlane v3, v2;
	v4 =	vadd.s32 v1, v4;
	_ =	sdelay $0x1  }
0x45: {  	v3 =	vadd.s32 v1, v3;
	_ =	sdelay $0x1  }
0x46: {  	s0 =	rddreg [dreg:$0x7]  }
0x47: {  	[tilespmem:s0], [sflag:$0x1] =	stream.indirect_vreg.gather [hbm4b:s3+s2], $0x80, v4, vm0, $0xb8;
	[tilespmem:$0x10100] =	vst v63  }
0x48: {  	s1 =	rddreg [dreg:$0x8]  }
0x49: {  	[tilespmem:s1], [sflag:$0x1] =	stream.indirect_vreg.gather [hbm4b:s3+s2], $0x80, v3, vm0, $0xb8;
	[tilespmem:$0x10100] =	vst v63  }
0x4a: {  	v3 =	vld [tilespmem:$0x30];
	_ =	sdelay $0x4  }
0x4b: {  	v51 =	vshll.u32 v3, $0x1  }
0x4c: {  	v3 =	vand.u32 $0x7, v3;
	v4 =	vand.u32 $0xFFFFFFF0, v51  }
0x4d: {  	v3 =	vor.u32 v3, v4  }
0x4e: {  	v4 =	vperm.xlane v3, v0;
	_ =	sdelay $0x1  }
0x4f: {  	v3 =	vperm.xlane v3, v2;
	v4 =	vadd.s32 v1, v4;
	_ =	sdelay $0x1  }
0x50: {  	v3 =	vadd.s32 v1, v3;
	_ =	sdelay $0x1  }
0x51: {  	s0 =	rddreg [dreg:$0x9]  }
0x52: {  	[tilespmem:s0], [sflag:$0x1] =	stream.indirect_vreg.gather [hbm4b:s3+s2], $0x80, v4, vm0, $0xb8;
	[tilespmem:$0x10100] =	vst v63  }
0x53: {  	s1 =	rddreg [dreg:$0xa]  }
0x54: {  	[tilespmem:s1], [sflag:$0x1] =	stream.indirect_vreg.gather [hbm4b:s3+s2], $0x80, v3, vm0, $0xb8;
	[tilespmem:$0x10100] =	vst v63  }
0x55: {  	v3 =	vld [tilespmem:$0x40];
	_ =	sdelay $0x4  }
0x56: {  	v52 =	vshll.u32 v3, $0x1  }
0x57: {  	v3 =	vand.u32 $0x7, v3;
	v4 =	vand.u32 $0xFFFFFFF0, v52  }
0x58: {  	v3 =	vor.u32 v3, v4  }
0x59: {  	v4 =	vperm.xlane v3, v0;
	_ =	sdelay $0x1  }
0x5a: {  	v3 =	vperm.xlane v3, v2;
	v4 =	vadd.s32 v1, v4;
	_ =	sdelay $0x1  }
0x5b: {  	v3 =	vadd.s32 v1, v3;
	_ =	sdelay $0x1  }
0x5c: {  	s0 =	rddreg [dreg:$0xb]  }
0x5d: {  	[tilespmem:s0], [sflag:$0x1] =	stream.indirect_vreg.gather [hbm4b:s3+s2], $0x80, v4, vm0, $0xb8;
	[tilespmem:$0x10100] =	vst v63  }
0x5e: {  	s1 =	rddreg [dreg:$0xc]  }
0x5f: {  	[tilespmem:s1], [sflag:$0x1] =	stream.indirect_vreg.gather [hbm4b:s3+s2], $0x80, v3, vm0, $0xb8;
	[tilespmem:$0x10100] =	vst v63  }
0x60: {  	v3 =	vld [tilespmem:$0x50];
	_ =	sdelay $0x4  }
0x61: {  	v53 =	vshll.u32 v3, $0x1  }
0x62: {  	v3 =	vand.u32 $0x7, v3;
	v4 =	vand.u32 $0xFFFFFFF0, v53  }
0x63: {  	v3 =	vor.u32 v3, v4  }
0x64: {  	v4 =	vperm.xlane v3, v0;
	_ =	sdelay $0x1  }
0x65: {  	v3 =	vperm.xlane v3, v2;
	v4 =	vadd.s32 v1, v4;
	_ =	sdelay $0x1  }
0x66: {  	v3 =	vadd.s32 v1, v3;
	_ =	sdelay $0x1  }
0x67: {  	s0 =	rddreg [dreg:$0xd]  }
0x68: {  	[tilespmem:s0], [sflag:$0x1] =	stream.indirect_vreg.gather [hbm4b:s3+s2], $0x80, v4, vm0, $0xb8;
	[tilespmem:$0x10100] =	vst v63  }
0x69: {  	s1 =	rddreg [dreg:$0xe]  }
0x6a: {  	[tilespmem:s1], [sflag:$0x1] =	stream.indirect_vreg.gather [hbm4b:s3+s2], $0x80, v3, vm0, $0xb8;
	[tilespmem:$0x10100] =	vst v63  }
0x6b: {  	v3 =	vld [tilespmem:$0x60];
	_ =	sdelay $0x4  }
0x6c: {  	v54 =	vshll.u32 v3, $0x1  }
0x6d: {  	v3 =	vand.u32 $0x7, v3;
	v4 =	vand.u32 $0xFFFFFFF0, v54  }
0x6e: {  	v3 =	vor.u32 v3, v4  }
0x6f: {  	v4 =	vperm.xlane v3, v0;
	_ =	sdelay $0x1  }
0x70: {  	v3 =	vperm.xlane v3, v2;
	v4 =	vadd.s32 v1, v4;
	_ =	sdelay $0x1  }
0x71: {  	v3 =	vadd.s32 v1, v3;
	_ =	sdelay $0x1  }
0x72: {  	s0 =	rddreg [dreg:$0xf]  }
0x73: {  	[tilespmem:s0], [sflag:$0x1] =	stream.indirect_vreg.gather [hbm4b:s3+s2], $0x80, v4, vm0, $0xb8;
	[tilespmem:$0x10100] =	vst v63  }
0x74: {  	s1 =	rddreg [dreg:$0x10]  }
0x75: {  	[tilespmem:s1], [sflag:$0x1] =	stream.indirect_vreg.gather [hbm4b:s3+s2], $0x80, v3, vm0, $0xb8;
	[tilespmem:$0x10100] =	vst v63  }
0x76: {  	v3 =	vld [tilespmem:$0x70];
	_ =	sdelay $0x4  }
0x77: {  	v55 =	vshll.u32 v3, $0x1  }
0x78: {  	v3 =	vand.u32 $0x7, v3;
	v4 =	vand.u32 $0xFFFFFFF0, v55  }
0x79: {  	v3 =	vor.u32 v3, v4  }
0x7a: {  	v4 =	vperm.xlane v3, v0;
	_ =	sdelay $0x1  }
0x7b: {  	v3 =	vperm.xlane v3, v2;
	v4 =	vadd.s32 v1, v4;
	_ =	sdelay $0x1  }
0x7c: {  	v3 =	vadd.s32 v1, v3;
	_ =	sdelay $0x1  }
0x7d: {  	s0 =	rddreg [dreg:$0x11]  }
0x7e: {  	[tilespmem:s0], [sflag:$0x1] =	stream.indirect_vreg.gather [hbm4b:s3+s2], $0x80, v4, vm0, $0xb8;
	[tilespmem:$0x10100] =	vst v63  }
0x7f: {  	s1 =	rddreg [dreg:$0x12]  }
0x80: {  	[tilespmem:s1], [sflag:$0x1] =	stream.indirect_vreg.gather [hbm4b:s3+s2], $0x80, v3, vm0, $0xb8;
	[tilespmem:$0x10100] =	vst v63  }
0x81: {  	v3 =	vld [tilespmem:$0x80];
	_ =	sdelay $0x4  }
0x82: {  	v56 =	vshll.u32 v3, $0x1  }
0x83: {  	v3 =	vand.u32 $0x7, v3;
	v4 =	vand.u32 $0xFFFFFFF0, v56  }
0x84: {  	v3 =	vor.u32 v3, v4  }
0x85: {  	v4 =	vperm.xlane v3, v0;
	_ =	sdelay $0x1  }
0x86: {  	v3 =	vperm.xlane v3, v2;
	v4 =	vadd.s32 v1, v4;
	_ =	sdelay $0x1  }
0x87: {  	v3 =	vadd.s32 v1, v3;
	_ =	sdelay $0x2  }
0x88: {  	[tilespmem:s12], [sflag:$0x2] =	stream.indirect_vreg.gather [hbm4b:s3+s2], $0x80, v4, vm0, $0xb8;
	[tilespmem:$0x10100] =	vst v63  }
0x89: {  	s1 =	rddreg [dreg:$0x13]  }
0x8a: {  	[tilespmem:s1], [sflag:$0x2] =	stream.indirect_vreg.gather [hbm4b:s3+s2], $0x80, v3, vm0, $0xb8;
	[tilespmem:$0x10100] =	vst v63  }
0x8b: {  	v3 =	vld [tilespmem:$0x90];
	_ =	sdelay $0x4  }
0x8c: {  	v57 =	vshll.u32 v3, $0x1  }
0x8d: {  	v3 =	vand.u32 $0x7, v3;
	v4 =	vand.u32 $0xFFFFFFF0, v57  }
0x8e: {  	v3 =	vor.u32 v3, v4  }
0x8f: {  	v4 =	vperm.xlane v3, v0;
	_ =	sdelay $0x1  }
0x90: {  	v3 =	vperm.xlane v3, v2;
	v4 =	vadd.s32 v1, v4;
	_ =	sdelay $0x1  }
0x91: {  	v3 =	vadd.s32 v1, v3;
	_ =	sdelay $0x2  }
0x92: {  	[tilespmem:s13], [sflag:$0x2] =	stream.indirect_vreg.gather [hbm4b:s3+s2], $0x80, v4, vm0, $0xb8;
	[tilespmem:$0x10100] =	vst v63  }
0x93: {  	_ = 	snop  }
0x94: {  	[tilespmem:s14], [sflag:$0x2] =	stream.indirect_vreg.gather [hbm4b:s3+s2], $0x80, v3, vm0, $0xb8;
	[tilespmem:$0x10100] =	vst v63  }
0x95: {  	v3 =	vld [tilespmem:$0xA0];
	_ =	sdelay $0x4  }
0x96: {  	v58 =	vshll.u32 v3, $0x1  }
0x97: {  	v3 =	vand.u32 $0x7, v3;
	v4 =	vand.u32 $0xFFFFFFF0, v58  }
0x98: {  	v3 =	vor.u32 v3, v4  }
0x99: {  	v4 =	vperm.xlane v3, v0;
	_ =	sdelay $0x1  }
0x9a: {  	v3 =	vperm.xlane v3, v2;
	v4 =	vadd.s32 v1, v4;
	_ =	sdelay $0x1  }
0x9b: {  	v3 =	vadd.s32 v1, v3;
	_ =	sdelay $0x2  }
0x9c: {  	[tilespmem:s15], [sflag:$0x2] =	stream.indirect_vreg.gather [hbm4b:s3+s2], $0x80, v4, vm0, $0xb8;
	[tilespmem:$0x10100] =	vst v63  }
0x9d: {  	_ = 	snop  }
0x9e: {  	[tilespmem:s16], [sflag:$0x2] =	stream.indirect_vreg.gather [hbm4b:s3+s2], $0x80, v3, vm0, $0xb8;
	[tilespmem:$0x10100] =	vst v63  }
0x9f: {  	v3 =	vld [tilespmem:$0xB0];
	_ =	sdelay $0x4  }
0xa0: {  	v59 =	vshll.u32 v3, $0x1  }
0xa1: {  	v3 =	vand.u32 $0x7, v3;
	v4 =	vand.u32 $0xFFFFFFF0, v59  }
0xa2: {  	v3 =	vor.u32 v3, v4  }
0xa3: {  	v4 =	vperm.xlane v3, v0;
	_ =	sdelay $0x1  }
0xa4: {  	v3 =	vperm.xlane v3, v2;
	v4 =	vadd.s32 v1, v4;
	_ =	sdelay $0x1  }
0xa5: {  	v3 =	vadd.s32 v1, v3;
	_ =	sdelay $0x2  }
0xa6: {  	[tilespmem:s17], [sflag:$0x2] =	stream.indirect_vreg.gather [hbm4b:s3+s2], $0x80, v4, vm0, $0xb8;
	[tilespmem:$0x10100] =	vst v63  }
0xa7: {  	_ = 	snop  }
0xa8: {  	[tilespmem:s18], [sflag:$0x2] =	stream.indirect_vreg.gather [hbm4b:s3+s2], $0x80, v3, vm0, $0xb8;
	[tilespmem:$0x10100] =	vst v63  }
0xa9: {  	v3 =	vld [tilespmem:$0xC0];
	_ =	sdelay $0x4  }
0xaa: {  	v60 =	vshll.u32 v3, $0x1  }
0xab: {  	v3 =	vand.u32 $0x7, v3;
	v4 =	vand.u32 $0xFFFFFFF0, v60  }
0xac: {  	v3 =	vor.u32 v3, v4  }
0xad: {  	v4 =	vperm.xlane v3, v0;
	_ =	sdelay $0x1  }
0xae: {  	v3 =	vperm.xlane v3, v2;
	v4 =	vadd.s32 v1, v4;
	_ =	sdelay $0x1  }
0xaf: {  	v3 =	vadd.s32 v1, v3;
	_ =	sdelay $0x2  }
0xb0: {  	[tilespmem:s19], [sflag:$0x2] =	stream.indirect_vreg.gather [hbm4b:s3+s2], $0x80, v4, vm0, $0xb8;
	[tilespmem:$0x10100] =	vst v63  }
0xb1: {  	_ = 	snop  }
0xb2: {  	[tilespmem:s20], [sflag:$0x2] =	stream.indirect_vreg.gather [hbm4b:s3+s2], $0x80, v3, vm0, $0xb8;
	[tilespmem:$0x10100] =	vst v63  }
0xb3: {  	v3 =	vld [tilespmem:$0xD0];
	_ =	sdelay $0x4  }
0xb4: {  	v61 =	vshll.u32 v3, $0x1  }
0xb5: {  	v3 =	vand.u32 $0x7, v3;
	v4 =	vand.u32 $0xFFFFFFF0, v61  }
0xb6: {  	v3 =	vor.u32 v3, v4  }
0xb7: {  	v4 =	vperm.xlane v3, v0;
	_ =	sdelay $0x1  }
0xb8: {  	v3 =	vperm.xlane v3, v2;
	v4 =	vadd.s32 v1, v4;
	_ =	sdelay $0x1  }
0xb9: {  	v3 =	vadd.s32 v1, v3;
	_ =	sdelay $0x2  }
0xba: {  	[tilespmem:s21], [sflag:$0x2] =	stream.indirect_vreg.gather [hbm4b:s3+s2], $0x80, v4, vm0, $0xb8;
	[tilespmem:$0x10100] =	vst v63  }
0xbb: {  	_ = 	snop  }
0xbc: {  	[tilespmem:s22], [sflag:$0x2] =	stream.indirect_vreg.gather [hbm4b:s3+s2], $0x80, v3, vm0, $0xb8;
	[tilespmem:$0x10100] =	vst v63  }
0xbd: {  	v3 =	vld [tilespmem:$0xE0];
	_ =	sdelay $0x4  }
0xbe: {  	v62 =	vshll.u32 v3, $0x1  }
0xbf: {  	v3 =	vand.u32 $0x7, v3;
	v4 =	vand.u32 $0xFFFFFFF0, v62  }
0xc0: {  	v3 =	vor.u32 v3, v4  }
0xc1: {  	v4 =	vperm.xlane v3, v0;
	_ =	sdelay $0x1  }
0xc2: {  	v3 =	vperm.xlane v3, v2;
	v4 =	vadd.s32 v1, v4;
	_ =	sdelay $0x1  }
0xc3: {  	v3 =	vadd.s32 v1, v3;
	_ =	sdelay $0x2  }
0xc4: {  	[tilespmem:s23], [sflag:$0x2] =	stream.indirect_vreg.gather [hbm4b:s3+s2], $0x80, v4, vm0, $0xb8;
	[tilespmem:$0x10100] =	vst v63  }
0xc5: {  	_ = 	snop  }
0xc6: {  	[tilespmem:s24], [sflag:$0x2] =	stream.indirect_vreg.gather [hbm4b:s3+s2], $0x80, v3, vm0, $0xb8;
	[tilespmem:$0x10100] =	vst v63  }
0xc7: {  	v3 =	vld [tilespmem:$0xF0];
	_ =	sdelay $0x4  }
0xc8: {  	v63 =	vshll.u32 v3, $0x1  }
0xc9: {  	v3 =	vand.u32 $0x7, v3;
	v4 =	vand.u32 $0xFFFFFFF0, v63  }
0xca: {  	v3 =	vor.u32 v3, v4  }
0xcb: {  	v4 =	vperm.xlane v3, v0;
	_ =	sdelay $0x1  }
0xcc: {  	v3 =	vperm.xlane v3, v2;
	v4 =	vadd.s32 v1, v4;
	_ =	sdelay $0x1  }
0xcd: {  	v3 =	vadd.s32 v1, v3;
	_ =	sdelay $0x2  }
0xce: {  	[tilespmem:s25], [sflag:$0x2] =	stream.indirect_vreg.gather [hbm4b:s3+s2], $0x80, v4, vm0, $0xb8;
	[tilespmem:$0x10100] =	vst v63  }
0xcf: {  	_ = 	snop  }
0xd0: {  	[tilespmem:s26], [sflag:$0x2] =	stream.indirect_vreg.gather [hbm4b:s3+s2], $0x80, v3, vm0, $0xb8;
	[tilespmem:$0x10100] =	vst v63  }
0xd1: {  	_ =	swait.ge [sflag:s28], $0x8000  }
0xd2: {  	[sflag:s28] =	ssyncset.done $0x0  }
0xd3: {  	[sflag:s28] =	ssyncadd.s32 $0xFFFF8000  }
0xd4: {  	[hbm4b:s6+s2] =	stream.linear.scatter [tilespmem:s11], [sflag:$0x3], $0x8000, $0x38;
	[tilespmem:$0x10100] =	vst v63  }
0xd5: {  	_ =	swait.ge [sflag:s10], $0x8000  }
0xd6: {  	[sflag:s10] =	ssyncset.done $0x0  }
0xd7: {  	[sflag:s10] =	ssyncadd.s32 $0xFFFF8000  }
0xd8: {  	_ =	swait.ge [sflag:s29], $0x8000  }
0xd9: {  	p0 =	sne.s32 s4, $0x1;
	[sflag:s29] =	ssyncset.done $0x0  }
.Ltmp0:
0xda: {  	[sflag:s29] =	ssyncadd.s32 $0xFFFF8000;
	(pc) =	sbr.rel @p0 .LBB2_2-.Ltmp0, $4  }
0xdb: {  	[hbm4b:s7+s2] =	stream.linear.scatter [tilespmem:s12], [sflag:$0x3], $0x8000, $0x38;
	[tilespmem:$0x10100] =	vst v63  }
0xdc: {  	s8 =	sadd.s32 $0x10, s8;
	_ =	swait.ge [sflag:s10], $0x8000  }
0xdd: {  	s4 =	sadd.s32 $0xFFFFFFFF, s4;
	s31 =	sadd.s32 $0x10, s31;
	[sflag:s10] =	ssyncset.done $0x0  }
0xde: {  	s6 =	sadd.s32 $0x1000, s6;
	s7 =	sadd.s32 $0x1000, s7;
	[sflag:s10] =	ssyncadd.s32 $0xFFFF8000  }
0xdf: {  	s30 =	sadd.s32 $0x1, s30;
	s0 =	rddreg [dreg:$0x14]  }
0xe0: {  	p0 =	sne.s32 s30, s0  }
.Ltmp1:
0xe1: {  	_ = 	snop;
	(pc) =	sbr.rel @p0 .LBB2_1-.Ltmp1, $1  }
0xe2: {  	_ =	sdelay $0x3  }
0xe3: {  	_ =	sfence.sel $0x180000  }
0xe4: {  	[bflag:$0x0] =	sbarrier.arrive $0xFFFF  }
0xe5: {  	_ =	strace $0x9000004D  }
0xe6: {  	s0 =	stileid.u32;
	[bflag:$0x2] =	sbarrier.arrive $0xFFFF  }
0xe7: {  	p0 =	sne.s32 s0, $0x0;
	s0 =	rddreg [dreg:$0x2]  }
0xe8: {  	s0 =	sadd.s32 @!p0 $0x100000, s0  }
0xe9: {  	[sflag:s0] =	ssyncadd.tile.s32 @!p0 $0x1;
	_ =	shalt  }
.Lfunc_end2:
_tile_overlayer_lowered:
.L_overlay_start_2:
0xea: {  	(tag) =	ssettag $0x2  }
0xeb: {  	s0 =	rddreg [dreg:$0x0];
	s2 =	stileid.u32  }
0xec: {  	s1 =	rddreg [dreg:$0x1];
	p0 =	sne.s32 s2, $0x0  }
0xed: {  	s3 =	rddreg [dreg:$0x2];
	[bflag:$0x3] =	sbarrier.arrive $0xFFFF;
	s2 =	simm.s32 @!p0 $0x1C03  }
0xee: {  	[timem:s3], [sflag:s2] =	dma.local @!p0 [hbm:s0], s1  }
0xef: {  	s0 =	simm.s32 @!p0 $0x3  }
0xf0: {  	_ =	swait.ge @!p0 [sflag:s0], s1  }
0xf1: {  	s1 =	ssub.s32 @!p0 $0x0, s1;
	[sflag:s0] =	ssyncset.done @!p0 $0x0  }
0xf2: {  	[sflag:s0] =	ssyncadd.s32 @!p0 s1  }
0xf3: {  	[bflag:$0x3] =	sbarrier.arrive $0xFFFF  }
0xf4: {  	_ =	shalt  }

// kernel: kernel.20.cloned.1.call-start
scs
__scs_entry_jumppad:
0x0: {  	(pc) =	sbr.rel $0x88, $3  }
0x1: {  	(tag) =	ssettag $0x0;
	lr =	simm.s32 $0x1  }
0x2: {  	[smem:$0x3F45] =	sst lr;
	_ =	strace $0xD0000000  }
0x3: {  	_ = 	snop  }
0x4: {  	_ = 	snop  }
0x5: {  	_ = 	snop  }
0x6: {  	_ = 	snop  }
0x7: {  	_ = 	snop  }
__scs_overlays_trampoline_lowered:
0x8: {  	[smem:$0x3F54] =	sst s0  }
0x9: {  	[smem:$0x3F55] =	sst s1  }
0xa: {  	[smem:$0x3F56] =	sst s2  }
0xb: {  	[smem:$0x3F57] =	sst s3  }
0xc: {  	[smem:$0x3F58] =	sst s4  }
0xd: {  	[smem:$0x3F59] =	sst s5  }
0xe: {  	[smem:$0x3F5A] =	sst s6  }
0xf: {  	[smem:$0x3F5B] =	sst s7  }
0x10: {  	[smem:$0x3F5C] =	sst s8  }
0x11: {  	[smem:$0x3F5D] =	sst s9;
	s0 =	simm.s32 @!p0 $0x0  }
0x12: {  	s1 =	sld [smem:$0x3F43];
	s0 =	simm.s32 @p0 $0x1  }
0x13: {  	[smem:$0x3F5E] =	sst s0;
	s0 =	simm.s32 @!p1 $0x0  }
0x14: {  	s2 =	sld [smem:$0x3F42];
	s0 =	simm.s32 @p1 $0x1  }
0x15: {  	[smem:$0x3F5F] =	sst s0;
	s0 =	simm.s32 @!p2 $0x0  }
0x16: {  	s3 =	sld [smem:$0x3FDB];
	s0 =	simm.s32 @p2 $0x1  }
0x17: {  	s4 =	simm.s32 $0x1BF5;
	[smem:$0x3F61] =	sst s0  }
0x18: {  	s0 =	sld [smem:$0x3F44];
	_ =	swait.ge [sflag:s4], $0x0  }
0x19: {  	s7 =	sld [smem:$0x3F45]  }
0x1a: {  	s8 =	sadd.s32 $0xFFFFE003, lr  }
0x1b: {  	s9 =	sadd.s32 $0xFFFFFEF7, lr;
	s5 =	simm.s32 $0xFFFFFFFF;
	p2 =	slt.u32 s8, $0xFFFFF086  }
0x1c: {  	p1 =	slt.u32 s9, $0xF7A;
	s5 =	simm.s32 @!p2 $0x0  }
0x1d: {  	s5 =	simm.s32 @p1 $0x1;
	p0 =	seq.s32 s7, s2  }
0x1e: {  	s7 =	smul.u32 @!p0 $0xF7A, s2;
	p2 =	seq.s32 @!p0 s5, $0x0  }
0x1f: {  	s9 =	smul.u32 $0xF7A, s1;
	s8 =	simm.s32 @!p0 $0x1BF5;
	p2 =	por !p2, p0  }
0x20: {  	[sflag:s8] =	ssyncset.s32 @!p0 $0xFFFFF086;
	s6 =	sadd.s32 @!p0 s3, s7;
	s7 =	simm.s32 @!p0 $0x108  }
0x21: {  	s3 =	sadd.s32 s3, s9;
	s6 =	sadd.s32 @!p0 $0x88, s6;
	s7 =	simm.s32 @p2 $0x1082  }
0x22: {  	[simem:s7], [sflag:s8] =	dma.local @!p0 [hbm:s6], $0xF7A  }
0x23: {  	s9 =	sor.u32 $0xD0000000, s2;
	s6 =	simm.s32 $0x108;
	_ =	swait.ge @!p0 [sflag:s8], $0x0  }
0x24: {  	s3 =	sadd.s32 $0x88, s3;
	s6 =	simm.s32 @!p1 $0x1082;
	[sflag:s4] =	ssyncset.s32 $0xFFFFF086  }
0x25: {  	[simem:s6], [sflag:s4] =	dma.local [hbm:s3], $0xF7A  }
0x26: {  	[smem:$0x3F45] =	sst s1;
	(tag) =	ssettag s2;
	_ =	strace s9  }
0x27: {  	s1 =	sld [smem:$0x3F55]  }
0x28: {  	s2 =	sld [smem:$0x3F56]  }
0x29: {  	s4 =	sld [smem:$0x3F58]  }
0x2a: {  	p0 =	seq.s32 s5, $0x0;
	s5 =	sld [smem:$0x3F59]  }
0x2b: {  	s6 =	sld [smem:$0x3F5A]  }
0x2c: {  	s7 =	sld [smem:$0x3F5B]  }
0x2d: {  	s3 =	simm.s32 $0x108;
	s8 =	sld [smem:$0x3F5C]  }
0x2e: {  	s3 =	simm.s32 @!p0 $0x1082;
	s9 =	sld [smem:$0x3F5D]  }
0x2f: {  	lr =	sadd.s32 s0, s3;
	s0 =	sld [smem:$0x3F54]  }
0x30: {  	s3 =	sld [smem:$0x3F57]  }
0x31: {  	[smem:$0x3F60] =	sst s10  }
0x32: {  	s10 =	sld [smem:$0x3F5E];
	_ =	sdelay $0x3  }
0x33: {  	p0 =	seq.s32 s10, $0x1;
	s10 =	sld [smem:$0x3F60];
	_ =	sdelay $0x3  }
0x34: {  	[smem:$0x3F60] =	sst s10  }
0x35: {  	s10 =	sld [smem:$0x3F5F];
	_ =	sdelay $0x3  }
0x36: {  	p1 =	seq.s32 s10, $0x1;
	s10 =	sld [smem:$0x3F60];
	_ =	sdelay $0x3  }
0x37: {  	[smem:$0x3F60] =	sst s10  }
0x38: {  	s10 =	sld [smem:$0x3F61]  }
0x39: {  	_ = 	snop;
	(pc) =	sbr.ind lr, $3  }
0x3a: {  	_ = 	snop  }
0x3b: {  	_ = 	snop  }
0x3c: {  	p2 =	seq.s32 s10, $0x1;
	s10 =	sld [smem:$0x3F60]  }
0x3d: {  	_ =	shalt  }
0x3e: {  	_ =	shalt  }
0x3f: {  	_ =	shalt  }
0x40: {  	_ =	shalt  }
0x41: {  	_ =	shalt  }
0x42: {  	_ =	shalt  }
0x43: {  	_ =	shalt  }
0x44: {  	_ =	shalt  }
0x45: {  	_ =	shalt  }
0x46: {  	_ =	shalt  }
0x47: {  	_ =	shalt  }
0x48: {  	_ =	shalt  }
0x49: {  	_ =	shalt  }
0x4a: {  	_ =	shalt  }
0x4b: {  	_ =	shalt  }
0x4c: {  	_ =	shalt  }
0x4d: {  	_ =	shalt  }
0x4e: {  	_ =	shalt  }
0x4f: {  	_ =	shalt  }
0x50: {  	_ =	shalt  }
0x51: {  	_ =	shalt  }
0x52: {  	_ =	shalt  }
0x53: {  	_ =	shalt  }
0x54: {  	_ =	shalt  }
0x55: {  	_ =	shalt  }
0x56: {  	_ =	shalt  }
0x57: {  	_ =	shalt  }
0x58: {  	_ =	shalt  }
0x59: {  	_ =	shalt  }
0x5a: {  	_ =	shalt  }
0x5b: {  	_ =	shalt  }
0x5c: {  	_ =	shalt  }
0x5d: {  	_ =	shalt  }
0x5e: {  	_ =	shalt  }
0x5f: {  	_ =	shalt  }
0x60: {  	_ =	shalt  }
0x61: {  	_ =	shalt  }
0x62: {  	_ =	shalt  }
0x63: {  	_ =	shalt  }
0x64: {  	_ =	shalt  }
0x65: {  	_ =	shalt  }
0x66: {  	_ =	shalt  }
0x67: {  	_ =	shalt  }
0x68: {  	_ =	shalt  }
0x69: {  	_ =	shalt  }
0x6a: {  	_ =	shalt  }
0x6b: {  	_ =	shalt  }
0x6c: {  	_ =	shalt  }
0x6d: {  	_ =	shalt  }
0x6e: {  	_ =	shalt  }
0x6f: {  	_ =	shalt  }
0x70: {  	_ =	shalt  }
0x71: {  	_ =	shalt  }
0x72: {  	_ =	shalt  }
0x73: {  	_ =	shalt  }
0x74: {  	_ =	shalt  }
0x75: {  	_ =	shalt  }
0x76: {  	_ =	shalt  }
0x77: {  	_ =	shalt  }
0x78: {  	_ =	shalt  }
0x79: {  	_ =	shalt  }
0x7a: {  	_ =	shalt  }
0x7b: {  	_ =	shalt  }
0x7c: {  	_ =	shalt  }
0x7d: {  	_ =	shalt  }
0x7e: {  	_ =	shalt  }
0x7f: {  	_ =	shalt  }
0x80: {  	_ =	shalt  }
0x81: {  	_ =	shalt  }
0x82: {  	_ =	shalt  }
0x83: {  	_ =	shalt  }
0x84: {  	_ =	shalt  }
0x85: {  	_ =	shalt  }
0x86: {  	_ =	shalt  }
0x87: {  	_ =	shalt  }
.Lfunc_end0:
.L_simem_size_0:
called_computation.3_lowered:
.L_overlay_start_0:
0x88: {  	s2 =	sld [smem:$0x3FD9]  }
0x89: {  	s3 =	sld [smem:$0x3FFE];
	_ =	sdelay $0x1  }
0x8a: {  	s1 =	srdreg.scid  }
0x8b: {  	s0 =	sand.u32 $0x1, s1  }
0x8c: {  	s14 =	sshll.u32 s0, $0xA;
	s2 =	sadd.s32 s3, s2  }
0x8d: {  	s2 =	sadd.s32 s2, s14  }
0x8e: {  	[smem:$0x3F6C] =	sst s2  }
0x8f: {  	_ = 	snop  }
0x90: {  	s2 =	sld [smem:$0x3FD0];
	_ =	sdelay $0x2  }
0x91: {  	s15 =	simm.s32 $0xA;
	s4 =	simm.s32 $0x10  }
0x92: {  	[smem:s4], [sflag:s15] =	dma.local [hbm:s2], $0x1  }
0x93: {  	_ =	swait.eq [sflag:s15], $0x1  }
0x94: {  	[sflag:s15] =	ssyncset.done $0x0  }
0x95: {  	s16 =	sld [smem:$0x12];
	[sflag:s15] =	ssyncadd.s32 $0xFFFFFFFF  }
0x96: {  	s17 =	sld [smem:$0x13];
	(tm) =	ssettm $0x1  }
0x97: {  	s18 =	sld [smem:$0x3FFB];
	_ =	sdelay $0x3  }
0x98: {  	_ =	strace s18  }
0x99: {  	s4 =	sld [smem:$0x3FFC];
	_ =	sdelay $0x3  }
0x9a: {  	_ =	strace s4  }
0x9b: {  	s4 =	sld [smem:$0x3FFD];
	_ =	sdelay $0x3  }
0x9c: {  	_ =	strace s4  }
0x9d: {  	_ =	strace $0x8FFFFFFF  }
0x9e: {  	s19 =	sld [smem:$0x3FDB];
	_ =	sdelay $0x1  }
0x9f: {  	s5 =	simm.s32 $_scs_section_size  }
0xa0: {  	s6 =	simm.s32 $_size__tile_overlayer_lowered;
	s7 =	simm.s32 $_tile_overlayer_lowered  }
0xa1: {  	s22 =	simm.s32 $0x1BFF;
	s21 =	sshll.u32 s7, $0x1;
	s4 =	sadd.s32 s5, s19  }
0xa2: {  	s8 =	simm.s32 $0x0;
	s20 =	sshll.u32 s6, $0x1;
	s6 =	sadd.s32 s21, s4  }
0xa3: {  	[timem:s8], [sflag:s22] =	dma.local [hbm:s6], s20  }
0xa4: {  	_ =	swait.ge [sflag:s22], s20  }
0xa5: {  	s5 =	ssub.s32 $0x0, s20;
	[sflag:s22] =	ssyncset.done $0x0  }
0xa6: {  	[sflag:s22] =	ssyncadd.s32 s5;
	_ =	sdelay $0x1  }
0xa7: {  	s23 =	simm.s32 $0x1B8B  }
0xa8: {  	_ =	swait.ge [sflag:s23], $0x1  }
0xa9: {  	[sflag:s23] =	ssyncset.done $0x0  }
0xaa: {  	s25 =	simm.s32 $0x1B8E;
	s24 =	sld [smem:$0x3FFE];
	[sflag:s23] =	ssyncadd.s32 $0xFFFFFFFF  }
0xab: {  	s26 =	simm.s32 $execute0_lowered;
	[smem:$0x3FD2] =	sst s25  }
0xac: {  	s6 =	sshll.u32 s26, $0x1;
	_ =	strace $0x8000004F;
	[dreg:$0x1] =	wrdreg $0xFFFFFFFF  }
0xad: {  	s28 =	simm.s32 $_size_execute0_lowered;
	s4 =	sadd.s32 s4, s6;
	[dreg:$0x0] =	wrdreg $0x0  }
0xae: {  	s6 =	sshll.u32 s28, $0x1;
	[dreg:$0x2] =	wrdreg s4  }
0xaf: {  	[dreg:$0x3] =	wrdreg s6  }
0xb0: {  	[dreg:$0x4] =	wrdreg $0xC0  }
0xb1: {  	_ =	task [dreg:s8], $0x5FFFF  }
0xb2: {  	[dreg:$0x1] =	wrdreg $0xFFFFFFFF  }
0xb3: {  	[dreg:$0x0] =	wrdreg $0x60  }
0xb4: {  	[dreg:$0x2] =	wrdreg s24  }
0xb5: {  	[dreg:$0x3] =	wrdreg s16  }
0xb6: {  	[dreg:$0x4] =	wrdreg s17  }
0xb7: {  	[dreg:$0x5] =	wrdreg $0xE0800  }
0xb8: {  	[dreg:$0x6] =	wrdreg $0x9  }
0xb9: {  	_ =	task.clear_ibuf [dreg:s8], $0x7FFFF;
	_ =	strace $0x9000004F  }
0xba: {  	s29 =	simm.s32 $0x9;
	_ =	strace $0x80000051  }
0xbb: {  	_ =	swait.ge [sflag:s29], $0x1  }
0xbc: {  	[sflag:s29] =	ssyncadd.s32 $0xFFFFFFFF  }
0xbd: {  	_ =	strace $0x90000051  }
0xbe: {  	_ =	sfence  }
0xbf: {  	s30 =	sld [smem:$0x0];
	_ =	sdelay $0x2  }
0xc0: {  	s31 =	sshll.u32 s1, $0xD;
	s1 =	sshrl.u32 s1, $0x2  }
0xc1: {  	s3 =	sand.u32 $0x4000, s31;
	s1 =	sadd.s32 s1, s30  }
0xc2: {  	s0 =	sor.u32 s3, s0;
	s1 =	sshll.u32 s1, $0x11  }
0xc3: {  	s0 =	sor.u32 s1, s0  }
0xc4: {  	s0 =	sadd.s32 $0x8F2B, s0  }
0xc5: {  	[sflag:s0] =	ssyncadd.remote.s32 $0x1  }
0xc6: {  	_ =	sfence.sel $0xFFFF  }
0xc7: {  	[dreg:$0x0] =	wrdreg $0xFFFFFFFF;
	(pc) =	sbr.abs _section_cstart, $3  }
0xc8: {  	[dreg:$0x1] =	wrdreg $0xFFFFFFFF  }
0xc9: {  	_ =	task.clear_ibuf [dreg:s8], $0x2FFFF;
	_ =	strace $0x9FFFFFFF  }
0xca: {  	(tm) =	ssettm $0x7FFFFFFF  }
0xcb: {  	_ =	shalt  }
tec
execute0_lowered:
.L_overlay_start_1:
0x0: {  	(tag) =	ssettag $0x1  }
0x1: {  	s4 =	rddreg [dreg:$0x0]  }
0x2: {  	s11 =	rddreg [dreg:$0x1]  }
0x3: {  	s7 =	rddreg [dreg:$0x2];
	s1 =	stileid.u32  }
0x4: {  	s2 =	rddreg [dreg:$0x3];
	s6 =	smul.u32 $0x27000, s1  }
0x5: {  	s0 =	rddreg [dreg:$0x4];
	s9 =	smul.u32 $0x28000, s1  }
0x6: {  	s3 =	simm.s32 $0x0;
	s5 =	srdreg.scid;
	s25 =	smul.u32 $0xA000, s1  }
0x7: {  	[smem:$0x7FF] =	sst s3;
	s5 =	sand.u32 $0x1, s5;
	s16 =	smul.u32 $0x4E0, s1  }
0x8: {  	s15 =	smin.u32 s1, $0x2;
	p0 =	slt.u32 s1, $0x2;
	s12 =	smul.u32 $0x140000, s5  }
0x9: {  	_ =	strace $0x80000050;
	s8 =	ssub.s32 $0x2, s5;
	s14 =	smul.u32 $0x1388, s5  }
0xa: {  	s5 =	simm.s32 $0x4F;
	s30 =	sshll.u32 s15, $0xB;
	s31 =	sshll.u32 s15, $0x4  }
0xb: {  	s15 =	simm.s32 $0x80;
	s10 =	sadd.s32 s6, s4;
	s24 =	sshrl.u32 s8, $0x1  }
0xc: {  	s4 =	sadd.s32 $0x1DE00, s4;
	s26 =	sshrl.u32 s9, $0x2;
	s5 =	simm.s32 @!p0 $0x4E  }
0xd: {  	s11 =	sadd.s32 s16, s11;
	s16 =	simm.s32 $0x0;
	s13 =	ssub.s32 s8, s24  }
0xe: {  	s28 =	sadd.s32 s25, s12;
	s6 =	sadd.s32 s26, s2;
	s12 =	sadd.s32 s30, s10  }
0xf: {  	s11 =	sadd.s32 s31, s11;
	v0 =	vmov s14;
	s14 =	simm.s32 $0x1;
	s29 =	sshrl.u32 s28, $0x3  }
0x10: {  	s9 =	smax.u32 s13, $0x1;
	s10 =	sadd.s32 $0x5AB600, s12;
	s7 =	sadd.s32 s7, s29  }
0x11: {  	s12 =	sadd.s32 $0x118DC00, s12;
	s13 =	simm.s32 $0x4080;
	s8 =	sadd.s32 $0x14000, s7  }
.LBB2_1:
0x12: {  	[tilespmem:s13], [sflag:$0x1] =	stream.linear.gather [hbm4b:s4+s3], $0xA000, $0x38;
	[tilespmem:$0x18080] =	vst v63  }
0x13: {  	_ =	swait.ge [sflag:s14], $0xA000  }
0x14: {  	[sflag:s14] =	ssyncset.done $0x0  }
0x15: {  	p1 =	sne.s32 s5, $0x1;
	[sflag:s14] =	ssyncadd.s32 $0xFFFF6000  }
0x16: {  	[spmem:s6] =	stream.linear.scatter [tilespmem:s13], [sflag:$0x1], $0xA000, $0x38;
	[tilespmem:$0x18080] =	vst v63  }
.Ltmp0:
0x17: {  	_ =	swait.ge [sflag:s14], $0xA000;
	(pc) =	sbr.rel @!p1 .LBB2_4-.Ltmp0, $4  }
0x18: {  	[sflag:s14] =	ssyncset.done $0x0  }
0x19: {  	s18 =	sadd.s32 $0xFFFFFFFF, s5;
	[sflag:s14] =	ssyncadd.s32 $0xFFFF6000  }
0x1a: {  	p0 =	por $0x0, $0x0;
	s17 =	sadd.s32 $0x10, s11;
	[bflag:$0x0] =	sbarrier.arrive $0xFFFF  }
0x1b: {  	s20 =	smov.u32 s11;
	s19 =	smov.u32 s10;
	p2 =	por $0x0, $0x0  }
0x1c: {  	[tilespmem:s3], [sflag:$0x1] =	stream.linear.gather [hbm4b:s11+s3], $0x80, $0x38;
	[tilespmem:$0x18080] =	vst v63  }
0x1d: {  	_ =	swait.ge [sflag:s14], $0x80  }
0x1e: {  	[sflag:s14] =	ssyncset.done $0x0  }
0x1f: {  	[sflag:s14] =	ssyncadd.s32 $0xFFFFFF80  }
0x20: {  	[tilespmem:s15], [sflag:$0x1] =	stream.linear.gather [hbm4b:s10+s3], $0x4000, $0x38;
	[tilespmem:$0x18080] =	vst v63  }
0x21: {  	_ =	swait.ge [sflag:s14], $0x4000  }
0x22: {  	[sflag:s14] =	ssyncset.done $0x0  }
0x23: {  	[sflag:s14] =	ssyncadd.s32 $0xFFFFC000  }
0x24: {  	v1 =	vld [tilespmem:$0x20]  }
0x25: {  	v2 =	vld [tilespmem:$0x30]  }
0x26: {  	v3 =	vld [tilespmem:$0x50]  }
0x27: {  	v4 =	vld [tilespmem:$0x10]  }
0x28: {  	v5 =	vld [tilespmem:$0x40]  }
0x29: {  	v6 =	vld [tilespmem:$0x0];
	v1 =	vsub.s32 v1, v0  }
0x2a: {  	v7 =	vld [tilespmem:$0x60];
	v2 =	vsub.s32 v2, v0;
	v1 =	vmin.u32 v1, $0x1388  }
0x2b: {  	p3 =	sne.s32 s18, $0x1;
	[tilespmem:$0x20] =	vst v1;
	v1 =	vmin.u32 v2, $0x1388;
	v2 =	vsub.s32 v3, v0;
	v3 =	vld [tilespmem:$0x70]  }
.Ltmp1:
0x2c: {  	v4 =	vsub.s32 v4, v0;
	[tilespmem:$0x30] =	vst v1;
	v1 =	vmin.u32 v2, $0x1388;
	(pc) =	sbr.rel @!p3 .LBB2_4-.Ltmp1, $4  }
0x2d: {  	v63 =	vsub.s32 v5, v0;
	v2 =	vmin.u32 v4, $0x1388;
	[tilespmem:$0x50] =	vst v1  }
0x2e: {  	v1 =	vsub.s32 v6, v0;
	[tilespmem:$0x10] =	vst v2;
	v2 =	vmin.u32 v63, $0x1388  }
0x2f: {  	s19 =	sadd.s32 $0x800, s10;
	s20 =	sadd.s32 $0x10, s11;
	s21 =	sadd.s32 $0xFFFFFFFF, s18;
	v1 =	vmin.u32 v1, $0x1388;
	[tilespmem:$0x40] =	vst v2;
	v2 =	vsub.s32 v7, v0  }
0x30: {  	p2 =	por $0x1, $0x1;
	s22 =	smov.u32 s19;
	s23 =	smov.u32 s20;
	[tilespmem:$0x0] =	vst v1;
	v1 =	vmin.u32 v2, $0x1388;
	v2 =	vsub.s32 v3, v0  }
.LBB2_3:
0x31: {  	p3 =	sne.s32 s21, $0x1;
	s22 =	sadd.s32 $0x800, s22;
	s23 =	sadd.s32 $0x10, s23;
	[tilespmem:$0x60] =	vst v1;
	v1 =	vmin.u32 v2, $0x1388  }
0x32: {  	s21 =	sadd.s32 $0xFFFFFFFF, s21;
	[tilespmem:$0x70] =	vst v1  }
0x33: {  	[spmem:s2] =	stream.indirect.scatter.add.f32 [tilespmem:s15], [sflag:$0x1], $0x80, s3, s15, $0xb8;
	[tilespmem:$0x18080] =	vst v63  }
0x34: {  	_ =	swait.ge [sflag:s14], $0x4000  }
0x35: {  	[sflag:s14] =	ssyncset.done $0x0  }
0x36: {  	[sflag:s14] =	ssyncadd.s32 $0xFFFFC000  }
0x37: {  	[tilespmem:s3], [sflag:$0x1] =	stream.linear.gather [hbm4b:s20+s3], $0x80, $0x38;
	[tilespmem:$0x18080] =	vst v63  }
0x38: {  	s20 =	smov.u32 s23;
	_ =	swait.ge [sflag:s14], $0x80  }
0x39: {  	[sflag:s14] =	ssyncset.done $0x0  }
0x3a: {  	[sflag:s14] =	ssyncadd.s32 $0xFFFFFF80  }
0x3b: {  	[tilespmem:s15], [sflag:$0x1] =	stream.linear.gather [hbm4b:s19+s3], $0x4000, $0x38;
	[tilespmem:$0x18080] =	vst v63  }
0x3c: {  	s19 =	smov.u32 s22;
	_ =	swait.ge [sflag:s14], $0x4000  }
0x3d: {  	[sflag:s14] =	ssyncset.done $0x0  }
0x3e: {  	[sflag:s14] =	ssyncadd.s32 $0xFFFFC000  }
0x3f: {  	v1 =	vld [tilespmem:$0x20]  }
0x40: {  	v2 =	vld [tilespmem:$0x30]  }
0x41: {  	v3 =	vld [tilespmem:$0x50]  }
0x42: {  	v4 =	vld [tilespmem:$0x10]  }
0x43: {  	v5 =	vld [tilespmem:$0x40]  }
0x44: {  	v6 =	vld [tilespmem:$0x0];
	v1 =	vsub.s32 v1, v0  }
0x45: {  	v1 =	vmin.u32 v1, $0x1388;
	v2 =	vsub.s32 v2, v0;
	v7 =	vld [tilespmem:$0x60]  }
0x46: {  	[tilespmem:$0x20] =	vst v1;
	v1 =	vmin.u32 v2, $0x1388;
	v2 =	vsub.s32 v3, v0;
	v3 =	vld [tilespmem:$0x70]  }
.Ltmp2:
0x47: {  	v4 =	vsub.s32 v4, v0;
	[tilespmem:$0x30] =	vst v1;
	v1 =	vmin.u32 v2, $0x1388;
	(pc) =	sbr.rel @p3 .LBB2_3-.Ltmp2, $4  }
0x48: {  	v2 =	vmin.u32 v4, $0x1388;
	v4 =	vsub.s32 v5, v0;
	[tilespmem:$0x50] =	vst v1  }
0x49: {  	v1 =	vsub.s32 v6, v0;
	[tilespmem:$0x10] =	vst v2;
	v2 =	vmin.u32 v4, $0x1388  }
0x4a: {  	v1 =	vmin.u32 v1, $0x1388;
	[tilespmem:$0x40] =	vst v2;
	v2 =	vsub.s32 v7, v0  }
0x4b: {  	[tilespmem:$0x0] =	vst v1;
	v1 =	vmin.u32 v2, $0x1388;
	v2 =	vsub.s32 v3, v0  }
.LBB2_4:
0x4c: {  	[tilespmem:$0x60] =	vst @p2 v1;
	v1 =	vmin.u32 @p2 v2, $0x1388  }
0x4d: {  	[tilespmem:$0x70] =	vst @p2 v1  }
0x4e: {  	[spmem:s2] =	stream.indirect.scatter.add.f32 @p2 [tilespmem:s15], [sflag:$0x1], $0x80, s3, s15, $0xb8;
	[tilespmem:$0x18080] =	vst v63  }
0x4f: {  	_ =	swait.ge @p2 [sflag:s14], $0x4000  }
0x50: {  	[sflag:s14] =	ssyncset.done @p2 $0x0  }
0x51: {  	[sflag:s14] =	ssyncadd.s32 @p2 $0xFFFFC000  }
0x52: {  	[tilespmem:s3], [sflag:$0x1] =	stream.linear.gather [hbm4b:s20+s3], $0x80, $0x38;
	[tilespmem:$0x18080] =	vst v63  }
0x53: {  	_ =	swait.ge [sflag:s14], $0x80  }
0x54: {  	[sflag:s14] =	ssyncset.done $0x0  }
0x55: {  	[sflag:s14] =	ssyncadd.s32 $0xFFFFFF80  }
0x56: {  	[tilespmem:s15], [sflag:$0x1] =	stream.linear.gather [hbm4b:s19+s3], $0x4000, $0x38;
	[tilespmem:$0x18080] =	vst v63  }
0x57: {  	_ =	swait.ge [sflag:s14], $0x4000  }
0x58: {  	[sflag:s14] =	ssyncset.done $0x0  }
0x59: {  	[sflag:s14] =	ssyncadd.s32 $0xFFFFC000  }
0x5a: {  	v1 =	vld [tilespmem:$0x20]  }
0x5b: {  	v2 =	vld [tilespmem:$0x30]  }
0x5c: {  	v3 =	vld [tilespmem:$0x50]  }
0x5d: {  	v4 =	vld [tilespmem:$0x10]  }
0x5e: {  	v5 =	vld [tilespmem:$0x40]  }
0x5f: {  	v6 =	vld [tilespmem:$0x0];
	v1 =	vsub.s32 v1, v0  }
0x60: {  	v7 =	vld [tilespmem:$0x60];
	v2 =	vsub.s32 v2, v0;
	v1 =	vmin.u32 v1, $0x1388  }
0x61: {  	[tilespmem:$0x20] =	vst v1;
	v1 =	vmin.u32 v2, $0x1388;
	v2 =	vsub.s32 v3, v0;
	v3 =	vld [tilespmem:$0x70]  }
0x62: {  	v4 =	vsub.s32 v4, v0;
	[tilespmem:$0x30] =	vst v1;
	v1 =	vmin.u32 v2, $0x1388  }
0x63: {  	v63 =	vsub.s32 v5, v0;
	v2 =	vmin.u32 v4, $0x1388;
	[tilespmem:$0x50] =	vst v1  }
0x64: {  	v1 =	vsub.s32 v6, v0;
	[tilespmem:$0x10] =	vst v2;
	v2 =	vmin.u32 v63, $0x1388  }
0x65: {  	v1 =	vmin.u32 v1, $0x1388;
	[tilespmem:$0x40] =	vst v2;
	v2 =	vsub.s32 v7, v0  }
0x66: {  	[tilespmem:$0x0] =	vst v1;
	v1 =	vmin.u32 v2, $0x1388;
	v2 =	vsub.s32 v3, v0  }
0x67: {  	[tilespmem:$0x60] =	vst v1;
	v1 =	vmin.u32 v2, $0x1388  }
0x68: {  	[tilespmem:$0x70] =	vst v1  }
0x69: {  	[spmem:s2] =	stream.indirect.scatter.add.f32 [tilespmem:s15], [sflag:$0x1], $0x80, s3, s15, $0xb8;
	[tilespmem:$0x18080] =	vst v63  }
0x6a: {  	_ =	swait.ge [sflag:s14], $0x4000  }
0x6b: {  	[sflag:s14] =	ssyncset.done $0x0  }
0x6c: {  	[sflag:s14] =	ssyncadd.s32 $0xFFFFC000  }
0x6d: {  	[bflag:$0x0] =	sbarrier.arrive $0xFFFF  }
0x6e: {  	[tilespmem:s13], [sflag:$0x1] =	stream.linear.gather [spmem:s6], $0xA000, $0x38;
	[tilespmem:$0x18080] =	vst v63  }
0x6f: {  	_ =	swait.ge [sflag:s14], $0xA000  }
0x70: {  	[sflag:s14] =	ssyncset.done $0x0  }
0x71: {  	[sflag:s14] =	ssyncadd.s32 $0xFFFF6000  }
0x72: {  	[hbm4b:s7+s3] =	stream.linear.scatter [tilespmem:s13], [sflag:$0x1], $0xA000, $0x38;
	[tilespmem:$0x18080] =	vst v63  }
0x73: {  	_ =	swait.ge [sflag:s14], $0xA000  }
0x74: {  	[sflag:s14] =	ssyncset.done $0x0  }
0x75: {  	[sflag:s14] =	ssyncadd.s32 $0xFFFF6000  }
0x76: {  	[tilespmem:s13], [sflag:$0x1] =	stream.linear.gather [hbm4b:s4+s3], $0xA000, $0x38;
	[tilespmem:$0x18080] =	vst v63  }
0x77: {  	_ =	swait.ge [sflag:s14], $0xA000  }
0x78: {  	[sflag:s14] =	ssyncset.done $0x0  }
0x79: {  	[sflag:s14] =	ssyncadd.s32 $0xFFFF6000  }
0x7a: {  	[spmem:s6] =	stream.linear.scatter [tilespmem:s13], [sflag:$0x1], $0xA000, $0x38;
	[tilespmem:$0x18080] =	vst v63  }
.Ltmp3:
0x7b: {  	_ =	swait.ge [sflag:s14], $0xA000;
	(pc) =	sbr.rel @!p1 .LBB2_9-.Ltmp3, $4  }
0x7c: {  	[sflag:s14] =	ssyncset.done $0x0  }
0x7d: {  	[sflag:s14] =	ssyncadd.s32 $0xFFFF6000  }
0x7e: {  	[bflag:$0x0] =	sbarrier.arrive $0xFFFF  }
0x7f: {  	s20 =	smov.u32 s11;
	s19 =	smov.u32 s12  }
0x80: {  	[tilespmem:s3], [sflag:$0x1] =	stream.linear.gather [hbm4b:s11+s3], $0x80, $0x38;
	[tilespmem:$0x18080] =	vst v63  }
0x81: {  	_ =	swait.ge [sflag:s14], $0x80  }
0x82: {  	[sflag:s14] =	ssyncset.done $0x0  }
0x83: {  	[sflag:s14] =	ssyncadd.s32 $0xFFFFFF80  }
0x84: {  	[tilespmem:s15], [sflag:$0x1] =	stream.linear.gather [hbm4b:s12+s3], $0x4000, $0x38;
	[tilespmem:$0x18080] =	vst v63  }
0x85: {  	_ =	swait.ge [sflag:s14], $0x4000  }
0x86: {  	[sflag:s14] =	ssyncset.done $0x0  }
0x87: {  	[sflag:s14] =	ssyncadd.s32 $0xFFFFC000  }
0x88: {  	v1 =	vld [tilespmem:$0x20]  }
0x89: {  	v2 =	vld [tilespmem:$0x30]  }
0x8a: {  	v3 =	vld [tilespmem:$0x50]  }
0x8b: {  	v4 =	vld [tilespmem:$0x10]  }
0x8c: {  	v5 =	vld [tilespmem:$0x40]  }
0x8d: {  	v6 =	vld [tilespmem:$0x0];
	v1 =	vsub.s32 v1, v0  }
0x8e: {  	v7 =	vld [tilespmem:$0x60];
	v2 =	vsub.s32 v2, v0;
	v1 =	vmin.u32 v1, $0x1388  }
0x8f: {  	p1 =	sne.s32 s18, $0x1;
	[tilespmem:$0x20] =	vst v1;
	v1 =	vmin.u32 v2, $0x1388;
	v2 =	vsub.s32 v3, v0;
	v3 =	vld [tilespmem:$0x70]  }
.Ltmp4:
0x90: {  	v4 =	vsub.s32 v4, v0;
	[tilespmem:$0x30] =	vst v1;
	v1 =	vmin.u32 v2, $0x1388;
	(pc) =	sbr.rel @!p1 .LBB2_6-.Ltmp4, $4  }
0x91: {  	v63 =	vsub.s32 v5, v0;
	v2 =	vmin.u32 v4, $0x1388;
	[tilespmem:$0x50] =	vst v1  }
0x92: {  	v1 =	vsub.s32 v6, v0;
	[tilespmem:$0x10] =	vst v2;
	v2 =	vmin.u32 v63, $0x1388  }
0x93: {  	s19 =	sadd.s32 $0x800, s12;
	s18 =	sadd.s32 $0xFFFFFFFF, s18;
	v1 =	vmin.u32 v1, $0x1388;
	[tilespmem:$0x40] =	vst v2;
	v2 =	vsub.s32 v7, v0  }
0x94: {  	p0 =	por $0x1, $0x1;
	s21 =	smov.u32 s17;
	s20 =	smov.u32 s19;
	[tilespmem:$0x0] =	vst v1;
	v1 =	vmin.u32 v2, $0x1388;
	v2 =	vsub.s32 v3, v0  }
.LBB2_7:
0x95: {  	p1 =	sne.s32 s18, $0x1;
	s20 =	sadd.s32 $0x800, s20;
	s21 =	sadd.s32 $0x10, s21;
	[tilespmem:$0x60] =	vst v1;
	v1 =	vmin.u32 v2, $0x1388  }
0x96: {  	s18 =	sadd.s32 $0xFFFFFFFF, s18;
	[tilespmem:$0x70] =	vst v1  }
0x97: {  	[spmem:s2] =	stream.indirect.scatter.add.f32 [tilespmem:s15], [sflag:$0x1], $0x80, s3, s15, $0xb8;
	[tilespmem:$0x18080] =	vst v63  }
0x98: {  	_ =	swait.ge [sflag:s14], $0x4000  }
0x99: {  	[sflag:s14] =	ssyncset.done $0x0  }
0x9a: {  	[sflag:s14] =	ssyncadd.s32 $0xFFFFC000  }
0x9b: {  	[tilespmem:s3], [sflag:$0x1] =	stream.linear.gather [hbm4b:s17+s3], $0x80, $0x38;
	[tilespmem:$0x18080] =	vst v63  }
0x9c: {  	s17 =	smov.u32 s21;
	_ =	swait.ge [sflag:s14], $0x80  }
0x9d: {  	[sflag:s14] =	ssyncset.done $0x0  }
0x9e: {  	[sflag:s14] =	ssyncadd.s32 $0xFFFFFF80  }
0x9f: {  	[tilespmem:s15], [sflag:$0x1] =	stream.linear.gather [hbm4b:s19+s3], $0x4000, $0x38;
	[tilespmem:$0x18080] =	vst v63  }
0xa0: {  	s19 =	smov.u32 s20;
	_ =	swait.ge [sflag:s14], $0x4000  }
0xa1: {  	[sflag:s14] =	ssyncset.done $0x0  }
0xa2: {  	[sflag:s14] =	ssyncadd.s32 $0xFFFFC000  }
0xa3: {  	v1 =	vld [tilespmem:$0x20]  }
0xa4: {  	v2 =	vld [tilespmem:$0x30]  }
0xa5: {  	v3 =	vld [tilespmem:$0x50]  }
0xa6: {  	v4 =	vld [tilespmem:$0x10]  }
0xa7: {  	v5 =	vld [tilespmem:$0x40]  }
0xa8: {  	v6 =	vld [tilespmem:$0x0];
	v1 =	vsub.s32 v1, v0  }
0xa9: {  	v1 =	vmin.u32 v1, $0x1388;
	v2 =	vsub.s32 v2, v0;
	v7 =	vld [tilespmem:$0x60]  }
0xaa: {  	[tilespmem:$0x20] =	vst v1;
	v1 =	vmin.u32 v2, $0x1388;
	v2 =	vsub.s32 v3, v0;
	v3 =	vld [tilespmem:$0x70]  }
.Ltmp5:
0xab: {  	v4 =	vsub.s32 v4, v0;
	[tilespmem:$0x30] =	vst v1;
	v1 =	vmin.u32 v2, $0x1388;
	(pc) =	sbr.rel @p1 .LBB2_7-.Ltmp5, $4  }
0xac: {  	v2 =	vmin.u32 v4, $0x1388;
	v4 =	vsub.s32 v5, v0;
	[tilespmem:$0x50] =	vst v1  }
0xad: {  	v1 =	vsub.s32 v6, v0;
	[tilespmem:$0x10] =	vst v2;
	v2 =	vmin.u32 v4, $0x1388  }
0xae: {  	v1 =	vmin.u32 v1, $0x1388;
	[tilespmem:$0x40] =	vst v2;
	v2 =	vsub.s32 v7, v0  }
0xaf: {  	[tilespmem:$0x0] =	vst v1;
	v1 =	vmin.u32 v2, $0x1388;
	v2 =	vsub.s32 v3, v0  }
0xb0: {  	s20 =	smov.u32 s17  }
.LBB2_9:
0xb1: {  	[tilespmem:$0x60] =	vst @p0 v1;
	v1 =	vmin.u32 @p0 v2, $0x1388  }
0xb2: {  	[tilespmem:$0x70] =	vst @p0 v1  }
0xb3: {  	[spmem:s2] =	stream.indirect.scatter.add.f32 @p0 [tilespmem:s15], [sflag:$0x1], $0x80, s3, s15, $0xb8;
	[tilespmem:$0x18080] =	vst v63  }
0xb4: {  	_ =	swait.ge @p0 [sflag:s14], $0x4000  }
0xb5: {  	[sflag:s14] =	ssyncset.done @p0 $0x0  }
0xb6: {  	[sflag:s14] =	ssyncadd.s32 @p0 $0xFFFFC000  }
0xb7: {  	[tilespmem:s3], [sflag:$0x1] =	stream.linear.gather [hbm4b:s20+s3], $0x80, $0x38;
	[tilespmem:$0x18080] =	vst v63  }
0xb8: {  	_ =	swait.ge [sflag:s14], $0x80  }
0xb9: {  	[sflag:s14] =	ssyncset.done $0x0  }
0xba: {  	[sflag:s14] =	ssyncadd.s32 $0xFFFFFF80  }
0xbb: {  	[tilespmem:s15], [sflag:$0x1] =	stream.linear.gather [hbm4b:s19+s3], $0x4000, $0x38;
	[tilespmem:$0x18080] =	vst v63  }
0xbc: {  	_ =	swait.ge [sflag:s14], $0x4000  }
0xbd: {  	[sflag:s14] =	ssyncset.done $0x0  }
0xbe: {  	[sflag:s14] =	ssyncadd.s32 $0xFFFFC000  }
0xbf: {  	v1 =	vld [tilespmem:$0x20]  }
0xc0: {  	v2 =	vld [tilespmem:$0x30]  }
0xc1: {  	v3 =	vld [tilespmem:$0x50]  }
0xc2: {  	v4 =	vld [tilespmem:$0x10]  }
0xc3: {  	v5 =	vld [tilespmem:$0x40]  }
0xc4: {  	v6 =	vld [tilespmem:$0x0];
	v1 =	vsub.s32 v1, v0  }
0xc5: {  	v7 =	vld [tilespmem:$0x60];
	v2 =	vsub.s32 v2, v0;
	v1 =	vmin.u32 v1, $0x1388  }
0xc6: {  	[tilespmem:$0x20] =	vst v1;
	v1 =	vmin.u32 v2, $0x1388;
	v2 =	vsub.s32 v3, v0;
	v3 =	vld [tilespmem:$0x70]  }
0xc7: {  	v4 =	vsub.s32 v4, v0;
	[tilespmem:$0x30] =	vst v1;
	v1 =	vmin.u32 v2, $0x1388  }
0xc8: {  	v63 =	vsub.s32 v5, v0;
	v2 =	vmin.u32 v4, $0x1388;
	[tilespmem:$0x50] =	vst v1  }
0xc9: {  	v1 =	vsub.s32 v6, v0;
	[tilespmem:$0x10] =	vst v2;
	v2 =	vmin.u32 v63, $0x1388  }
0xca: {  	v1 =	vmin.u32 v1, $0x1388;
	[tilespmem:$0x40] =	vst v2;
	v2 =	vsub.s32 v7, v0  }
0xcb: {  	[tilespmem:$0x0] =	vst v1;
	v1 =	vmin.u32 v2, $0x1388;
	v2 =	vsub.s32 v3, v0  }
0xcc: {  	[tilespmem:$0x60] =	vst v1;
	v1 =	vmin.u32 v2, $0x1388  }
0xcd: {  	[tilespmem:$0x70] =	vst v1  }
0xce: {  	[spmem:s2] =	stream.indirect.scatter.add.f32 [tilespmem:s15], [sflag:$0x1], $0x80, s3, s15, $0xb8;
	[tilespmem:$0x18080] =	vst v63  }
0xcf: {  	_ =	swait.ge [sflag:s14], $0x4000  }
0xd0: {  	[sflag:s14] =	ssyncset.done $0x0  }
0xd1: {  	[sflag:s14] =	ssyncadd.s32 $0xFFFFC000  }
0xd2: {  	[bflag:$0x0] =	sbarrier.arrive $0xFFFF  }
0xd3: {  	[tilespmem:s13], [sflag:$0x1] =	stream.linear.gather [spmem:s6], $0xA000, $0x38;
	[tilespmem:$0x18080] =	vst v63  }
0xd4: {  	_ =	swait.ge [sflag:s14], $0xA000  }
0xd5: {  	s16 =	sadd.s32 $0x1, s16;
	[sflag:s14] =	ssyncset.done $0x0  }
0xd6: {  	p0 =	sne.s32 s16, s9;
	[sflag:s14] =	ssyncadd.s32 $0xFFFF6000  }
0xd7: {  	[hbm4b:s8+s3] =	stream.linear.scatter [tilespmem:s13], [sflag:$0x1], $0xA000, $0x38;
	[tilespmem:$0x18080] =	vst v63  }
.Ltmp6:
0xd8: {  	_ = 	snop;
	(pc) =	sbr.rel @p0 .LBB2_1-.Ltmp6, $4  }
.Ltmp7:
0xd9: {  	_ = 	snop;
	(pc) =	sbr.rel @!p0 .LBB2_10-.Ltmp7, $4  }
0xda: {  	_ =	swait.ge [sflag:s14], $0xA000  }
0xdb: {  	[sflag:s14] =	ssyncset.done $0x0  }
0xdc: {  	[sflag:s14] =	ssyncadd.s32 $0xFFFF6000  }
0xdd: {  	_ = 	snop  }
.LBB2_6:
.Ltmp8:
0xde: {  	(pc) =	sbr.rel .LBB2_9-.Ltmp8, $2  }
0xdf: {  	_ =	sdelay $0x2  }
0xe0: {  	s20 =	smov.u32 s17  }
.LBB2_10:
0xe1: {  	_ =	sfence.sel $0x180000  }
0xe2: {  	[bflag:$0x0] =	sbarrier.arrive $0xFFFF  }
0xe3: {  	p0 =	sne.s32 s1, $0x0;
	_ =	strace $0x90000050  }
0xe4: {  	s0 =	sadd.s32 @!p0 $0x100000, s0;
	[bflag:$0x2] =	sbarrier.arrive $0xFFFF  }
0xe5: {  	[sflag:s0] =	ssyncadd.tile.s32 @!p0 $0x1;
	_ =	shalt  }
.Lfunc_end2:
_tile_overlayer_lowered:
.L_overlay_start_2:
0xe6: {  	(tag) =	ssettag $0x2  }
0xe7: {  	s0 =	rddreg [dreg:$0x0];
	s2 =	stileid.u32  }
0xe8: {  	s1 =	rddreg [dreg:$0x1];
	p0 =	sne.s32 s2, $0x0  }
0xe9: {  	s3 =	rddreg [dreg:$0x2];
	[bflag:$0x3] =	sbarrier.arrive $0xFFFF;
	s2 =	simm.s32 @!p0 $0x1C01  }
0xea: {  	[timem:s3], [sflag:s2] =	dma.local @!p0 [hbm:s0], s1  }
0xeb: {  	s0 =	simm.s32 @!p0 $0x1  }
0xec: {  	_ =	swait.ge @!p0 [sflag:s0], s1  }
0xed: {  	s1 =	ssub.s32 @!p0 $0x0, s1;
	[sflag:s0] =	ssyncset.done @!p0 $0x0  }
0xee: {  	[sflag:s0] =	ssyncadd.s32 @!p0 s1  }
0xef: {  	[bflag:$0x3] =	sbarrier.arrive $0xFFFF  }
0xf0: {  	_ =	shalt  }

</sc_bundles>
